<compile_context>
chip_gen: v7x
topology: tpu7x:2x2x1
jax: 0.10.2.dev20260603
libtpu: 0.0.44.dev20260713+nightly
codegen_flags: <defaults>
</compile_context>

<pallas_src>
import functools

import jax
import jax.numpy as jnp
import numpy as np
from jax import lax
from jax.experimental import pallas as pl
from jax.experimental.pallas import tpu as pltpu
from jax.experimental.pallas import tpu_sc as plsc


def _pos_encoding_np(length, hidden_size):
    pos = np.arange(length)[:, None].astype(np.float32)
    i = np.arange(hidden_size)[None, :].astype(np.float32)
    angle_rates = 1.0 / np.power(
        10000.0, (2.0 * np.floor(i / 2.0)) / np.float32(hidden_size))
    angles = pos * angle_rates
    pe = np.zeros((length, hidden_size), dtype=np.float32)
    pe[:, 0::2] = np.sin(angles[:, 0::2])
    pe[:, 1::2] = np.cos(angles[:, 1::2])
    return pe


@jax.jit
def kernel(queries, values, query_table, key_table):
    batch, seq_len = queries.shape
    num_emb, hidden = query_table.shape
    assert hidden == 128 and seq_len == 200 and batch % 32 == 0

    pe = jnp.asarray(_pos_encoding_np(seq_len, hidden))

    NC, NS = 2, 16
    NW = NC * NS
    b_per_w = batch // NW
    L = 16
    vregs_per_row = hidden // L
    NBUF = 4

    c0, c1 = 128, seq_len - 128

    mesh = plsc.VectorSubcoreMesh(core_axis_name="c", subcore_axis_name="s")
    out_t = jax.ShapeDtypeStruct((batch, seq_len, hidden), jnp.float32)

    @functools.partial(
        pl.kernel,
        mesh=mesh,
        out_type=(out_t, out_t),
        scratch_types=[
            pltpu.VMEM((seq_len, hidden), jnp.float32),
            pltpu.VMEM((seq_len,), jnp.int32),
            pltpu.VMEM((seq_len,), jnp.int32),
            pltpu.VMEM((seq_len,), jnp.int32),
            pltpu.VMEM((seq_len,), jnp.int32),
            pltpu.VMEM((seq_len, hidden), jnp.float32),
            pltpu.VMEM((seq_len, hidden), jnp.float32),
            pltpu.VMEM((seq_len, hidden), jnp.float32),
            pltpu.VMEM((seq_len, hidden), jnp.float32),
            pltpu.SemaphoreType.DMA,
            pltpu.SemaphoreType.DMA,
            pltpu.SemaphoreType.DMA,
            pltpu.SemaphoreType.DMA,
            pltpu.SemaphoreType.DMA,
            pltpu.SemaphoreType.DMA,
            pltpu.SemaphoreType.DMA,
            pltpu.SemaphoreType.DMA,
            pltpu.SemaphoreType.DMA,
            pltpu.SemaphoreType.DMA,
            pltpu.SemaphoreType.DMA,
            pltpu.SemaphoreType.DMA,
            pltpu.SemaphoreType.DMA,
        ],
    )
    def run(q_hbm, v_hbm, qtab_hbm, ktab_hbm, pe_hbm, q_out, v_out,
            pe_v, i0, i1, i2, i3, b0, b1, b2, b3,
            psem, s0, s1, s2, s3, g0, g1, g2, g3, o0, o1, o2, o3):
        idxs = (i0, i1, i2, i3)
        bufs = (b0, b1, b2, b3)
        isems = (s0, s1, s2, s3)
        gsems = (g0, g1, g2, g3)
        osems = (o0, o1, o2, o3)
        wid = lax.axis_index("s") * NC + lax.axis_index("c")
        base = wid * b_per_w

        pltpu.async_copy(pe_hbm, pe_v, psem)
        pe_pending = [True]

        def do_phase(idx_hbm, tab_hbm, out_hbm):
            def fire_idx(i, slot):
                pltpu.async_copy(idx_hbm.at[base + i], idxs[slot],
                                 isems[slot])

            def wait_idx(slot):
                pltpu.make_async_copy(idx_hbm.at[base], idxs[slot],
                                      isems[slot]).wait()

            def fire_gather(slot):
                pltpu.async_copy(
                    tab_hbm.at[idxs[slot].at[pl.ds(0, c0)]],
                    bufs[slot].at[pl.ds(0, c0)], gsems[slot])
                pltpu.async_copy(
                    tab_hbm.at[idxs[slot].at[pl.ds(c0, c1)]],
                    bufs[slot].at[pl.ds(c0, c1)], gsems[slot])

            def wait_gather(slot):
                pltpu.make_async_copy(
                    tab_hbm.at[pl.ds(0, seq_len)], bufs[slot],
                    gsems[slot]).wait()

            def add_pe(slot):
                if pe_pending:
                    pltpu.make_async_copy(pe_hbm, pe_v, psem).wait()
                    pe_pending.clear()

                def add_row(r, carry):
                    for j in range(vregs_per_row):
                        plsc.addupdate(
                            bufs[slot].at[r, pl.ds(j * L, L)],
                            pe_v[r, pl.ds(j * L, L)])
                    return carry
                lax.fori_loop(0, seq_len, add_row, 0)

            def fire_out(i, slot):
                pltpu.async_copy(bufs[slot], out_hbm.at[base + i],
                                 osems[slot])

            def wait_out(slot):
                pltpu.make_async_copy(
                    bufs[slot], out_hbm.at[base], osems[slot]).wait()

            def position(i, slot, idx_i, prefetch_i, wait_prev_out):
                wait_gather(slot)
                if idx_i is not None:
                    fire_idx(idx_i, slot)
                add_pe(slot)
                fire_out(i, slot)
                if prefetch_i is not None:
                    nslot = (slot + 3) % NBUF
                    wait_idx(nslot)
                    if wait_prev_out:
                        wait_out(nslot)
                    fire_gather(nslot)

            fire_idx(0, 0)
            fire_idx(1, 1)
            fire_idx(2, 2)
            fire_idx(3, 3)
            wait_idx(0)
            fire_gather(0)
            wait_idx(1)
            fire_gather(1)
            wait_idx(2)
            fire_gather(2)

            position(0, 0, 4, 3, False)

            def body(k, carry):
                p = 4 * k + 1
                position(p, 1, p + 4, p + 3, True)
                position(p + 1, 2, p + 5, p + 4, True)
                position(p + 2, 3, p + 6, p + 5, True)
                position(p + 3, 0, p + 7, p + 6, True)
                return carry

            lax.fori_loop(0, (b_per_w - 8) // NBUF, body, 0)

            position(b_per_w - 7, 1, b_per_w - 3, b_per_w - 4, True)
            position(b_per_w - 6, 2, b_per_w - 2, b_per_w - 3, True)
            position(b_per_w - 5, 3, b_per_w - 1, b_per_w - 2, True)
            position(b_per_w - 4, 0, None, b_per_w - 1, True)
            position(b_per_w - 3, 1, None, None, False)
            position(b_per_w - 2, 2, None, None, False)
            position(b_per_w - 1, 3, None, None, False)
            wait_out(0)
            wait_out(1)
            wait_out(2)
            wait_out(3)

        do_phase(q_hbm, qtab_hbm, q_out)
        do_phase(v_hbm, ktab_hbm, v_out)

    return run(queries, values, query_table, key_table, pe)

# --- scband reference (transcript-rebuilt; emitter-appended) ---
"""Pipeline reference for scband-discrete-feature-15075335209451 (READ-ONLY COPY).

The authoritative reference and input builder live on the scoring server;
editing this copy changes nothing except your own understanding.
"""

import jax, jax.numpy as jnp
import numpy as np


def position_encoding(length, hidden_size):
    pos = np.arange(length)[:, None].astype(np.float32)
    i = np.arange(hidden_size)[None, :].astype(np.float32)
    angle_rates = 1.0 / np.power(10000.0, (2.0 * np.floor(i / 2.0)) / np.float32(hidden_size))
    angles = pos * angle_rates
    pe = np.zeros((length, hidden_size), dtype=np.float32)
    pe[:, 0::2] = np.sin(angles[:, 0::2])
    pe[:, 1::2] = np.cos(angles[:, 1::2])
    return jnp.asarray(pe)


def setup_inputs(seed: int = 0) -> dict:
    key = jax.random.key(seed)
    k1, k2, k3, k4 = jax.random.split(key, 4)
    num_embeddings = 100000
    hidden_size = 128
    batch, seq_len = 1024, 200
    queries = jax.random.randint(k1, (batch, seq_len), 0, num_embeddings, dtype=jnp.int64 if jax.config.jax_enable_x64 else jnp.int32).astype(jnp.int32)
    values = jax.random.randint(k2, (batch, seq_len), 0, num_embeddings, dtype=jnp.int64 if jax.config.jax_enable_x64 else jnp.int32).astype(jnp.int32)
    query_table = jax.random.normal(k3, (num_embeddings, hidden_size), dtype=jnp.float32) * 0.02
    key_table = jax.random.normal(k4, (num_embeddings, hidden_size), dtype=jnp.float32) * 0.02
    return {"queries": queries, "values": values, "query_table": query_table, "key_table": key_table}


def reference(queries, values, query_table, key_table):
    hidden_size = query_table.shape[1]
    a = position_encoding(queries.shape[1], hidden_size)
    b = jnp.take(query_table, queries, axis=0)
    q_out = a[None, :, :] + b
    c = position_encoding(values.shape[1], hidden_size)
    v_out = c[None, :, :] + jnp.take(key_table, values, axis=0)
    return (q_out, v_out)

if __name__ == "__main__":
    import jax
    _d = setup_inputs()
    print(jax.jit(kernel)(*tuple(_d.values())))

</pallas_src>

<mosaic_0001>
#map = affine_map<(d0, d1) -> (0, 0)>
#map1 = affine_map<(d0, d1) -> (0, 0, 0)>
module attributes {stable_mosaic.version = 14 : i64} {
  func.func @run(%arg0: i32, %arg1: i32, %arg2: memref<1024x200xi32, #tpu.memory_space<hbm>>, %arg3: memref<1024x200xi32, #tpu.memory_space<hbm>>, %arg4: memref<100000x128xf32, #tpu.memory_space<hbm>>, %arg5: memref<100000x128xf32, #tpu.memory_space<hbm>>, %arg6: memref<200x128xf32, #tpu.memory_space<hbm>>, %arg7: memref<1024x200x128xf32, #tpu.memory_space<hbm>>, %arg8: memref<1024x200x128xf32, #tpu.memory_space<hbm>>, %arg9: memref<200x128xf32, #tpu.memory_space<vmem>>, %arg10: memref<200xi32, #tpu.memory_space<vmem>>, %arg11: memref<200xi32, #tpu.memory_space<vmem>>, %arg12: memref<200xi32, #tpu.memory_space<vmem>>, %arg13: memref<200xi32, #tpu.memory_space<vmem>>, %arg14: memref<200x128xf32, #tpu.memory_space<vmem>>, %arg15: memref<200x128xf32, #tpu.memory_space<vmem>>, %arg16: memref<200x128xf32, #tpu.memory_space<vmem>>, %arg17: memref<200x128xf32, #tpu.memory_space<vmem>>, %arg18: memref<!tpu.dma_semaphore, #tpu.memory_space<semaphore_mem>>, %arg19: memref<!tpu.dma_semaphore, #tpu.memory_space<semaphore_mem>>, %arg20: memref<!tpu.dma_semaphore, #tpu.memory_space<semaphore_mem>>, %arg21: memref<!tpu.dma_semaphore, #tpu.memory_space<semaphore_mem>>, %arg22: memref<!tpu.dma_semaphore, #tpu.memory_space<semaphore_mem>>, %arg23: memref<!tpu.dma_semaphore, #tpu.memory_space<semaphore_mem>>, %arg24: memref<!tpu.dma_semaphore, #tpu.memory_space<semaphore_mem>>, %arg25: memref<!tpu.dma_semaphore, #tpu.memory_space<semaphore_mem>>, %arg26: memref<!tpu.dma_semaphore, #tpu.memory_space<semaphore_mem>>, %arg27: memref<!tpu.dma_semaphore, #tpu.memory_space<semaphore_mem>>, %arg28: memref<!tpu.dma_semaphore, #tpu.memory_space<semaphore_mem>>, %arg29: memref<!tpu.dma_semaphore, #tpu.memory_space<semaphore_mem>>, %arg30: memref<!tpu.dma_semaphore, #tpu.memory_space<semaphore_mem>>) attributes {dimension_semantics = [#tpu.dimension_semantics<core_parallel>, #tpu.dimension_semantics<subcore_parallel>], iteration_bounds = array<i64: 2, 16>, scalar_prefetch = 0 : i64, scratch_operands = 22 : i64, tpu.core_type = #tpu.core_type<sc_vector_subcore>, window_params = [{transform_indices = #map}, {transform_indices = #map}, {transform_indices = #map}, {transform_indices = #map}, {transform_indices = #map}, {transform_indices = #map1}, {transform_indices = #map1}]} {
    %mul3A = arith.constant 2 : i32
    %mul3A_0 = arith.muli %arg1, %mul3A : i32
    %add3A = arith.addi %mul3A_0, %arg0 : i32
    %mul3A_1 = arith.constant 32 : i32
    %mul3A_2 = arith.muli %add3A, %mul3A_1 : i32
    tpu.enqueue_dma source(%arg6 : memref<200x128xf32, #tpu.memory_space<hbm>>) target(%arg9 : memref<200x128xf32, #tpu.memory_space<vmem>>) target_semaphore(%arg18 : memref<!tpu.dma_semaphore, #tpu.memory_space<semaphore_mem>>)
    %add3A_3 = arith.constant 0 : i32
    %add3A_4 = arith.addi %mul3A_2, %add3A_3 : i32
    %dma_start3A = arith.constant 0 : i32
    %dma_start3A_5 = tpu.memref_slice %arg2[%add3A_4, %dma_start3A] : memref<1024x200xi32, #tpu.memory_space<hbm>> -> memref<1x200xi32, #tpu.memory_space<hbm>>
    %dma_start3A_6 = tpu.memref_squeeze %dma_start3A_5 : memref<1x200xi32, #tpu.memory_space<hbm>> -> memref<200xi32, #tpu.memory_space<hbm>>
    %dma_start3A_7 = arith.constant 0 : i32
    %dma_start3A_8 = tpu.memref_slice %arg2[%add3A_4, %dma_start3A_7] : memref<1024x200xi32, #tpu.memory_space<hbm>> -> memref<1x200xi32, #tpu.memory_space<hbm>>
    %dma_start3A_9 = tpu.memref_squeeze %dma_start3A_8 : memref<1x200xi32, #tpu.memory_space<hbm>> -> memref<200xi32, #tpu.memory_space<hbm>>
    tpu.enqueue_dma source(%dma_start3A_9 : memref<200xi32, #tpu.memory_space<hbm>>) target(%arg10 : memref<200xi32, #tpu.memory_space<vmem>>) target_semaphore(%arg19 : memref<!tpu.dma_semaphore, #tpu.memory_space<semaphore_mem>>)
    %add3A_10 = arith.constant 1 : i32
    %add3A_11 = arith.addi %mul3A_2, %add3A_10 : i32
    %dma_start3A_12 = arith.constant 0 : i32
    %dma_start3A_13 = tpu.memref_slice %arg2[%add3A_11, %dma_start3A_12] : memref<1024x200xi32, #tpu.memory_space<hbm>> -> memref<1x200xi32, #tpu.memory_space<hbm>>
    %dma_start3A_14 = tpu.memref_squeeze %dma_start3A_13 : memref<1x200xi32, #tpu.memory_space<hbm>> -> memref<200xi32, #tpu.memory_space<hbm>>
    %dma_start3A_15 = arith.constant 0 : i32
    %dma_start3A_16 = tpu.memref_slice %arg2[%add3A_11, %dma_start3A_15] : memref<1024x200xi32, #tpu.memory_space<hbm>> -> memref<1x200xi32, #tpu.memory_space<hbm>>
    %dma_start3A_17 = tpu.memref_squeeze %dma_start3A_16 : memref<1x200xi32, #tpu.memory_space<hbm>> -> memref<200xi32, #tpu.memory_space<hbm>>
    tpu.enqueue_dma source(%dma_start3A_17 : memref<200xi32, #tpu.memory_space<hbm>>) target(%arg11 : memref<200xi32, #tpu.memory_space<vmem>>) target_semaphore(%arg20 : memref<!tpu.dma_semaphore, #tpu.memory_space<semaphore_mem>>)
    %add3A_18 = arith.constant 2 : i32
    %add3A_19 = arith.addi %mul3A_2, %add3A_18 : i32
    %dma_start3A_20 = arith.constant 0 : i32
    %dma_start3A_21 = tpu.memref_slice %arg2[%add3A_19, %dma_start3A_20] : memref<1024x200xi32, #tpu.memory_space<hbm>> -> memref<1x200xi32, #tpu.memory_space<hbm>>
    %dma_start3A_22 = tpu.memref_squeeze %dma_start3A_21 : memref<1x200xi32, #tpu.memory_space<hbm>> -> memref<200xi32, #tpu.memory_space<hbm>>
    %dma_start3A_23 = arith.constant 0 : i32
    %dma_start3A_24 = tpu.memref_slice %arg2[%add3A_19, %dma_start3A_23] : memref<1024x200xi32, #tpu.memory_space<hbm>> -> memref<1x200xi32, #tpu.memory_space<hbm>>
    %dma_start3A_25 = tpu.memref_squeeze %dma_start3A_24 : memref<1x200xi32, #tpu.memory_space<hbm>> -> memref<200xi32, #tpu.memory_space<hbm>>
    tpu.enqueue_dma source(%dma_start3A_25 : memref<200xi32, #tpu.memory_space<hbm>>) target(%arg12 : memref<200xi32, #tpu.memory_space<vmem>>) target_semaphore(%arg21 : memref<!tpu.dma_semaphore, #tpu.memory_space<semaphore_mem>>)
    %add3A_26 = arith.constant 3 : i32
    %add3A_27 = arith.addi %mul3A_2, %add3A_26 : i32
    %dma_start3A_28 = arith.constant 0 : i32
    %dma_start3A_29 = tpu.memref_slice %arg2[%add3A_27, %dma_start3A_28] : memref<1024x200xi32, #tpu.memory_space<hbm>> -> memref<1x200xi32, #tpu.memory_space<hbm>>
    %dma_start3A_30 = tpu.memref_squeeze %dma_start3A_29 : memref<1x200xi32, #tpu.memory_space<hbm>> -> memref<200xi32, #tpu.memory_space<hbm>>
    %dma_start3A_31 = arith.constant 0 : i32
    %dma_start3A_32 = tpu.memref_slice %arg2[%add3A_27, %dma_start3A_31] : memref<1024x200xi32, #tpu.memory_space<hbm>> -> memref<1x200xi32, #tpu.memory_space<hbm>>
    %dma_start3A_33 = tpu.memref_squeeze %dma_start3A_32 : memref<1x200xi32, #tpu.memory_space<hbm>> -> memref<200xi32, #tpu.memory_space<hbm>>
    tpu.enqueue_dma source(%dma_start3A_33 : memref<200xi32, #tpu.memory_space<hbm>>) target(%arg13 : memref<200xi32, #tpu.memory_space<vmem>>) target_semaphore(%arg22 : memref<!tpu.dma_semaphore, #tpu.memory_space<semaphore_mem>>)
    %dma_wait3A = arith.constant 0 : i32
    %dma_wait3A_34 = tpu.memref_slice %arg2[%mul3A_2, %dma_wait3A] : memref<1024x200xi32, #tpu.memory_space<hbm>> -> memref<1x200xi32, #tpu.memory_space<hbm>>
    %dma_wait3A_35 = tpu.memref_squeeze %dma_wait3A_34 : memref<1x200xi32, #tpu.memory_space<hbm>> -> memref<200xi32, #tpu.memory_space<hbm>>
    %dma_wait3A_36 = arith.constant 0 : i32
    %dma_wait3A_37 = tpu.memref_slice %arg2[%mul3A_2, %dma_wait3A_36] : memref<1024x200xi32, #tpu.memory_space<hbm>> -> memref<1x200xi32, #tpu.memory_space<hbm>>
    %dma_wait3A_38 = tpu.memref_squeeze %dma_wait3A_37 : memref<1x200xi32, #tpu.memory_space<hbm>> -> memref<200xi32, #tpu.memory_space<hbm>>
    tpu.wait_dma2 semaphore(%arg19 : memref<!tpu.dma_semaphore, #tpu.memory_space<semaphore_mem>>) src(%dma_wait3A_38 : memref<200xi32, #tpu.memory_space<hbm>>) dst(%arg10 : memref<200xi32, #tpu.memory_space<vmem>>)
    %dma_start3A_39 = arith.constant 0 : i32
    %dma_start3A_40 = arith.constant 0 : i32
    %dma_start3A_41 = tpu.memref_slice %arg14[%dma_start3A_39, %dma_start3A_40] : memref<200x128xf32, #tpu.memory_space<vmem>> -> memref<128x128xf32, #tpu.memory_space<vmem>>
    %dma_start3A_42 = arith.constant 0 : i32
    %dma_start3A_43 = tpu.memref_slice %arg10[%dma_start3A_42] : memref<200xi32, #tpu.memory_space<vmem>> -> memref<128xi32, #tpu.memory_space<vmem>>
    %dma_start3A_44 = arith.constant 0 : i32
    %dma_start3A_45 = arith.constant 0 : i32
    %dma_start3A_46 = tpu.memref_slice %arg4[%dma_start3A_44, %dma_start3A_45] : memref<100000x128xf32, #tpu.memory_space<hbm>> -> memref<100000x128xf32, #tpu.memory_space<hbm>>
    tpu.enqueue_indirect_dma source(%dma_start3A_46 : memref<100000x128xf32, #tpu.memory_space<hbm>>) target(%dma_start3A_41 : memref<128x128xf32, #tpu.memory_space<vmem>>) offsets(%dma_start3A_43 : memref<128xi32, #tpu.memory_space<vmem>>) semaphore(%arg23 : memref<!tpu.dma_semaphore, #tpu.memory_space<semaphore_mem>>)
    %dma_start3A_47 = arith.constant 128 : i32
    %dma_start3A_48 = arith.constant 0 : i32
    %dma_start3A_49 = tpu.memref_slice %arg14[%dma_start3A_47, %dma_start3A_48] : memref<200x128xf32, #tpu.memory_space<vmem>> -> memref<72x128xf32, #tpu.memory_space<vmem>>
    %dma_start3A_50 = arith.constant 128 : i32
    %dma_start3A_51 = tpu.memref_slice %arg10[%dma_start3A_50] : memref<200xi32, #tpu.memory_space<vmem>> -> memref<72xi32, #tpu.memory_space<vmem>>
    %dma_start3A_52 = arith.constant 0 : i32
    %dma_start3A_53 = arith.constant 0 : i32
    %dma_start3A_54 = tpu.memref_slice %arg4[%dma_start3A_52, %dma_start3A_53] : memref<100000x128xf32, #tpu.memory_space<hbm>> -> memref<100000x128xf32, #tpu.memory_space<hbm>>
    tpu.enqueue_indirect_dma source(%dma_start3A_54 : memref<100000x128xf32, #tpu.memory_space<hbm>>) target(%dma_start3A_49 : memref<72x128xf32, #tpu.memory_space<vmem>>) offsets(%dma_start3A_51 : memref<72xi32, #tpu.memory_space<vmem>>) semaphore(%arg23 : memref<!tpu.dma_semaphore, #tpu.memory_space<semaphore_mem>>)
    %dma_wait3A_55 = arith.constant 0 : i32
    %dma_wait3A_56 = tpu.memref_slice %arg2[%mul3A_2, %dma_wait3A_55] : memref<1024x200xi32, #tpu.memory_space<hbm>> -> memref<1x200xi32, #tpu.memory_space<hbm>>
    %dma_wait3A_57 = tpu.memref_squeeze %dma_wait3A_56 : memref<1x200xi32, #tpu.memory_space<hbm>> -> memref<200xi32, #tpu.memory_space<hbm>>
    %dma_wait3A_58 = arith.constant 0 : i32
    %dma_wait3A_59 = tpu.memref_slice %arg2[%mul3A_2, %dma_wait3A_58] : memref<1024x200xi32, #tpu.memory_space<hbm>> -> memref<1x200xi32, #tpu.memory_space<hbm>>
    %dma_wait3A_60 = tpu.memref_squeeze %dma_wait3A_59 : memref<1x200xi32, #tpu.memory_space<hbm>> -> memref<200xi32, #tpu.memory_space<hbm>>
    tpu.wait_dma2 semaphore(%arg20 : memref<!tpu.dma_semaphore, #tpu.memory_space<semaphore_mem>>) src(%dma_wait3A_60 : memref<200xi32, #tpu.memory_space<hbm>>) dst(%arg11 : memref<200xi32, #tpu.memory_space<vmem>>)
    %dma_start3A_61 = arith.constant 0 : i32
    %dma_start3A_62 = arith.constant 0 : i32
    %dma_start3A_63 = tpu.memref_slice %arg15[%dma_start3A_61, %dma_start3A_62] : memref<200x128xf32, #tpu.memory_space<vmem>> -> memref<128x128xf32, #tpu.memory_space<vmem>>
    %dma_start3A_64 = arith.constant 0 : i32
    %dma_start3A_65 = tpu.memref_slice %arg11[%dma_start3A_64] : memref<200xi32, #tpu.memory_space<vmem>> -> memref<128xi32, #tpu.memory_space<vmem>>
    %dma_start3A_66 = arith.constant 0 : i32
    %dma_start3A_67 = arith.constant 0 : i32
    %dma_start3A_68 = tpu.memref_slice %arg4[%dma_start3A_66, %dma_start3A_67] : memref<100000x128xf32, #tpu.memory_space<hbm>> -> memref<100000x128xf32, #tpu.memory_space<hbm>>
    tpu.enqueue_indirect_dma source(%dma_start3A_68 : memref<100000x128xf32, #tpu.memory_space<hbm>>) target(%dma_start3A_63 : memref<128x128xf32, #tpu.memory_space<vmem>>) offsets(%dma_start3A_65 : memref<128xi32, #tpu.memory_space<vmem>>) semaphore(%arg24 : memref<!tpu.dma_semaphore, #tpu.memory_space<semaphore_mem>>)
    %dma_start3A_69 = arith.constant 128 : i32
    %dma_start3A_70 = arith.constant 0 : i32
    %dma_start3A_71 = tpu.memref_slice %arg15[%dma_start3A_69, %dma_start3A_70] : memref<200x128xf32, #tpu.memory_space<vmem>> -> memref<72x128xf32, #tpu.memory_space<vmem>>
    %dma_start3A_72 = arith.constant 128 : i32
    %dma_start3A_73 = tpu.memref_slice %arg11[%dma_start3A_72] : memref<200xi32, #tpu.memory_space<vmem>> -> memref<72xi32, #tpu.memory_space<vmem>>
    %dma_start3A_74 = arith.constant 0 : i32
    %dma_start3A_75 = arith.constant 0 : i32
    %dma_start3A_76 = tpu.memref_slice %arg4[%dma_start3A_74, %dma_start3A_75] : memref<100000x128xf32, #tpu.memory_space<hbm>> -> memref<100000x128xf32, #tpu.memory_space<hbm>>
    tpu.enqueue_indirect_dma source(%dma_start3A_76 : memref<100000x128xf32, #tpu.memory_space<hbm>>) target(%dma_start3A_71 : memref<72x128xf32, #tpu.memory_space<vmem>>) offsets(%dma_start3A_73 : memref<72xi32, #tpu.memory_space<vmem>>) semaphore(%arg24 : memref<!tpu.dma_semaphore, #tpu.memory_space<semaphore_mem>>)
    %dma_wait3A_77 = arith.constant 0 : i32
    %dma_wait3A_78 = tpu.memref_slice %arg2[%mul3A_2, %dma_wait3A_77] : memref<1024x200xi32, #tpu.memory_space<hbm>> -> memref<1x200xi32, #tpu.memory_space<hbm>>
    %dma_wait3A_79 = tpu.memref_squeeze %dma_wait3A_78 : memref<1x200xi32, #tpu.memory_space<hbm>> -> memref<200xi32, #tpu.memory_space<hbm>>
    %dma_wait3A_80 = arith.constant 0 : i32
    %dma_wait3A_81 = tpu.memref_slice %arg2[%mul3A_2, %dma_wait3A_80] : memref<1024x200xi32, #tpu.memory_space<hbm>> -> memref<1x200xi32, #tpu.memory_space<hbm>>
    %dma_wait3A_82 = tpu.memref_squeeze %dma_wait3A_81 : memref<1x200xi32, #tpu.memory_space<hbm>> -> memref<200xi32, #tpu.memory_space<hbm>>
    tpu.wait_dma2 semaphore(%arg21 : memref<!tpu.dma_semaphore, #tpu.memory_space<semaphore_mem>>) src(%dma_wait3A_82 : memref<200xi32, #tpu.memory_space<hbm>>) dst(%arg12 : memref<200xi32, #tpu.memory_space<vmem>>)
    %dma_start3A_83 = arith.constant 0 : i32
    %dma_start3A_84 = arith.constant 0 : i32
    %dma_start3A_85 = tpu.memref_slice %arg16[%dma_start3A_83, %dma_start3A_84] : memref<200x128xf32, #tpu.memory_space<vmem>> -> memref<128x128xf32, #tpu.memory_space<vmem>>
    %dma_start3A_86 = arith.constant 0 : i32
    %dma_start3A_87 = tpu.memref_slice %arg12[%dma_start3A_86] : memref<200xi32, #tpu.memory_space<vmem>> -> memref<128xi32, #tpu.memory_space<vmem>>
    %dma_start3A_88 = arith.constant 0 : i32
    %dma_start3A_89 = arith.constant 0 : i32
    %dma_start3A_90 = tpu.memref_slice %arg4[%dma_start3A_88, %dma_start3A_89] : memref<100000x128xf32, #tpu.memory_space<hbm>> -> memref<100000x128xf32, #tpu.memory_space<hbm>>
    tpu.enqueue_indirect_dma source(%dma_start3A_90 : memref<100000x128xf32, #tpu.memory_space<hbm>>) target(%dma_start3A_85 : memref<128x128xf32, #tpu.memory_space<vmem>>) offsets(%dma_start3A_87 : memref<128xi32, #tpu.memory_space<vmem>>) semaphore(%arg25 : memref<!tpu.dma_semaphore, #tpu.memory_space<semaphore_mem>>)
    %dma_start3A_91 = arith.constant 128 : i32
    %dma_start3A_92 = arith.constant 0 : i32
    %dma_start3A_93 = tpu.memref_slice %arg16[%dma_start3A_91, %dma_start3A_92] : memref<200x128xf32, #tpu.memory_space<vmem>> -> memref<72x128xf32, #tpu.memory_space<vmem>>
    %dma_start3A_94 = arith.constant 128 : i32
    %dma_start3A_95 = tpu.memref_slice %arg12[%dma_start3A_94] : memref<200xi32, #tpu.memory_space<vmem>> -> memref<72xi32, #tpu.memory_space<vmem>>
    %dma_start3A_96 = arith.constant 0 : i32
    %dma_start3A_97 = arith.constant 0 : i32
    %dma_start3A_98 = tpu.memref_slice %arg4[%dma_start3A_96, %dma_start3A_97] : memref<100000x128xf32, #tpu.memory_space<hbm>> -> memref<100000x128xf32, #tpu.memory_space<hbm>>
    tpu.enqueue_indirect_dma source(%dma_start3A_98 : memref<100000x128xf32, #tpu.memory_space<hbm>>) target(%dma_start3A_93 : memref<72x128xf32, #tpu.memory_space<vmem>>) offsets(%dma_start3A_95 : memref<72xi32, #tpu.memory_space<vmem>>) semaphore(%arg25 : memref<!tpu.dma_semaphore, #tpu.memory_space<semaphore_mem>>)
    %dma_wait3A_99 = arith.constant 0 : i32
    %dma_wait3A_100 = arith.constant 0 : i32
    %dma_wait3A_101 = tpu.memref_slice %arg4[%dma_wait3A_99, %dma_wait3A_100] : memref<100000x128xf32, #tpu.memory_space<hbm>> -> memref<200x128xf32, #tpu.memory_space<hbm>>
    %dma_wait3A_102 = arith.constant 0 : i32
    %dma_wait3A_103 = arith.constant 0 : i32
    %dma_wait3A_104 = tpu.memref_slice %arg4[%dma_wait3A_102, %dma_wait3A_103] : memref<100000x128xf32, #tpu.memory_space<hbm>> -> memref<200x128xf32, #tpu.memory_space<hbm>>
    tpu.wait_dma2 semaphore(%arg23 : memref<!tpu.dma_semaphore, #tpu.memory_space<semaphore_mem>>) src(%dma_wait3A_104 : memref<200x128xf32, #tpu.memory_space<hbm>>) dst(%arg14 : memref<200x128xf32, #tpu.memory_space<vmem>>)
    %add3A_105 = arith.constant 4 : i32
    %add3A_106 = arith.addi %mul3A_2, %add3A_105 : i32
    %dma_start3A_107 = arith.constant 0 : i32
    %dma_start3A_108 = tpu.memref_slice %arg2[%add3A_106, %dma_start3A_107] : memref<1024x200xi32, #tpu.memory_space<hbm>> -> memref<1x200xi32, #tpu.memory_space<hbm>>
    %dma_start3A_109 = tpu.memref_squeeze %dma_start3A_108 : memref<1x200xi32, #tpu.memory_space<hbm>> -> memref<200xi32, #tpu.memory_space<hbm>>
    %dma_start3A_110 = arith.constant 0 : i32
    %dma_start3A_111 = tpu.memref_slice %arg2[%add3A_106, %dma_start3A_110] : memref<1024x200xi32, #tpu.memory_space<hbm>> -> memref<1x200xi32, #tpu.memory_space<hbm>>
    %dma_start3A_112 = tpu.memref_squeeze %dma_start3A_111 : memref<1x200xi32, #tpu.memory_space<hbm>> -> memref<200xi32, #tpu.memory_space<hbm>>
    tpu.enqueue_dma source(%dma_start3A_112 : memref<200xi32, #tpu.memory_space<hbm>>) target(%arg10 : memref<200xi32, #tpu.memory_space<vmem>>) target_semaphore(%arg19 : memref<!tpu.dma_semaphore, #tpu.memory_space<semaphore_mem>>)
    tpu.wait_dma2 semaphore(%arg18 : memref<!tpu.dma_semaphore, #tpu.memory_space<semaphore_mem>>) src(%arg6 : memref<200x128xf32, #tpu.memory_space<hbm>>) dst(%arg9 : memref<200x128xf32, #tpu.memory_space<vmem>>)
    %scan3A = arith.constant 0 : i32
    %scan3A_113 = arith.constant 0 : i32
    %scan3A_114 = arith.constant 200 : i32
    %scan3A_115 = arith.addi %scan3A_113, %scan3A_114 : i32
    %scan3A_116 = arith.constant 1 : i32
    scf.for %scan3A_972 = %scan3A_113 to %scan3A_115 step %scan3A_116  : i32 {
      %get3A = arith.index_cast %scan3A_972 : i32 to index
      %get3A_973 = arith.constant 0 : index
      %get3A_974 = tpu.vector_load %arg9[%get3A, %get3A_973] {strides = array<i32>} : memref<200x128xf32, #tpu.memory_space<vmem>>, vector<1x16xf32>,
      %get3A_975 = vector.shape_cast %get3A_974 : vector<1x16xf32> to vector<16xf32>
      %swap3A = arith.index_cast %scan3A_972 : i32 to index
      %swap3A_976 = arith.constant 0 : index
      %swap3A_977 = tpu.vector_load %arg14[%swap3A, %swap3A_976] {strides = array<i32>} : memref<200x128xf32, #tpu.memory_space<vmem>>, vector<1x16xf32>,
      %swap3A_978 = vector.shape_cast %swap3A_977 : vector<1x16xf32> to vector<16xf32>
      %swap3A_979 = vector.shape_cast %get3A_975 : vector<16xf32> to vector<1x16xf32>
      tpu.vector_store %arg14[%swap3A, %swap3A_976], %swap3A_979 {add = true, strides = array<i32>} : memref<200x128xf32, #tpu.memory_space<vmem>>, vector<1x16xf32>,
      %get3A_980 = arith.index_cast %scan3A_972 : i32 to index
      %get3A_981 = arith.constant 16 : index
      %get3A_982 = tpu.vector_load %arg9[%get3A_980, %get3A_981] {strides = array<i32>} : memref<200x128xf32, #tpu.memory_space<vmem>>, vector<1x16xf32>,
      %get3A_983 = vector.shape_cast %get3A_982 : vector<1x16xf32> to vector<16xf32>
      %swap3A_984 = arith.index_cast %scan3A_972 : i32 to index
      %swap3A_985 = arith.constant 16 : index
      %swap3A_986 = tpu.vector_load %arg14[%swap3A_984, %swap3A_985] {strides = array<i32>} : memref<200x128xf32, #tpu.memory_space<vmem>>, vector<1x16xf32>,
      %swap3A_987 = vector.shape_cast %swap3A_986 : vector<1x16xf32> to vector<16xf32>
      %swap3A_988 = vector.shape_cast %get3A_983 : vector<16xf32> to vector<1x16xf32>
      tpu.vector_store %arg14[%swap3A_984, %swap3A_985], %swap3A_988 {add = true, strides = array<i32>} : memref<200x128xf32, #tpu.memory_space<vmem>>, vector<1x16xf32>,
      %get3A_989 = arith.index_cast %scan3A_972 : i32 to index
      %get3A_990 = arith.constant 32 : index
      %get3A_991 = tpu.vector_load %arg9[%get3A_989, %get3A_990] {strides = array<i32>} : memref<200x128xf32, #tpu.memory_space<vmem>>, vector<1x16xf32>,
      %get3A_992 = vector.shape_cast %get3A_991 : vector<1x16xf32> to vector<16xf32>
      %swap3A_993 = arith.index_cast %scan3A_972 : i32 to index
      %swap3A_994 = arith.constant 32 : index
      %swap3A_995 = tpu.vector_load %arg14[%swap3A_993, %swap3A_994] {strides = array<i32>} : memref<200x128xf32, #tpu.memory_space<vmem>>, vector<1x16xf32>,
      %swap3A_996 = vector.shape_cast %swap3A_995 : vector<1x16xf32> to vector<16xf32>
      %swap3A_997 = vector.shape_cast %get3A_992 : vector<16xf32> to vector<1x16xf32>
      tpu.vector_store %arg14[%swap3A_993, %swap3A_994], %swap3A_997 {add = true, strides = array<i32>} : memref<200x128xf32, #tpu.memory_space<vmem>>, vector<1x16xf32>,
      %get3A_998 = arith.index_cast %scan3A_972 : i32 to index
      %get3A_999 = arith.constant 48 : index
      %get3A_1000 = tpu.vector_load %arg9[%get3A_998, %get3A_999] {strides = array<i32>} : memref<200x128xf32, #tpu.memory_space<vmem>>, vector<1x16xf32>,
      %get3A_1001 = vector.shape_cast %get3A_1000 : vector<1x16xf32> to vector<16xf32>
      %swap3A_1002 = arith.index_cast %scan3A_972 : i32 to index
      %swap3A_1003 = arith.constant 48 : index
      %swap3A_1004 = tpu.vector_load %arg14[%swap3A_1002, %swap3A_1003] {strides = array<i32>} : memref<200x128xf32, #tpu.memory_space<vmem>>, vector<1x16xf32>,
      %swap3A_1005 = vector.shape_cast %swap3A_1004 : vector<1x16xf32> to vector<16xf32>
      %swap3A_1006 = vector.shape_cast %get3A_1001 : vector<16xf32> to vector<1x16xf32>
      tpu.vector_store %arg14[%swap3A_1002, %swap3A_1003], %swap3A_1006 {add = true, strides = array<i32>} : memref<200x128xf32, #tpu.memory_space<vmem>>, vector<1x16xf32>,
      %get3A_1007 = arith.index_cast %scan3A_972 : i32 to index
      %get3A_1008 = arith.constant 64 : index
      %get3A_1009 = tpu.vector_load %arg9[%get3A_1007, %get3A_1008] {strides = array<i32>} : memref<200x128xf32, #tpu.memory_space<vmem>>, vector<1x16xf32>,
      %get3A_1010 = vector.shape_cast %get3A_1009 : vector<1x16xf32> to vector<16xf32>
      %swap3A_1011 = arith.index_cast %scan3A_972 : i32 to index
      %swap3A_1012 = arith.constant 64 : index
      %swap3A_1013 = tpu.vector_load %arg14[%swap3A_1011, %swap3A_1012] {strides = array<i32>} : memref<200x128xf32, #tpu.memory_space<vmem>>, vector<1x16xf32>,
      %swap3A_1014 = vector.shape_cast %swap3A_1013 : vector<1x16xf32> to vector<16xf32>
      %swap3A_1015 = vector.shape_cast %get3A_1010 : vector<16xf32> to vector<1x16xf32>
      tpu.vector_store %arg14[%swap3A_1011, %swap3A_1012], %swap3A_1015 {add = true, strides = array<i32>} : memref<200x128xf32, #tpu.memory_space<vmem>>, vector<1x16xf32>,
      %get3A_1016 = arith.index_cast %scan3A_972 : i32 to index
      %get3A_1017 = arith.constant 80 : index
      %get3A_1018 = tpu.vector_load %arg9[%get3A_1016, %get3A_1017] {strides = array<i32>} : memref<200x128xf32, #tpu.memory_space<vmem>>, vector<1x16xf32>,
      %get3A_1019 = vector.shape_cast %get3A_1018 : vector<1x16xf32> to vector<16xf32>
      %swap3A_1020 = arith.index_cast %scan3A_972 : i32 to index
      %swap3A_1021 = arith.constant 80 : index
      %swap3A_1022 = tpu.vector_load %arg14[%swap3A_1020, %swap3A_1021] {strides = array<i32>} : memref<200x128xf32, #tpu.memory_space<vmem>>, vector<1x16xf32>,
      %swap3A_1023 = vector.shape_cast %swap3A_1022 : vector<1x16xf32> to vector<16xf32>
      %swap3A_1024 = vector.shape_cast %get3A_1019 : vector<16xf32> to vector<1x16xf32>
      tpu.vector_store %arg14[%swap3A_1020, %swap3A_1021], %swap3A_1024 {add = true, strides = array<i32>} : memref<200x128xf32, #tpu.memory_space<vmem>>, vector<1x16xf32>,
      %get3A_1025 = arith.index_cast %scan3A_972 : i32 to index
      %get3A_1026 = arith.constant 96 : index
      %get3A_1027 = tpu.vector_load %arg9[%get3A_1025, %get3A_1026] {strides = array<i32>} : memref<200x128xf32, #tpu.memory_space<vmem>>, vector<1x16xf32>,
      %get3A_1028 = vector.shape_cast %get3A_1027 : vector<1x16xf32> to vector<16xf32>
      %swap3A_1029 = arith.index_cast %scan3A_972 : i32 to index
      %swap3A_1030 = arith.constant 96 : index
      %swap3A_1031 = tpu.vector_load %arg14[%swap3A_1029, %swap3A_1030] {strides = array<i32>} : memref<200x128xf32, #tpu.memory_space<vmem>>, vector<1x16xf32>,
      %swap3A_1032 = vector.shape_cast %swap3A_1031 : vector<1x16xf32> to vector<16xf32>
      %swap3A_1033 = vector.shape_cast %get3A_1028 : vector<16xf32> to vector<1x16xf32>
      tpu.vector_store %arg14[%swap3A_1029, %swap3A_1030], %swap3A_1033 {add = true, strides = array<i32>} : memref<200x128xf32, #tpu.memory_space<vmem>>, vector<1x16xf32>,
      %get3A_1034 = arith.index_cast %scan3A_972 : i32 to index
      %get3A_1035 = arith.constant 112 : index
      %get3A_1036 = tpu.vector_load %arg9[%get3A_1034, %get3A_1035] {strides = array<i32>} : memref<200x128xf32, #tpu.memory_space<vmem>>, vector<1x16xf32>,
      %get3A_1037 = vector.shape_cast %get3A_1036 : vector<1x16xf32> to vector<16xf32>
      %swap3A_1038 = arith.index_cast %scan3A_972 : i32 to index
      %swap3A_1039 = arith.constant 112 : index
      %swap3A_1040 = tpu.vector_load %arg14[%swap3A_1038, %swap3A_1039] {strides = array<i32>} : memref<200x128xf32, #tpu.memory_space<vmem>>, vector<1x16xf32>,
      %swap3A_1041 = vector.shape_cast %swap3A_1040 : vector<1x16xf32> to vector<16xf32>
      %swap3A_1042 = vector.shape_cast %get3A_1037 : vector<16xf32> to vector<1x16xf32>
      tpu.vector_store %arg14[%swap3A_1038, %swap3A_1039], %swap3A_1042 {add = true, strides = array<i32>} : memref<200x128xf32, #tpu.memory_space<vmem>>, vector<1x16xf32>,
    }
    %scan3A_117 = arith.constant 200 : i32
    %add3A_118 = arith.constant 0 : i32
    %add3A_119 = arith.addi %mul3A_2, %add3A_118 : i32
    %dma_start3A_120 = arith.constant 0 : i32
    %dma_start3A_121 = arith.constant 0 : i32
    %dma_start3A_122 = tpu.memref_slice %arg7[%add3A_119, %dma_start3A_120, %dma_start3A_121] : memref<1024x200x128xf32, #tpu.memory_space<hbm>> -> memref<1x200x128xf32, #tpu.memory_space<hbm>>
    %dma_start3A_123 = tpu.memref_squeeze %dma_start3A_122 : memref<1x200x128xf32, #tpu.memory_space<hbm>> -> memref<200x128xf32, #tpu.memory_space<hbm>>
    %dma_start3A_124 = arith.constant 0 : i32
    %dma_start3A_125 = arith.constant 0 : i32
    %dma_start3A_126 = tpu.memref_slice %arg7[%add3A_119, %dma_start3A_124, %dma_start3A_125] : memref<1024x200x128xf32, #tpu.memory_space<hbm>> -> memref<1x200x128xf32, #tpu.memory_space<hbm>>
    %dma_start3A_127 = tpu.memref_squeeze %dma_start3A_126 : memref<1x200x128xf32, #tpu.memory_space<hbm>> -> memref<200x128xf32, #tpu.memory_space<hbm>>
    tpu.enqueue_dma source(%arg14 : memref<200x128xf32, #tpu.memory_space<vmem>>) target(%dma_start3A_127 : memref<200x128xf32, #tpu.memory_space<hbm>>) target_semaphore(%arg27 : memref<!tpu.dma_semaphore, #tpu.memory_space<semaphore_mem>>)
    %dma_wait3A_128 = arith.constant 0 : i32
    %dma_wait3A_129 = tpu.memref_slice %arg2[%mul3A_2, %dma_wait3A_128] : memref<1024x200xi32, #tpu.memory_space<hbm>> -> memref<1x200xi32, #tpu.memory_space<hbm>>
    %dma_wait3A_130 = tpu.memref_squeeze %dma_wait3A_129 : memref<1x200xi32, #tpu.memory_space<hbm>> -> memref<200xi32, #tpu.memory_space<hbm>>
    %dma_wait3A_131 = arith.constant 0 : i32
    %dma_wait3A_132 = tpu.memref_slice %arg2[%mul3A_2, %dma_wait3A_131] : memref<1024x200xi32, #tpu.memory_space<hbm>> -> memref<1x200xi32, #tpu.memory_space<hbm>>
    %dma_wait3A_133 = tpu.memref_squeeze %dma_wait3A_132 : memref<1x200xi32, #tpu.memory_space<hbm>> -> memref<200xi32, #tpu.memory_space<hbm>>
    tpu.wait_dma2 semaphore(%arg22 : memref<!tpu.dma_semaphore, #tpu.memory_space<semaphore_mem>>) src(%dma_wait3A_133 : memref<200xi32, #tpu.memory_space<hbm>>) dst(%arg13 : memref<200xi32, #tpu.memory_space<vmem>>)
    %dma_start3A_134 = arith.constant 0 : i32
    %dma_start3A_135 = arith.constant 0 : i32
    %dma_start3A_136 = tpu.memref_slice %arg17[%dma_start3A_134, %dma_start3A_135] : memref<200x128xf32, #tpu.memory_space<vmem>> -> memref<128x128xf32, #tpu.memory_space<vmem>>
    %dma_start3A_137 = arith.constant 0 : i32
    %dma_start3A_138 = tpu.memref_slice %arg13[%dma_start3A_137] : memref<200xi32, #tpu.memory_space<vmem>> -> memref<128xi32, #tpu.memory_space<vmem>>
    %dma_start3A_139 = arith.constant 0 : i32
    %dma_start3A_140 = arith.constant 0 : i32
    %dma_start3A_141 = tpu.memref_slice %arg4[%dma_start3A_139, %dma_start3A_140] : memref<100000x128xf32, #tpu.memory_space<hbm>> -> memref<100000x128xf32, #tpu.memory_space<hbm>>
    tpu.enqueue_indirect_dma source(%dma_start3A_141 : memref<100000x128xf32, #tpu.memory_space<hbm>>) target(%dma_start3A_136 : memref<128x128xf32, #tpu.memory_space<vmem>>) offsets(%dma_start3A_138 : memref<128xi32, #tpu.memory_space<vmem>>) semaphore(%arg26 : memref<!tpu.dma_semaphore, #tpu.memory_space<semaphore_mem>>)
    %dma_start3A_142 = arith.constant 128 : i32
    %dma_start3A_143 = arith.constant 0 : i32
    %dma_start3A_144 = tpu.memref_slice %arg17[%dma_start3A_142, %dma_start3A_143] : memref<200x128xf32, #tpu.memory_space<vmem>> -> memref<72x128xf32, #tpu.memory_space<vmem>>
    %dma_start3A_145 = arith.constant 128 : i32
    %dma_start3A_146 = tpu.memref_slice %arg13[%dma_start3A_145] : memref<200xi32, #tpu.memory_space<vmem>> -> memref<72xi32, #tpu.memory_space<vmem>>
    %dma_start3A_147 = arith.constant 0 : i32
    %dma_start3A_148 = arith.constant 0 : i32
    %dma_start3A_149 = tpu.memref_slice %arg4[%dma_start3A_147, %dma_start3A_148] : memref<100000x128xf32, #tpu.memory_space<hbm>> -> memref<100000x128xf32, #tpu.memory_space<hbm>>
    tpu.enqueue_indirect_dma source(%dma_start3A_149 : memref<100000x128xf32, #tpu.memory_space<hbm>>) target(%dma_start3A_144 : memref<72x128xf32, #tpu.memory_space<vmem>>) offsets(%dma_start3A_146 : memref<72xi32, #tpu.memory_space<vmem>>) semaphore(%arg26 : memref<!tpu.dma_semaphore, #tpu.memory_space<semaphore_mem>>)
    %scan3A_150 = arith.constant 0 : i32
    %scan3A_151 = arith.constant 0 : i32
    %scan3A_152 = arith.constant 6 : i32
    %scan3A_153 = arith.addi %scan3A_151, %scan3A_152 : i32
    %scan3A_154 = arith.constant 1 : i32
    scf.for %scan3A_972 = %scan3A_151 to %scan3A_153 step %scan3A_154  : i32 {
      %mul3A_973 = arith.constant 4 : i32
      %mul3A_974 = arith.muli %mul3A_973, %scan3A_972 : i32
      %add3A_975 = arith.constant 1 : i32
      %add3A_976 = arith.addi %mul3A_974, %add3A_975 : i32
      %add3A_977 = arith.constant 4 : i32
      %add3A_978 = arith.addi %add3A_976, %add3A_977 : i32
      %add3A_979 = arith.constant 3 : i32
      %add3A_980 = arith.addi %add3A_976, %add3A_979 : i32
      %dma_wait3A_981 = arith.constant 0 : i32
      %dma_wait3A_982 = arith.constant 0 : i32
      %dma_wait3A_983 = tpu.memref_slice %arg4[%dma_wait3A_981, %dma_wait3A_982] : memref<100000x128xf32, #tpu.memory_space<hbm>> -> memref<200x128xf32, #tpu.memory_space<hbm>>
      %dma_wait3A_984 = arith.constant 0 : i32
      %dma_wait3A_985 = arith.constant 0 : i32
      %dma_wait3A_986 = tpu.memref_slice %arg4[%dma_wait3A_984, %dma_wait3A_985] : memref<100000x128xf32, #tpu.memory_space<hbm>> -> memref<200x128xf32, #tpu.memory_space<hbm>>
      tpu.wait_dma2 semaphore(%arg24 : memref<!tpu.dma_semaphore, #tpu.memory_space<semaphore_mem>>) src(%dma_wait3A_986 : memref<200x128xf32, #tpu.memory_space<hbm>>) dst(%arg15 : memref<200x128xf32, #tpu.memory_space<vmem>>)
      %add3A_987 = arith.addi %mul3A_2, %add3A_978 : i32
      %dma_start3A_988 = arith.constant 0 : i32
      %dma_start3A_989 = tpu.memref_slice %arg2[%add3A_987, %dma_start3A_988] : memref<1024x200xi32, #tpu.memory_space<hbm>> -> memref<1x200xi32, #tpu.memory_space<hbm>>
      %dma_start3A_990 = tpu.memref_squeeze %dma_start3A_989 : memref<1x200xi32, #tpu.memory_space<hbm>> -> memref<200xi32, #tpu.memory_space<hbm>>
      %dma_start3A_991 = arith.constant 0 : i32
      %dma_start3A_992 = tpu.memref_slice %arg2[%add3A_987, %dma_start3A_991] : memref<1024x200xi32, #tpu.memory_space<hbm>> -> memref<1x200xi32, #tpu.memory_space<hbm>>
      %dma_start3A_993 = tpu.memref_squeeze %dma_start3A_992 : memref<1x200xi32, #tpu.memory_space<hbm>> -> memref<200xi32, #tpu.memory_space<hbm>>
      tpu.enqueue_dma source(%dma_start3A_993 : memref<200xi32, #tpu.memory_space<hbm>>) target(%arg11 : memref<200xi32, #tpu.memory_space<vmem>>) target_semaphore(%arg20 : memref<!tpu.dma_semaphore, #tpu.memory_space<semaphore_mem>>)
      %scan3A_994 = arith.constant 0 : i32
      %scan3A_995 = arith.constant 0 : i32
      %scan3A_996 = arith.constant 200 : i32
      %scan3A_997 = arith.addi %scan3A_995, %scan3A_996 : i32
      %scan3A_998 = arith.constant 1 : i32
      scf.for %scan3A_1231 = %scan3A_995 to %scan3A_997 step %scan3A_998  : i32 {
        %get3A = arith.index_cast %scan3A_1231 : i32 to index
        %get3A_1232 = arith.constant 0 : index
        %get3A_1233 = tpu.vector_load %arg9[%get3A, %get3A_1232] {strides = array<i32>} : memref<200x128xf32, #tpu.memory_space<vmem>>, vector<1x16xf32>,
        %get3A_1234 = vector.shape_cast %get3A_1233 : vector<1x16xf32> to vector<16xf32>
        %swap3A = arith.index_cast %scan3A_1231 : i32 to index
        %swap3A_1235 = arith.constant 0 : index
        %swap3A_1236 = tpu.vector_load %arg15[%swap3A, %swap3A_1235] {strides = array<i32>} : memref<200x128xf32, #tpu.memory_space<vmem>>, vector<1x16xf32>,
        %swap3A_1237 = vector.shape_cast %swap3A_1236 : vector<1x16xf32> to vector<16xf32>
        %swap3A_1238 = vector.shape_cast %get3A_1234 : vector<16xf32> to vector<1x16xf32>
        tpu.vector_store %arg15[%swap3A, %swap3A_1235], %swap3A_1238 {add = true, strides = array<i32>} : memref<200x128xf32, #tpu.memory_space<vmem>>, vector<1x16xf32>,
        %get3A_1239 = arith.index_cast %scan3A_1231 : i32 to index
        %get3A_1240 = arith.constant 16 : index
        %get3A_1241 = tpu.vector_load %arg9[%get3A_1239, %get3A_1240] {strides = array<i32>} : memref<200x128xf32, #tpu.memory_space<vmem>>, vector<1x16xf32>,
        %get3A_1242 = vector.shape_cast %get3A_1241 : vector<1x16xf32> to vector<16xf32>
        %swap3A_1243 = arith.index_cast %scan3A_1231 : i32 to index
        %swap3A_1244 = arith.constant 16 : index
        %swap3A_1245 = tpu.vector_load %arg15[%swap3A_1243, %swap3A_1244] {strides = array<i32>} : memref<200x128xf32, #tpu.memory_space<vmem>>, vector<1x16xf32>,
        %swap3A_1246 = vector.shape_cast %swap3A_1245 : vector<1x16xf32> to vector<16xf32>
        %swap3A_1247 = vector.shape_cast %get3A_1242 : vector<16xf32> to vector<1x16xf32>
        tpu.vector_store %arg15[%swap3A_1243, %swap3A_1244], %swap3A_1247 {add = true, strides = array<i32>} : memref<200x128xf32, #tpu.memory_space<vmem>>, vector<1x16xf32>,
        %get3A_1248 = arith.index_cast %scan3A_1231 : i32 to index
        %get3A_1249 = arith.constant 32 : index
        %get3A_1250 = tpu.vector_load %arg9[%get3A_1248, %get3A_1249] {strides = array<i32>} : memref<200x128xf32, #tpu.memory_space<vmem>>, vector<1x16xf32>,
        %get3A_1251 = vector.shape_cast %get3A_1250 : vector<1x16xf32> to vector<16xf32>
        %swap3A_1252 = arith.index_cast %scan3A_1231 : i32 to index
        %swap3A_1253 = arith.constant 32 : index
        %swap3A_1254 = tpu.vector_load %arg15[%swap3A_1252, %swap3A_1253] {strides = array<i32>} : memref<200x128xf32, #tpu.memory_space<vmem>>, vector<1x16xf32>,
        %swap3A_1255 = vector.shape_cast %swap3A_1254 : vector<1x16xf32> to vector<16xf32>
        %swap3A_1256 = vector.shape_cast %get3A_1251 : vector<16xf32> to vector<1x16xf32>
        tpu.vector_store %arg15[%swap3A_1252, %swap3A_1253], %swap3A_1256 {add = true, strides = array<i32>} : memref<200x128xf32, #tpu.memory_space<vmem>>, vector<1x16xf32>,
        %get3A_1257 = arith.index_cast %scan3A_1231 : i32 to index
        %get3A_1258 = arith.constant 48 : index
        %get3A_1259 = tpu.vector_load %arg9[%get3A_1257, %get3A_1258] {strides = array<i32>} : memref<200x128xf32, #tpu.memory_space<vmem>>, vector<1x16xf32>,
        %get3A_1260 = vector.shape_cast %get3A_1259 : vector<1x16xf32> to vector<16xf32>
        %swap3A_1261 = arith.index_cast %scan3A_1231 : i32 to index
        %swap3A_1262 = arith.constant 48 : index
        %swap3A_1263 = tpu.vector_load %arg15[%swap3A_1261, %swap3A_1262] {strides = array<i32>} : memref<200x128xf32, #tpu.memory_space<vmem>>, vector<1x16xf32>,
        %swap3A_1264 = vector.shape_cast %swap3A_1263 : vector<1x16xf32> to vector<16xf32>
        %swap3A_1265 = vector.shape_cast %get3A_1260 : vector<16xf32> to vector<1x16xf32>
        tpu.vector_store %arg15[%swap3A_1261, %swap3A_1262], %swap3A_1265 {add = true, strides = array<i32>} : memref<200x128xf32, #tpu.memory_space<vmem>>, vector<1x16xf32>,
        %get3A_1266 = arith.index_cast %scan3A_1231 : i32 to index
        %get3A_1267 = arith.constant 64 : index
        %get3A_1268 = tpu.vector_load %arg9[%get3A_1266, %get3A_1267] {strides = array<i32>} : memref<200x128xf32, #tpu.memory_space<vmem>>, vector<1x16xf32>,
        %get3A_1269 = vector.shape_cast %get3A_1268 : vector<1x16xf32> to vector<16xf32>
        %swap3A_1270 = arith.index_cast %scan3A_1231 : i32 to index
        %swap3A_1271 = arith.constant 64 : index
        %swap3A_1272 = tpu.vector_load %arg15[%swap3A_1270, %swap3A_1271] {strides = array<i32>} : memref<200x128xf32, #tpu.memory_space<vmem>>, vector<1x16xf32>,
        %swap3A_1273 = vector.shape_cast %swap3A_1272 : vector<1x16xf32> to vector<16xf32>
        %swap3A_1274 = vector.shape_cast %get3A_1269 : vector<16xf32> to vector<1x16xf32>
        tpu.vector_store %arg15[%swap3A_1270, %swap3A_1271], %swap3A_1274 {add = true, strides = array<i32>} : memref<200x128xf32, #tpu.memory_space<vmem>>, vector<1x16xf32>,
        %get3A_1275 = arith.index_cast %scan3A_1231 : i32 to index
        %get3A_1276 = arith.constant 80 : index
        %get3A_1277 = tpu.vector_load %arg9[%get3A_1275, %get3A_1276] {strides = array<i32>} : memref<200x128xf32, #tpu.memory_space<vmem>>, vector<1x16xf32>,
        %get3A_1278 = vector.shape_cast %get3A_1277 : vector<1x16xf32> to vector<16xf32>
        %swap3A_1279 = arith.index_cast %scan3A_1231 : i32 to index
        %swap3A_1280 = arith.constant 80 : index
        %swap3A_1281 = tpu.vector_load %arg15[%swap3A_1279, %swap3A_1280] {strides = array<i32>} : memref<200x128xf32, #tpu.memory_space<vmem>>, vector<1x16xf32>,
        %swap3A_1282 = vector.shape_cast %swap3A_1281 : vector<1x16xf32> to vector<16xf32>
        %swap3A_1283 = vector.shape_cast %get3A_1278 : vector<16xf32> to vector<1x16xf32>
        tpu.vector_store %arg15[%swap3A_1279, %swap3A_1280], %swap3A_1283 {add = true, strides = array<i32>} : memref<200x128xf32, #tpu.memory_space<vmem>>, vector<1x16xf32>,
        %get3A_1284 = arith.index_cast %scan3A_1231 : i32 to index
        %get3A_1285 = arith.constant 96 : index
        %get3A_1286 = tpu.vector_load %arg9[%get3A_1284, %get3A_1285] {strides = array<i32>} : memref<200x128xf32, #tpu.memory_space<vmem>>, vector<1x16xf32>,
        %get3A_1287 = vector.shape_cast %get3A_1286 : vector<1x16xf32> to vector<16xf32>
        %swap3A_1288 = arith.index_cast %scan3A_1231 : i32 to index
        %swap3A_1289 = arith.constant 96 : index
        %swap3A_1290 = tpu.vector_load %arg15[%swap3A_1288, %swap3A_1289] {strides = array<i32>} : memref<200x128xf32, #tpu.memory_space<vmem>>, vector<1x16xf32>,
        %swap3A_1291 = vector.shape_cast %swap3A_1290 : vector<1x16xf32> to vector<16xf32>
        %swap3A_1292 = vector.shape_cast %get3A_1287 : vector<16xf32> to vector<1x16xf32>
        tpu.vector_store %arg15[%swap3A_1288, %swap3A_1289], %swap3A_1292 {add = true, strides = array<i32>} : memref<200x128xf32, #tpu.memory_space<vmem>>, vector<1x16xf32>,
        %get3A_1293 = arith.index_cast %scan3A_1231 : i32 to index
        %get3A_1294 = arith.constant 112 : index
        %get3A_1295 = tpu.vector_load %arg9[%get3A_1293, %get3A_1294] {strides = array<i32>} : memref<200x128xf32, #tpu.memory_space<vmem>>, vector<1x16xf32>,
        %get3A_1296 = vector.shape_cast %get3A_1295 : vector<1x16xf32> to vector<16xf32>
        %swap3A_1297 = arith.index_cast %scan3A_1231 : i32 to index
        %swap3A_1298 = arith.constant 112 : index
        %swap3A_1299 = tpu.vector_load %arg15[%swap3A_1297, %swap3A_1298] {strides = array<i32>} : memref<200x128xf32, #tpu.memory_space<vmem>>, vector<1x16xf32>,
        %swap3A_1300 = vector.shape_cast %swap3A_1299 : vector<1x16xf32> to vector<16xf32>
        %swap3A_1301 = vector.shape_cast %get3A_1296 : vector<16xf32> to vector<1x16xf32>
        tpu.vector_store %arg15[%swap3A_1297, %swap3A_1298], %swap3A_1301 {add = true, strides = array<i32>} : memref<200x128xf32, #tpu.memory_space<vmem>>, vector<1x16xf32>,
      }
      %scan3A_999 = arith.constant 200 : i32
      %add3A_1000 = arith.addi %mul3A_2, %add3A_976 : i32
      %dma_start3A_1001 = arith.constant 0 : i32
      %dma_start3A_1002 = arith.constant 0 : i32
      %dma_start3A_1003 = tpu.memref_slice %arg7[%add3A_1000, %dma_start3A_1001, %dma_start3A_1002] : memref<1024x200x128xf32, #tpu.memory_space<hbm>> -> memref<1x200x128xf32, #tpu.memory_space<hbm>>
      %dma_start3A_1004 = tpu.memref_squeeze %dma_start3A_1003 : memref<1x200x128xf32, #tpu.memory_space<hbm>> -> memref<200x128xf32, #tpu.memory_space<hbm>>
      %dma_start3A_1005 = arith.constant 0 : i32
      %dma_start3A_1006 = arith.constant 0 : i32
      %dma_start3A_1007 = tpu.memref_slice %arg7[%add3A_1000, %dma_start3A_1005, %dma_start3A_1006] : memref<1024x200x128xf32, #tpu.memory_space<hbm>> -> memref<1x200x128xf32, #tpu.memory_space<hbm>>
      %dma_start3A_1008 = tpu.memref_squeeze %dma_start3A_1007 : memref<1x200x128xf32, #tpu.memory_space<hbm>> -> memref<200x128xf32, #tpu.memory_space<hbm>>
      tpu.enqueue_dma source(%arg15 : memref<200x128xf32, #tpu.memory_space<vmem>>) target(%dma_start3A_1008 : memref<200x128xf32, #tpu.memory_space<hbm>>) target_semaphore(%arg28 : memref<!tpu.dma_semaphore, #tpu.memory_space<semaphore_mem>>)
      %dma_wait3A_1009 = arith.constant 0 : i32
      %dma_wait3A_1010 = tpu.memref_slice %arg2[%mul3A_2, %dma_wait3A_1009] : memref<1024x200xi32, #tpu.memory_space<hbm>> -> memref<1x200xi32, #tpu.memory_space<hbm>>
      %dma_wait3A_1011 = tpu.memref_squeeze %dma_wait3A_1010 : memref<1x200xi32, #tpu.memory_space<hbm>> -> memref<200xi32, #tpu.memory_space<hbm>>
      %dma_wait3A_1012 = arith.constant 0 : i32
      %dma_wait3A_1013 = tpu.memref_slice %arg2[%mul3A_2, %dma_wait3A_1012] : memref<1024x200xi32, #tpu.memory_space<hbm>> -> memref<1x200xi32, #tpu.memory_space<hbm>>
      %dma_wait3A_1014 = tpu.memref_squeeze %dma_wait3A_1013 : memref<1x200xi32, #tpu.memory_space<hbm>> -> memref<200xi32, #tpu.memory_space<hbm>>
      tpu.wait_dma2 semaphore(%arg19 : memref<!tpu.dma_semaphore, #tpu.memory_space<semaphore_mem>>) src(%dma_wait3A_1014 : memref<200xi32, #tpu.memory_space<hbm>>) dst(%arg10 : memref<200xi32, #tpu.memory_space<vmem>>)
      %dma_wait3A_1015 = arith.constant 0 : i32
      %dma_wait3A_1016 = arith.constant 0 : i32
      %dma_wait3A_1017 = tpu.memref_slice %arg7[%mul3A_2, %dma_wait3A_1015, %dma_wait3A_1016] : memref<1024x200x128xf32, #tpu.memory_space<hbm>> -> memref<1x200x128xf32, #tpu.memory_space<hbm>>
      %dma_wait3A_1018 = tpu.memref_squeeze %dma_wait3A_1017 : memref<1x200x128xf32, #tpu.memory_space<hbm>> -> memref<200x128xf32, #tpu.memory_space<hbm>>
      %dma_wait3A_1019 = arith.constant 0 : i32
      %dma_wait3A_1020 = arith.constant 0 : i32
      %dma_wait3A_1021 = tpu.memref_slice %arg7[%mul3A_2, %dma_wait3A_1019, %dma_wait3A_1020] : memref<1024x200x128xf32, #tpu.memory_space<hbm>> -> memref<1x200x128xf32, #tpu.memory_space<hbm>>
      %dma_wait3A_1022 = tpu.memref_squeeze %dma_wait3A_1021 : memref<1x200x128xf32, #tpu.memory_space<hbm>> -> memref<200x128xf32, #tpu.memory_space<hbm>>
      tpu.wait_dma2 semaphore(%arg27 : memref<!tpu.dma_semaphore, #tpu.memory_space<semaphore_mem>>) src(%arg14 : memref<200x128xf32, #tpu.memory_space<vmem>>) dst(%dma_wait3A_1022 : memref<200x128xf32, #tpu.memory_space<hbm>>)
      %dma_start3A_1023 = arith.constant 0 : i32
      %dma_start3A_1024 = arith.constant 0 : i32
      %dma_start3A_1025 = tpu.memref_slice %arg14[%dma_start3A_1023, %dma_start3A_1024] : memref<200x128xf32, #tpu.memory_space<vmem>> -> memref<128x128xf32, #tpu.memory_space<vmem>>
      %dma_start3A_1026 = arith.constant 0 : i32
      %dma_start3A_1027 = tpu.memref_slice %arg10[%dma_start3A_1026] : memref<200xi32, #tpu.memory_space<vmem>> -> memref<128xi32, #tpu.memory_space<vmem>>
      %dma_start3A_1028 = arith.constant 0 : i32
      %dma_start3A_1029 = arith.constant 0 : i32
      %dma_start3A_1030 = tpu.memref_slice %arg4[%dma_start3A_1028, %dma_start3A_1029] : memref<100000x128xf32, #tpu.memory_space<hbm>> -> memref<100000x128xf32, #tpu.memory_space<hbm>>
      tpu.enqueue_indirect_dma source(%dma_start3A_1030 : memref<100000x128xf32, #tpu.memory_space<hbm>>) target(%dma_start3A_1025 : memref<128x128xf32, #tpu.memory_space<vmem>>) offsets(%dma_start3A_1027 : memref<128xi32, #tpu.memory_space<vmem>>) semaphore(%arg23 : memref<!tpu.dma_semaphore, #tpu.memory_space<semaphore_mem>>)
      %dma_start3A_1031 = arith.constant 128 : i32
      %dma_start3A_1032 = arith.constant 0 : i32
      %dma_start3A_1033 = tpu.memref_slice %arg14[%dma_start3A_1031, %dma_start3A_1032] : memref<200x128xf32, #tpu.memory_space<vmem>> -> memref<72x128xf32, #tpu.memory_space<vmem>>
      %dma_start3A_1034 = arith.constant 128 : i32
      %dma_start3A_1035 = tpu.memref_slice %arg10[%dma_start3A_1034] : memref<200xi32, #tpu.memory_space<vmem>> -> memref<72xi32, #tpu.memory_space<vmem>>
      %dma_start3A_1036 = arith.constant 0 : i32
      %dma_start3A_1037 = arith.constant 0 : i32
      %dma_start3A_1038 = tpu.memref_slice %arg4[%dma_start3A_1036, %dma_start3A_1037] : memref<100000x128xf32, #tpu.memory_space<hbm>> -> memref<100000x128xf32, #tpu.memory_space<hbm>>
      tpu.enqueue_indirect_dma source(%dma_start3A_1038 : memref<100000x128xf32, #tpu.memory_space<hbm>>) target(%dma_start3A_1033 : memref<72x128xf32, #tpu.memory_space<vmem>>) offsets(%dma_start3A_1035 : memref<72xi32, #tpu.memory_space<vmem>>) semaphore(%arg23 : memref<!tpu.dma_semaphore, #tpu.memory_space<semaphore_mem>>)
      %add3A_1039 = arith.constant 1 : i32
      %add3A_1040 = arith.addi %add3A_976, %add3A_1039 : i32
      %add3A_1041 = arith.constant 5 : i32
      %add3A_1042 = arith.addi %add3A_976, %add3A_1041 : i32
      %add3A_1043 = arith.constant 4 : i32
      %add3A_1044 = arith.addi %add3A_976, %add3A_1043 : i32
      %dma_wait3A_1045 = arith.constant 0 : i32
      %dma_wait3A_1046 = arith.constant 0 : i32
      %dma_wait3A_1047 = tpu.memref_slice %arg4[%dma_wait3A_1045, %dma_wait3A_1046] : memref<100000x128xf32, #tpu.memory_space<hbm>> -> memref<200x128xf32, #tpu.memory_space<hbm>>
      %dma_wait3A_1048 = arith.constant 0 : i32
      %dma_wait3A_1049 = arith.constant 0 : i32
      %dma_wait3A_1050 = tpu.memref_slice %arg4[%dma_wait3A_1048, %dma_wait3A_1049] : memref<100000x128xf32, #tpu.memory_space<hbm>> -> memref<200x128xf32, #tpu.memory_space<hbm>>
      tpu.wait_dma2 semaphore(%arg25 : memref<!tpu.dma_semaphore, #tpu.memory_space<semaphore_mem>>) src(%dma_wait3A_1050 : memref<200x128xf32, #tpu.memory_space<hbm>>) dst(%arg16 : memref<200x128xf32, #tpu.memory_space<vmem>>)
      %add3A_1051 = arith.addi %mul3A_2, %add3A_1042 : i32
      %dma_start3A_1052 = arith.constant 0 : i32
      %dma_start3A_1053 = tpu.memref_slice %arg2[%add3A_1051, %dma_start3A_1052] : memref<1024x200xi32, #tpu.memory_space<hbm>> -> memref<1x200xi32, #tpu.memory_space<hbm>>
      %dma_start3A_1054 = tpu.memref_squeeze %dma_start3A_1053 : memref<1x200xi32, #tpu.memory_space<hbm>> -> memref<200xi32, #tpu.memory_space<hbm>>
      %dma_start3A_1055 = arith.constant 0 : i32
      %dma_start3A_1056 = tpu.memref_slice %arg2[%add3A_1051, %dma_start3A_1055] : memref<1024x200xi32, #tpu.memory_space<hbm>> -> memref<1x200xi32, #tpu.memory_space<hbm>>
      %dma_start3A_1057 = tpu.memref_squeeze %dma_start3A_1056 : memref<1x200xi32, #tpu.memory_space<hbm>> -> memref<200xi32, #tpu.memory_space<hbm>>
      tpu.enqueue_dma source(%dma_start3A_1057 : memref<200xi32, #tpu.memory_space<hbm>>) target(%arg12 : memref<200xi32, #tpu.memory_space<vmem>>) target_semaphore(%arg21 : memref<!tpu.dma_semaphore, #tpu.memory_space<semaphore_mem>>)
      %scan3A_1058 = arith.constant 0 : i32
      %scan3A_1059 = arith.constant 0 : i32
      %scan3A_1060 = arith.constant 200 : i32
      %scan3A_1061 = arith.addi %scan3A_1059, %scan3A_1060 : i32
      %scan3A_1062 = arith.constant 1 : i32
      scf.for %scan3A_1231 = %scan3A_1059 to %scan3A_1061 step %scan3A_1062  : i32 {
        %get3A = arith.index_cast %scan3A_1231 : i32 to index
        %get3A_1232 = arith.constant 0 : index
        %get3A_1233 = tpu.vector_load %arg9[%get3A, %get3A_1232] {strides = array<i32>} : memref<200x128xf32, #tpu.memory_space<vmem>>, vector<1x16xf32>,
        %get3A_1234 = vector.shape_cast %get3A_1233 : vector<1x16xf32> to vector<16xf32>
        %swap3A = arith.index_cast %scan3A_1231 : i32 to index
        %swap3A_1235 = arith.constant 0 : index
        %swap3A_1236 = tpu.vector_load %arg16[%swap3A, %swap3A_1235] {strides = array<i32>} : memref<200x128xf32, #tpu.memory_space<vmem>>, vector<1x16xf32>,
        %swap3A_1237 = vector.shape_cast %swap3A_1236 : vector<1x16xf32> to vector<16xf32>
        %swap3A_1238 = vector.shape_cast %get3A_1234 : vector<16xf32> to vector<1x16xf32>
        tpu.vector_store %arg16[%swap3A, %swap3A_1235], %swap3A_1238 {add = true, strides = array<i32>} : memref<200x128xf32, #tpu.memory_space<vmem>>, vector<1x16xf32>,
        %get3A_1239 = arith.index_cast %scan3A_1231 : i32 to index
        %get3A_1240 = arith.constant 16 : index
        %get3A_1241 = tpu.vector_load %arg9[%get3A_1239, %get3A_1240] {strides = array<i32>} : memref<200x128xf32, #tpu.memory_space<vmem>>, vector<1x16xf32>,
        %get3A_1242 = vector.shape_cast %get3A_1241 : vector<1x16xf32> to vector<16xf32>
        %swap3A_1243 = arith.index_cast %scan3A_1231 : i32 to index
        %swap3A_1244 = arith.constant 16 : index
        %swap3A_1245 = tpu.vector_load %arg16[%swap3A_1243, %swap3A_1244] {strides = array<i32>} : memref<200x128xf32, #tpu.memory_space<vmem>>, vector<1x16xf32>,
        %swap3A_1246 = vector.shape_cast %swap3A_1245 : vector<1x16xf32> to vector<16xf32>
        %swap3A_1247 = vector.shape_cast %get3A_1242 : vector<16xf32> to vector<1x16xf32>
        tpu.vector_store %arg16[%swap3A_1243, %swap3A_1244], %swap3A_1247 {add = true, strides = array<i32>} : memref<200x128xf32, #tpu.memory_space<vmem>>, vector<1x16xf32>,
        %get3A_1248 = arith.index_cast %scan3A_1231 : i32 to index
        %get3A_1249 = arith.constant 32 : index
        %get3A_1250 = tpu.vector_load %arg9[%get3A_1248, %get3A_1249] {strides = array<i32>} : memref<200x128xf32, #tpu.memory_space<vmem>>, vector<1x16xf32>,
        %get3A_1251 = vector.shape_cast %get3A_1250 : vector<1x16xf32> to vector<16xf32>
        %swap3A_1252 = arith.index_cast %scan3A_1231 : i32 to index
        %swap3A_1253 = arith.constant 32 : index
        %swap3A_1254 = tpu.vector_load %arg16[%swap3A_1252, %swap3A_1253] {strides = array<i32>} : memref<200x128xf32, #tpu.memory_space<vmem>>, vector<1x16xf32>,
        %swap3A_1255 = vector.shape_cast %swap3A_1254 : vector<1x16xf32> to vector<16xf32>
        %swap3A_1256 = vector.shape_cast %get3A_1251 : vector<16xf32> to vector<1x16xf32>
        tpu.vector_store %arg16[%swap3A_1252, %swap3A_1253], %swap3A_1256 {add = true, strides = array<i32>} : memref<200x128xf32, #tpu.memory_space<vmem>>, vector<1x16xf32>,
        %get3A_1257 = arith.index_cast %scan3A_1231 : i32 to index
        %get3A_1258 = arith.constant 48 : index
        %get3A_1259 = tpu.vector_load %arg9[%get3A_1257, %get3A_1258] {strides = array<i32>} : memref<200x128xf32, #tpu.memory_space<vmem>>, vector<1x16xf32>,
        %get3A_1260 = vector.shape_cast %get3A_1259 : vector<1x16xf32> to vector<16xf32>
        %swap3A_1261 = arith.index_cast %scan3A_1231 : i32 to index
        %swap3A_1262 = arith.constant 48 : index
        %swap3A_1263 = tpu.vector_load %arg16[%swap3A_1261, %swap3A_1262] {strides = array<i32>} : memref<200x128xf32, #tpu.memory_space<vmem>>, vector<1x16xf32>,
        %swap3A_1264 = vector.shape_cast %swap3A_1263 : vector<1x16xf32> to vector<16xf32>
        %swap3A_1265 = vector.shape_cast %get3A_1260 : vector<16xf32> to vector<1x16xf32>
        tpu.vector_store %arg16[%swap3A_1261, %swap3A_1262], %swap3A_1265 {add = true, strides = array<i32>} : memref<200x128xf32, #tpu.memory_space<vmem>>, vector<1x16xf32>,
        %get3A_1266 = arith.index_cast %scan3A_1231 : i32 to index
        %get3A_1267 = arith.constant 64 : index
        %get3A_1268 = tpu.vector_load %arg9[%get3A_1266, %get3A_1267] {strides = array<i32>} : memref<200x128xf32, #tpu.memory_space<vmem>>, vector<1x16xf32>,
        %get3A_1269 = vector.shape_cast %get3A_1268 : vector<1x16xf32> to vector<16xf32>
        %swap3A_1270 = arith.index_cast %scan3A_1231 : i32 to index
        %swap3A_1271 = arith.constant 64 : index
        %swap3A_1272 = tpu.vector_load %arg16[%swap3A_1270, %swap3A_1271] {strides = array<i32>} : memref<200x128xf32, #tpu.memory_space<vmem>>, vector<1x16xf32>,
        %swap3A_1273 = vector.shape_cast %swap3A_1272 : vector<1x16xf32> to vector<16xf32>
        %swap3A_1274 = vector.shape_cast %get3A_1269 : vector<16xf32> to vector<1x16xf32>
        tpu.vector_store %arg16[%swap3A_1270, %swap3A_1271], %swap3A_1274 {add = true, strides = array<i32>} : memref<200x128xf32, #tpu.memory_space<vmem>>, vector<1x16xf32>,
        %get3A_1275 = arith.index_cast %scan3A_1231 : i32 to index
        %get3A_1276 = arith.constant 80 : index
        %get3A_1277 = tpu.vector_load %arg9[%get3A_1275, %get3A_1276] {strides = array<i32>} : memref<200x128xf32, #tpu.memory_space<vmem>>, vector<1x16xf32>,
        %get3A_1278 = vector.shape_cast %get3A_1277 : vector<1x16xf32> to vector<16xf32>
        %swap3A_1279 = arith.index_cast %scan3A_1231 : i32 to index
        %swap3A_1280 = arith.constant 80 : index
        %swap3A_1281 = tpu.vector_load %arg16[%swap3A_1279, %swap3A_1280] {strides = array<i32>} : memref<200x128xf32, #tpu.memory_space<vmem>>, vector<1x16xf32>,
        %swap3A_1282 = vector.shape_cast %swap3A_1281 : vector<1x16xf32> to vector<16xf32>
        %swap3A_1283 = vector.shape_cast %get3A_1278 : vector<16xf32> to vector<1x16xf32>
        tpu.vector_store %arg16[%swap3A_1279, %swap3A_1280], %swap3A_1283 {add = true, strides = array<i32>} : memref<200x128xf32, #tpu.memory_space<vmem>>, vector<1x16xf32>,
        %get3A_1284 = arith.index_cast %scan3A_1231 : i32 to index
        %get3A_1285 = arith.constant 96 : index
        %get3A_1286 = tpu.vector_load %arg9[%get3A_1284, %get3A_1285] {strides = array<i32>} : memref<200x128xf32, #tpu.memory_space<vmem>>, vector<1x16xf32>,
        %get3A_1287 = vector.shape_cast %get3A_1286 : vector<1x16xf32> to vector<16xf32>
        %swap3A_1288 = arith.index_cast %scan3A_1231 : i32 to index
        %swap3A_1289 = arith.constant 96 : index
        %swap3A_1290 = tpu.vector_load %arg16[%swap3A_1288, %swap3A_1289] {strides = array<i32>} : memref<200x128xf32, #tpu.memory_space<vmem>>, vector<1x16xf32>,
        %swap3A_1291 = vector.shape_cast %swap3A_1290 : vector<1x16xf32> to vector<16xf32>
        %swap3A_1292 = vector.shape_cast %get3A_1287 : vector<16xf32> to vector<1x16xf32>
        tpu.vector_store %arg16[%swap3A_1288, %swap3A_1289], %swap3A_1292 {add = true, strides = array<i32>} : memref<200x128xf32, #tpu.memory_space<vmem>>, vector<1x16xf32>,
        %get3A_1293 = arith.index_cast %scan3A_1231 : i32 to index
        %get3A_1294 = arith.constant 112 : index
        %get3A_1295 = tpu.vector_load %arg9[%get3A_1293, %get3A_1294] {strides = array<i32>} : memref<200x128xf32, #tpu.memory_space<vmem>>, vector<1x16xf32>,
        %get3A_1296 = vector.shape_cast %get3A_1295 : vector<1x16xf32> to vector<16xf32>
        %swap3A_1297 = arith.index_cast %scan3A_1231 : i32 to index
        %swap3A_1298 = arith.constant 112 : index
        %swap3A_1299 = tpu.vector_load %arg16[%swap3A_1297, %swap3A_1298] {strides = array<i32>} : memref<200x128xf32, #tpu.memory_space<vmem>>, vector<1x16xf32>,
        %swap3A_1300 = vector.shape_cast %swap3A_1299 : vector<1x16xf32> to vector<16xf32>
        %swap3A_1301 = vector.shape_cast %get3A_1296 : vector<16xf32> to vector<1x16xf32>
        tpu.vector_store %arg16[%swap3A_1297, %swap3A_1298], %swap3A_1301 {add = true, strides = array<i32>} : memref<200x128xf32, #tpu.memory_space<vmem>>, vector<1x16xf32>,
      }
      %scan3A_1063 = arith.constant 200 : i32
      %add3A_1064 = arith.addi %mul3A_2, %add3A_1040 : i32
      %dma_start3A_1065 = arith.constant 0 : i32
      %dma_start3A_1066 = arith.constant 0 : i32
      %dma_start3A_1067 = tpu.memref_slice %arg7[%add3A_1064, %dma_start3A_1065, %dma_start3A_1066] : memref<1024x200x128xf32, #tpu.memory_space<hbm>> -> memref<1x200x128xf32, #tpu.memory_space<hbm>>
      %dma_start3A_1068 = tpu.memref_squeeze %dma_start3A_1067 : memref<1x200x128xf32, #tpu.memory_space<hbm>> -> memref<200x128xf32, #tpu.memory_space<hbm>>
      %dma_start3A_1069 = arith.constant 0 : i32
      %dma_start3A_1070 = arith.constant 0 : i32
      %dma_start3A_1071 = tpu.memref_slice %arg7[%add3A_1064, %dma_start3A_1069, %dma_start3A_1070] : memref<1024x200x128xf32, #tpu.memory_space<hbm>> -> memref<1x200x128xf32, #tpu.memory_space<hbm>>
      %dma_start3A_1072 = tpu.memref_squeeze %dma_start3A_1071 : memref<1x200x128xf32, #tpu.memory_space<hbm>> -> memref<200x128xf32, #tpu.memory_space<hbm>>
      tpu.enqueue_dma source(%arg16 : memref<200x128xf32, #tpu.memory_space<vmem>>) target(%dma_start3A_1072 : memref<200x128xf32, #tpu.memory_space<hbm>>) target_semaphore(%arg29 : memref<!tpu.dma_semaphore, #tpu.memory_space<semaphore_mem>>)
      %dma_wait3A_1073 = arith.constant 0 : i32
      %dma_wait3A_1074 = tpu.memref_slice %arg2[%mul3A_2, %dma_wait3A_1073] : memref<1024x200xi32, #tpu.memory_space<hbm>> -> memref<1x200xi32, #tpu.memory_space<hbm>>
      %dma_wait3A_1075 = tpu.memref_squeeze %dma_wait3A_1074 : memref<1x200xi32, #tpu.memory_space<hbm>> -> memref<200xi32, #tpu.memory_space<hbm>>
      %dma_wait3A_1076 = arith.constant 0 : i32
      %dma_wait3A_1077 = tpu.memref_slice %arg2[%mul3A_2, %dma_wait3A_1076] : memref<1024x200xi32, #tpu.memory_space<hbm>> -> memref<1x200xi32, #tpu.memory_space<hbm>>
      %dma_wait3A_1078 = tpu.memref_squeeze %dma_wait3A_1077 : memref<1x200xi32, #tpu.memory_space<hbm>> -> memref<200xi32, #tpu.memory_space<hbm>>
      tpu.wait_dma2 semaphore(%arg20 : memref<!tpu.dma_semaphore, #tpu.memory_space<semaphore_mem>>) src(%dma_wait3A_1078 : memref<200xi32, #tpu.memory_space<hbm>>) dst(%arg11 : memref<200xi32, #tpu.memory_space<vmem>>)
      %dma_wait3A_1079 = arith.constant 0 : i32
      %dma_wait3A_1080 = arith.constant 0 : i32
      %dma_wait3A_1081 = tpu.memref_slice %arg7[%mul3A_2, %dma_wait3A_1079, %dma_wait3A_1080] : memref<1024x200x128xf32, #tpu.memory_space<hbm>> -> memref<1x200x128xf32, #tpu.memory_space<hbm>>
      %dma_wait3A_1082 = tpu.memref_squeeze %dma_wait3A_1081 : memref<1x200x128xf32, #tpu.memory_space<hbm>> -> memref<200x128xf32, #tpu.memory_space<hbm>>
      %dma_wait3A_1083 = arith.constant 0 : i32
      %dma_wait3A_1084 = arith.constant 0 : i32
      %dma_wait3A_1085 = tpu.memref_slice %arg7[%mul3A_2, %dma_wait3A_1083, %dma_wait3A_1084] : memref<1024x200x128xf32, #tpu.memory_space<hbm>> -> memref<1x200x128xf32, #tpu.memory_space<hbm>>
      %dma_wait3A_1086 = tpu.memref_squeeze %dma_wait3A_1085 : memref<1x200x128xf32, #tpu.memory_space<hbm>> -> memref<200x128xf32, #tpu.memory_space<hbm>>
      tpu.wait_dma2 semaphore(%arg28 : memref<!tpu.dma_semaphore, #tpu.memory_space<semaphore_mem>>) src(%arg15 : memref<200x128xf32, #tpu.memory_space<vmem>>) dst(%dma_wait3A_1086 : memref<200x128xf32, #tpu.memory_space<hbm>>)
      %dma_start3A_1087 = arith.constant 0 : i32
      %dma_start3A_1088 = arith.constant 0 : i32
      %dma_start3A_1089 = tpu.memref_slice %arg15[%dma_start3A_1087, %dma_start3A_1088] : memref<200x128xf32, #tpu.memory_space<vmem>> -> memref<128x128xf32, #tpu.memory_space<vmem>>
      %dma_start3A_1090 = arith.constant 0 : i32
      %dma_start3A_1091 = tpu.memref_slice %arg11[%dma_start3A_1090] : memref<200xi32, #tpu.memory_space<vmem>> -> memref<128xi32, #tpu.memory_space<vmem>>
      %dma_start3A_1092 = arith.constant 0 : i32
      %dma_start3A_1093 = arith.constant 0 : i32
      %dma_start3A_1094 = tpu.memref_slice %arg4[%dma_start3A_1092, %dma_start3A_1093] : memref<100000x128xf32, #tpu.memory_space<hbm>> -> memref<100000x128xf32, #tpu.memory_space<hbm>>
      tpu.enqueue_indirect_dma source(%dma_start3A_1094 : memref<100000x128xf32, #tpu.memory_space<hbm>>) target(%dma_start3A_1089 : memref<128x128xf32, #tpu.memory_space<vmem>>) offsets(%dma_start3A_1091 : memref<128xi32, #tpu.memory_space<vmem>>) semaphore(%arg24 : memref<!tpu.dma_semaphore, #tpu.memory_space<semaphore_mem>>)
      %dma_start3A_1095 = arith.constant 128 : i32
      %dma_start3A_1096 = arith.constant 0 : i32
      %dma_start3A_1097 = tpu.memref_slice %arg15[%dma_start3A_1095, %dma_start3A_1096] : memref<200x128xf32, #tpu.memory_space<vmem>> -> memref<72x128xf32, #tpu.memory_space<vmem>>
      %dma_start3A_1098 = arith.constant 128 : i32
      %dma_start3A_1099 = tpu.memref_slice %arg11[%dma_start3A_1098] : memref<200xi32, #tpu.memory_space<vmem>> -> memref<72xi32, #tpu.memory_space<vmem>>
      %dma_start3A_1100 = arith.constant 0 : i32
      %dma_start3A_1101 = arith.constant 0 : i32
      %dma_start3A_1102 = tpu.memref_slice %arg4[%dma_start3A_1100, %dma_start3A_1101] : memref<100000x128xf32, #tpu.memory_space<hbm>> -> memref<100000x128xf32, #tpu.memory_space<hbm>>
      tpu.enqueue_indirect_dma source(%dma_start3A_1102 : memref<100000x128xf32, #tpu.memory_space<hbm>>) target(%dma_start3A_1097 : memref<72x128xf32, #tpu.memory_space<vmem>>) offsets(%dma_start3A_1099 : memref<72xi32, #tpu.memory_space<vmem>>) semaphore(%arg24 : memref<!tpu.dma_semaphore, #tpu.memory_space<semaphore_mem>>)
      %add3A_1103 = arith.constant 2 : i32
      %add3A_1104 = arith.addi %add3A_976, %add3A_1103 : i32
      %add3A_1105 = arith.constant 6 : i32
      %add3A_1106 = arith.addi %add3A_976, %add3A_1105 : i32
      %add3A_1107 = arith.constant 5 : i32
      %add3A_1108 = arith.addi %add3A_976, %add3A_1107 : i32
      %dma_wait3A_1109 = arith.constant 0 : i32
      %dma_wait3A_1110 = arith.constant 0 : i32
      %dma_wait3A_1111 = tpu.memref_slice %arg4[%dma_wait3A_1109, %dma_wait3A_1110] : memref<100000x128xf32, #tpu.memory_space<hbm>> -> memref<200x128xf32, #tpu.memory_space<hbm>>
      %dma_wait3A_1112 = arith.constant 0 : i32
      %dma_wait3A_1113 = arith.constant 0 : i32
      %dma_wait3A_1114 = tpu.memref_slice %arg4[%dma_wait3A_1112, %dma_wait3A_1113] : memref<100000x128xf32, #tpu.memory_space<hbm>> -> memref<200x128xf32, #tpu.memory_space<hbm>>
      tpu.wait_dma2 semaphore(%arg26 : memref<!tpu.dma_semaphore, #tpu.memory_space<semaphore_mem>>) src(%dma_wait3A_1114 : memref<200x128xf32, #tpu.memory_space<hbm>>) dst(%arg17 : memref<200x128xf32, #tpu.memory_space<vmem>>)
      %add3A_1115 = arith.addi %mul3A_2, %add3A_1106 : i32
      %dma_start3A_1116 = arith.constant 0 : i32
      %dma_start3A_1117 = tpu.memref_slice %arg2[%add3A_1115, %dma_start3A_1116] : memref<1024x200xi32, #tpu.memory_space<hbm>> -> memref<1x200xi32, #tpu.memory_space<hbm>>
      %dma_start3A_1118 = tpu.memref_squeeze %dma_start3A_1117 : memref<1x200xi32, #tpu.memory_space<hbm>> -> memref<200xi32, #tpu.memory_space<hbm>>
      %dma_start3A_1119 = arith.constant 0 : i32
      %dma_start3A_1120 = tpu.memref_slice %arg2[%add3A_1115, %dma_start3A_1119] : memref<1024x200xi32, #tpu.memory_space<hbm>> -> memref<1x200xi32, #tpu.memory_space<hbm>>
      %dma_start3A_1121 = tpu.memref_squeeze %dma_start3A_1120 : memref<1x200xi32, #tpu.memory_space<hbm>> -> memref<200xi32, #tpu.memory_space<hbm>>
      tpu.enqueue_dma source(%dma_start3A_1121 : memref<200xi32, #tpu.memory_space<hbm>>) target(%arg13 : memref<200xi32, #tpu.memory_space<vmem>>) target_semaphore(%arg22 : memref<!tpu.dma_semaphore, #tpu.memory_space<semaphore_mem>>)
      %scan3A_1122 = arith.constant 0 : i32
      %scan3A_1123 = arith.constant 0 : i32
      %scan3A_1124 = arith.constant 200 : i32
      %scan3A_1125 = arith.addi %scan3A_1123, %scan3A_1124 : i32
      %scan3A_1126 = arith.constant 1 : i32
      scf.for %scan3A_1231 = %scan3A_1123 to %scan3A_1125 step %scan3A_1126  : i32 {
        %get3A = arith.index_cast %scan3A_1231 : i32 to index
        %get3A_1232 = arith.constant 0 : index
        %get3A_1233 = tpu.vector_load %arg9[%get3A, %get3A_1232] {strides = array<i32>} : memref<200x128xf32, #tpu.memory_space<vmem>>, vector<1x16xf32>,
        %get3A_1234 = vector.shape_cast %get3A_1233 : vector<1x16xf32> to vector<16xf32>
        %swap3A = arith.index_cast %scan3A_1231 : i32 to index
        %swap3A_1235 = arith.constant 0 : index
        %swap3A_1236 = tpu.vector_load %arg17[%swap3A, %swap3A_1235] {strides = array<i32>} : memref<200x128xf32, #tpu.memory_space<vmem>>, vector<1x16xf32>,
        %swap3A_1237 = vector.shape_cast %swap3A_1236 : vector<1x16xf32> to vector<16xf32>
        %swap3A_1238 = vector.shape_cast %get3A_1234 : vector<16xf32> to vector<1x16xf32>
        tpu.vector_store %arg17[%swap3A, %swap3A_1235], %swap3A_1238 {add = true, strides = array<i32>} : memref<200x128xf32, #tpu.memory_space<vmem>>, vector<1x16xf32>,
        %get3A_1239 = arith.index_cast %scan3A_1231 : i32 to index
        %get3A_1240 = arith.constant 16 : index
        %get3A_1241 = tpu.vector_load %arg9[%get3A_1239, %get3A_1240] {strides = array<i32>} : memref<200x128xf32, #tpu.memory_space<vmem>>, vector<1x16xf32>,
        %get3A_1242 = vector.shape_cast %get3A_1241 : vector<1x16xf32> to vector<16xf32>
        %swap3A_1243 = arith.index_cast %scan3A_1231 : i32 to index
        %swap3A_1244 = arith.constant 16 : index
        %swap3A_1245 = tpu.vector_load %arg17[%swap3A_1243, %swap3A_1244] {strides = array<i32>} : memref<200x128xf32, #tpu.memory_space<vmem>>, vector<1x16xf32>,
        %swap3A_1246 = vector.shape_cast %swap3A_1245 : vector<1x16xf32> to vector<16xf32>
        %swap3A_1247 = vector.shape_cast %get3A_1242 : vector<16xf32> to vector<1x16xf32>
        tpu.vector_store %arg17[%swap3A_1243, %swap3A_1244], %swap3A_1247 {add = true, strides = array<i32>} : memref<200x128xf32, #tpu.memory_space<vmem>>, vector<1x16xf32>,
        %get3A_1248 = arith.index_cast %scan3A_1231 : i32 to index
        %get3A_1249 = arith.constant 32 : index
        %get3A_1250 = tpu.vector_load %arg9[%get3A_1248, %get3A_1249] {strides = array<i32>} : memref<200x128xf32, #tpu.memory_space<vmem>>, vector<1x16xf32>,
        %get3A_1251 = vector.shape_cast %get3A_1250 : vector<1x16xf32> to vector<16xf32>
        %swap3A_1252 = arith.index_cast %scan3A_1231 : i32 to index
        %swap3A_1253 = arith.constant 32 : index
        %swap3A_1254 = tpu.vector_load %arg17[%swap3A_1252, %swap3A_1253] {strides = array<i32>} : memref<200x128xf32, #tpu.memory_space<vmem>>, vector<1x16xf32>,
        %swap3A_1255 = vector.shape_cast %swap3A_1254 : vector<1x16xf32> to vector<16xf32>
        %swap3A_1256 = vector.shape_cast %get3A_1251 : vector<16xf32> to vector<1x16xf32>
        tpu.vector_store %arg17[%swap3A_1252, %swap3A_1253], %swap3A_1256 {add = true, strides = array<i32>} : memref<200x128xf32, #tpu.memory_space<vmem>>, vector<1x16xf32>,
        %get3A_1257 = arith.index_cast %scan3A_1231 : i32 to index
        %get3A_1258 = arith.constant 48 : index
        %get3A_1259 = tpu.vector_load %arg9[%get3A_1257, %get3A_1258] {strides = array<i32>} : memref<200x128xf32, #tpu.memory_space<vmem>>, vector<1x16xf32>,
        %get3A_1260 = vector.shape_cast %get3A_1259 : vector<1x16xf32> to vector<16xf32>
        %swap3A_1261 = arith.index_cast %scan3A_1231 : i32 to index
        %swap3A_1262 = arith.constant 48 : index
        %swap3A_1263 = tpu.vector_load %arg17[%swap3A_1261, %swap3A_1262] {strides = array<i32>} : memref<200x128xf32, #tpu.memory_space<vmem>>, vector<1x16xf32>,
        %swap3A_1264 = vector.shape_cast %swap3A_1263 : vector<1x16xf32> to vector<16xf32>
        %swap3A_1265 = vector.shape_cast %get3A_1260 : vector<16xf32> to vector<1x16xf32>
        tpu.vector_store %arg17[%swap3A_1261, %swap3A_1262], %swap3A_1265 {add = true, strides = array<i32>} : memref<200x128xf32, #tpu.memory_space<vmem>>, vector<1x16xf32>,
        %get3A_1266 = arith.index_cast %scan3A_1231 : i32 to index
        %get3A_1267 = arith.constant 64 : index
        %get3A_1268 = tpu.vector_load %arg9[%get3A_1266, %get3A_1267] {strides = array<i32>} : memref<200x128xf32, #tpu.memory_space<vmem>>, vector<1x16xf32>,
        %get3A_1269 = vector.shape_cast %get3A_1268 : vector<1x16xf32> to vector<16xf32>
        %swap3A_1270 = arith.index_cast %scan3A_1231 : i32 to index
        %swap3A_1271 = arith.constant 64 : index
        %swap3A_1272 = tpu.vector_load %arg17[%swap3A_1270, %swap3A_1271] {strides = array<i32>} : memref<200x128xf32, #tpu.memory_space<vmem>>, vector<1x16xf32>,
        %swap3A_1273 = vector.shape_cast %swap3A_1272 : vector<1x16xf32> to vector<16xf32>
        %swap3A_1274 = vector.shape_cast %get3A_1269 : vector<16xf32> to vector<1x16xf32>
        tpu.vector_store %arg17[%swap3A_1270, %swap3A_1271], %swap3A_1274 {add = true, strides = array<i32>} : memref<200x128xf32, #tpu.memory_space<vmem>>, vector<1x16xf32>,
        %get3A_1275 = arith.index_cast %scan3A_1231 : i32 to index
        %get3A_1276 = arith.constant 80 : index
        %get3A_1277 = tpu.vector_load %arg9[%get3A_1275, %get3A_1276] {strides = array<i32>} : memref<200x128xf32, #tpu.memory_space<vmem>>, vector<1x16xf32>,
        %get3A_1278 = vector.shape_cast %get3A_1277 : vector<1x16xf32> to vector<16xf32>
        %swap3A_1279 = arith.index_cast %scan3A_1231 : i32 to index
        %swap3A_1280 = arith.constant 80 : index
        %swap3A_1281 = tpu.vector_load %arg17[%swap3A_1279, %swap3A_1280] {strides = array<i32>} : memref<200x128xf32, #tpu.memory_space<vmem>>, vector<1x16xf32>,
        %swap3A_1282 = vector.shape_cast %swap3A_1281 : vector<1x16xf32> to vector<16xf32>
        %swap3A_1283 = vector.shape_cast %get3A_1278 : vector<16xf32> to vector<1x16xf32>
        tpu.vector_store %arg17[%swap3A_1279, %swap3A_1280], %swap3A_1283 {add = true, strides = array<i32>} : memref<200x128xf32, #tpu.memory_space<vmem>>, vector<1x16xf32>,
        %get3A_1284 = arith.index_cast %scan3A_1231 : i32 to index
        %get3A_1285 = arith.constant 96 : index
        %get3A_1286 = tpu.vector_load %arg9[%get3A_1284, %get3A_1285] {strides = array<i32>} : memref<200x128xf32, #tpu.memory_space<vmem>>, vector<1x16xf32>,
        %get3A_1287 = vector.shape_cast %get3A_1286 : vector<1x16xf32> to vector<16xf32>
        %swap3A_1288 = arith.index_cast %scan3A_1231 : i32 to index
        %swap3A_1289 = arith.constant 96 : index
        %swap3A_1290 = tpu.vector_load %arg17[%swap3A_1288, %swap3A_1289] {strides = array<i32>} : memref<200x128xf32, #tpu.memory_space<vmem>>, vector<1x16xf32>,
        %swap3A_1291 = vector.shape_cast %swap3A_1290 : vector<1x16xf32> to vector<16xf32>
        %swap3A_1292 = vector.shape_cast %get3A_1287 : vector<16xf32> to vector<1x16xf32>
        tpu.vector_store %arg17[%swap3A_1288, %swap3A_1289], %swap3A_1292 {add = true, strides = array<i32>} : memref<200x128xf32, #tpu.memory_space<vmem>>, vector<1x16xf32>,
        %get3A_1293 = arith.index_cast %scan3A_1231 : i32 to index
        %get3A_1294 = arith.constant 112 : index
        %get3A_1295 = tpu.vector_load %arg9[%get3A_1293, %get3A_1294] {strides = array<i32>} : memref<200x128xf32, #tpu.memory_space<vmem>>, vector<1x16xf32>,
        %get3A_1296 = vector.shape_cast %get3A_1295 : vector<1x16xf32> to vector<16xf32>
        %swap3A_1297 = arith.index_cast %scan3A_1231 : i32 to index
        %swap3A_1298 = arith.constant 112 : index
        %swap3A_1299 = tpu.vector_load %arg17[%swap3A_1297, %swap3A_1298] {strides = array<i32>} : memref<200x128xf32, #tpu.memory_space<vmem>>, vector<1x16xf32>,
        %swap3A_1300 = vector.shape_cast %swap3A_1299 : vector<1x16xf32> to vector<16xf32>
        %swap3A_1301 = vector.shape_cast %get3A_1296 : vector<16xf32> to vector<1x16xf32>
        tpu.vector_store %arg17[%swap3A_1297, %swap3A_1298], %swap3A_1301 {add = true, strides = array<i32>} : memref<200x128xf32, #tpu.memory_space<vmem>>, vector<1x16xf32>,
      }
      %scan3A_1127 = arith.constant 200 : i32
      %add3A_1128 = arith.addi %mul3A_2, %add3A_1104 : i32
      %dma_start3A_1129 = arith.constant 0 : i32
      %dma_start3A_1130 = arith.constant 0 : i32
      %dma_start3A_1131 = tpu.memref_slice %arg7[%add3A_1128, %dma_start3A_1129, %dma_start3A_1130] : memref<1024x200x128xf32, #tpu.memory_space<hbm>> -> memref<1x200x128xf32, #tpu.memory_space<hbm>>
      %dma_start3A_1132 = tpu.memref_squeeze %dma_start3A_1131 : memref<1x200x128xf32, #tpu.memory_space<hbm>> -> memref<200x128xf32, #tpu.memory_space<hbm>>
      %dma_start3A_1133 = arith.constant 0 : i32
      %dma_start3A_1134 = arith.constant 0 : i32
      %dma_start3A_1135 = tpu.memref_slice %arg7[%add3A_1128, %dma_start3A_1133, %dma_start3A_1134] : memref<1024x200x128xf32, #tpu.memory_space<hbm>> -> memref<1x200x128xf32, #tpu.memory_space<hbm>>
      %dma_start3A_1136 = tpu.memref_squeeze %dma_start3A_1135 : memref<1x200x128xf32, #tpu.memory_space<hbm>> -> memref<200x128xf32, #tpu.memory_space<hbm>>
      tpu.enqueue_dma source(%arg17 : memref<200x128xf32, #tpu.memory_space<vmem>>) target(%dma_start3A_1136 : memref<200x128xf32, #tpu.memory_space<hbm>>) target_semaphore(%arg30 : memref<!tpu.dma_semaphore, #tpu.memory_space<semaphore_mem>>)
      %dma_wait3A_1137 = arith.constant 0 : i32
      %dma_wait3A_1138 = tpu.memref_slice %arg2[%mul3A_2, %dma_wait3A_1137] : memref<1024x200xi32, #tpu.memory_space<hbm>> -> memref<1x200xi32, #tpu.memory_space<hbm>>
      %dma_wait3A_1139 = tpu.memref_squeeze %dma_wait3A_1138 : memref<1x200xi32, #tpu.memory_space<hbm>> -> memref<200xi32, #tpu.memory_space<hbm>>
      %dma_wait3A_1140 = arith.constant 0 : i32
      %dma_wait3A_1141 = tpu.memref_slice %arg2[%mul3A_2, %dma_wait3A_1140] : memref<1024x200xi32, #tpu.memory_space<hbm>> -> memref<1x200xi32, #tpu.memory_space<hbm>>
      %dma_wait3A_1142 = tpu.memref_squeeze %dma_wait3A_1141 : memref<1x200xi32, #tpu.memory_space<hbm>> -> memref<200xi32, #tpu.memory_space<hbm>>
      tpu.wait_dma2 semaphore(%arg21 : memref<!tpu.dma_semaphore, #tpu.memory_space<semaphore_mem>>) src(%dma_wait3A_1142 : memref<200xi32, #tpu.memory_space<hbm>>) dst(%arg12 : memref<200xi32, #tpu.memory_space<vmem>>)
      %dma_wait3A_1143 = arith.constant 0 : i32
      %dma_wait3A_1144 = arith.constant 0 : i32
      %dma_wait3A_1145 = tpu.memref_slice %arg7[%mul3A_2, %dma_wait3A_1143, %dma_wait3A_1144] : memref<1024x200x128xf32, #tpu.memory_space<hbm>> -> memref<1x200x128xf32, #tpu.memory_space<hbm>>
      %dma_wait3A_1146 = tpu.memref_squeeze %dma_wait3A_1145 : memref<1x200x128xf32, #tpu.memory_space<hbm>> -> memref<200x128xf32, #tpu.memory_space<hbm>>
      %dma_wait3A_1147 = arith.constant 0 : i32
      %dma_wait3A_1148 = arith.constant 0 : i32
      %dma_wait3A_1149 = tpu.memref_slice %arg7[%mul3A_2, %dma_wait3A_1147, %dma_wait3A_1148] : memref<1024x200x128xf32, #tpu.memory_space<hbm>> -> memref<1x200x128xf32, #tpu.memory_space<hbm>>
      %dma_wait3A_1150 = tpu.memref_squeeze %dma_wait3A_1149 : memref<1x200x128xf32, #tpu.memory_space<hbm>> -> memref<200x128xf32, #tpu.memory_space<hbm>>
      tpu.wait_dma2 semaphore(%arg29 : memref<!tpu.dma_semaphore, #tpu.memory_space<semaphore_mem>>) src(%arg16 : memref<200x128xf32, #tpu.memory_space<vmem>>) dst(%dma_wait3A_1150 : memref<200x128xf32, #tpu.memory_space<hbm>>)
      %dma_start3A_1151 = arith.constant 0 : i32
      %dma_start3A_1152 = arith.constant 0 : i32
      %dma_start3A_1153 = tpu.memref_slice %arg16[%dma_start3A_1151, %dma_start3A_1152] : memref<200x128xf32, #tpu.memory_space<vmem>> -> memref<128x128xf32, #tpu.memory_space<vmem>>
      %dma_start3A_1154 = arith.constant 0 : i32
      %dma_start3A_1155 = tpu.memref_slice %arg12[%dma_start3A_1154] : memref<200xi32, #tpu.memory_space<vmem>> -> memref<128xi32, #tpu.memory_space<vmem>>
      %dma_start3A_1156 = arith.constant 0 : i32
      %dma_start3A_1157 = arith.constant 0 : i32
      %dma_start3A_1158 = tpu.memref_slice %arg4[%dma_start3A_1156, %dma_start3A_1157] : memref<100000x128xf32, #tpu.memory_space<hbm>> -> memref<100000x128xf32, #tpu.memory_space<hbm>>
      tpu.enqueue_indirect_dma source(%dma_start3A_1158 : memref<100000x128xf32, #tpu.memory_space<hbm>>) target(%dma_start3A_1153 : memref<128x128xf32, #tpu.memory_space<vmem>>) offsets(%dma_start3A_1155 : memref<128xi32, #tpu.memory_space<vmem>>) semaphore(%arg25 : memref<!tpu.dma_semaphore, #tpu.memory_space<semaphore_mem>>)
      %dma_start3A_1159 = arith.constant 128 : i32
      %dma_start3A_1160 = arith.constant 0 : i32
      %dma_start3A_1161 = tpu.memref_slice %arg16[%dma_start3A_1159, %dma_start3A_1160] : memref<200x128xf32, #tpu.memory_space<vmem>> -> memref<72x128xf32, #tpu.memory_space<vmem>>
      %dma_start3A_1162 = arith.constant 128 : i32
      %dma_start3A_1163 = tpu.memref_slice %arg12[%dma_start3A_1162] : memref<200xi32, #tpu.memory_space<vmem>> -> memref<72xi32, #tpu.memory_space<vmem>>
      %dma_start3A_1164 = arith.constant 0 : i32
      %dma_start3A_1165 = arith.constant 0 : i32
      %dma_start3A_1166 = tpu.memref_slice %arg4[%dma_start3A_1164, %dma_start3A_1165] : memref<100000x128xf32, #tpu.memory_space<hbm>> -> memref<100000x128xf32, #tpu.memory_space<hbm>>
      tpu.enqueue_indirect_dma source(%dma_start3A_1166 : memref<100000x128xf32, #tpu.memory_space<hbm>>) target(%dma_start3A_1161 : memref<72x128xf32, #tpu.memory_space<vmem>>) offsets(%dma_start3A_1163 : memref<72xi32, #tpu.memory_space<vmem>>) semaphore(%arg25 : memref<!tpu.dma_semaphore, #tpu.memory_space<semaphore_mem>>)
      %add3A_1167 = arith.constant 3 : i32
      %add3A_1168 = arith.addi %add3A_976, %add3A_1167 : i32
      %add3A_1169 = arith.constant 7 : i32
      %add3A_1170 = arith.addi %add3A_976, %add3A_1169 : i32
      %add3A_1171 = arith.constant 6 : i32
      %add3A_1172 = arith.addi %add3A_976, %add3A_1171 : i32
      %dma_wait3A_1173 = arith.constant 0 : i32
      %dma_wait3A_1174 = arith.constant 0 : i32
      %dma_wait3A_1175 = tpu.memref_slice %arg4[%dma_wait3A_1173, %dma_wait3A_1174] : memref<100000x128xf32, #tpu.memory_space<hbm>> -> memref<200x128xf32, #tpu.memory_space<hbm>>
      %dma_wait3A_1176 = arith.constant 0 : i32
      %dma_wait3A_1177 = arith.constant 0 : i32
      %dma_wait3A_1178 = tpu.memref_slice %arg4[%dma_wait3A_1176, %dma_wait3A_1177] : memref<100000x128xf32, #tpu.memory_space<hbm>> -> memref<200x128xf32, #tpu.memory_space<hbm>>
      tpu.wait_dma2 semaphore(%arg23 : memref<!tpu.dma_semaphore, #tpu.memory_space<semaphore_mem>>) src(%dma_wait3A_1178 : memref<200x128xf32, #tpu.memory_space<hbm>>) dst(%arg14 : memref<200x128xf32, #tpu.memory_space<vmem>>)
      %add3A_1179 = arith.addi %mul3A_2, %add3A_1170 : i32
      %dma_start3A_1180 = arith.constant 0 : i32
      %dma_start3A_1181 = tpu.memref_slice %arg2[%add3A_1179, %dma_start3A_1180] : memref<1024x200xi32, #tpu.memory_space<hbm>> -> memref<1x200xi32, #tpu.memory_space<hbm>>
      %dma_start3A_1182 = tpu.memref_squeeze %dma_start3A_1181 : memref<1x200xi32, #tpu.memory_space<hbm>> -> memref<200xi32, #tpu.memory_space<hbm>>
      %dma_start3A_1183 = arith.constant 0 : i32
      %dma_start3A_1184 = tpu.memref_slice %arg2[%add3A_1179, %dma_start3A_1183] : memref<1024x200xi32, #tpu.memory_space<hbm>> -> memref<1x200xi32, #tpu.memory_space<hbm>>
      %dma_start3A_1185 = tpu.memref_squeeze %dma_start3A_1184 : memref<1x200xi32, #tpu.memory_space<hbm>> -> memref<200xi32, #tpu.memory_space<hbm>>
      tpu.enqueue_dma source(%dma_start3A_1185 : memref<200xi32, #tpu.memory_space<hbm>>) target(%arg10 : memref<200xi32, #tpu.memory_space<vmem>>) target_semaphore(%arg19 : memref<!tpu.dma_semaphore, #tpu.memory_space<semaphore_mem>>)
      %scan3A_1186 = arith.constant 0 : i32
      %scan3A_1187 = arith.constant 0 : i32
      %scan3A_1188 = arith.constant 200 : i32
      %scan3A_1189 = arith.addi %scan3A_1187, %scan3A_1188 : i32
      %scan3A_1190 = arith.constant 1 : i32
      scf.for %scan3A_1231 = %scan3A_1187 to %scan3A_1189 step %scan3A_1190  : i32 {
        %get3A = arith.index_cast %scan3A_1231 : i32 to index
        %get3A_1232 = arith.constant 0 : index
        %get3A_1233 = tpu.vector_load %arg9[%get3A, %get3A_1232] {strides = array<i32>} : memref<200x128xf32, #tpu.memory_space<vmem>>, vector<1x16xf32>,
        %get3A_1234 = vector.shape_cast %get3A_1233 : vector<1x16xf32> to vector<16xf32>
        %swap3A = arith.index_cast %scan3A_1231 : i32 to index
        %swap3A_1235 = arith.constant 0 : index
        %swap3A_1236 = tpu.vector_load %arg14[%swap3A, %swap3A_1235] {strides = array<i32>} : memref<200x128xf32, #tpu.memory_space<vmem>>, vector<1x16xf32>,
        %swap3A_1237 = vector.shape_cast %swap3A_1236 : vector<1x16xf32> to vector<16xf32>
        %swap3A_1238 = vector.shape_cast %get3A_1234 : vector<16xf32> to vector<1x16xf32>
        tpu.vector_store %arg14[%swap3A, %swap3A_1235], %swap3A_1238 {add = true, strides = array<i32>} : memref<200x128xf32, #tpu.memory_space<vmem>>, vector<1x16xf32>,
        %get3A_1239 = arith.index_cast %scan3A_1231 : i32 to index
        %get3A_1240 = arith.constant 16 : index
        %get3A_1241 = tpu.vector_load %arg9[%get3A_1239, %get3A_1240] {strides = array<i32>} : memref<200x128xf32, #tpu.memory_space<vmem>>, vector<1x16xf32>,
        %get3A_1242 = vector.shape_cast %get3A_1241 : vector<1x16xf32> to vector<16xf32>
        %swap3A_1243 = arith.index_cast %scan3A_1231 : i32 to index
        %swap3A_1244 = arith.constant 16 : index
        %swap3A_1245 = tpu.vector_load %arg14[%swap3A_1243, %swap3A_1244] {strides = array<i32>} : memref<200x128xf32, #tpu.memory_space<vmem>>, vector<1x16xf32>,
        %swap3A_1246 = vector.shape_cast %swap3A_1245 : vector<1x16xf32> to vector<16xf32>
        %swap3A_1247 = vector.shape_cast %get3A_1242 : vector<16xf32> to vector<1x16xf32>
        tpu.vector_store %arg14[%swap3A_1243, %swap3A_1244], %swap3A_1247 {add = true, strides = array<i32>} : memref<200x128xf32, #tpu.memory_space<vmem>>, vector<1x16xf32>,
        %get3A_1248 = arith.index_cast %scan3A_1231 : i32 to index
        %get3A_1249 = arith.constant 32 : index
        %get3A_1250 = tpu.vector_load %arg9[%get3A_1248, %get3A_1249] {strides = array<i32>} : memref<200x128xf32, #tpu.memory_space<vmem>>, vector<1x16xf32>,
        %get3A_1251 = vector.shape_cast %get3A_1250 : vector<1x16xf32> to vector<16xf32>
        %swap3A_1252 = arith.index_cast %scan3A_1231 : i32 to index
        %swap3A_1253 = arith.constant 32 : index
        %swap3A_1254 = tpu.vector_load %arg14[%swap3A_1252, %swap3A_1253] {strides = array<i32>} : memref<200x128xf32, #tpu.memory_space<vmem>>, vector<1x16xf32>,
        %swap3A_1255 = vector.shape_cast %swap3A_1254 : vector<1x16xf32> to vector<16xf32>
        %swap3A_1256 = vector.shape_cast %get3A_1251 : vector<16xf32> to vector<1x16xf32>
        tpu.vector_store %arg14[%swap3A_1252, %swap3A_1253], %swap3A_1256 {add = true, strides = array<i32>} : memref<200x128xf32, #tpu.memory_space<vmem>>, vector<1x16xf32>,
        %get3A_1257 = arith.index_cast %scan3A_1231 : i32 to index
        %get3A_1258 = arith.constant 48 : index
        %get3A_1259 = tpu.vector_load %arg9[%get3A_1257, %get3A_1258] {strides = array<i32>} : memref<200x128xf32, #tpu.memory_space<vmem>>, vector<1x16xf32>,
        %get3A_1260 = vector.shape_cast %get3A_1259 : vector<1x16xf32> to vector<16xf32>
        %swap3A_1261 = arith.index_cast %scan3A_1231 : i32 to index
        %swap3A_1262 = arith.constant 48 : index
        %swap3A_1263 = tpu.vector_load %arg14[%swap3A_1261, %swap3A_1262] {strides = array<i32>} : memref<200x128xf32, #tpu.memory_space<vmem>>, vector<1x16xf32>,
        %swap3A_1264 = vector.shape_cast %swap3A_1263 : vector<1x16xf32> to vector<16xf32>
        %swap3A_1265 = vector.shape_cast %get3A_1260 : vector<16xf32> to vector<1x16xf32>
        tpu.vector_store %arg14[%swap3A_1261, %swap3A_1262], %swap3A_1265 {add = true, strides = array<i32>} : memref<200x128xf32, #tpu.memory_space<vmem>>, vector<1x16xf32>,
        %get3A_1266 = arith.index_cast %scan3A_1231 : i32 to index
        %get3A_1267 = arith.constant 64 : index
        %get3A_1268 = tpu.vector_load %arg9[%get3A_1266, %get3A_1267] {strides = array<i32>} : memref<200x128xf32, #tpu.memory_space<vmem>>, vector<1x16xf32>,
        %get3A_1269 = vector.shape_cast %get3A_1268 : vector<1x16xf32> to vector<16xf32>
        %swap3A_1270 = arith.index_cast %scan3A_1231 : i32 to index
        %swap3A_1271 = arith.constant 64 : index
        %swap3A_1272 = tpu.vector_load %arg14[%swap3A_1270, %swap3A_1271] {strides = array<i32>} : memref<200x128xf32, #tpu.memory_space<vmem>>, vector<1x16xf32>,
        %swap3A_1273 = vector.shape_cast %swap3A_1272 : vector<1x16xf32> to vector<16xf32>
        %swap3A_1274 = vector.shape_cast %get3A_1269 : vector<16xf32> to vector<1x16xf32>
        tpu.vector_store %arg14[%swap3A_1270, %swap3A_1271], %swap3A_1274 {add = true, strides = array<i32>} : memref<200x128xf32, #tpu.memory_space<vmem>>, vector<1x16xf32>,
        %get3A_1275 = arith.index_cast %scan3A_1231 : i32 to index
        %get3A_1276 = arith.constant 80 : index
        %get3A_1277 = tpu.vector_load %arg9[%get3A_1275, %get3A_1276] {strides = array<i32>} : memref<200x128xf32, #tpu.memory_space<vmem>>, vector<1x16xf32>,
        %get3A_1278 = vector.shape_cast %get3A_1277 : vector<1x16xf32> to vector<16xf32>
        %swap3A_1279 = arith.index_cast %scan3A_1231 : i32 to index
        %swap3A_1280 = arith.constant 80 : index
        %swap3A_1281 = tpu.vector_load %arg14[%swap3A_1279, %swap3A_1280] {strides = array<i32>} : memref<200x128xf32, #tpu.memory_space<vmem>>, vector<1x16xf32>,
        %swap3A_1282 = vector.shape_cast %swap3A_1281 : vector<1x16xf32> to vector<16xf32>
        %swap3A_1283 = vector.shape_cast %get3A_1278 : vector<16xf32> to vector<1x16xf32>
        tpu.vector_store %arg14[%swap3A_1279, %swap3A_1280], %swap3A_1283 {add = true, strides = array<i32>} : memref<200x128xf32, #tpu.memory_space<vmem>>, vector<1x16xf32>,
        %get3A_1284 = arith.index_cast %scan3A_1231 : i32 to index
        %get3A_1285 = arith.constant 96 : index
        %get3A_1286 = tpu.vector_load %arg9[%get3A_1284, %get3A_1285] {strides = array<i32>} : memref<200x128xf32, #tpu.memory_space<vmem>>, vector<1x16xf32>,
        %get3A_1287 = vector.shape_cast %get3A_1286 : vector<1x16xf32> to vector<16xf32>
        %swap3A_1288 = arith.index_cast %scan3A_1231 : i32 to index
        %swap3A_1289 = arith.constant 96 : index
        %swap3A_1290 = tpu.vector_load %arg14[%swap3A_1288, %swap3A_1289] {strides = array<i32>} : memref<200x128xf32, #tpu.memory_space<vmem>>, vector<1x16xf32>,
        %swap3A_1291 = vector.shape_cast %swap3A_1290 : vector<1x16xf32> to vector<16xf32>
        %swap3A_1292 = vector.shape_cast %get3A_1287 : vector<16xf32> to vector<1x16xf32>
        tpu.vector_store %arg14[%swap3A_1288, %swap3A_1289], %swap3A_1292 {add = true, strides = array<i32>} : memref<200x128xf32, #tpu.memory_space<vmem>>, vector<1x16xf32>,
        %get3A_1293 = arith.index_cast %scan3A_1231 : i32 to index
        %get3A_1294 = arith.constant 112 : index
        %get3A_1295 = tpu.vector_load %arg9[%get3A_1293, %get3A_1294] {strides = array<i32>} : memref<200x128xf32, #tpu.memory_space<vmem>>, vector<1x16xf32>,
        %get3A_1296 = vector.shape_cast %get3A_1295 : vector<1x16xf32> to vector<16xf32>
        %swap3A_1297 = arith.index_cast %scan3A_1231 : i32 to index
        %swap3A_1298 = arith.constant 112 : index
        %swap3A_1299 = tpu.vector_load %arg14[%swap3A_1297, %swap3A_1298] {strides = array<i32>} : memref<200x128xf32, #tpu.memory_space<vmem>>, vector<1x16xf32>,
        %swap3A_1300 = vector.shape_cast %swap3A_1299 : vector<1x16xf32> to vector<16xf32>
        %swap3A_1301 = vector.shape_cast %get3A_1296 : vector<16xf32> to vector<1x16xf32>
        tpu.vector_store %arg14[%swap3A_1297, %swap3A_1298], %swap3A_1301 {add = true, strides = array<i32>} : memref<200x128xf32, #tpu.memory_space<vmem>>, vector<1x16xf32>,
      }
      %scan3A_1191 = arith.constant 200 : i32
      %add3A_1192 = arith.addi %mul3A_2, %add3A_1168 : i32
      %dma_start3A_1193 = arith.constant 0 : i32
      %dma_start3A_1194 = arith.constant 0 : i32
      %dma_start3A_1195 = tpu.memref_slice %arg7[%add3A_1192, %dma_start3A_1193, %dma_start3A_1194] : memref<1024x200x128xf32, #tpu.memory_space<hbm>> -> memref<1x200x128xf32, #tpu.memory_space<hbm>>
      %dma_start3A_1196 = tpu.memref_squeeze %dma_start3A_1195 : memref<1x200x128xf32, #tpu.memory_space<hbm>> -> memref<200x128xf32, #tpu.memory_space<hbm>>
      %dma_start3A_1197 = arith.constant 0 : i32
      %dma_start3A_1198 = arith.constant 0 : i32
      %dma_start3A_1199 = tpu.memref_slice %arg7[%add3A_1192, %dma_start3A_1197, %dma_start3A_1198] : memref<1024x200x128xf32, #tpu.memory_space<hbm>> -> memref<1x200x128xf32, #tpu.memory_space<hbm>>
      %dma_start3A_1200 = tpu.memref_squeeze %dma_start3A_1199 : memref<1x200x128xf32, #tpu.memory_space<hbm>> -> memref<200x128xf32, #tpu.memory_space<hbm>>
      tpu.enqueue_dma source(%arg14 : memref<200x128xf32, #tpu.memory_space<vmem>>) target(%dma_start3A_1200 : memref<200x128xf32, #tpu.memory_space<hbm>>) target_semaphore(%arg27 : memref<!tpu.dma_semaphore, #tpu.memory_space<semaphore_mem>>)
      %dma_wait3A_1201 = arith.constant 0 : i32
      %dma_wait3A_1202 = tpu.memref_slice %arg2[%mul3A_2, %dma_wait3A_1201] : memref<1024x200xi32, #tpu.memory_space<hbm>> -> memref<1x200xi32, #tpu.memory_space<hbm>>
      %dma_wait3A_1203 = tpu.memref_squeeze %dma_wait3A_1202 : memref<1x200xi32, #tpu.memory_space<hbm>> -> memref<200xi32, #tpu.memory_space<hbm>>
      %dma_wait3A_1204 = arith.constant 0 : i32
      %dma_wait3A_1205 = tpu.memref_slice %arg2[%mul3A_2, %dma_wait3A_1204] : memref<1024x200xi32, #tpu.memory_space<hbm>> -> memref<1x200xi32, #tpu.memory_space<hbm>>
      %dma_wait3A_1206 = tpu.memref_squeeze %dma_wait3A_1205 : memref<1x200xi32, #tpu.memory_space<hbm>> -> memref<200xi32, #tpu.memory_space<hbm>>
      tpu.wait_dma2 semaphore(%arg22 : memref<!tpu.dma_semaphore, #tpu.memory_space<semaphore_mem>>) src(%dma_wait3A_1206 : memref<200xi32, #tpu.memory_space<hbm>>) dst(%arg13 : memref<200xi32, #tpu.memory_space<vmem>>)
      %dma_wait3A_1207 = arith.constant 0 : i32
      %dma_wait3A_1208 = arith.constant 0 : i32
      %dma_wait3A_1209 = tpu.memref_slice %arg7[%mul3A_2, %dma_wait3A_1207, %dma_wait3A_1208] : memref<1024x200x128xf32, #tpu.memory_space<hbm>> -> memref<1x200x128xf32, #tpu.memory_space<hbm>>
      %dma_wait3A_1210 = tpu.memref_squeeze %dma_wait3A_1209 : memref<1x200x128xf32, #tpu.memory_space<hbm>> -> memref<200x128xf32, #tpu.memory_space<hbm>>
      %dma_wait3A_1211 = arith.constant 0 : i32
      %dma_wait3A_1212 = arith.constant 0 : i32
      %dma_wait3A_1213 = tpu.memref_slice %arg7[%mul3A_2, %dma_wait3A_1211, %dma_wait3A_1212] : memref<1024x200x128xf32, #tpu.memory_space<hbm>> -> memref<1x200x128xf32, #tpu.memory_space<hbm>>
      %dma_wait3A_1214 = tpu.memref_squeeze %dma_wait3A_1213 : memref<1x200x128xf32, #tpu.memory_space<hbm>> -> memref<200x128xf32, #tpu.memory_space<hbm>>
      tpu.wait_dma2 semaphore(%arg30 : memref<!tpu.dma_semaphore, #tpu.memory_space<semaphore_mem>>) src(%arg17 : memref<200x128xf32, #tpu.memory_space<vmem>>) dst(%dma_wait3A_1214 : memref<200x128xf32, #tpu.memory_space<hbm>>)
      %dma_start3A_1215 = arith.constant 0 : i32
      %dma_start3A_1216 = arith.constant 0 : i32
      %dma_start3A_1217 = tpu.memref_slice %arg17[%dma_start3A_1215, %dma_start3A_1216] : memref<200x128xf32, #tpu.memory_space<vmem>> -> memref<128x128xf32, #tpu.memory_space<vmem>>
      %dma_start3A_1218 = arith.constant 0 : i32
      %dma_start3A_1219 = tpu.memref_slice %arg13[%dma_start3A_1218] : memref<200xi32, #tpu.memory_space<vmem>> -> memref<128xi32, #tpu.memory_space<vmem>>
      %dma_start3A_1220 = arith.constant 0 : i32
      %dma_start3A_1221 = arith.constant 0 : i32
      %dma_start3A_1222 = tpu.memref_slice %arg4[%dma_start3A_1220, %dma_start3A_1221] : memref<100000x128xf32, #tpu.memory_space<hbm>> -> memref<100000x128xf32, #tpu.memory_space<hbm>>
      tpu.enqueue_indirect_dma source(%dma_start3A_1222 : memref<100000x128xf32, #tpu.memory_space<hbm>>) target(%dma_start3A_1217 : memref<128x128xf32, #tpu.memory_space<vmem>>) offsets(%dma_start3A_1219 : memref<128xi32, #tpu.memory_space<vmem>>) semaphore(%arg26 : memref<!tpu.dma_semaphore, #tpu.memory_space<semaphore_mem>>)
      %dma_start3A_1223 = arith.constant 128 : i32
      %dma_start3A_1224 = arith.constant 0 : i32
      %dma_start3A_1225 = tpu.memref_slice %arg17[%dma_start3A_1223, %dma_start3A_1224] : memref<200x128xf32, #tpu.memory_space<vmem>> -> memref<72x128xf32, #tpu.memory_space<vmem>>
      %dma_start3A_1226 = arith.constant 128 : i32
      %dma_start3A_1227 = tpu.memref_slice %arg13[%dma_start3A_1226] : memref<200xi32, #tpu.memory_space<vmem>> -> memref<72xi32, #tpu.memory_space<vmem>>
      %dma_start3A_1228 = arith.constant 0 : i32
      %dma_start3A_1229 = arith.constant 0 : i32
      %dma_start3A_1230 = tpu.memref_slice %arg4[%dma_start3A_1228, %dma_start3A_1229] : memref<100000x128xf32, #tpu.memory_space<hbm>> -> memref<100000x128xf32, #tpu.memory_space<hbm>>
      tpu.enqueue_indirect_dma source(%dma_start3A_1230 : memref<100000x128xf32, #tpu.memory_space<hbm>>) target(%dma_start3A_1225 : memref<72x128xf32, #tpu.memory_space<vmem>>) offsets(%dma_start3A_1227 : memref<72xi32, #tpu.memory_space<vmem>>) semaphore(%arg26 : memref<!tpu.dma_semaphore, #tpu.memory_space<semaphore_mem>>)
    }
    %scan3A_155 = arith.constant 6 : i32
    %dma_wait3A_156 = arith.constant 0 : i32
    %dma_wait3A_157 = arith.constant 0 : i32
    %dma_wait3A_158 = tpu.memref_slice %arg4[%dma_wait3A_156, %dma_wait3A_157] : memref<100000x128xf32, #tpu.memory_space<hbm>> -> memref<200x128xf32, #tpu.memory_space<hbm>>
    %dma_wait3A_159 = arith.constant 0 : i32
    %dma_wait3A_160 = arith.constant 0 : i32
    %dma_wait3A_161 = tpu.memref_slice %arg4[%dma_wait3A_159, %dma_wait3A_160] : memref<100000x128xf32, #tpu.memory_space<hbm>> -> memref<200x128xf32, #tpu.memory_space<hbm>>
    tpu.wait_dma2 semaphore(%arg24 : memref<!tpu.dma_semaphore, #tpu.memory_space<semaphore_mem>>) src(%dma_wait3A_161 : memref<200x128xf32, #tpu.memory_space<hbm>>) dst(%arg15 : memref<200x128xf32, #tpu.memory_space<vmem>>)
    %add3A_162 = arith.constant 29 : i32
    %add3A_163 = arith.addi %mul3A_2, %add3A_162 : i32
    %dma_start3A_164 = arith.constant 0 : i32
    %dma_start3A_165 = tpu.memref_slice %arg2[%add3A_163, %dma_start3A_164] : memref<1024x200xi32, #tpu.memory_space<hbm>> -> memref<1x200xi32, #tpu.memory_space<hbm>>
    %dma_start3A_166 = tpu.memref_squeeze %dma_start3A_165 : memref<1x200xi32, #tpu.memory_space<hbm>> -> memref<200xi32, #tpu.memory_space<hbm>>
    %dma_start3A_167 = arith.constant 0 : i32
    %dma_start3A_168 = tpu.memref_slice %arg2[%add3A_163, %dma_start3A_167] : memref<1024x200xi32, #tpu.memory_space<hbm>> -> memref<1x200xi32, #tpu.memory_space<hbm>>
    %dma_start3A_169 = tpu.memref_squeeze %dma_start3A_168 : memref<1x200xi32, #tpu.memory_space<hbm>> -> memref<200xi32, #tpu.memory_space<hbm>>
    tpu.enqueue_dma source(%dma_start3A_169 : memref<200xi32, #tpu.memory_space<hbm>>) target(%arg11 : memref<200xi32, #tpu.memory_space<vmem>>) target_semaphore(%arg20 : memref<!tpu.dma_semaphore, #tpu.memory_space<semaphore_mem>>)
    %scan3A_170 = arith.constant 0 : i32
    %scan3A_171 = arith.constant 0 : i32
    %scan3A_172 = arith.constant 200 : i32
    %scan3A_173 = arith.addi %scan3A_171, %scan3A_172 : i32
    %scan3A_174 = arith.constant 1 : i32
    scf.for %scan3A_972 = %scan3A_171 to %scan3A_173 step %scan3A_174  : i32 {
      %get3A = arith.index_cast %scan3A_972 : i32 to index
      %get3A_973 = arith.constant 0 : index
      %get3A_974 = tpu.vector_load %arg9[%get3A, %get3A_973] {strides = array<i32>} : memref<200x128xf32, #tpu.memory_space<vmem>>, vector<1x16xf32>,
      %get3A_975 = vector.shape_cast %get3A_974 : vector<1x16xf32> to vector<16xf32>
      %swap3A = arith.index_cast %scan3A_972 : i32 to index
      %swap3A_976 = arith.constant 0 : index
      %swap3A_977 = tpu.vector_load %arg15[%swap3A, %swap3A_976] {strides = array<i32>} : memref<200x128xf32, #tpu.memory_space<vmem>>, vector<1x16xf32>,
      %swap3A_978 = vector.shape_cast %swap3A_977 : vector<1x16xf32> to vector<16xf32>
      %swap3A_979 = vector.shape_cast %get3A_975 : vector<16xf32> to vector<1x16xf32>
      tpu.vector_store %arg15[%swap3A, %swap3A_976], %swap3A_979 {add = true, strides = array<i32>} : memref<200x128xf32, #tpu.memory_space<vmem>>, vector<1x16xf32>,
      %get3A_980 = arith.index_cast %scan3A_972 : i32 to index
      %get3A_981 = arith.constant 16 : index
      %get3A_982 = tpu.vector_load %arg9[%get3A_980, %get3A_981] {strides = array<i32>} : memref<200x128xf32, #tpu.memory_space<vmem>>, vector<1x16xf32>,
      %get3A_983 = vector.shape_cast %get3A_982 : vector<1x16xf32> to vector<16xf32>
      %swap3A_984 = arith.index_cast %scan3A_972 : i32 to index
      %swap3A_985 = arith.constant 16 : index
      %swap3A_986 = tpu.vector_load %arg15[%swap3A_984, %swap3A_985] {strides = array<i32>} : memref<200x128xf32, #tpu.memory_space<vmem>>, vector<1x16xf32>,
      %swap3A_987 = vector.shape_cast %swap3A_986 : vector<1x16xf32> to vector<16xf32>
      %swap3A_988 = vector.shape_cast %get3A_983 : vector<16xf32> to vector<1x16xf32>
      tpu.vector_store %arg15[%swap3A_984, %swap3A_985], %swap3A_988 {add = true, strides = array<i32>} : memref<200x128xf32, #tpu.memory_space<vmem>>, vector<1x16xf32>,
      %get3A_989 = arith.index_cast %scan3A_972 : i32 to index
      %get3A_990 = arith.constant 32 : index
      %get3A_991 = tpu.vector_load %arg9[%get3A_989, %get3A_990] {strides = array<i32>} : memref<200x128xf32, #tpu.memory_space<vmem>>, vector<1x16xf32>,
      %get3A_992 = vector.shape_cast %get3A_991 : vector<1x16xf32> to vector<16xf32>
      %swap3A_993 = arith.index_cast %scan3A_972 : i32 to index
      %swap3A_994 = arith.constant 32 : index
      %swap3A_995 = tpu.vector_load %arg15[%swap3A_993, %swap3A_994] {strides = array<i32>} : memref<200x128xf32, #tpu.memory_space<vmem>>, vector<1x16xf32>,
      %swap3A_996 = vector.shape_cast %swap3A_995 : vector<1x16xf32> to vector<16xf32>
      %swap3A_997 = vector.shape_cast %get3A_992 : vector<16xf32> to vector<1x16xf32>
      tpu.vector_store %arg15[%swap3A_993, %swap3A_994], %swap3A_997 {add = true, strides = array<i32>} : memref<200x128xf32, #tpu.memory_space<vmem>>, vector<1x16xf32>,
      %get3A_998 = arith.index_cast %scan3A_972 : i32 to index
      %get3A_999 = arith.constant 48 : index
      %get3A_1000 = tpu.vector_load %arg9[%get3A_998, %get3A_999] {strides = array<i32>} : memref<200x128xf32, #tpu.memory_space<vmem>>, vector<1x16xf32>,
      %get3A_1001 = vector.shape_cast %get3A_1000 : vector<1x16xf32> to vector<16xf32>
      %swap3A_1002 = arith.index_cast %scan3A_972 : i32 to index
      %swap3A_1003 = arith.constant 48 : index
      %swap3A_1004 = tpu.vector_load %arg15[%swap3A_1002, %swap3A_1003] {strides = array<i32>} : memref<200x128xf32, #tpu.memory_space<vmem>>, vector<1x16xf32>,
      %swap3A_1005 = vector.shape_cast %swap3A_1004 : vector<1x16xf32> to vector<16xf32>
      %swap3A_1006 = vector.shape_cast %get3A_1001 : vector<16xf32> to vector<1x16xf32>
      tpu.vector_store %arg15[%swap3A_1002, %swap3A_1003], %swap3A_1006 {add = true, strides = array<i32>} : memref<200x128xf32, #tpu.memory_space<vmem>>, vector<1x16xf32>,
      %get3A_1007 = arith.index_cast %scan3A_972 : i32 to index
      %get3A_1008 = arith.constant 64 : index
      %get3A_1009 = tpu.vector_load %arg9[%get3A_1007, %get3A_1008] {strides = array<i32>} : memref<200x128xf32, #tpu.memory_space<vmem>>, vector<1x16xf32>,
      %get3A_1010 = vector.shape_cast %get3A_1009 : vector<1x16xf32> to vector<16xf32>
      %swap3A_1011 = arith.index_cast %scan3A_972 : i32 to index
      %swap3A_1012 = arith.constant 64 : index
      %swap3A_1013 = tpu.vector_load %arg15[%swap3A_1011, %swap3A_1012] {strides = array<i32>} : memref<200x128xf32, #tpu.memory_space<vmem>>, vector<1x16xf32>,
      %swap3A_1014 = vector.shape_cast %swap3A_1013 : vector<1x16xf32> to vector<16xf32>
      %swap3A_1015 = vector.shape_cast %get3A_1010 : vector<16xf32> to vector<1x16xf32>
      tpu.vector_store %arg15[%swap3A_1011, %swap3A_1012], %swap3A_1015 {add = true, strides = array<i32>} : memref<200x128xf32, #tpu.memory_space<vmem>>, vector<1x16xf32>,
      %get3A_1016 = arith.index_cast %scan3A_972 : i32 to index
      %get3A_1017 = arith.constant 80 : index
      %get3A_1018 = tpu.vector_load %arg9[%get3A_1016, %get3A_1017] {strides = array<i32>} : memref<200x128xf32, #tpu.memory_space<vmem>>, vector<1x16xf32>,
      %get3A_1019 = vector.shape_cast %get3A_1018 : vector<1x16xf32> to vector<16xf32>
      %swap3A_1020 = arith.index_cast %scan3A_972 : i32 to index
      %swap3A_1021 = arith.constant 80 : index
      %swap3A_1022 = tpu.vector_load %arg15[%swap3A_1020, %swap3A_1021] {strides = array<i32>} : memref<200x128xf32, #tpu.memory_space<vmem>>, vector<1x16xf32>,
      %swap3A_1023 = vector.shape_cast %swap3A_1022 : vector<1x16xf32> to vector<16xf32>
      %swap3A_1024 = vector.shape_cast %get3A_1019 : vector<16xf32> to vector<1x16xf32>
      tpu.vector_store %arg15[%swap3A_1020, %swap3A_1021], %swap3A_1024 {add = true, strides = array<i32>} : memref<200x128xf32, #tpu.memory_space<vmem>>, vector<1x16xf32>,
      %get3A_1025 = arith.index_cast %scan3A_972 : i32 to index
      %get3A_1026 = arith.constant 96 : index
      %get3A_1027 = tpu.vector_load %arg9[%get3A_1025, %get3A_1026] {strides = array<i32>} : memref<200x128xf32, #tpu.memory_space<vmem>>, vector<1x16xf32>,
      %get3A_1028 = vector.shape_cast %get3A_1027 : vector<1x16xf32> to vector<16xf32>
      %swap3A_1029 = arith.index_cast %scan3A_972 : i32 to index
      %swap3A_1030 = arith.constant 96 : index
      %swap3A_1031 = tpu.vector_load %arg15[%swap3A_1029, %swap3A_1030] {strides = array<i32>} : memref<200x128xf32, #tpu.memory_space<vmem>>, vector<1x16xf32>,
      %swap3A_1032 = vector.shape_cast %swap3A_1031 : vector<1x16xf32> to vector<16xf32>
      %swap3A_1033 = vector.shape_cast %get3A_1028 : vector<16xf32> to vector<1x16xf32>
      tpu.vector_store %arg15[%swap3A_1029, %swap3A_1030], %swap3A_1033 {add = true, strides = array<i32>} : memref<200x128xf32, #tpu.memory_space<vmem>>, vector<1x16xf32>,
      %get3A_1034 = arith.index_cast %scan3A_972 : i32 to index
      %get3A_1035 = arith.constant 112 : index
      %get3A_1036 = tpu.vector_load %arg9[%get3A_1034, %get3A_1035] {strides = array<i32>} : memref<200x128xf32, #tpu.memory_space<vmem>>, vector<1x16xf32>,
      %get3A_1037 = vector.shape_cast %get3A_1036 : vector<1x16xf32> to vector<16xf32>
      %swap3A_1038 = arith.index_cast %scan3A_972 : i32 to index
      %swap3A_1039 = arith.constant 112 : index
      %swap3A_1040 = tpu.vector_load %arg15[%swap3A_1038, %swap3A_1039] {strides = array<i32>} : memref<200x128xf32, #tpu.memory_space<vmem>>, vector<1x16xf32>,
      %swap3A_1041 = vector.shape_cast %swap3A_1040 : vector<1x16xf32> to vector<16xf32>
      %swap3A_1042 = vector.shape_cast %get3A_1037 : vector<16xf32> to vector<1x16xf32>
      tpu.vector_store %arg15[%swap3A_1038, %swap3A_1039], %swap3A_1042 {add = true, strides = array<i32>} : memref<200x128xf32, #tpu.memory_space<vmem>>, vector<1x16xf32>,
    }
    %scan3A_175 = arith.constant 200 : i32
    %add3A_176 = arith.constant 25 : i32
    %add3A_177 = arith.addi %mul3A_2, %add3A_176 : i32
    %dma_start3A_178 = arith.constant 0 : i32
    %dma_start3A_179 = arith.constant 0 : i32
    %dma_start3A_180 = tpu.memref_slice %arg7[%add3A_177, %dma_start3A_178, %dma_start3A_179] : memref<1024x200x128xf32, #tpu.memory_space<hbm>> -> memref<1x200x128xf32, #tpu.memory_space<hbm>>
    %dma_start3A_181 = tpu.memref_squeeze %dma_start3A_180 : memref<1x200x128xf32, #tpu.memory_space<hbm>> -> memref<200x128xf32, #tpu.memory_space<hbm>>
    %dma_start3A_182 = arith.constant 0 : i32
    %dma_start3A_183 = arith.constant 0 : i32
    %dma_start3A_184 = tpu.memref_slice %arg7[%add3A_177, %dma_start3A_182, %dma_start3A_183] : memref<1024x200x128xf32, #tpu.memory_space<hbm>> -> memref<1x200x128xf32, #tpu.memory_space<hbm>>
    %dma_start3A_185 = tpu.memref_squeeze %dma_start3A_184 : memref<1x200x128xf32, #tpu.memory_space<hbm>> -> memref<200x128xf32, #tpu.memory_space<hbm>>
    tpu.enqueue_dma source(%arg15 : memref<200x128xf32, #tpu.memory_space<vmem>>) target(%dma_start3A_185 : memref<200x128xf32, #tpu.memory_space<hbm>>) target_semaphore(%arg28 : memref<!tpu.dma_semaphore, #tpu.memory_space<semaphore_mem>>)
    %dma_wait3A_186 = arith.constant 0 : i32
    %dma_wait3A_187 = tpu.memref_slice %arg2[%mul3A_2, %dma_wait3A_186] : memref<1024x200xi32, #tpu.memory_space<hbm>> -> memref<1x200xi32, #tpu.memory_space<hbm>>
    %dma_wait3A_188 = tpu.memref_squeeze %dma_wait3A_187 : memref<1x200xi32, #tpu.memory_space<hbm>> -> memref<200xi32, #tpu.memory_space<hbm>>
    %dma_wait3A_189 = arith.constant 0 : i32
    %dma_wait3A_190 = tpu.memref_slice %arg2[%mul3A_2, %dma_wait3A_189] : memref<1024x200xi32, #tpu.memory_space<hbm>> -> memref<1x200xi32, #tpu.memory_space<hbm>>
    %dma_wait3A_191 = tpu.memref_squeeze %dma_wait3A_190 : memref<1x200xi32, #tpu.memory_space<hbm>> -> memref<200xi32, #tpu.memory_space<hbm>>
    tpu.wait_dma2 semaphore(%arg19 : memref<!tpu.dma_semaphore, #tpu.memory_space<semaphore_mem>>) src(%dma_wait3A_191 : memref<200xi32, #tpu.memory_space<hbm>>) dst(%arg10 : memref<200xi32, #tpu.memory_space<vmem>>)
    %dma_wait3A_192 = arith.constant 0 : i32
    %dma_wait3A_193 = arith.constant 0 : i32
    %dma_wait3A_194 = tpu.memref_slice %arg7[%mul3A_2, %dma_wait3A_192, %dma_wait3A_193] : memref<1024x200x128xf32, #tpu.memory_space<hbm>> -> memref<1x200x128xf32, #tpu.memory_space<hbm>>
    %dma_wait3A_195 = tpu.memref_squeeze %dma_wait3A_194 : memref<1x200x128xf32, #tpu.memory_space<hbm>> -> memref<200x128xf32, #tpu.memory_space<hbm>>
    %dma_wait3A_196 = arith.constant 0 : i32
    %dma_wait3A_197 = arith.constant 0 : i32
    %dma_wait3A_198 = tpu.memref_slice %arg7[%mul3A_2, %dma_wait3A_196, %dma_wait3A_197] : memref<1024x200x128xf32, #tpu.memory_space<hbm>> -> memref<1x200x128xf32, #tpu.memory_space<hbm>>
    %dma_wait3A_199 = tpu.memref_squeeze %dma_wait3A_198 : memref<1x200x128xf32, #tpu.memory_space<hbm>> -> memref<200x128xf32, #tpu.memory_space<hbm>>
    tpu.wait_dma2 semaphore(%arg27 : memref<!tpu.dma_semaphore, #tpu.memory_space<semaphore_mem>>) src(%arg14 : memref<200x128xf32, #tpu.memory_space<vmem>>) dst(%dma_wait3A_199 : memref<200x128xf32, #tpu.memory_space<hbm>>)
    %dma_start3A_200 = arith.constant 0 : i32
    %dma_start3A_201 = arith.constant 0 : i32
    %dma_start3A_202 = tpu.memref_slice %arg14[%dma_start3A_200, %dma_start3A_201] : memref<200x128xf32, #tpu.memory_space<vmem>> -> memref<128x128xf32, #tpu.memory_space<vmem>>
    %dma_start3A_203 = arith.constant 0 : i32
    %dma_start3A_204 = tpu.memref_slice %arg10[%dma_start3A_203] : memref<200xi32, #tpu.memory_space<vmem>> -> memref<128xi32, #tpu.memory_space<vmem>>
    %dma_start3A_205 = arith.constant 0 : i32
    %dma_start3A_206 = arith.constant 0 : i32
    %dma_start3A_207 = tpu.memref_slice %arg4[%dma_start3A_205, %dma_start3A_206] : memref<100000x128xf32, #tpu.memory_space<hbm>> -> memref<100000x128xf32, #tpu.memory_space<hbm>>
    tpu.enqueue_indirect_dma source(%dma_start3A_207 : memref<100000x128xf32, #tpu.memory_space<hbm>>) target(%dma_start3A_202 : memref<128x128xf32, #tpu.memory_space<vmem>>) offsets(%dma_start3A_204 : memref<128xi32, #tpu.memory_space<vmem>>) semaphore(%arg23 : memref<!tpu.dma_semaphore, #tpu.memory_space<semaphore_mem>>)
    %dma_start3A_208 = arith.constant 128 : i32
    %dma_start3A_209 = arith.constant 0 : i32
    %dma_start3A_210 = tpu.memref_slice %arg14[%dma_start3A_208, %dma_start3A_209] : memref<200x128xf32, #tpu.memory_space<vmem>> -> memref<72x128xf32, #tpu.memory_space<vmem>>
    %dma_start3A_211 = arith.constant 128 : i32
    %dma_start3A_212 = tpu.memref_slice %arg10[%dma_start3A_211] : memref<200xi32, #tpu.memory_space<vmem>> -> memref<72xi32, #tpu.memory_space<vmem>>
    %dma_start3A_213 = arith.constant 0 : i32
    %dma_start3A_214 = arith.constant 0 : i32
    %dma_start3A_215 = tpu.memref_slice %arg4[%dma_start3A_213, %dma_start3A_214] : memref<100000x128xf32, #tpu.memory_space<hbm>> -> memref<100000x128xf32, #tpu.memory_space<hbm>>
    tpu.enqueue_indirect_dma source(%dma_start3A_215 : memref<100000x128xf32, #tpu.memory_space<hbm>>) target(%dma_start3A_210 : memref<72x128xf32, #tpu.memory_space<vmem>>) offsets(%dma_start3A_212 : memref<72xi32, #tpu.memory_space<vmem>>) semaphore(%arg23 : memref<!tpu.dma_semaphore, #tpu.memory_space<semaphore_mem>>)
    %dma_wait3A_216 = arith.constant 0 : i32
    %dma_wait3A_217 = arith.constant 0 : i32
    %dma_wait3A_218 = tpu.memref_slice %arg4[%dma_wait3A_216, %dma_wait3A_217] : memref<100000x128xf32, #tpu.memory_space<hbm>> -> memref<200x128xf32, #tpu.memory_space<hbm>>
    %dma_wait3A_219 = arith.constant 0 : i32
    %dma_wait3A_220 = arith.constant 0 : i32
    %dma_wait3A_221 = tpu.memref_slice %arg4[%dma_wait3A_219, %dma_wait3A_220] : memref<100000x128xf32, #tpu.memory_space<hbm>> -> memref<200x128xf32, #tpu.memory_space<hbm>>
    tpu.wait_dma2 semaphore(%arg25 : memref<!tpu.dma_semaphore, #tpu.memory_space<semaphore_mem>>) src(%dma_wait3A_221 : memref<200x128xf32, #tpu.memory_space<hbm>>) dst(%arg16 : memref<200x128xf32, #tpu.memory_space<vmem>>)
    %add3A_222 = arith.constant 30 : i32
    %add3A_223 = arith.addi %mul3A_2, %add3A_222 : i32
    %dma_start3A_224 = arith.constant 0 : i32
    %dma_start3A_225 = tpu.memref_slice %arg2[%add3A_223, %dma_start3A_224] : memref<1024x200xi32, #tpu.memory_space<hbm>> -> memref<1x200xi32, #tpu.memory_space<hbm>>
    %dma_start3A_226 = tpu.memref_squeeze %dma_start3A_225 : memref<1x200xi32, #tpu.memory_space<hbm>> -> memref<200xi32, #tpu.memory_space<hbm>>
    %dma_start3A_227 = arith.constant 0 : i32
    %dma_start3A_228 = tpu.memref_slice %arg2[%add3A_223, %dma_start3A_227] : memref<1024x200xi32, #tpu.memory_space<hbm>> -> memref<1x200xi32, #tpu.memory_space<hbm>>
    %dma_start3A_229 = tpu.memref_squeeze %dma_start3A_228 : memref<1x200xi32, #tpu.memory_space<hbm>> -> memref<200xi32, #tpu.memory_space<hbm>>
    tpu.enqueue_dma source(%dma_start3A_229 : memref<200xi32, #tpu.memory_space<hbm>>) target(%arg12 : memref<200xi32, #tpu.memory_space<vmem>>) target_semaphore(%arg21 : memref<!tpu.dma_semaphore, #tpu.memory_space<semaphore_mem>>)
    %scan3A_230 = arith.constant 0 : i32
    %scan3A_231 = arith.constant 0 : i32
    %scan3A_232 = arith.constant 200 : i32
    %scan3A_233 = arith.addi %scan3A_231, %scan3A_232 : i32
    %scan3A_234 = arith.constant 1 : i32
    scf.for %scan3A_972 = %scan3A_231 to %scan3A_233 step %scan3A_234  : i32 {
      %get3A = arith.index_cast %scan3A_972 : i32 to index
      %get3A_973 = arith.constant 0 : index
      %get3A_974 = tpu.vector_load %arg9[%get3A, %get3A_973] {strides = array<i32>} : memref<200x128xf32, #tpu.memory_space<vmem>>, vector<1x16xf32>,
      %get3A_975 = vector.shape_cast %get3A_974 : vector<1x16xf32> to vector<16xf32>
      %swap3A = arith.index_cast %scan3A_972 : i32 to index
      %swap3A_976 = arith.constant 0 : index
      %swap3A_977 = tpu.vector_load %arg16[%swap3A, %swap3A_976] {strides = array<i32>} : memref<200x128xf32, #tpu.memory_space<vmem>>, vector<1x16xf32>,
      %swap3A_978 = vector.shape_cast %swap3A_977 : vector<1x16xf32> to vector<16xf32>
      %swap3A_979 = vector.shape_cast %get3A_975 : vector<16xf32> to vector<1x16xf32>
      tpu.vector_store %arg16[%swap3A, %swap3A_976], %swap3A_979 {add = true, strides = array<i32>} : memref<200x128xf32, #tpu.memory_space<vmem>>, vector<1x16xf32>,
      %get3A_980 = arith.index_cast %scan3A_972 : i32 to index
      %get3A_981 = arith.constant 16 : index
      %get3A_982 = tpu.vector_load %arg9[%get3A_980, %get3A_981] {strides = array<i32>} : memref<200x128xf32, #tpu.memory_space<vmem>>, vector<1x16xf32>,
      %get3A_983 = vector.shape_cast %get3A_982 : vector<1x16xf32> to vector<16xf32>
      %swap3A_984 = arith.index_cast %scan3A_972 : i32 to index
      %swap3A_985 = arith.constant 16 : index
      %swap3A_986 = tpu.vector_load %arg16[%swap3A_984, %swap3A_985] {strides = array<i32>} : memref<200x128xf32, #tpu.memory_space<vmem>>, vector<1x16xf32>,
      %swap3A_987 = vector.shape_cast %swap3A_986 : vector<1x16xf32> to vector<16xf32>
      %swap3A_988 = vector.shape_cast %get3A_983 : vector<16xf32> to vector<1x16xf32>
      tpu.vector_store %arg16[%swap3A_984, %swap3A_985], %swap3A_988 {add = true, strides = array<i32>} : memref<200x128xf32, #tpu.memory_space<vmem>>, vector<1x16xf32>,
      %get3A_989 = arith.index_cast %scan3A_972 : i32 to index
      %get3A_990 = arith.constant 32 : index
      %get3A_991 = tpu.vector_load %arg9[%get3A_989, %get3A_990] {strides = array<i32>} : memref<200x128xf32, #tpu.memory_space<vmem>>, vector<1x16xf32>,
      %get3A_992 = vector.shape_cast %get3A_991 : vector<1x16xf32> to vector<16xf32>
      %swap3A_993 = arith.index_cast %scan3A_972 : i32 to index
      %swap3A_994 = arith.constant 32 : index
      %swap3A_995 = tpu.vector_load %arg16[%swap3A_993, %swap3A_994] {strides = array<i32>} : memref<200x128xf32, #tpu.memory_space<vmem>>, vector<1x16xf32>,
      %swap3A_996 = vector.shape_cast %swap3A_995 : vector<1x16xf32> to vector<16xf32>
      %swap3A_997 = vector.shape_cast %get3A_992 : vector<16xf32> to vector<1x16xf32>
      tpu.vector_store %arg16[%swap3A_993, %swap3A_994], %swap3A_997 {add = true, strides = array<i32>} : memref<200x128xf32, #tpu.memory_space<vmem>>, vector<1x16xf32>,
      %get3A_998 = arith.index_cast %scan3A_972 : i32 to index
      %get3A_999 = arith.constant 48 : index
      %get3A_1000 = tpu.vector_load %arg9[%get3A_998, %get3A_999] {strides = array<i32>} : memref<200x128xf32, #tpu.memory_space<vmem>>, vector<1x16xf32>,
      %get3A_1001 = vector.shape_cast %get3A_1000 : vector<1x16xf32> to vector<16xf32>
      %swap3A_1002 = arith.index_cast %scan3A_972 : i32 to index
      %swap3A_1003 = arith.constant 48 : index
      %swap3A_1004 = tpu.vector_load %arg16[%swap3A_1002, %swap3A_1003] {strides = array<i32>} : memref<200x128xf32, #tpu.memory_space<vmem>>, vector<1x16xf32>,
      %swap3A_1005 = vector.shape_cast %swap3A_1004 : vector<1x16xf32> to vector<16xf32>
      %swap3A_1006 = vector.shape_cast %get3A_1001 : vector<16xf32> to vector<1x16xf32>
      tpu.vector_store %arg16[%swap3A_1002, %swap3A_1003], %swap3A_1006 {add = true, strides = array<i32>} : memref<200x128xf32, #tpu.memory_space<vmem>>, vector<1x16xf32>,
      %get3A_1007 = arith.index_cast %scan3A_972 : i32 to index
      %get3A_1008 = arith.constant 64 : index
      %get3A_1009 = tpu.vector_load %arg9[%get3A_1007, %get3A_1008] {strides = array<i32>} : memref<200x128xf32, #tpu.memory_space<vmem>>, vector<1x16xf32>,
      %get3A_1010 = vector.shape_cast %get3A_1009 : vector<1x16xf32> to vector<16xf32>
      %swap3A_1011 = arith.index_cast %scan3A_972 : i32 to index
      %swap3A_1012 = arith.constant 64 : index
      %swap3A_1013 = tpu.vector_load %arg16[%swap3A_1011, %swap3A_1012] {strides = array<i32>} : memref<200x128xf32, #tpu.memory_space<vmem>>, vector<1x16xf32>,
      %swap3A_1014 = vector.shape_cast %swap3A_1013 : vector<1x16xf32> to vector<16xf32>
      %swap3A_1015 = vector.shape_cast %get3A_1010 : vector<16xf32> to vector<1x16xf32>
      tpu.vector_store %arg16[%swap3A_1011, %swap3A_1012], %swap3A_1015 {add = true, strides = array<i32>} : memref<200x128xf32, #tpu.memory_space<vmem>>, vector<1x16xf32>,
      %get3A_1016 = arith.index_cast %scan3A_972 : i32 to index
      %get3A_1017 = arith.constant 80 : index
      %get3A_1018 = tpu.vector_load %arg9[%get3A_1016, %get3A_1017] {strides = array<i32>} : memref<200x128xf32, #tpu.memory_space<vmem>>, vector<1x16xf32>,
      %get3A_1019 = vector.shape_cast %get3A_1018 : vector<1x16xf32> to vector<16xf32>
      %swap3A_1020 = arith.index_cast %scan3A_972 : i32 to index
      %swap3A_1021 = arith.constant 80 : index
      %swap3A_1022 = tpu.vector_load %arg16[%swap3A_1020, %swap3A_1021] {strides = array<i32>} : memref<200x128xf32, #tpu.memory_space<vmem>>, vector<1x16xf32>,
      %swap3A_1023 = vector.shape_cast %swap3A_1022 : vector<1x16xf32> to vector<16xf32>
      %swap3A_1024 = vector.shape_cast %get3A_1019 : vector<16xf32> to vector<1x16xf32>
      tpu.vector_store %arg16[%swap3A_1020, %swap3A_1021], %swap3A_1024 {add = true, strides = array<i32>} : memref<200x128xf32, #tpu.memory_space<vmem>>, vector<1x16xf32>,
      %get3A_1025 = arith.index_cast %scan3A_972 : i32 to index
      %get3A_1026 = arith.constant 96 : index
      %get3A_1027 = tpu.vector_load %arg9[%get3A_1025, %get3A_1026] {strides = array<i32>} : memref<200x128xf32, #tpu.memory_space<vmem>>, vector<1x16xf32>,
      %get3A_1028 = vector.shape_cast %get3A_1027 : vector<1x16xf32> to vector<16xf32>
      %swap3A_1029 = arith.index_cast %scan3A_972 : i32 to index
      %swap3A_1030 = arith.constant 96 : index
      %swap3A_1031 = tpu.vector_load %arg16[%swap3A_1029, %swap3A_1030] {strides = array<i32>} : memref<200x128xf32, #tpu.memory_space<vmem>>, vector<1x16xf32>,
      %swap3A_1032 = vector.shape_cast %swap3A_1031 : vector<1x16xf32> to vector<16xf32>
      %swap3A_1033 = vector.shape_cast %get3A_1028 : vector<16xf32> to vector<1x16xf32>
      tpu.vector_store %arg16[%swap3A_1029, %swap3A_1030], %swap3A_1033 {add = true, strides = array<i32>} : memref<200x128xf32, #tpu.memory_space<vmem>>, vector<1x16xf32>,
      %get3A_1034 = arith.index_cast %scan3A_972 : i32 to index
      %get3A_1035 = arith.constant 112 : index
      %get3A_1036 = tpu.vector_load %arg9[%get3A_1034, %get3A_1035] {strides = array<i32>} : memref<200x128xf32, #tpu.memory_space<vmem>>, vector<1x16xf32>,
      %get3A_1037 = vector.shape_cast %get3A_1036 : vector<1x16xf32> to vector<16xf32>
      %swap3A_1038 = arith.index_cast %scan3A_972 : i32 to index
      %swap3A_1039 = arith.constant 112 : index
      %swap3A_1040 = tpu.vector_load %arg16[%swap3A_1038, %swap3A_1039] {strides = array<i32>} : memref<200x128xf32, #tpu.memory_space<vmem>>, vector<1x16xf32>,
      %swap3A_1041 = vector.shape_cast %swap3A_1040 : vector<1x16xf32> to vector<16xf32>
      %swap3A_1042 = vector.shape_cast %get3A_1037 : vector<16xf32> to vector<1x16xf32>
      tpu.vector_store %arg16[%swap3A_1038, %swap3A_1039], %swap3A_1042 {add = true, strides = array<i32>} : memref<200x128xf32, #tpu.memory_space<vmem>>, vector<1x16xf32>,
    }
    %scan3A_235 = arith.constant 200 : i32
    %add3A_236 = arith.constant 26 : i32
    %add3A_237 = arith.addi %mul3A_2, %add3A_236 : i32
    %dma_start3A_238 = arith.constant 0 : i32
    %dma_start3A_239 = arith.constant 0 : i32
    %dma_start3A_240 = tpu.memref_slice %arg7[%add3A_237, %dma_start3A_238, %dma_start3A_239] : memref<1024x200x128xf32, #tpu.memory_space<hbm>> -> memref<1x200x128xf32, #tpu.memory_space<hbm>>
    %dma_start3A_241 = tpu.memref_squeeze %dma_start3A_240 : memref<1x200x128xf32, #tpu.memory_space<hbm>> -> memref<200x128xf32, #tpu.memory_space<hbm>>
    %dma_start3A_242 = arith.constant 0 : i32
    %dma_start3A_243 = arith.constant 0 : i32
    %dma_start3A_244 = tpu.memref_slice %arg7[%add3A_237, %dma_start3A_242, %dma_start3A_243] : memref<1024x200x128xf32, #tpu.memory_space<hbm>> -> memref<1x200x128xf32, #tpu.memory_space<hbm>>
    %dma_start3A_245 = tpu.memref_squeeze %dma_start3A_244 : memref<1x200x128xf32, #tpu.memory_space<hbm>> -> memref<200x128xf32, #tpu.memory_space<hbm>>
    tpu.enqueue_dma source(%arg16 : memref<200x128xf32, #tpu.memory_space<vmem>>) target(%dma_start3A_245 : memref<200x128xf32, #tpu.memory_space<hbm>>) target_semaphore(%arg29 : memref<!tpu.dma_semaphore, #tpu.memory_space<semaphore_mem>>)
    %dma_wait3A_246 = arith.constant 0 : i32
    %dma_wait3A_247 = tpu.memref_slice %arg2[%mul3A_2, %dma_wait3A_246] : memref<1024x200xi32, #tpu.memory_space<hbm>> -> memref<1x200xi32, #tpu.memory_space<hbm>>
    %dma_wait3A_248 = tpu.memref_squeeze %dma_wait3A_247 : memref<1x200xi32, #tpu.memory_space<hbm>> -> memref<200xi32, #tpu.memory_space<hbm>>
    %dma_wait3A_249 = arith.constant 0 : i32
    %dma_wait3A_250 = tpu.memref_slice %arg2[%mul3A_2, %dma_wait3A_249] : memref<1024x200xi32, #tpu.memory_space<hbm>> -> memref<1x200xi32, #tpu.memory_space<hbm>>
    %dma_wait3A_251 = tpu.memref_squeeze %dma_wait3A_250 : memref<1x200xi32, #tpu.memory_space<hbm>> -> memref<200xi32, #tpu.memory_space<hbm>>
    tpu.wait_dma2 semaphore(%arg20 : memref<!tpu.dma_semaphore, #tpu.memory_space<semaphore_mem>>) src(%dma_wait3A_251 : memref<200xi32, #tpu.memory_space<hbm>>) dst(%arg11 : memref<200xi32, #tpu.memory_space<vmem>>)
    %dma_wait3A_252 = arith.constant 0 : i32
    %dma_wait3A_253 = arith.constant 0 : i32
    %dma_wait3A_254 = tpu.memref_slice %arg7[%mul3A_2, %dma_wait3A_252, %dma_wait3A_253] : memref<1024x200x128xf32, #tpu.memory_space<hbm>> -> memref<1x200x128xf32, #tpu.memory_space<hbm>>
    %dma_wait3A_255 = tpu.memref_squeeze %dma_wait3A_254 : memref<1x200x128xf32, #tpu.memory_space<hbm>> -> memref<200x128xf32, #tpu.memory_space<hbm>>
    %dma_wait3A_256 = arith.constant 0 : i32
    %dma_wait3A_257 = arith.constant 0 : i32
    %dma_wait3A_258 = tpu.memref_slice %arg7[%mul3A_2, %dma_wait3A_256, %dma_wait3A_257] : memref<1024x200x128xf32, #tpu.memory_space<hbm>> -> memref<1x200x128xf32, #tpu.memory_space<hbm>>
    %dma_wait3A_259 = tpu.memref_squeeze %dma_wait3A_258 : memref<1x200x128xf32, #tpu.memory_space<hbm>> -> memref<200x128xf32, #tpu.memory_space<hbm>>
    tpu.wait_dma2 semaphore(%arg28 : memref<!tpu.dma_semaphore, #tpu.memory_space<semaphore_mem>>) src(%arg15 : memref<200x128xf32, #tpu.memory_space<vmem>>) dst(%dma_wait3A_259 : memref<200x128xf32, #tpu.memory_space<hbm>>)
    %dma_start3A_260 = arith.constant 0 : i32
    %dma_start3A_261 = arith.constant 0 : i32
    %dma_start3A_262 = tpu.memref_slice %arg15[%dma_start3A_260, %dma_start3A_261] : memref<200x128xf32, #tpu.memory_space<vmem>> -> memref<128x128xf32, #tpu.memory_space<vmem>>
    %dma_start3A_263 = arith.constant 0 : i32
    %dma_start3A_264 = tpu.memref_slice %arg11[%dma_start3A_263] : memref<200xi32, #tpu.memory_space<vmem>> -> memref<128xi32, #tpu.memory_space<vmem>>
    %dma_start3A_265 = arith.constant 0 : i32
    %dma_start3A_266 = arith.constant 0 : i32
    %dma_start3A_267 = tpu.memref_slice %arg4[%dma_start3A_265, %dma_start3A_266] : memref<100000x128xf32, #tpu.memory_space<hbm>> -> memref<100000x128xf32, #tpu.memory_space<hbm>>
    tpu.enqueue_indirect_dma source(%dma_start3A_267 : memref<100000x128xf32, #tpu.memory_space<hbm>>) target(%dma_start3A_262 : memref<128x128xf32, #tpu.memory_space<vmem>>) offsets(%dma_start3A_264 : memref<128xi32, #tpu.memory_space<vmem>>) semaphore(%arg24 : memref<!tpu.dma_semaphore, #tpu.memory_space<semaphore_mem>>)
    %dma_start3A_268 = arith.constant 128 : i32
    %dma_start3A_269 = arith.constant 0 : i32
    %dma_start3A_270 = tpu.memref_slice %arg15[%dma_start3A_268, %dma_start3A_269] : memref<200x128xf32, #tpu.memory_space<vmem>> -> memref<72x128xf32, #tpu.memory_space<vmem>>
    %dma_start3A_271 = arith.constant 128 : i32
    %dma_start3A_272 = tpu.memref_slice %arg11[%dma_start3A_271] : memref<200xi32, #tpu.memory_space<vmem>> -> memref<72xi32, #tpu.memory_space<vmem>>
    %dma_start3A_273 = arith.constant 0 : i32
    %dma_start3A_274 = arith.constant 0 : i32
    %dma_start3A_275 = tpu.memref_slice %arg4[%dma_start3A_273, %dma_start3A_274] : memref<100000x128xf32, #tpu.memory_space<hbm>> -> memref<100000x128xf32, #tpu.memory_space<hbm>>
    tpu.enqueue_indirect_dma source(%dma_start3A_275 : memref<100000x128xf32, #tpu.memory_space<hbm>>) target(%dma_start3A_270 : memref<72x128xf32, #tpu.memory_space<vmem>>) offsets(%dma_start3A_272 : memref<72xi32, #tpu.memory_space<vmem>>) semaphore(%arg24 : memref<!tpu.dma_semaphore, #tpu.memory_space<semaphore_mem>>)
    %dma_wait3A_276 = arith.constant 0 : i32
    %dma_wait3A_277 = arith.constant 0 : i32
    %dma_wait3A_278 = tpu.memref_slice %arg4[%dma_wait3A_276, %dma_wait3A_277] : memref<100000x128xf32, #tpu.memory_space<hbm>> -> memref<200x128xf32, #tpu.memory_space<hbm>>
    %dma_wait3A_279 = arith.constant 0 : i32
    %dma_wait3A_280 = arith.constant 0 : i32
    %dma_wait3A_281 = tpu.memref_slice %arg4[%dma_wait3A_279, %dma_wait3A_280] : memref<100000x128xf32, #tpu.memory_space<hbm>> -> memref<200x128xf32, #tpu.memory_space<hbm>>
    tpu.wait_dma2 semaphore(%arg26 : memref<!tpu.dma_semaphore, #tpu.memory_space<semaphore_mem>>) src(%dma_wait3A_281 : memref<200x128xf32, #tpu.memory_space<hbm>>) dst(%arg17 : memref<200x128xf32, #tpu.memory_space<vmem>>)
    %add3A_282 = arith.constant 31 : i32
    %add3A_283 = arith.addi %mul3A_2, %add3A_282 : i32
    %dma_start3A_284 = arith.constant 0 : i32
    %dma_start3A_285 = tpu.memref_slice %arg2[%add3A_283, %dma_start3A_284] : memref<1024x200xi32, #tpu.memory_space<hbm>> -> memref<1x200xi32, #tpu.memory_space<hbm>>
    %dma_start3A_286 = tpu.memref_squeeze %dma_start3A_285 : memref<1x200xi32, #tpu.memory_space<hbm>> -> memref<200xi32, #tpu.memory_space<hbm>>
    %dma_start3A_287 = arith.constant 0 : i32
    %dma_start3A_288 = tpu.memref_slice %arg2[%add3A_283, %dma_start3A_287] : memref<1024x200xi32, #tpu.memory_space<hbm>> -> memref<1x200xi32, #tpu.memory_space<hbm>>
    %dma_start3A_289 = tpu.memref_squeeze %dma_start3A_288 : memref<1x200xi32, #tpu.memory_space<hbm>> -> memref<200xi32, #tpu.memory_space<hbm>>
    tpu.enqueue_dma source(%dma_start3A_289 : memref<200xi32, #tpu.memory_space<hbm>>) target(%arg13 : memref<200xi32, #tpu.memory_space<vmem>>) target_semaphore(%arg22 : memref<!tpu.dma_semaphore, #tpu.memory_space<semaphore_mem>>)
    %scan3A_290 = arith.constant 0 : i32
    %scan3A_291 = arith.constant 0 : i32
    %scan3A_292 = arith.constant 200 : i32
    %scan3A_293 = arith.addi %scan3A_291, %scan3A_292 : i32
    %scan3A_294 = arith.constant 1 : i32
    scf.for %scan3A_972 = %scan3A_291 to %scan3A_293 step %scan3A_294  : i32 {
      %get3A = arith.index_cast %scan3A_972 : i32 to index
      %get3A_973 = arith.constant 0 : index
      %get3A_974 = tpu.vector_load %arg9[%get3A, %get3A_973] {strides = array<i32>} : memref<200x128xf32, #tpu.memory_space<vmem>>, vector<1x16xf32>,
      %get3A_975 = vector.shape_cast %get3A_974 : vector<1x16xf32> to vector<16xf32>
      %swap3A = arith.index_cast %scan3A_972 : i32 to index
      %swap3A_976 = arith.constant 0 : index
      %swap3A_977 = tpu.vector_load %arg17[%swap3A, %swap3A_976] {strides = array<i32>} : memref<200x128xf32, #tpu.memory_space<vmem>>, vector<1x16xf32>,
      %swap3A_978 = vector.shape_cast %swap3A_977 : vector<1x16xf32> to vector<16xf32>
      %swap3A_979 = vector.shape_cast %get3A_975 : vector<16xf32> to vector<1x16xf32>
      tpu.vector_store %arg17[%swap3A, %swap3A_976], %swap3A_979 {add = true, strides = array<i32>} : memref<200x128xf32, #tpu.memory_space<vmem>>, vector<1x16xf32>,
      %get3A_980 = arith.index_cast %scan3A_972 : i32 to index
      %get3A_981 = arith.constant 16 : index
      %get3A_982 = tpu.vector_load %arg9[%get3A_980, %get3A_981] {strides = array<i32>} : memref<200x128xf32, #tpu.memory_space<vmem>>, vector<1x16xf32>,
      %get3A_983 = vector.shape_cast %get3A_982 : vector<1x16xf32> to vector<16xf32>
      %swap3A_984 = arith.index_cast %scan3A_972 : i32 to index
      %swap3A_985 = arith.constant 16 : index
      %swap3A_986 = tpu.vector_load %arg17[%swap3A_984, %swap3A_985] {strides = array<i32>} : memref<200x128xf32, #tpu.memory_space<vmem>>, vector<1x16xf32>,
      %swap3A_987 = vector.shape_cast %swap3A_986 : vector<1x16xf32> to vector<16xf32>
      %swap3A_988 = vector.shape_cast %get3A_983 : vector<16xf32> to vector<1x16xf32>
      tpu.vector_store %arg17[%swap3A_984, %swap3A_985], %swap3A_988 {add = true, strides = array<i32>} : memref<200x128xf32, #tpu.memory_space<vmem>>, vector<1x16xf32>,
      %get3A_989 = arith.index_cast %scan3A_972 : i32 to index
      %get3A_990 = arith.constant 32 : index
      %get3A_991 = tpu.vector_load %arg9[%get3A_989, %get3A_990] {strides = array<i32>} : memref<200x128xf32, #tpu.memory_space<vmem>>, vector<1x16xf32>,
      %get3A_992 = vector.shape_cast %get3A_991 : vector<1x16xf32> to vector<16xf32>
      %swap3A_993 = arith.index_cast %scan3A_972 : i32 to index
      %swap3A_994 = arith.constant 32 : index
      %swap3A_995 = tpu.vector_load %arg17[%swap3A_993, %swap3A_994] {strides = array<i32>} : memref<200x128xf32, #tpu.memory_space<vmem>>, vector<1x16xf32>,
      %swap3A_996 = vector.shape_cast %swap3A_995 : vector<1x16xf32> to vector<16xf32>
      %swap3A_997 = vector.shape_cast %get3A_992 : vector<16xf32> to vector<1x16xf32>
      tpu.vector_store %arg17[%swap3A_993, %swap3A_994], %swap3A_997 {add = true, strides = array<i32>} : memref<200x128xf32, #tpu.memory_space<vmem>>, vector<1x16xf32>,
      %get3A_998 = arith.index_cast %scan3A_972 : i32 to index
      %get3A_999 = arith.constant 48 : index
      %get3A_1000 = tpu.vector_load %arg9[%get3A_998, %get3A_999] {strides = array<i32>} : memref<200x128xf32, #tpu.memory_space<vmem>>, vector<1x16xf32>,
      %get3A_1001 = vector.shape_cast %get3A_1000 : vector<1x16xf32> to vector<16xf32>
      %swap3A_1002 = arith.index_cast %scan3A_972 : i32 to index
      %swap3A_1003 = arith.constant 48 : index
      %swap3A_1004 = tpu.vector_load %arg17[%swap3A_1002, %swap3A_1003] {strides = array<i32>} : memref<200x128xf32, #tpu.memory_space<vmem>>, vector<1x16xf32>,
      %swap3A_1005 = vector.shape_cast %swap3A_1004 : vector<1x16xf32> to vector<16xf32>
      %swap3A_1006 = vector.shape_cast %get3A_1001 : vector<16xf32> to vector<1x16xf32>
      tpu.vector_store %arg17[%swap3A_1002, %swap3A_1003], %swap3A_1006 {add = true, strides = array<i32>} : memref<200x128xf32, #tpu.memory_space<vmem>>, vector<1x16xf32>,
      %get3A_1007 = arith.index_cast %scan3A_972 : i32 to index
      %get3A_1008 = arith.constant 64 : index
      %get3A_1009 = tpu.vector_load %arg9[%get3A_1007, %get3A_1008] {strides = array<i32>} : memref<200x128xf32, #tpu.memory_space<vmem>>, vector<1x16xf32>,
      %get3A_1010 = vector.shape_cast %get3A_1009 : vector<1x16xf32> to vector<16xf32>
      %swap3A_1011 = arith.index_cast %scan3A_972 : i32 to index
      %swap3A_1012 = arith.constant 64 : index
      %swap3A_1013 = tpu.vector_load %arg17[%swap3A_1011, %swap3A_1012] {strides = array<i32>} : memref<200x128xf32, #tpu.memory_space<vmem>>, vector<1x16xf32>,
      %swap3A_1014 = vector.shape_cast %swap3A_1013 : vector<1x16xf32> to vector<16xf32>
      %swap3A_1015 = vector.shape_cast %get3A_1010 : vector<16xf32> to vector<1x16xf32>
      tpu.vector_store %arg17[%swap3A_1011, %swap3A_1012], %swap3A_1015 {add = true, strides = array<i32>} : memref<200x128xf32, #tpu.memory_space<vmem>>, vector<1x16xf32>,
      %get3A_1016 = arith.index_cast %scan3A_972 : i32 to index
      %get3A_1017 = arith.constant 80 : index
      %get3A_1018 = tpu.vector_load %arg9[%get3A_1016, %get3A_1017] {strides = array<i32>} : memref<200x128xf32, #tpu.memory_space<vmem>>, vector<1x16xf32>,
      %get3A_1019 = vector.shape_cast %get3A_1018 : vector<1x16xf32> to vector<16xf32>
      %swap3A_1020 = arith.index_cast %scan3A_972 : i32 to index
      %swap3A_1021 = arith.constant 80 : index
      %swap3A_1022 = tpu.vector_load %arg17[%swap3A_1020, %swap3A_1021] {strides = array<i32>} : memref<200x128xf32, #tpu.memory_space<vmem>>, vector<1x16xf32>,
      %swap3A_1023 = vector.shape_cast %swap3A_1022 : vector<1x16xf32> to vector<16xf32>
      %swap3A_1024 = vector.shape_cast %get3A_1019 : vector<16xf32> to vector<1x16xf32>
      tpu.vector_store %arg17[%swap3A_1020, %swap3A_1021], %swap3A_1024 {add = true, strides = array<i32>} : memref<200x128xf32, #tpu.memory_space<vmem>>, vector<1x16xf32>,
      %get3A_1025 = arith.index_cast %scan3A_972 : i32 to index
      %get3A_1026 = arith.constant 96 : index
      %get3A_1027 = tpu.vector_load %arg9[%get3A_1025, %get3A_1026] {strides = array<i32>} : memref<200x128xf32, #tpu.memory_space<vmem>>, vector<1x16xf32>,
      %get3A_1028 = vector.shape_cast %get3A_1027 : vector<1x16xf32> to vector<16xf32>
      %swap3A_1029 = arith.index_cast %scan3A_972 : i32 to index
      %swap3A_1030 = arith.constant 96 : index
      %swap3A_1031 = tpu.vector_load %arg17[%swap3A_1029, %swap3A_1030] {strides = array<i32>} : memref<200x128xf32, #tpu.memory_space<vmem>>, vector<1x16xf32>,
      %swap3A_1032 = vector.shape_cast %swap3A_1031 : vector<1x16xf32> to vector<16xf32>
      %swap3A_1033 = vector.shape_cast %get3A_1028 : vector<16xf32> to vector<1x16xf32>
      tpu.vector_store %arg17[%swap3A_1029, %swap3A_1030], %swap3A_1033 {add = true, strides = array<i32>} : memref<200x128xf32, #tpu.memory_space<vmem>>, vector<1x16xf32>,
      %get3A_1034 = arith.index_cast %scan3A_972 : i32 to index
      %get3A_1035 = arith.constant 112 : index
      %get3A_1036 = tpu.vector_load %arg9[%get3A_1034, %get3A_1035] {strides = array<i32>} : memref<200x128xf32, #tpu.memory_space<vmem>>, vector<1x16xf32>,
      %get3A_1037 = vector.shape_cast %get3A_1036 : vector<1x16xf32> to vector<16xf32>
      %swap3A_1038 = arith.index_cast %scan3A_972 : i32 to index
      %swap3A_1039 = arith.constant 112 : index
      %swap3A_1040 = tpu.vector_load %arg17[%swap3A_1038, %swap3A_1039] {strides = array<i32>} : memref<200x128xf32, #tpu.memory_space<vmem>>, vector<1x16xf32>,
      %swap3A_1041 = vector.shape_cast %swap3A_1040 : vector<1x16xf32> to vector<16xf32>
      %swap3A_1042 = vector.shape_cast %get3A_1037 : vector<16xf32> to vector<1x16xf32>
      tpu.vector_store %arg17[%swap3A_1038, %swap3A_1039], %swap3A_1042 {add = true, strides = array<i32>} : memref<200x128xf32, #tpu.memory_space<vmem>>, vector<1x16xf32>,
    }
    %scan3A_295 = arith.constant 200 : i32
    %add3A_296 = arith.constant 27 : i32
    %add3A_297 = arith.addi %mul3A_2, %add3A_296 : i32
    %dma_start3A_298 = arith.constant 0 : i32
    %dma_start3A_299 = arith.constant 0 : i32
    %dma_start3A_300 = tpu.memref_slice %arg7[%add3A_297, %dma_start3A_298, %dma_start3A_299] : memref<1024x200x128xf32, #tpu.memory_space<hbm>> -> memref<1x200x128xf32, #tpu.memory_space<hbm>>
    %dma_start3A_301 = tpu.memref_squeeze %dma_start3A_300 : memref<1x200x128xf32, #tpu.memory_space<hbm>> -> memref<200x128xf32, #tpu.memory_space<hbm>>
    %dma_start3A_302 = arith.constant 0 : i32
    %dma_start3A_303 = arith.constant 0 : i32
    %dma_start3A_304 = tpu.memref_slice %arg7[%add3A_297, %dma_start3A_302, %dma_start3A_303] : memref<1024x200x128xf32, #tpu.memory_space<hbm>> -> memref<1x200x128xf32, #tpu.memory_space<hbm>>
    %dma_start3A_305 = tpu.memref_squeeze %dma_start3A_304 : memref<1x200x128xf32, #tpu.memory_space<hbm>> -> memref<200x128xf32, #tpu.memory_space<hbm>>
    tpu.enqueue_dma source(%arg17 : memref<200x128xf32, #tpu.memory_space<vmem>>) target(%dma_start3A_305 : memref<200x128xf32, #tpu.memory_space<hbm>>) target_semaphore(%arg30 : memref<!tpu.dma_semaphore, #tpu.memory_space<semaphore_mem>>)
    %dma_wait3A_306 = arith.constant 0 : i32
    %dma_wait3A_307 = tpu.memref_slice %arg2[%mul3A_2, %dma_wait3A_306] : memref<1024x200xi32, #tpu.memory_space<hbm>> -> memref<1x200xi32, #tpu.memory_space<hbm>>
    %dma_wait3A_308 = tpu.memref_squeeze %dma_wait3A_307 : memref<1x200xi32, #tpu.memory_space<hbm>> -> memref<200xi32, #tpu.memory_space<hbm>>
    %dma_wait3A_309 = arith.constant 0 : i32
    %dma_wait3A_310 = tpu.memref_slice %arg2[%mul3A_2, %dma_wait3A_309] : memref<1024x200xi32, #tpu.memory_space<hbm>> -> memref<1x200xi32, #tpu.memory_space<hbm>>
    %dma_wait3A_311 = tpu.memref_squeeze %dma_wait3A_310 : memref<1x200xi32, #tpu.memory_space<hbm>> -> memref<200xi32, #tpu.memory_space<hbm>>
    tpu.wait_dma2 semaphore(%arg21 : memref<!tpu.dma_semaphore, #tpu.memory_space<semaphore_mem>>) src(%dma_wait3A_311 : memref<200xi32, #tpu.memory_space<hbm>>) dst(%arg12 : memref<200xi32, #tpu.memory_space<vmem>>)
    %dma_wait3A_312 = arith.constant 0 : i32
    %dma_wait3A_313 = arith.constant 0 : i32
    %dma_wait3A_314 = tpu.memref_slice %arg7[%mul3A_2, %dma_wait3A_312, %dma_wait3A_313] : memref<1024x200x128xf32, #tpu.memory_space<hbm>> -> memref<1x200x128xf32, #tpu.memory_space<hbm>>
    %dma_wait3A_315 = tpu.memref_squeeze %dma_wait3A_314 : memref<1x200x128xf32, #tpu.memory_space<hbm>> -> memref<200x128xf32, #tpu.memory_space<hbm>>
    %dma_wait3A_316 = arith.constant 0 : i32
    %dma_wait3A_317 = arith.constant 0 : i32
    %dma_wait3A_318 = tpu.memref_slice %arg7[%mul3A_2, %dma_wait3A_316, %dma_wait3A_317] : memref<1024x200x128xf32, #tpu.memory_space<hbm>> -> memref<1x200x128xf32, #tpu.memory_space<hbm>>
    %dma_wait3A_319 = tpu.memref_squeeze %dma_wait3A_318 : memref<1x200x128xf32, #tpu.memory_space<hbm>> -> memref<200x128xf32, #tpu.memory_space<hbm>>
    tpu.wait_dma2 semaphore(%arg29 : memref<!tpu.dma_semaphore, #tpu.memory_space<semaphore_mem>>) src(%arg16 : memref<200x128xf32, #tpu.memory_space<vmem>>) dst(%dma_wait3A_319 : memref<200x128xf32, #tpu.memory_space<hbm>>)
    %dma_start3A_320 = arith.constant 0 : i32
    %dma_start3A_321 = arith.constant 0 : i32
    %dma_start3A_322 = tpu.memref_slice %arg16[%dma_start3A_320, %dma_start3A_321] : memref<200x128xf32, #tpu.memory_space<vmem>> -> memref<128x128xf32, #tpu.memory_space<vmem>>
    %dma_start3A_323 = arith.constant 0 : i32
    %dma_start3A_324 = tpu.memref_slice %arg12[%dma_start3A_323] : memref<200xi32, #tpu.memory_space<vmem>> -> memref<128xi32, #tpu.memory_space<vmem>>
    %dma_start3A_325 = arith.constant 0 : i32
    %dma_start3A_326 = arith.constant 0 : i32
    %dma_start3A_327 = tpu.memref_slice %arg4[%dma_start3A_325, %dma_start3A_326] : memref<100000x128xf32, #tpu.memory_space<hbm>> -> memref<100000x128xf32, #tpu.memory_space<hbm>>
    tpu.enqueue_indirect_dma source(%dma_start3A_327 : memref<100000x128xf32, #tpu.memory_space<hbm>>) target(%dma_start3A_322 : memref<128x128xf32, #tpu.memory_space<vmem>>) offsets(%dma_start3A_324 : memref<128xi32, #tpu.memory_space<vmem>>) semaphore(%arg25 : memref<!tpu.dma_semaphore, #tpu.memory_space<semaphore_mem>>)
    %dma_start3A_328 = arith.constant 128 : i32
    %dma_start3A_329 = arith.constant 0 : i32
    %dma_start3A_330 = tpu.memref_slice %arg16[%dma_start3A_328, %dma_start3A_329] : memref<200x128xf32, #tpu.memory_space<vmem>> -> memref<72x128xf32, #tpu.memory_space<vmem>>
    %dma_start3A_331 = arith.constant 128 : i32
    %dma_start3A_332 = tpu.memref_slice %arg12[%dma_start3A_331] : memref<200xi32, #tpu.memory_space<vmem>> -> memref<72xi32, #tpu.memory_space<vmem>>
    %dma_start3A_333 = arith.constant 0 : i32
    %dma_start3A_334 = arith.constant 0 : i32
    %dma_start3A_335 = tpu.memref_slice %arg4[%dma_start3A_333, %dma_start3A_334] : memref<100000x128xf32, #tpu.memory_space<hbm>> -> memref<100000x128xf32, #tpu.memory_space<hbm>>
    tpu.enqueue_indirect_dma source(%dma_start3A_335 : memref<100000x128xf32, #tpu.memory_space<hbm>>) target(%dma_start3A_330 : memref<72x128xf32, #tpu.memory_space<vmem>>) offsets(%dma_start3A_332 : memref<72xi32, #tpu.memory_space<vmem>>) semaphore(%arg25 : memref<!tpu.dma_semaphore, #tpu.memory_space<semaphore_mem>>)
    %dma_wait3A_336 = arith.constant 0 : i32
    %dma_wait3A_337 = arith.constant 0 : i32
    %dma_wait3A_338 = tpu.memref_slice %arg4[%dma_wait3A_336, %dma_wait3A_337] : memref<100000x128xf32, #tpu.memory_space<hbm>> -> memref<200x128xf32, #tpu.memory_space<hbm>>
    %dma_wait3A_339 = arith.constant 0 : i32
    %dma_wait3A_340 = arith.constant 0 : i32
    %dma_wait3A_341 = tpu.memref_slice %arg4[%dma_wait3A_339, %dma_wait3A_340] : memref<100000x128xf32, #tpu.memory_space<hbm>> -> memref<200x128xf32, #tpu.memory_space<hbm>>
    tpu.wait_dma2 semaphore(%arg23 : memref<!tpu.dma_semaphore, #tpu.memory_space<semaphore_mem>>) src(%dma_wait3A_341 : memref<200x128xf32, #tpu.memory_space<hbm>>) dst(%arg14 : memref<200x128xf32, #tpu.memory_space<vmem>>)
    %scan3A_342 = arith.constant 0 : i32
    %scan3A_343 = arith.constant 0 : i32
    %scan3A_344 = arith.constant 200 : i32
    %scan3A_345 = arith.addi %scan3A_343, %scan3A_344 : i32
    %scan3A_346 = arith.constant 1 : i32
    scf.for %scan3A_972 = %scan3A_343 to %scan3A_345 step %scan3A_346  : i32 {
      %get3A = arith.index_cast %scan3A_972 : i32 to index
      %get3A_973 = arith.constant 0 : index
      %get3A_974 = tpu.vector_load %arg9[%get3A, %get3A_973] {strides = array<i32>} : memref<200x128xf32, #tpu.memory_space<vmem>>, vector<1x16xf32>,
      %get3A_975 = vector.shape_cast %get3A_974 : vector<1x16xf32> to vector<16xf32>
      %swap3A = arith.index_cast %scan3A_972 : i32 to index
      %swap3A_976 = arith.constant 0 : index
      %swap3A_977 = tpu.vector_load %arg14[%swap3A, %swap3A_976] {strides = array<i32>} : memref<200x128xf32, #tpu.memory_space<vmem>>, vector<1x16xf32>,
      %swap3A_978 = vector.shape_cast %swap3A_977 : vector<1x16xf32> to vector<16xf32>
      %swap3A_979 = vector.shape_cast %get3A_975 : vector<16xf32> to vector<1x16xf32>
      tpu.vector_store %arg14[%swap3A, %swap3A_976], %swap3A_979 {add = true, strides = array<i32>} : memref<200x128xf32, #tpu.memory_space<vmem>>, vector<1x16xf32>,
      %get3A_980 = arith.index_cast %scan3A_972 : i32 to index
      %get3A_981 = arith.constant 16 : index
      %get3A_982 = tpu.vector_load %arg9[%get3A_980, %get3A_981] {strides = array<i32>} : memref<200x128xf32, #tpu.memory_space<vmem>>, vector<1x16xf32>,
      %get3A_983 = vector.shape_cast %get3A_982 : vector<1x16xf32> to vector<16xf32>
      %swap3A_984 = arith.index_cast %scan3A_972 : i32 to index
      %swap3A_985 = arith.constant 16 : index
      %swap3A_986 = tpu.vector_load %arg14[%swap3A_984, %swap3A_985] {strides = array<i32>} : memref<200x128xf32, #tpu.memory_space<vmem>>, vector<1x16xf32>,
      %swap3A_987 = vector.shape_cast %swap3A_986 : vector<1x16xf32> to vector<16xf32>
      %swap3A_988 = vector.shape_cast %get3A_983 : vector<16xf32> to vector<1x16xf32>
      tpu.vector_store %arg14[%swap3A_984, %swap3A_985], %swap3A_988 {add = true, strides = array<i32>} : memref<200x128xf32, #tpu.memory_space<vmem>>, vector<1x16xf32>,
      %get3A_989 = arith.index_cast %scan3A_972 : i32 to index
      %get3A_990 = arith.constant 32 : index
      %get3A_991 = tpu.vector_load %arg9[%get3A_989, %get3A_990] {strides = array<i32>} : memref<200x128xf32, #tpu.memory_space<vmem>>, vector<1x16xf32>,
      %get3A_992 = vector.shape_cast %get3A_991 : vector<1x16xf32> to vector<16xf32>
      %swap3A_993 = arith.index_cast %scan3A_972 : i32 to index
      %swap3A_994 = arith.constant 32 : index
      %swap3A_995 = tpu.vector_load %arg14[%swap3A_993, %swap3A_994] {strides = array<i32>} : memref<200x128xf32, #tpu.memory_space<vmem>>, vector<1x16xf32>,
      %swap3A_996 = vector.shape_cast %swap3A_995 : vector<1x16xf32> to vector<16xf32>
      %swap3A_997 = vector.shape_cast %get3A_992 : vector<16xf32> to vector<1x16xf32>
      tpu.vector_store %arg14[%swap3A_993, %swap3A_994], %swap3A_997 {add = true, strides = array<i32>} : memref<200x128xf32, #tpu.memory_space<vmem>>, vector<1x16xf32>,
      %get3A_998 = arith.index_cast %scan3A_972 : i32 to index
      %get3A_999 = arith.constant 48 : index
      %get3A_1000 = tpu.vector_load %arg9[%get3A_998, %get3A_999] {strides = array<i32>} : memref<200x128xf32, #tpu.memory_space<vmem>>, vector<1x16xf32>,
      %get3A_1001 = vector.shape_cast %get3A_1000 : vector<1x16xf32> to vector<16xf32>
      %swap3A_1002 = arith.index_cast %scan3A_972 : i32 to index
      %swap3A_1003 = arith.constant 48 : index
      %swap3A_1004 = tpu.vector_load %arg14[%swap3A_1002, %swap3A_1003] {strides = array<i32>} : memref<200x128xf32, #tpu.memory_space<vmem>>, vector<1x16xf32>,
      %swap3A_1005 = vector.shape_cast %swap3A_1004 : vector<1x16xf32> to vector<16xf32>
      %swap3A_1006 = vector.shape_cast %get3A_1001 : vector<16xf32> to vector<1x16xf32>
      tpu.vector_store %arg14[%swap3A_1002, %swap3A_1003], %swap3A_1006 {add = true, strides = array<i32>} : memref<200x128xf32, #tpu.memory_space<vmem>>, vector<1x16xf32>,
      %get3A_1007 = arith.index_cast %scan3A_972 : i32 to index
      %get3A_1008 = arith.constant 64 : index
      %get3A_1009 = tpu.vector_load %arg9[%get3A_1007, %get3A_1008] {strides = array<i32>} : memref<200x128xf32, #tpu.memory_space<vmem>>, vector<1x16xf32>,
      %get3A_1010 = vector.shape_cast %get3A_1009 : vector<1x16xf32> to vector<16xf32>
      %swap3A_1011 = arith.index_cast %scan3A_972 : i32 to index
      %swap3A_1012 = arith.constant 64 : index
      %swap3A_1013 = tpu.vector_load %arg14[%swap3A_1011, %swap3A_1012] {strides = array<i32>} : memref<200x128xf32, #tpu.memory_space<vmem>>, vector<1x16xf32>,
      %swap3A_1014 = vector.shape_cast %swap3A_1013 : vector<1x16xf32> to vector<16xf32>
      %swap3A_1015 = vector.shape_cast %get3A_1010 : vector<16xf32> to vector<1x16xf32>
      tpu.vector_store %arg14[%swap3A_1011, %swap3A_1012], %swap3A_1015 {add = true, strides = array<i32>} : memref<200x128xf32, #tpu.memory_space<vmem>>, vector<1x16xf32>,
      %get3A_1016 = arith.index_cast %scan3A_972 : i32 to index
      %get3A_1017 = arith.constant 80 : index
      %get3A_1018 = tpu.vector_load %arg9[%get3A_1016, %get3A_1017] {strides = array<i32>} : memref<200x128xf32, #tpu.memory_space<vmem>>, vector<1x16xf32>,
      %get3A_1019 = vector.shape_cast %get3A_1018 : vector<1x16xf32> to vector<16xf32>
      %swap3A_1020 = arith.index_cast %scan3A_972 : i32 to index
      %swap3A_1021 = arith.constant 80 : index
      %swap3A_1022 = tpu.vector_load %arg14[%swap3A_1020, %swap3A_1021] {strides = array<i32>} : memref<200x128xf32, #tpu.memory_space<vmem>>, vector<1x16xf32>,
      %swap3A_1023 = vector.shape_cast %swap3A_1022 : vector<1x16xf32> to vector<16xf32>
      %swap3A_1024 = vector.shape_cast %get3A_1019 : vector<16xf32> to vector<1x16xf32>
      tpu.vector_store %arg14[%swap3A_1020, %swap3A_1021], %swap3A_1024 {add = true, strides = array<i32>} : memref<200x128xf32, #tpu.memory_space<vmem>>, vector<1x16xf32>,
      %get3A_1025 = arith.index_cast %scan3A_972 : i32 to index
      %get3A_1026 = arith.constant 96 : index
      %get3A_1027 = tpu.vector_load %arg9[%get3A_1025, %get3A_1026] {strides = array<i32>} : memref<200x128xf32, #tpu.memory_space<vmem>>, vector<1x16xf32>,
      %get3A_1028 = vector.shape_cast %get3A_1027 : vector<1x16xf32> to vector<16xf32>
      %swap3A_1029 = arith.index_cast %scan3A_972 : i32 to index
      %swap3A_1030 = arith.constant 96 : index
      %swap3A_1031 = tpu.vector_load %arg14[%swap3A_1029, %swap3A_1030] {strides = array<i32>} : memref<200x128xf32, #tpu.memory_space<vmem>>, vector<1x16xf32>,
      %swap3A_1032 = vector.shape_cast %swap3A_1031 : vector<1x16xf32> to vector<16xf32>
      %swap3A_1033 = vector.shape_cast %get3A_1028 : vector<16xf32> to vector<1x16xf32>
      tpu.vector_store %arg14[%swap3A_1029, %swap3A_1030], %swap3A_1033 {add = true, strides = array<i32>} : memref<200x128xf32, #tpu.memory_space<vmem>>, vector<1x16xf32>,
      %get3A_1034 = arith.index_cast %scan3A_972 : i32 to index
      %get3A_1035 = arith.constant 112 : index
      %get3A_1036 = tpu.vector_load %arg9[%get3A_1034, %get3A_1035] {strides = array<i32>} : memref<200x128xf32, #tpu.memory_space<vmem>>, vector<1x16xf32>,
      %get3A_1037 = vector.shape_cast %get3A_1036 : vector<1x16xf32> to vector<16xf32>
      %swap3A_1038 = arith.index_cast %scan3A_972 : i32 to index
      %swap3A_1039 = arith.constant 112 : index
      %swap3A_1040 = tpu.vector_load %arg14[%swap3A_1038, %swap3A_1039] {strides = array<i32>} : memref<200x128xf32, #tpu.memory_space<vmem>>, vector<1x16xf32>,
      %swap3A_1041 = vector.shape_cast %swap3A_1040 : vector<1x16xf32> to vector<16xf32>
      %swap3A_1042 = vector.shape_cast %get3A_1037 : vector<16xf32> to vector<1x16xf32>
      tpu.vector_store %arg14[%swap3A_1038, %swap3A_1039], %swap3A_1042 {add = true, strides = array<i32>} : memref<200x128xf32, #tpu.memory_space<vmem>>, vector<1x16xf32>,
    }
    %scan3A_347 = arith.constant 200 : i32
    %add3A_348 = arith.constant 28 : i32
    %add3A_349 = arith.addi %mul3A_2, %add3A_348 : i32
    %dma_start3A_350 = arith.constant 0 : i32
    %dma_start3A_351 = arith.constant 0 : i32
    %dma_start3A_352 = tpu.memref_slice %arg7[%add3A_349, %dma_start3A_350, %dma_start3A_351] : memref<1024x200x128xf32, #tpu.memory_space<hbm>> -> memref<1x200x128xf32, #tpu.memory_space<hbm>>
    %dma_start3A_353 = tpu.memref_squeeze %dma_start3A_352 : memref<1x200x128xf32, #tpu.memory_space<hbm>> -> memref<200x128xf32, #tpu.memory_space<hbm>>
    %dma_start3A_354 = arith.constant 0 : i32
    %dma_start3A_355 = arith.constant 0 : i32
    %dma_start3A_356 = tpu.memref_slice %arg7[%add3A_349, %dma_start3A_354, %dma_start3A_355] : memref<1024x200x128xf32, #tpu.memory_space<hbm>> -> memref<1x200x128xf32, #tpu.memory_space<hbm>>
    %dma_start3A_357 = tpu.memref_squeeze %dma_start3A_356 : memref<1x200x128xf32, #tpu.memory_space<hbm>> -> memref<200x128xf32, #tpu.memory_space<hbm>>
    tpu.enqueue_dma source(%arg14 : memref<200x128xf32, #tpu.memory_space<vmem>>) target(%dma_start3A_357 : memref<200x128xf32, #tpu.memory_space<hbm>>) target_semaphore(%arg27 : memref<!tpu.dma_semaphore, #tpu.memory_space<semaphore_mem>>)
    %dma_wait3A_358 = arith.constant 0 : i32
    %dma_wait3A_359 = tpu.memref_slice %arg2[%mul3A_2, %dma_wait3A_358] : memref<1024x200xi32, #tpu.memory_space<hbm>> -> memref<1x200xi32, #tpu.memory_space<hbm>>
    %dma_wait3A_360 = tpu.memref_squeeze %dma_wait3A_359 : memref<1x200xi32, #tpu.memory_space<hbm>> -> memref<200xi32, #tpu.memory_space<hbm>>
    %dma_wait3A_361 = arith.constant 0 : i32
    %dma_wait3A_362 = tpu.memref_slice %arg2[%mul3A_2, %dma_wait3A_361] : memref<1024x200xi32, #tpu.memory_space<hbm>> -> memref<1x200xi32, #tpu.memory_space<hbm>>
    %dma_wait3A_363 = tpu.memref_squeeze %dma_wait3A_362 : memref<1x200xi32, #tpu.memory_space<hbm>> -> memref<200xi32, #tpu.memory_space<hbm>>
    tpu.wait_dma2 semaphore(%arg22 : memref<!tpu.dma_semaphore, #tpu.memory_space<semaphore_mem>>) src(%dma_wait3A_363 : memref<200xi32, #tpu.memory_space<hbm>>) dst(%arg13 : memref<200xi32, #tpu.memory_space<vmem>>)
    %dma_wait3A_364 = arith.constant 0 : i32
    %dma_wait3A_365 = arith.constant 0 : i32
    %dma_wait3A_366 = tpu.memref_slice %arg7[%mul3A_2, %dma_wait3A_364, %dma_wait3A_365] : memref<1024x200x128xf32, #tpu.memory_space<hbm>> -> memref<1x200x128xf32, #tpu.memory_space<hbm>>
    %dma_wait3A_367 = tpu.memref_squeeze %dma_wait3A_366 : memref<1x200x128xf32, #tpu.memory_space<hbm>> -> memref<200x128xf32, #tpu.memory_space<hbm>>
    %dma_wait3A_368 = arith.constant 0 : i32
    %dma_wait3A_369 = arith.constant 0 : i32
    %dma_wait3A_370 = tpu.memref_slice %arg7[%mul3A_2, %dma_wait3A_368, %dma_wait3A_369] : memref<1024x200x128xf32, #tpu.memory_space<hbm>> -> memref<1x200x128xf32, #tpu.memory_space<hbm>>
    %dma_wait3A_371 = tpu.memref_squeeze %dma_wait3A_370 : memref<1x200x128xf32, #tpu.memory_space<hbm>> -> memref<200x128xf32, #tpu.memory_space<hbm>>
    tpu.wait_dma2 semaphore(%arg30 : memref<!tpu.dma_semaphore, #tpu.memory_space<semaphore_mem>>) src(%arg17 : memref<200x128xf32, #tpu.memory_space<vmem>>) dst(%dma_wait3A_371 : memref<200x128xf32, #tpu.memory_space<hbm>>)
    %dma_start3A_372 = arith.constant 0 : i32
    %dma_start3A_373 = arith.constant 0 : i32
    %dma_start3A_374 = tpu.memref_slice %arg17[%dma_start3A_372, %dma_start3A_373] : memref<200x128xf32, #tpu.memory_space<vmem>> -> memref<128x128xf32, #tpu.memory_space<vmem>>
    %dma_start3A_375 = arith.constant 0 : i32
    %dma_start3A_376 = tpu.memref_slice %arg13[%dma_start3A_375] : memref<200xi32, #tpu.memory_space<vmem>> -> memref<128xi32, #tpu.memory_space<vmem>>
    %dma_start3A_377 = arith.constant 0 : i32
    %dma_start3A_378 = arith.constant 0 : i32
    %dma_start3A_379 = tpu.memref_slice %arg4[%dma_start3A_377, %dma_start3A_378] : memref<100000x128xf32, #tpu.memory_space<hbm>> -> memref<100000x128xf32, #tpu.memory_space<hbm>>
    tpu.enqueue_indirect_dma source(%dma_start3A_379 : memref<100000x128xf32, #tpu.memory_space<hbm>>) target(%dma_start3A_374 : memref<128x128xf32, #tpu.memory_space<vmem>>) offsets(%dma_start3A_376 : memref<128xi32, #tpu.memory_space<vmem>>) semaphore(%arg26 : memref<!tpu.dma_semaphore, #tpu.memory_space<semaphore_mem>>)
    %dma_start3A_380 = arith.constant 128 : i32
    %dma_start3A_381 = arith.constant 0 : i32
    %dma_start3A_382 = tpu.memref_slice %arg17[%dma_start3A_380, %dma_start3A_381] : memref<200x128xf32, #tpu.memory_space<vmem>> -> memref<72x128xf32, #tpu.memory_space<vmem>>
    %dma_start3A_383 = arith.constant 128 : i32
    %dma_start3A_384 = tpu.memref_slice %arg13[%dma_start3A_383] : memref<200xi32, #tpu.memory_space<vmem>> -> memref<72xi32, #tpu.memory_space<vmem>>
    %dma_start3A_385 = arith.constant 0 : i32
    %dma_start3A_386 = arith.constant 0 : i32
    %dma_start3A_387 = tpu.memref_slice %arg4[%dma_start3A_385, %dma_start3A_386] : memref<100000x128xf32, #tpu.memory_space<hbm>> -> memref<100000x128xf32, #tpu.memory_space<hbm>>
    tpu.enqueue_indirect_dma source(%dma_start3A_387 : memref<100000x128xf32, #tpu.memory_space<hbm>>) target(%dma_start3A_382 : memref<72x128xf32, #tpu.memory_space<vmem>>) offsets(%dma_start3A_384 : memref<72xi32, #tpu.memory_space<vmem>>) semaphore(%arg26 : memref<!tpu.dma_semaphore, #tpu.memory_space<semaphore_mem>>)
    %dma_wait3A_388 = arith.constant 0 : i32
    %dma_wait3A_389 = arith.constant 0 : i32
    %dma_wait3A_390 = tpu.memref_slice %arg4[%dma_wait3A_388, %dma_wait3A_389] : memref<100000x128xf32, #tpu.memory_space<hbm>> -> memref<200x128xf32, #tpu.memory_space<hbm>>
    %dma_wait3A_391 = arith.constant 0 : i32
    %dma_wait3A_392 = arith.constant 0 : i32
    %dma_wait3A_393 = tpu.memref_slice %arg4[%dma_wait3A_391, %dma_wait3A_392] : memref<100000x128xf32, #tpu.memory_space<hbm>> -> memref<200x128xf32, #tpu.memory_space<hbm>>
    tpu.wait_dma2 semaphore(%arg24 : memref<!tpu.dma_semaphore, #tpu.memory_space<semaphore_mem>>) src(%dma_wait3A_393 : memref<200x128xf32, #tpu.memory_space<hbm>>) dst(%arg15 : memref<200x128xf32, #tpu.memory_space<vmem>>)
    %scan3A_394 = arith.constant 0 : i32
    %scan3A_395 = arith.constant 0 : i32
    %scan3A_396 = arith.constant 200 : i32
    %scan3A_397 = arith.addi %scan3A_395, %scan3A_396 : i32
    %scan3A_398 = arith.constant 1 : i32
    scf.for %scan3A_972 = %scan3A_395 to %scan3A_397 step %scan3A_398  : i32 {
      %get3A = arith.index_cast %scan3A_972 : i32 to index
      %get3A_973 = arith.constant 0 : index
      %get3A_974 = tpu.vector_load %arg9[%get3A, %get3A_973] {strides = array<i32>} : memref<200x128xf32, #tpu.memory_space<vmem>>, vector<1x16xf32>,
      %get3A_975 = vector.shape_cast %get3A_974 : vector<1x16xf32> to vector<16xf32>
      %swap3A = arith.index_cast %scan3A_972 : i32 to index
      %swap3A_976 = arith.constant 0 : index
      %swap3A_977 = tpu.vector_load %arg15[%swap3A, %swap3A_976] {strides = array<i32>} : memref<200x128xf32, #tpu.memory_space<vmem>>, vector<1x16xf32>,
      %swap3A_978 = vector.shape_cast %swap3A_977 : vector<1x16xf32> to vector<16xf32>
      %swap3A_979 = vector.shape_cast %get3A_975 : vector<16xf32> to vector<1x16xf32>
      tpu.vector_store %arg15[%swap3A, %swap3A_976], %swap3A_979 {add = true, strides = array<i32>} : memref<200x128xf32, #tpu.memory_space<vmem>>, vector<1x16xf32>,
      %get3A_980 = arith.index_cast %scan3A_972 : i32 to index
      %get3A_981 = arith.constant 16 : index
      %get3A_982 = tpu.vector_load %arg9[%get3A_980, %get3A_981] {strides = array<i32>} : memref<200x128xf32, #tpu.memory_space<vmem>>, vector<1x16xf32>,
      %get3A_983 = vector.shape_cast %get3A_982 : vector<1x16xf32> to vector<16xf32>
      %swap3A_984 = arith.index_cast %scan3A_972 : i32 to index
      %swap3A_985 = arith.constant 16 : index
      %swap3A_986 = tpu.vector_load %arg15[%swap3A_984, %swap3A_985] {strides = array<i32>} : memref<200x128xf32, #tpu.memory_space<vmem>>, vector<1x16xf32>,
      %swap3A_987 = vector.shape_cast %swap3A_986 : vector<1x16xf32> to vector<16xf32>
      %swap3A_988 = vector.shape_cast %get3A_983 : vector<16xf32> to vector<1x16xf32>
      tpu.vector_store %arg15[%swap3A_984, %swap3A_985], %swap3A_988 {add = true, strides = array<i32>} : memref<200x128xf32, #tpu.memory_space<vmem>>, vector<1x16xf32>,
      %get3A_989 = arith.index_cast %scan3A_972 : i32 to index
      %get3A_990 = arith.constant 32 : index
      %get3A_991 = tpu.vector_load %arg9[%get3A_989, %get3A_990] {strides = array<i32>} : memref<200x128xf32, #tpu.memory_space<vmem>>, vector<1x16xf32>,
      %get3A_992 = vector.shape_cast %get3A_991 : vector<1x16xf32> to vector<16xf32>
      %swap3A_993 = arith.index_cast %scan3A_972 : i32 to index
      %swap3A_994 = arith.constant 32 : index
      %swap3A_995 = tpu.vector_load %arg15[%swap3A_993, %swap3A_994] {strides = array<i32>} : memref<200x128xf32, #tpu.memory_space<vmem>>, vector<1x16xf32>,
      %swap3A_996 = vector.shape_cast %swap3A_995 : vector<1x16xf32> to vector<16xf32>
      %swap3A_997 = vector.shape_cast %get3A_992 : vector<16xf32> to vector<1x16xf32>
      tpu.vector_store %arg15[%swap3A_993, %swap3A_994], %swap3A_997 {add = true, strides = array<i32>} : memref<200x128xf32, #tpu.memory_space<vmem>>, vector<1x16xf32>,
      %get3A_998 = arith.index_cast %scan3A_972 : i32 to index
      %get3A_999 = arith.constant 48 : index
      %get3A_1000 = tpu.vector_load %arg9[%get3A_998, %get3A_999] {strides = array<i32>} : memref<200x128xf32, #tpu.memory_space<vmem>>, vector<1x16xf32>,
      %get3A_1001 = vector.shape_cast %get3A_1000 : vector<1x16xf32> to vector<16xf32>
      %swap3A_1002 = arith.index_cast %scan3A_972 : i32 to index
      %swap3A_1003 = arith.constant 48 : index
      %swap3A_1004 = tpu.vector_load %arg15[%swap3A_1002, %swap3A_1003] {strides = array<i32>} : memref<200x128xf32, #tpu.memory_space<vmem>>, vector<1x16xf32>,
      %swap3A_1005 = vector.shape_cast %swap3A_1004 : vector<1x16xf32> to vector<16xf32>
      %swap3A_1006 = vector.shape_cast %get3A_1001 : vector<16xf32> to vector<1x16xf32>
      tpu.vector_store %arg15[%swap3A_1002, %swap3A_1003], %swap3A_1006 {add = true, strides = array<i32>} : memref<200x128xf32, #tpu.memory_space<vmem>>, vector<1x16xf32>,
      %get3A_1007 = arith.index_cast %scan3A_972 : i32 to index
      %get3A_1008 = arith.constant 64 : index
      %get3A_1009 = tpu.vector_load %arg9[%get3A_1007, %get3A_1008] {strides = array<i32>} : memref<200x128xf32, #tpu.memory_space<vmem>>, vector<1x16xf32>,
      %get3A_1010 = vector.shape_cast %get3A_1009 : vector<1x16xf32> to vector<16xf32>
      %swap3A_1011 = arith.index_cast %scan3A_972 : i32 to index
      %swap3A_1012 = arith.constant 64 : index
      %swap3A_1013 = tpu.vector_load %arg15[%swap3A_1011, %swap3A_1012] {strides = array<i32>} : memref<200x128xf32, #tpu.memory_space<vmem>>, vector<1x16xf32>,
      %swap3A_1014 = vector.shape_cast %swap3A_1013 : vector<1x16xf32> to vector<16xf32>
      %swap3A_1015 = vector.shape_cast %get3A_1010 : vector<16xf32> to vector<1x16xf32>
      tpu.vector_store %arg15[%swap3A_1011, %swap3A_1012], %swap3A_1015 {add = true, strides = array<i32>} : memref<200x128xf32, #tpu.memory_space<vmem>>, vector<1x16xf32>,
      %get3A_1016 = arith.index_cast %scan3A_972 : i32 to index
      %get3A_1017 = arith.constant 80 : index
      %get3A_1018 = tpu.vector_load %arg9[%get3A_1016, %get3A_1017] {strides = array<i32>} : memref<200x128xf32, #tpu.memory_space<vmem>>, vector<1x16xf32>,
      %get3A_1019 = vector.shape_cast %get3A_1018 : vector<1x16xf32> to vector<16xf32>
      %swap3A_1020 = arith.index_cast %scan3A_972 : i32 to index
      %swap3A_1021 = arith.constant 80 : index
      %swap3A_1022 = tpu.vector_load %arg15[%swap3A_1020, %swap3A_1021] {strides = array<i32>} : memref<200x128xf32, #tpu.memory_space<vmem>>, vector<1x16xf32>,
      %swap3A_1023 = vector.shape_cast %swap3A_1022 : vector<1x16xf32> to vector<16xf32>
      %swap3A_1024 = vector.shape_cast %get3A_1019 : vector<16xf32> to vector<1x16xf32>
      tpu.vector_store %arg15[%swap3A_1020, %swap3A_1021], %swap3A_1024 {add = true, strides = array<i32>} : memref<200x128xf32, #tpu.memory_space<vmem>>, vector<1x16xf32>,
      %get3A_1025 = arith.index_cast %scan3A_972 : i32 to index
      %get3A_1026 = arith.constant 96 : index
      %get3A_1027 = tpu.vector_load %arg9[%get3A_1025, %get3A_1026] {strides = array<i32>} : memref<200x128xf32, #tpu.memory_space<vmem>>, vector<1x16xf32>,
      %get3A_1028 = vector.shape_cast %get3A_1027 : vector<1x16xf32> to vector<16xf32>
      %swap3A_1029 = arith.index_cast %scan3A_972 : i32 to index
      %swap3A_1030 = arith.constant 96 : index
      %swap3A_1031 = tpu.vector_load %arg15[%swap3A_1029, %swap3A_1030] {strides = array<i32>} : memref<200x128xf32, #tpu.memory_space<vmem>>, vector<1x16xf32>,
      %swap3A_1032 = vector.shape_cast %swap3A_1031 : vector<1x16xf32> to vector<16xf32>
      %swap3A_1033 = vector.shape_cast %get3A_1028 : vector<16xf32> to vector<1x16xf32>
      tpu.vector_store %arg15[%swap3A_1029, %swap3A_1030], %swap3A_1033 {add = true, strides = array<i32>} : memref<200x128xf32, #tpu.memory_space<vmem>>, vector<1x16xf32>,
      %get3A_1034 = arith.index_cast %scan3A_972 : i32 to index
      %get3A_1035 = arith.constant 112 : index
      %get3A_1036 = tpu.vector_load %arg9[%get3A_1034, %get3A_1035] {strides = array<i32>} : memref<200x128xf32, #tpu.memory_space<vmem>>, vector<1x16xf32>,
      %get3A_1037 = vector.shape_cast %get3A_1036 : vector<1x16xf32> to vector<16xf32>
      %swap3A_1038 = arith.index_cast %scan3A_972 : i32 to index
      %swap3A_1039 = arith.constant 112 : index
      %swap3A_1040 = tpu.vector_load %arg15[%swap3A_1038, %swap3A_1039] {strides = array<i32>} : memref<200x128xf32, #tpu.memory_space<vmem>>, vector<1x16xf32>,
      %swap3A_1041 = vector.shape_cast %swap3A_1040 : vector<1x16xf32> to vector<16xf32>
      %swap3A_1042 = vector.shape_cast %get3A_1037 : vector<16xf32> to vector<1x16xf32>
      tpu.vector_store %arg15[%swap3A_1038, %swap3A_1039], %swap3A_1042 {add = true, strides = array<i32>} : memref<200x128xf32, #tpu.memory_space<vmem>>, vector<1x16xf32>,
    }
    %scan3A_399 = arith.constant 200 : i32
    %add3A_400 = arith.constant 29 : i32
    %add3A_401 = arith.addi %mul3A_2, %add3A_400 : i32
    %dma_start3A_402 = arith.constant 0 : i32
    %dma_start3A_403 = arith.constant 0 : i32
    %dma_start3A_404 = tpu.memref_slice %arg7[%add3A_401, %dma_start3A_402, %dma_start3A_403] : memref<1024x200x128xf32, #tpu.memory_space<hbm>> -> memref<1x200x128xf32, #tpu.memory_space<hbm>>
    %dma_start3A_405 = tpu.memref_squeeze %dma_start3A_404 : memref<1x200x128xf32, #tpu.memory_space<hbm>> -> memref<200x128xf32, #tpu.memory_space<hbm>>
    %dma_start3A_406 = arith.constant 0 : i32
    %dma_start3A_407 = arith.constant 0 : i32
    %dma_start3A_408 = tpu.memref_slice %arg7[%add3A_401, %dma_start3A_406, %dma_start3A_407] : memref<1024x200x128xf32, #tpu.memory_space<hbm>> -> memref<1x200x128xf32, #tpu.memory_space<hbm>>
    %dma_start3A_409 = tpu.memref_squeeze %dma_start3A_408 : memref<1x200x128xf32, #tpu.memory_space<hbm>> -> memref<200x128xf32, #tpu.memory_space<hbm>>
    tpu.enqueue_dma source(%arg15 : memref<200x128xf32, #tpu.memory_space<vmem>>) target(%dma_start3A_409 : memref<200x128xf32, #tpu.memory_space<hbm>>) target_semaphore(%arg28 : memref<!tpu.dma_semaphore, #tpu.memory_space<semaphore_mem>>)
    %dma_wait3A_410 = arith.constant 0 : i32
    %dma_wait3A_411 = arith.constant 0 : i32
    %dma_wait3A_412 = tpu.memref_slice %arg4[%dma_wait3A_410, %dma_wait3A_411] : memref<100000x128xf32, #tpu.memory_space<hbm>> -> memref<200x128xf32, #tpu.memory_space<hbm>>
    %dma_wait3A_413 = arith.constant 0 : i32
    %dma_wait3A_414 = arith.constant 0 : i32
    %dma_wait3A_415 = tpu.memref_slice %arg4[%dma_wait3A_413, %dma_wait3A_414] : memref<100000x128xf32, #tpu.memory_space<hbm>> -> memref<200x128xf32, #tpu.memory_space<hbm>>
    tpu.wait_dma2 semaphore(%arg25 : memref<!tpu.dma_semaphore, #tpu.memory_space<semaphore_mem>>) src(%dma_wait3A_415 : memref<200x128xf32, #tpu.memory_space<hbm>>) dst(%arg16 : memref<200x128xf32, #tpu.memory_space<vmem>>)
    %scan3A_416 = arith.constant 0 : i32
    %scan3A_417 = arith.constant 0 : i32
    %scan3A_418 = arith.constant 200 : i32
    %scan3A_419 = arith.addi %scan3A_417, %scan3A_418 : i32
    %scan3A_420 = arith.constant 1 : i32
    scf.for %scan3A_972 = %scan3A_417 to %scan3A_419 step %scan3A_420  : i32 {
      %get3A = arith.index_cast %scan3A_972 : i32 to index
      %get3A_973 = arith.constant 0 : index
      %get3A_974 = tpu.vector_load %arg9[%get3A, %get3A_973] {strides = array<i32>} : memref<200x128xf32, #tpu.memory_space<vmem>>, vector<1x16xf32>,
      %get3A_975 = vector.shape_cast %get3A_974 : vector<1x16xf32> to vector<16xf32>
      %swap3A = arith.index_cast %scan3A_972 : i32 to index
      %swap3A_976 = arith.constant 0 : index
      %swap3A_977 = tpu.vector_load %arg16[%swap3A, %swap3A_976] {strides = array<i32>} : memref<200x128xf32, #tpu.memory_space<vmem>>, vector<1x16xf32>,
      %swap3A_978 = vector.shape_cast %swap3A_977 : vector<1x16xf32> to vector<16xf32>
      %swap3A_979 = vector.shape_cast %get3A_975 : vector<16xf32> to vector<1x16xf32>
      tpu.vector_store %arg16[%swap3A, %swap3A_976], %swap3A_979 {add = true, strides = array<i32>} : memref<200x128xf32, #tpu.memory_space<vmem>>, vector<1x16xf32>,
      %get3A_980 = arith.index_cast %scan3A_972 : i32 to index
      %get3A_981 = arith.constant 16 : index
      %get3A_982 = tpu.vector_load %arg9[%get3A_980, %get3A_981] {strides = array<i32>} : memref<200x128xf32, #tpu.memory_space<vmem>>, vector<1x16xf32>,
      %get3A_983 = vector.shape_cast %get3A_982 : vector<1x16xf32> to vector<16xf32>
      %swap3A_984 = arith.index_cast %scan3A_972 : i32 to index
      %swap3A_985 = arith.constant 16 : index
      %swap3A_986 = tpu.vector_load %arg16[%swap3A_984, %swap3A_985] {strides = array<i32>} : memref<200x128xf32, #tpu.memory_space<vmem>>, vector<1x16xf32>,
      %swap3A_987 = vector.shape_cast %swap3A_986 : vector<1x16xf32> to vector<16xf32>
      %swap3A_988 = vector.shape_cast %get3A_983 : vector<16xf32> to vector<1x16xf32>
      tpu.vector_store %arg16[%swap3A_984, %swap3A_985], %swap3A_988 {add = true, strides = array<i32>} : memref<200x128xf32, #tpu.memory_space<vmem>>, vector<1x16xf32>,
      %get3A_989 = arith.index_cast %scan3A_972 : i32 to index
      %get3A_990 = arith.constant 32 : index
      %get3A_991 = tpu.vector_load %arg9[%get3A_989, %get3A_990] {strides = array<i32>} : memref<200x128xf32, #tpu.memory_space<vmem>>, vector<1x16xf32>,
      %get3A_992 = vector.shape_cast %get3A_991 : vector<1x16xf32> to vector<16xf32>
      %swap3A_993 = arith.index_cast %scan3A_972 : i32 to index
      %swap3A_994 = arith.constant 32 : index
      %swap3A_995 = tpu.vector_load %arg16[%swap3A_993, %swap3A_994] {strides = array<i32>} : memref<200x128xf32, #tpu.memory_space<vmem>>, vector<1x16xf32>,
      %swap3A_996 = vector.shape_cast %swap3A_995 : vector<1x16xf32> to vector<16xf32>
      %swap3A_997 = vector.shape_cast %get3A_992 : vector<16xf32> to vector<1x16xf32>
      tpu.vector_store %arg16[%swap3A_993, %swap3A_994], %swap3A_997 {add = true, strides = array<i32>} : memref<200x128xf32, #tpu.memory_space<vmem>>, vector<1x16xf32>,
      %get3A_998 = arith.index_cast %scan3A_972 : i32 to index
      %get3A_999 = arith.constant 48 : index
      %get3A_1000 = tpu.vector_load %arg9[%get3A_998, %get3A_999] {strides = array<i32>} : memref<200x128xf32, #tpu.memory_space<vmem>>, vector<1x16xf32>,
      %get3A_1001 = vector.shape_cast %get3A_1000 : vector<1x16xf32> to vector<16xf32>
      %swap3A_1002 = arith.index_cast %scan3A_972 : i32 to index
      %swap3A_1003 = arith.constant 48 : index
      %swap3A_1004 = tpu.vector_load %arg16[%swap3A_1002, %swap3A_1003] {strides = array<i32>} : memref<200x128xf32, #tpu.memory_space<vmem>>, vector<1x16xf32>,
      %swap3A_1005 = vector.shape_cast %swap3A_1004 : vector<1x16xf32> to vector<16xf32>
      %swap3A_1006 = vector.shape_cast %get3A_1001 : vector<16xf32> to vector<1x16xf32>
      tpu.vector_store %arg16[%swap3A_1002, %swap3A_1003], %swap3A_1006 {add = true, strides = array<i32>} : memref<200x128xf32, #tpu.memory_space<vmem>>, vector<1x16xf32>,
      %get3A_1007 = arith.index_cast %scan3A_972 : i32 to index
      %get3A_1008 = arith.constant 64 : index
      %get3A_1009 = tpu.vector_load %arg9[%get3A_1007, %get3A_1008] {strides = array<i32>} : memref<200x128xf32, #tpu.memory_space<vmem>>, vector<1x16xf32>,
      %get3A_1010 = vector.shape_cast %get3A_1009 : vector<1x16xf32> to vector<16xf32>
      %swap3A_1011 = arith.index_cast %scan3A_972 : i32 to index
      %swap3A_1012 = arith.constant 64 : index
      %swap3A_1013 = tpu.vector_load %arg16[%swap3A_1011, %swap3A_1012] {strides = array<i32>} : memref<200x128xf32, #tpu.memory_space<vmem>>, vector<1x16xf32>,
      %swap3A_1014 = vector.shape_cast %swap3A_1013 : vector<1x16xf32> to vector<16xf32>
      %swap3A_1015 = vector.shape_cast %get3A_1010 : vector<16xf32> to vector<1x16xf32>
      tpu.vector_store %arg16[%swap3A_1011, %swap3A_1012], %swap3A_1015 {add = true, strides = array<i32>} : memref<200x128xf32, #tpu.memory_space<vmem>>, vector<1x16xf32>,
      %get3A_1016 = arith.index_cast %scan3A_972 : i32 to index
      %get3A_1017 = arith.constant 80 : index
      %get3A_1018 = tpu.vector_load %arg9[%get3A_1016, %get3A_1017] {strides = array<i32>} : memref<200x128xf32, #tpu.memory_space<vmem>>, vector<1x16xf32>,
      %get3A_1019 = vector.shape_cast %get3A_1018 : vector<1x16xf32> to vector<16xf32>
      %swap3A_1020 = arith.index_cast %scan3A_972 : i32 to index
      %swap3A_1021 = arith.constant 80 : index
      %swap3A_1022 = tpu.vector_load %arg16[%swap3A_1020, %swap3A_1021] {strides = array<i32>} : memref<200x128xf32, #tpu.memory_space<vmem>>, vector<1x16xf32>,
      %swap3A_1023 = vector.shape_cast %swap3A_1022 : vector<1x16xf32> to vector<16xf32>
      %swap3A_1024 = vector.shape_cast %get3A_1019 : vector<16xf32> to vector<1x16xf32>
      tpu.vector_store %arg16[%swap3A_1020, %swap3A_1021], %swap3A_1024 {add = true, strides = array<i32>} : memref<200x128xf32, #tpu.memory_space<vmem>>, vector<1x16xf32>,
      %get3A_1025 = arith.index_cast %scan3A_972 : i32 to index
      %get3A_1026 = arith.constant 96 : index
      %get3A_1027 = tpu.vector_load %arg9[%get3A_1025, %get3A_1026] {strides = array<i32>} : memref<200x128xf32, #tpu.memory_space<vmem>>, vector<1x16xf32>,
      %get3A_1028 = vector.shape_cast %get3A_1027 : vector<1x16xf32> to vector<16xf32>
      %swap3A_1029 = arith.index_cast %scan3A_972 : i32 to index
      %swap3A_1030 = arith.constant 96 : index
      %swap3A_1031 = tpu.vector_load %arg16[%swap3A_1029, %swap3A_1030] {strides = array<i32>} : memref<200x128xf32, #tpu.memory_space<vmem>>, vector<1x16xf32>,
      %swap3A_1032 = vector.shape_cast %swap3A_1031 : vector<1x16xf32> to vector<16xf32>
      %swap3A_1033 = vector.shape_cast %get3A_1028 : vector<16xf32> to vector<1x16xf32>
      tpu.vector_store %arg16[%swap3A_1029, %swap3A_1030], %swap3A_1033 {add = true, strides = array<i32>} : memref<200x128xf32, #tpu.memory_space<vmem>>, vector<1x16xf32>,
      %get3A_1034 = arith.index_cast %scan3A_972 : i32 to index
      %get3A_1035 = arith.constant 112 : index
      %get3A_1036 = tpu.vector_load %arg9[%get3A_1034, %get3A_1035] {strides = array<i32>} : memref<200x128xf32, #tpu.memory_space<vmem>>, vector<1x16xf32>,
      %get3A_1037 = vector.shape_cast %get3A_1036 : vector<1x16xf32> to vector<16xf32>
      %swap3A_1038 = arith.index_cast %scan3A_972 : i32 to index
      %swap3A_1039 = arith.constant 112 : index
      %swap3A_1040 = tpu.vector_load %arg16[%swap3A_1038, %swap3A_1039] {strides = array<i32>} : memref<200x128xf32, #tpu.memory_space<vmem>>, vector<1x16xf32>,
      %swap3A_1041 = vector.shape_cast %swap3A_1040 : vector<1x16xf32> to vector<16xf32>
      %swap3A_1042 = vector.shape_cast %get3A_1037 : vector<16xf32> to vector<1x16xf32>
      tpu.vector_store %arg16[%swap3A_1038, %swap3A_1039], %swap3A_1042 {add = true, strides = array<i32>} : memref<200x128xf32, #tpu.memory_space<vmem>>, vector<1x16xf32>,
    }
    %scan3A_421 = arith.constant 200 : i32
    %add3A_422 = arith.constant 30 : i32
    %add3A_423 = arith.addi %mul3A_2, %add3A_422 : i32
    %dma_start3A_424 = arith.constant 0 : i32
    %dma_start3A_425 = arith.constant 0 : i32
    %dma_start3A_426 = tpu.memref_slice %arg7[%add3A_423, %dma_start3A_424, %dma_start3A_425] : memref<1024x200x128xf32, #tpu.memory_space<hbm>> -> memref<1x200x128xf32, #tpu.memory_space<hbm>>
    %dma_start3A_427 = tpu.memref_squeeze %dma_start3A_426 : memref<1x200x128xf32, #tpu.memory_space<hbm>> -> memref<200x128xf32, #tpu.memory_space<hbm>>
    %dma_start3A_428 = arith.constant 0 : i32
    %dma_start3A_429 = arith.constant 0 : i32
    %dma_start3A_430 = tpu.memref_slice %arg7[%add3A_423, %dma_start3A_428, %dma_start3A_429] : memref<1024x200x128xf32, #tpu.memory_space<hbm>> -> memref<1x200x128xf32, #tpu.memory_space<hbm>>
    %dma_start3A_431 = tpu.memref_squeeze %dma_start3A_430 : memref<1x200x128xf32, #tpu.memory_space<hbm>> -> memref<200x128xf32, #tpu.memory_space<hbm>>
    tpu.enqueue_dma source(%arg16 : memref<200x128xf32, #tpu.memory_space<vmem>>) target(%dma_start3A_431 : memref<200x128xf32, #tpu.memory_space<hbm>>) target_semaphore(%arg29 : memref<!tpu.dma_semaphore, #tpu.memory_space<semaphore_mem>>)
    %dma_wait3A_432 = arith.constant 0 : i32
    %dma_wait3A_433 = arith.constant 0 : i32
    %dma_wait3A_434 = tpu.memref_slice %arg4[%dma_wait3A_432, %dma_wait3A_433] : memref<100000x128xf32, #tpu.memory_space<hbm>> -> memref<200x128xf32, #tpu.memory_space<hbm>>
    %dma_wait3A_435 = arith.constant 0 : i32
    %dma_wait3A_436 = arith.constant 0 : i32
    %dma_wait3A_437 = tpu.memref_slice %arg4[%dma_wait3A_435, %dma_wait3A_436] : memref<100000x128xf32, #tpu.memory_space<hbm>> -> memref<200x128xf32, #tpu.memory_space<hbm>>
    tpu.wait_dma2 semaphore(%arg26 : memref<!tpu.dma_semaphore, #tpu.memory_space<semaphore_mem>>) src(%dma_wait3A_437 : memref<200x128xf32, #tpu.memory_space<hbm>>) dst(%arg17 : memref<200x128xf32, #tpu.memory_space<vmem>>)
    %scan3A_438 = arith.constant 0 : i32
    %scan3A_439 = arith.constant 0 : i32
    %scan3A_440 = arith.constant 200 : i32
    %scan3A_441 = arith.addi %scan3A_439, %scan3A_440 : i32
    %scan3A_442 = arith.constant 1 : i32
    scf.for %scan3A_972 = %scan3A_439 to %scan3A_441 step %scan3A_442  : i32 {
      %get3A = arith.index_cast %scan3A_972 : i32 to index
      %get3A_973 = arith.constant 0 : index
      %get3A_974 = tpu.vector_load %arg9[%get3A, %get3A_973] {strides = array<i32>} : memref<200x128xf32, #tpu.memory_space<vmem>>, vector<1x16xf32>,
      %get3A_975 = vector.shape_cast %get3A_974 : vector<1x16xf32> to vector<16xf32>
      %swap3A = arith.index_cast %scan3A_972 : i32 to index
      %swap3A_976 = arith.constant 0 : index
      %swap3A_977 = tpu.vector_load %arg17[%swap3A, %swap3A_976] {strides = array<i32>} : memref<200x128xf32, #tpu.memory_space<vmem>>, vector<1x16xf32>,
      %swap3A_978 = vector.shape_cast %swap3A_977 : vector<1x16xf32> to vector<16xf32>
      %swap3A_979 = vector.shape_cast %get3A_975 : vector<16xf32> to vector<1x16xf32>
      tpu.vector_store %arg17[%swap3A, %swap3A_976], %swap3A_979 {add = true, strides = array<i32>} : memref<200x128xf32, #tpu.memory_space<vmem>>, vector<1x16xf32>,
      %get3A_980 = arith.index_cast %scan3A_972 : i32 to index
      %get3A_981 = arith.constant 16 : index
      %get3A_982 = tpu.vector_load %arg9[%get3A_980, %get3A_981] {strides = array<i32>} : memref<200x128xf32, #tpu.memory_space<vmem>>, vector<1x16xf32>,
      %get3A_983 = vector.shape_cast %get3A_982 : vector<1x16xf32> to vector<16xf32>
      %swap3A_984 = arith.index_cast %scan3A_972 : i32 to index
      %swap3A_985 = arith.constant 16 : index
      %swap3A_986 = tpu.vector_load %arg17[%swap3A_984, %swap3A_985] {strides = array<i32>} : memref<200x128xf32, #tpu.memory_space<vmem>>, vector<1x16xf32>,
      %swap3A_987 = vector.shape_cast %swap3A_986 : vector<1x16xf32> to vector<16xf32>
      %swap3A_988 = vector.shape_cast %get3A_983 : vector<16xf32> to vector<1x16xf32>
      tpu.vector_store %arg17[%swap3A_984, %swap3A_985], %swap3A_988 {add = true, strides = array<i32>} : memref<200x128xf32, #tpu.memory_space<vmem>>, vector<1x16xf32>,
      %get3A_989 = arith.index_cast %scan3A_972 : i32 to index
      %get3A_990 = arith.constant 32 : index
      %get3A_991 = tpu.vector_load %arg9[%get3A_989, %get3A_990] {strides = array<i32>} : memref<200x128xf32, #tpu.memory_space<vmem>>, vector<1x16xf32>,
      %get3A_992 = vector.shape_cast %get3A_991 : vector<1x16xf32> to vector<16xf32>
      %swap3A_993 = arith.index_cast %scan3A_972 : i32 to index
      %swap3A_994 = arith.constant 32 : index
      %swap3A_995 = tpu.vector_load %arg17[%swap3A_993, %swap3A_994] {strides = array<i32>} : memref<200x128xf32, #tpu.memory_space<vmem>>, vector<1x16xf32>,
      %swap3A_996 = vector.shape_cast %swap3A_995 : vector<1x16xf32> to vector<16xf32>
      %swap3A_997 = vector.shape_cast %get3A_992 : vector<16xf32> to vector<1x16xf32>
      tpu.vector_store %arg17[%swap3A_993, %swap3A_994], %swap3A_997 {add = true, strides = array<i32>} : memref<200x128xf32, #tpu.memory_space<vmem>>, vector<1x16xf32>,
      %get3A_998 = arith.index_cast %scan3A_972 : i32 to index
      %get3A_999 = arith.constant 48 : index
      %get3A_1000 = tpu.vector_load %arg9[%get3A_998, %get3A_999] {strides = array<i32>} : memref<200x128xf32, #tpu.memory_space<vmem>>, vector<1x16xf32>,
      %get3A_1001 = vector.shape_cast %get3A_1000 : vector<1x16xf32> to vector<16xf32>
      %swap3A_1002 = arith.index_cast %scan3A_972 : i32 to index
      %swap3A_1003 = arith.constant 48 : index
      %swap3A_1004 = tpu.vector_load %arg17[%swap3A_1002, %swap3A_1003] {strides = array<i32>} : memref<200x128xf32, #tpu.memory_space<vmem>>, vector<1x16xf32>,
      %swap3A_1005 = vector.shape_cast %swap3A_1004 : vector<1x16xf32> to vector<16xf32>
      %swap3A_1006 = vector.shape_cast %get3A_1001 : vector<16xf32> to vector<1x16xf32>
      tpu.vector_store %arg17[%swap3A_1002, %swap3A_1003], %swap3A_1006 {add = true, strides = array<i32>} : memref<200x128xf32, #tpu.memory_space<vmem>>, vector<1x16xf32>,
      %get3A_1007 = arith.index_cast %scan3A_972 : i32 to index
      %get3A_1008 = arith.constant 64 : index
      %get3A_1009 = tpu.vector_load %arg9[%get3A_1007, %get3A_1008] {strides = array<i32>} : memref<200x128xf32, #tpu.memory_space<vmem>>, vector<1x16xf32>,
      %get3A_1010 = vector.shape_cast %get3A_1009 : vector<1x16xf32> to vector<16xf32>
      %swap3A_1011 = arith.index_cast %scan3A_972 : i32 to index
      %swap3A_1012 = arith.constant 64 : index
      %swap3A_1013 = tpu.vector_load %arg17[%swap3A_1011, %swap3A_1012] {strides = array<i32>} : memref<200x128xf32, #tpu.memory_space<vmem>>, vector<1x16xf32>,
      %swap3A_1014 = vector.shape_cast %swap3A_1013 : vector<1x16xf32> to vector<16xf32>
      %swap3A_1015 = vector.shape_cast %get3A_1010 : vector<16xf32> to vector<1x16xf32>
      tpu.vector_store %arg17[%swap3A_1011, %swap3A_1012], %swap3A_1015 {add = true, strides = array<i32>} : memref<200x128xf32, #tpu.memory_space<vmem>>, vector<1x16xf32>,
      %get3A_1016 = arith.index_cast %scan3A_972 : i32 to index
      %get3A_1017 = arith.constant 80 : index
      %get3A_1018 = tpu.vector_load %arg9[%get3A_1016, %get3A_1017] {strides = array<i32>} : memref<200x128xf32, #tpu.memory_space<vmem>>, vector<1x16xf32>,
      %get3A_1019 = vector.shape_cast %get3A_1018 : vector<1x16xf32> to vector<16xf32>
      %swap3A_1020 = arith.index_cast %scan3A_972 : i32 to index
      %swap3A_1021 = arith.constant 80 : index
      %swap3A_1022 = tpu.vector_load %arg17[%swap3A_1020, %swap3A_1021] {strides = array<i32>} : memref<200x128xf32, #tpu.memory_space<vmem>>, vector<1x16xf32>,
      %swap3A_1023 = vector.shape_cast %swap3A_1022 : vector<1x16xf32> to vector<16xf32>
      %swap3A_1024 = vector.shape_cast %get3A_1019 : vector<16xf32> to vector<1x16xf32>
      tpu.vector_store %arg17[%swap3A_1020, %swap3A_1021], %swap3A_1024 {add = true, strides = array<i32>} : memref<200x128xf32, #tpu.memory_space<vmem>>, vector<1x16xf32>,
      %get3A_1025 = arith.index_cast %scan3A_972 : i32 to index
      %get3A_1026 = arith.constant 96 : index
      %get3A_1027 = tpu.vector_load %arg9[%get3A_1025, %get3A_1026] {strides = array<i32>} : memref<200x128xf32, #tpu.memory_space<vmem>>, vector<1x16xf32>,
      %get3A_1028 = vector.shape_cast %get3A_1027 : vector<1x16xf32> to vector<16xf32>
      %swap3A_1029 = arith.index_cast %scan3A_972 : i32 to index
      %swap3A_1030 = arith.constant 96 : index
      %swap3A_1031 = tpu.vector_load %arg17[%swap3A_1029, %swap3A_1030] {strides = array<i32>} : memref<200x128xf32, #tpu.memory_space<vmem>>, vector<1x16xf32>,
      %swap3A_1032 = vector.shape_cast %swap3A_1031 : vector<1x16xf32> to vector<16xf32>
      %swap3A_1033 = vector.shape_cast %get3A_1028 : vector<16xf32> to vector<1x16xf32>
      tpu.vector_store %arg17[%swap3A_1029, %swap3A_1030], %swap3A_1033 {add = true, strides = array<i32>} : memref<200x128xf32, #tpu.memory_space<vmem>>, vector<1x16xf32>,
      %get3A_1034 = arith.index_cast %scan3A_972 : i32 to index
      %get3A_1035 = arith.constant 112 : index
      %get3A_1036 = tpu.vector_load %arg9[%get3A_1034, %get3A_1035] {strides = array<i32>} : memref<200x128xf32, #tpu.memory_space<vmem>>, vector<1x16xf32>,
      %get3A_1037 = vector.shape_cast %get3A_1036 : vector<1x16xf32> to vector<16xf32>
      %swap3A_1038 = arith.index_cast %scan3A_972 : i32 to index
      %swap3A_1039 = arith.constant 112 : index
      %swap3A_1040 = tpu.vector_load %arg17[%swap3A_1038, %swap3A_1039] {strides = array<i32>} : memref<200x128xf32, #tpu.memory_space<vmem>>, vector<1x16xf32>,
      %swap3A_1041 = vector.shape_cast %swap3A_1040 : vector<1x16xf32> to vector<16xf32>
      %swap3A_1042 = vector.shape_cast %get3A_1037 : vector<16xf32> to vector<1x16xf32>
      tpu.vector_store %arg17[%swap3A_1038, %swap3A_1039], %swap3A_1042 {add = true, strides = array<i32>} : memref<200x128xf32, #tpu.memory_space<vmem>>, vector<1x16xf32>,
    }
    %scan3A_443 = arith.constant 200 : i32
    %add3A_444 = arith.constant 31 : i32
    %add3A_445 = arith.addi %mul3A_2, %add3A_444 : i32
    %dma_start3A_446 = arith.constant 0 : i32
    %dma_start3A_447 = arith.constant 0 : i32
    %dma_start3A_448 = tpu.memref_slice %arg7[%add3A_445, %dma_start3A_446, %dma_start3A_447] : memref<1024x200x128xf32, #tpu.memory_space<hbm>> -> memref<1x200x128xf32, #tpu.memory_space<hbm>>
    %dma_start3A_449 = tpu.memref_squeeze %dma_start3A_448 : memref<1x200x128xf32, #tpu.memory_space<hbm>> -> memref<200x128xf32, #tpu.memory_space<hbm>>
    %dma_start3A_450 = arith.constant 0 : i32
    %dma_start3A_451 = arith.constant 0 : i32
    %dma_start3A_452 = tpu.memref_slice %arg7[%add3A_445, %dma_start3A_450, %dma_start3A_451] : memref<1024x200x128xf32, #tpu.memory_space<hbm>> -> memref<1x200x128xf32, #tpu.memory_space<hbm>>
    %dma_start3A_453 = tpu.memref_squeeze %dma_start3A_452 : memref<1x200x128xf32, #tpu.memory_space<hbm>> -> memref<200x128xf32, #tpu.memory_space<hbm>>
    tpu.enqueue_dma source(%arg17 : memref<200x128xf32, #tpu.memory_space<vmem>>) target(%dma_start3A_453 : memref<200x128xf32, #tpu.memory_space<hbm>>) target_semaphore(%arg30 : memref<!tpu.dma_semaphore, #tpu.memory_space<semaphore_mem>>)
    %dma_wait3A_454 = arith.constant 0 : i32
    %dma_wait3A_455 = arith.constant 0 : i32
    %dma_wait3A_456 = tpu.memref_slice %arg7[%mul3A_2, %dma_wait3A_454, %dma_wait3A_455] : memref<1024x200x128xf32, #tpu.memory_space<hbm>> -> memref<1x200x128xf32, #tpu.memory_space<hbm>>
    %dma_wait3A_457 = tpu.memref_squeeze %dma_wait3A_456 : memref<1x200x128xf32, #tpu.memory_space<hbm>> -> memref<200x128xf32, #tpu.memory_space<hbm>>
    %dma_wait3A_458 = arith.constant 0 : i32
    %dma_wait3A_459 = arith.constant 0 : i32
    %dma_wait3A_460 = tpu.memref_slice %arg7[%mul3A_2, %dma_wait3A_458, %dma_wait3A_459] : memref<1024x200x128xf32, #tpu.memory_space<hbm>> -> memref<1x200x128xf32, #tpu.memory_space<hbm>>
    %dma_wait3A_461 = tpu.memref_squeeze %dma_wait3A_460 : memref<1x200x128xf32, #tpu.memory_space<hbm>> -> memref<200x128xf32, #tpu.memory_space<hbm>>
    tpu.wait_dma2 semaphore(%arg27 : memref<!tpu.dma_semaphore, #tpu.memory_space<semaphore_mem>>) src(%arg14 : memref<200x128xf32, #tpu.memory_space<vmem>>) dst(%dma_wait3A_461 : memref<200x128xf32, #tpu.memory_space<hbm>>)
    %dma_wait3A_462 = arith.constant 0 : i32
    %dma_wait3A_463 = arith.constant 0 : i32
    %dma_wait3A_464 = tpu.memref_slice %arg7[%mul3A_2, %dma_wait3A_462, %dma_wait3A_463] : memref<1024x200x128xf32, #tpu.memory_space<hbm>> -> memref<1x200x128xf32, #tpu.memory_space<hbm>>
    %dma_wait3A_465 = tpu.memref_squeeze %dma_wait3A_464 : memref<1x200x128xf32, #tpu.memory_space<hbm>> -> memref<200x128xf32, #tpu.memory_space<hbm>>
    %dma_wait3A_466 = arith.constant 0 : i32
    %dma_wait3A_467 = arith.constant 0 : i32
    %dma_wait3A_468 = tpu.memref_slice %arg7[%mul3A_2, %dma_wait3A_466, %dma_wait3A_467] : memref<1024x200x128xf32, #tpu.memory_space<hbm>> -> memref<1x200x128xf32, #tpu.memory_space<hbm>>
    %dma_wait3A_469 = tpu.memref_squeeze %dma_wait3A_468 : memref<1x200x128xf32, #tpu.memory_space<hbm>> -> memref<200x128xf32, #tpu.memory_space<hbm>>
    tpu.wait_dma2 semaphore(%arg28 : memref<!tpu.dma_semaphore, #tpu.memory_space<semaphore_mem>>) src(%arg15 : memref<200x128xf32, #tpu.memory_space<vmem>>) dst(%dma_wait3A_469 : memref<200x128xf32, #tpu.memory_space<hbm>>)
    %dma_wait3A_470 = arith.constant 0 : i32
    %dma_wait3A_471 = arith.constant 0 : i32
    %dma_wait3A_472 = tpu.memref_slice %arg7[%mul3A_2, %dma_wait3A_470, %dma_wait3A_471] : memref<1024x200x128xf32, #tpu.memory_space<hbm>> -> memref<1x200x128xf32, #tpu.memory_space<hbm>>
    %dma_wait3A_473 = tpu.memref_squeeze %dma_wait3A_472 : memref<1x200x128xf32, #tpu.memory_space<hbm>> -> memref<200x128xf32, #tpu.memory_space<hbm>>
    %dma_wait3A_474 = arith.constant 0 : i32
    %dma_wait3A_475 = arith.constant 0 : i32
    %dma_wait3A_476 = tpu.memref_slice %arg7[%mul3A_2, %dma_wait3A_474, %dma_wait3A_475] : memref<1024x200x128xf32, #tpu.memory_space<hbm>> -> memref<1x200x128xf32, #tpu.memory_space<hbm>>
    %dma_wait3A_477 = tpu.memref_squeeze %dma_wait3A_476 : memref<1x200x128xf32, #tpu.memory_space<hbm>> -> memref<200x128xf32, #tpu.memory_space<hbm>>
    tpu.wait_dma2 semaphore(%arg29 : memref<!tpu.dma_semaphore, #tpu.memory_space<semaphore_mem>>) src(%arg16 : memref<200x128xf32, #tpu.memory_space<vmem>>) dst(%dma_wait3A_477 : memref<200x128xf32, #tpu.memory_space<hbm>>)
    %dma_wait3A_478 = arith.constant 0 : i32
    %dma_wait3A_479 = arith.constant 0 : i32
    %dma_wait3A_480 = tpu.memref_slice %arg7[%mul3A_2, %dma_wait3A_478, %dma_wait3A_479] : memref<1024x200x128xf32, #tpu.memory_space<hbm>> -> memref<1x200x128xf32, #tpu.memory_space<hbm>>
    %dma_wait3A_481 = tpu.memref_squeeze %dma_wait3A_480 : memref<1x200x128xf32, #tpu.memory_space<hbm>> -> memref<200x128xf32, #tpu.memory_space<hbm>>
    %dma_wait3A_482 = arith.constant 0 : i32
    %dma_wait3A_483 = arith.constant 0 : i32
    %dma_wait3A_484 = tpu.memref_slice %arg7[%mul3A_2, %dma_wait3A_482, %dma_wait3A_483] : memref<1024x200x128xf32, #tpu.memory_space<hbm>> -> memref<1x200x128xf32, #tpu.memory_space<hbm>>
    %dma_wait3A_485 = tpu.memref_squeeze %dma_wait3A_484 : memref<1x200x128xf32, #tpu.memory_space<hbm>> -> memref<200x128xf32, #tpu.memory_space<hbm>>
    tpu.wait_dma2 semaphore(%arg30 : memref<!tpu.dma_semaphore, #tpu.memory_space<semaphore_mem>>) src(%arg17 : memref<200x128xf32, #tpu.memory_space<vmem>>) dst(%dma_wait3A_485 : memref<200x128xf32, #tpu.memory_space<hbm>>)
    %add3A_486 = arith.constant 0 : i32
    %add3A_487 = arith.addi %mul3A_2, %add3A_486 : i32
    %dma_start3A_488 = arith.constant 0 : i32
    %dma_start3A_489 = tpu.memref_slice %arg3[%add3A_487, %dma_start3A_488] : memref<1024x200xi32, #tpu.memory_space<hbm>> -> memref<1x200xi32, #tpu.memory_space<hbm>>
    %dma_start3A_490 = tpu.memref_squeeze %dma_start3A_489 : memref<1x200xi32, #tpu.memory_space<hbm>> -> memref<200xi32, #tpu.memory_space<hbm>>
    %dma_start3A_491 = arith.constant 0 : i32
    %dma_start3A_492 = tpu.memref_slice %arg3[%add3A_487, %dma_start3A_491] : memref<1024x200xi32, #tpu.memory_space<hbm>> -> memref<1x200xi32, #tpu.memory_space<hbm>>
    %dma_start3A_493 = tpu.memref_squeeze %dma_start3A_492 : memref<1x200xi32, #tpu.memory_space<hbm>> -> memref<200xi32, #tpu.memory_space<hbm>>
    tpu.enqueue_dma source(%dma_start3A_493 : memref<200xi32, #tpu.memory_space<hbm>>) target(%arg10 : memref<200xi32, #tpu.memory_space<vmem>>) target_semaphore(%arg19 : memref<!tpu.dma_semaphore, #tpu.memory_space<semaphore_mem>>)
    %add3A_494 = arith.constant 1 : i32
    %add3A_495 = arith.addi %mul3A_2, %add3A_494 : i32
    %dma_start3A_496 = arith.constant 0 : i32
    %dma_start3A_497 = tpu.memref_slice %arg3[%add3A_495, %dma_start3A_496] : memref<1024x200xi32, #tpu.memory_space<hbm>> -> memref<1x200xi32, #tpu.memory_space<hbm>>
    %dma_start3A_498 = tpu.memref_squeeze %dma_start3A_497 : memref<1x200xi32, #tpu.memory_space<hbm>> -> memref<200xi32, #tpu.memory_space<hbm>>
    %dma_start3A_499 = arith.constant 0 : i32
    %dma_start3A_500 = tpu.memref_slice %arg3[%add3A_495, %dma_start3A_499] : memref<1024x200xi32, #tpu.memory_space<hbm>> -> memref<1x200xi32, #tpu.memory_space<hbm>>
    %dma_start3A_501 = tpu.memref_squeeze %dma_start3A_500 : memref<1x200xi32, #tpu.memory_space<hbm>> -> memref<200xi32, #tpu.memory_space<hbm>>
    tpu.enqueue_dma source(%dma_start3A_501 : memref<200xi32, #tpu.memory_space<hbm>>) target(%arg11 : memref<200xi32, #tpu.memory_space<vmem>>) target_semaphore(%arg20 : memref<!tpu.dma_semaphore, #tpu.memory_space<semaphore_mem>>)
    %add3A_502 = arith.constant 2 : i32
    %add3A_503 = arith.addi %mul3A_2, %add3A_502 : i32
    %dma_start3A_504 = arith.constant 0 : i32
    %dma_start3A_505 = tpu.memref_slice %arg3[%add3A_503, %dma_start3A_504] : memref<1024x200xi32, #tpu.memory_space<hbm>> -> memref<1x200xi32, #tpu.memory_space<hbm>>
    %dma_start3A_506 = tpu.memref_squeeze %dma_start3A_505 : memref<1x200xi32, #tpu.memory_space<hbm>> -> memref<200xi32, #tpu.memory_space<hbm>>
    %dma_start3A_507 = arith.constant 0 : i32
    %dma_start3A_508 = tpu.memref_slice %arg3[%add3A_503, %dma_start3A_507] : memref<1024x200xi32, #tpu.memory_space<hbm>> -> memref<1x200xi32, #tpu.memory_space<hbm>>
    %dma_start3A_509 = tpu.memref_squeeze %dma_start3A_508 : memref<1x200xi32, #tpu.memory_space<hbm>> -> memref<200xi32, #tpu.memory_space<hbm>>
    tpu.enqueue_dma source(%dma_start3A_509 : memref<200xi32, #tpu.memory_space<hbm>>) target(%arg12 : memref<200xi32, #tpu.memory_space<vmem>>) target_semaphore(%arg21 : memref<!tpu.dma_semaphore, #tpu.memory_space<semaphore_mem>>)
    %add3A_510 = arith.constant 3 : i32
    %add3A_511 = arith.addi %mul3A_2, %add3A_510 : i32
    %dma_start3A_512 = arith.constant 0 : i32
    %dma_start3A_513 = tpu.memref_slice %arg3[%add3A_511, %dma_start3A_512] : memref<1024x200xi32, #tpu.memory_space<hbm>> -> memref<1x200xi32, #tpu.memory_space<hbm>>
    %dma_start3A_514 = tpu.memref_squeeze %dma_start3A_513 : memref<1x200xi32, #tpu.memory_space<hbm>> -> memref<200xi32, #tpu.memory_space<hbm>>
    %dma_start3A_515 = arith.constant 0 : i32
    %dma_start3A_516 = tpu.memref_slice %arg3[%add3A_511, %dma_start3A_515] : memref<1024x200xi32, #tpu.memory_space<hbm>> -> memref<1x200xi32, #tpu.memory_space<hbm>>
    %dma_start3A_517 = tpu.memref_squeeze %dma_start3A_516 : memref<1x200xi32, #tpu.memory_space<hbm>> -> memref<200xi32, #tpu.memory_space<hbm>>
    tpu.enqueue_dma source(%dma_start3A_517 : memref<200xi32, #tpu.memory_space<hbm>>) target(%arg13 : memref<200xi32, #tpu.memory_space<vmem>>) target_semaphore(%arg22 : memref<!tpu.dma_semaphore, #tpu.memory_space<semaphore_mem>>)
    %dma_wait3A_518 = arith.constant 0 : i32
    %dma_wait3A_519 = tpu.memref_slice %arg3[%mul3A_2, %dma_wait3A_518] : memref<1024x200xi32, #tpu.memory_space<hbm>> -> memref<1x200xi32, #tpu.memory_space<hbm>>
    %dma_wait3A_520 = tpu.memref_squeeze %dma_wait3A_519 : memref<1x200xi32, #tpu.memory_space<hbm>> -> memref<200xi32, #tpu.memory_space<hbm>>
    %dma_wait3A_521 = arith.constant 0 : i32
    %dma_wait3A_522 = tpu.memref_slice %arg3[%mul3A_2, %dma_wait3A_521] : memref<1024x200xi32, #tpu.memory_space<hbm>> -> memref<1x200xi32, #tpu.memory_space<hbm>>
    %dma_wait3A_523 = tpu.memref_squeeze %dma_wait3A_522 : memref<1x200xi32, #tpu.memory_space<hbm>> -> memref<200xi32, #tpu.memory_space<hbm>>
    tpu.wait_dma2 semaphore(%arg19 : memref<!tpu.dma_semaphore, #tpu.memory_space<semaphore_mem>>) src(%dma_wait3A_523 : memref<200xi32, #tpu.memory_space<hbm>>) dst(%arg10 : memref<200xi32, #tpu.memory_space<vmem>>)
    %dma_start3A_524 = arith.constant 0 : i32
    %dma_start3A_525 = arith.constant 0 : i32
    %dma_start3A_526 = tpu.memref_slice %arg14[%dma_start3A_524, %dma_start3A_525] : memref<200x128xf32, #tpu.memory_space<vmem>> -> memref<128x128xf32, #tpu.memory_space<vmem>>
    %dma_start3A_527 = arith.constant 0 : i32
    %dma_start3A_528 = tpu.memref_slice %arg10[%dma_start3A_527] : memref<200xi32, #tpu.memory_space<vmem>> -> memref<128xi32, #tpu.memory_space<vmem>>
    %dma_start3A_529 = arith.constant 0 : i32
    %dma_start3A_530 = arith.constant 0 : i32
    %dma_start3A_531 = tpu.memref_slice %arg5[%dma_start3A_529, %dma_start3A_530] : memref<100000x128xf32, #tpu.memory_space<hbm>> -> memref<100000x128xf32, #tpu.memory_space<hbm>>
    tpu.enqueue_indirect_dma source(%dma_start3A_531 : memref<100000x128xf32, #tpu.memory_space<hbm>>) target(%dma_start3A_526 : memref<128x128xf32, #tpu.memory_space<vmem>>) offsets(%dma_start3A_528 : memref<128xi32, #tpu.memory_space<vmem>>) semaphore(%arg23 : memref<!tpu.dma_semaphore, #tpu.memory_space<semaphore_mem>>)
    %dma_start3A_532 = arith.constant 128 : i32
    %dma_start3A_533 = arith.constant 0 : i32
    %dma_start3A_534 = tpu.memref_slice %arg14[%dma_start3A_532, %dma_start3A_533] : memref<200x128xf32, #tpu.memory_space<vmem>> -> memref<72x128xf32, #tpu.memory_space<vmem>>
    %dma_start3A_535 = arith.constant 128 : i32
    %dma_start3A_536 = tpu.memref_slice %arg10[%dma_start3A_535] : memref<200xi32, #tpu.memory_space<vmem>> -> memref<72xi32, #tpu.memory_space<vmem>>
    %dma_start3A_537 = arith.constant 0 : i32
    %dma_start3A_538 = arith.constant 0 : i32
    %dma_start3A_539 = tpu.memref_slice %arg5[%dma_start3A_537, %dma_start3A_538] : memref<100000x128xf32, #tpu.memory_space<hbm>> -> memref<100000x128xf32, #tpu.memory_space<hbm>>
    tpu.enqueue_indirect_dma source(%dma_start3A_539 : memref<100000x128xf32, #tpu.memory_space<hbm>>) target(%dma_start3A_534 : memref<72x128xf32, #tpu.memory_space<vmem>>) offsets(%dma_start3A_536 : memref<72xi32, #tpu.memory_space<vmem>>) semaphore(%arg23 : memref<!tpu.dma_semaphore, #tpu.memory_space<semaphore_mem>>)
    %dma_wait3A_540 = arith.constant 0 : i32
    %dma_wait3A_541 = tpu.memref_slice %arg3[%mul3A_2, %dma_wait3A_540] : memref<1024x200xi32, #tpu.memory_space<hbm>> -> memref<1x200xi32, #tpu.memory_space<hbm>>
    %dma_wait3A_542 = tpu.memref_squeeze %dma_wait3A_541 : memref<1x200xi32, #tpu.memory_space<hbm>> -> memref<200xi32, #tpu.memory_space<hbm>>
    %dma_wait3A_543 = arith.constant 0 : i32
    %dma_wait3A_544 = tpu.memref_slice %arg3[%mul3A_2, %dma_wait3A_543] : memref<1024x200xi32, #tpu.memory_space<hbm>> -> memref<1x200xi32, #tpu.memory_space<hbm>>
    %dma_wait3A_545 = tpu.memref_squeeze %dma_wait3A_544 : memref<1x200xi32, #tpu.memory_space<hbm>> -> memref<200xi32, #tpu.memory_space<hbm>>
    tpu.wait_dma2 semaphore(%arg20 : memref<!tpu.dma_semaphore, #tpu.memory_space<semaphore_mem>>) src(%dma_wait3A_545 : memref<200xi32, #tpu.memory_space<hbm>>) dst(%arg11 : memref<200xi32, #tpu.memory_space<vmem>>)
    %dma_start3A_546 = arith.constant 0 : i32
    %dma_start3A_547 = arith.constant 0 : i32
    %dma_start3A_548 = tpu.memref_slice %arg15[%dma_start3A_546, %dma_start3A_547] : memref<200x128xf32, #tpu.memory_space<vmem>> -> memref<128x128xf32, #tpu.memory_space<vmem>>
    %dma_start3A_549 = arith.constant 0 : i32
    %dma_start3A_550 = tpu.memref_slice %arg11[%dma_start3A_549] : memref<200xi32, #tpu.memory_space<vmem>> -> memref<128xi32, #tpu.memory_space<vmem>>
    %dma_start3A_551 = arith.constant 0 : i32
    %dma_start3A_552 = arith.constant 0 : i32
    %dma_start3A_553 = tpu.memref_slice %arg5[%dma_start3A_551, %dma_start3A_552] : memref<100000x128xf32, #tpu.memory_space<hbm>> -> memref<100000x128xf32, #tpu.memory_space<hbm>>
    tpu.enqueue_indirect_dma source(%dma_start3A_553 : memref<100000x128xf32, #tpu.memory_space<hbm>>) target(%dma_start3A_548 : memref<128x128xf32, #tpu.memory_space<vmem>>) offsets(%dma_start3A_550 : memref<128xi32, #tpu.memory_space<vmem>>) semaphore(%arg24 : memref<!tpu.dma_semaphore, #tpu.memory_space<semaphore_mem>>)
    %dma_start3A_554 = arith.constant 128 : i32
    %dma_start3A_555 = arith.constant 0 : i32
    %dma_start3A_556 = tpu.memref_slice %arg15[%dma_start3A_554, %dma_start3A_555] : memref<200x128xf32, #tpu.memory_space<vmem>> -> memref<72x128xf32, #tpu.memory_space<vmem>>
    %dma_start3A_557 = arith.constant 128 : i32
    %dma_start3A_558 = tpu.memref_slice %arg11[%dma_start3A_557] : memref<200xi32, #tpu.memory_space<vmem>> -> memref<72xi32, #tpu.memory_space<vmem>>
    %dma_start3A_559 = arith.constant 0 : i32
    %dma_start3A_560 = arith.constant 0 : i32
    %dma_start3A_561 = tpu.memref_slice %arg5[%dma_start3A_559, %dma_start3A_560] : memref<100000x128xf32, #tpu.memory_space<hbm>> -> memref<100000x128xf32, #tpu.memory_space<hbm>>
    tpu.enqueue_indirect_dma source(%dma_start3A_561 : memref<100000x128xf32, #tpu.memory_space<hbm>>) target(%dma_start3A_556 : memref<72x128xf32, #tpu.memory_space<vmem>>) offsets(%dma_start3A_558 : memref<72xi32, #tpu.memory_space<vmem>>) semaphore(%arg24 : memref<!tpu.dma_semaphore, #tpu.memory_space<semaphore_mem>>)
    %dma_wait3A_562 = arith.constant 0 : i32
    %dma_wait3A_563 = tpu.memref_slice %arg3[%mul3A_2, %dma_wait3A_562] : memref<1024x200xi32, #tpu.memory_space<hbm>> -> memref<1x200xi32, #tpu.memory_space<hbm>>
    %dma_wait3A_564 = tpu.memref_squeeze %dma_wait3A_563 : memref<1x200xi32, #tpu.memory_space<hbm>> -> memref<200xi32, #tpu.memory_space<hbm>>
    %dma_wait3A_565 = arith.constant 0 : i32
    %dma_wait3A_566 = tpu.memref_slice %arg3[%mul3A_2, %dma_wait3A_565] : memref<1024x200xi32, #tpu.memory_space<hbm>> -> memref<1x200xi32, #tpu.memory_space<hbm>>
    %dma_wait3A_567 = tpu.memref_squeeze %dma_wait3A_566 : memref<1x200xi32, #tpu.memory_space<hbm>> -> memref<200xi32, #tpu.memory_space<hbm>>
    tpu.wait_dma2 semaphore(%arg21 : memref<!tpu.dma_semaphore, #tpu.memory_space<semaphore_mem>>) src(%dma_wait3A_567 : memref<200xi32, #tpu.memory_space<hbm>>) dst(%arg12 : memref<200xi32, #tpu.memory_space<vmem>>)
    %dma_start3A_568 = arith.constant 0 : i32
    %dma_start3A_569 = arith.constant 0 : i32
    %dma_start3A_570 = tpu.memref_slice %arg16[%dma_start3A_568, %dma_start3A_569] : memref<200x128xf32, #tpu.memory_space<vmem>> -> memref<128x128xf32, #tpu.memory_space<vmem>>
    %dma_start3A_571 = arith.constant 0 : i32
    %dma_start3A_572 = tpu.memref_slice %arg12[%dma_start3A_571] : memref<200xi32, #tpu.memory_space<vmem>> -> memref<128xi32, #tpu.memory_space<vmem>>
    %dma_start3A_573 = arith.constant 0 : i32
    %dma_start3A_574 = arith.constant 0 : i32
    %dma_start3A_575 = tpu.memref_slice %arg5[%dma_start3A_573, %dma_start3A_574] : memref<100000x128xf32, #tpu.memory_space<hbm>> -> memref<100000x128xf32, #tpu.memory_space<hbm>>
    tpu.enqueue_indirect_dma source(%dma_start3A_575 : memref<100000x128xf32, #tpu.memory_space<hbm>>) target(%dma_start3A_570 : memref<128x128xf32, #tpu.memory_space<vmem>>) offsets(%dma_start3A_572 : memref<128xi32, #tpu.memory_space<vmem>>) semaphore(%arg25 : memref<!tpu.dma_semaphore, #tpu.memory_space<semaphore_mem>>)
    %dma_start3A_576 = arith.constant 128 : i32
    %dma_start3A_577 = arith.constant 0 : i32
    %dma_start3A_578 = tpu.memref_slice %arg16[%dma_start3A_576, %dma_start3A_577] : memref<200x128xf32, #tpu.memory_space<vmem>> -> memref<72x128xf32, #tpu.memory_space<vmem>>
    %dma_start3A_579 = arith.constant 128 : i32
    %dma_start3A_580 = tpu.memref_slice %arg12[%dma_start3A_579] : memref<200xi32, #tpu.memory_space<vmem>> -> memref<72xi32, #tpu.memory_space<vmem>>
    %dma_start3A_581 = arith.constant 0 : i32
    %dma_start3A_582 = arith.constant 0 : i32
    %dma_start3A_583 = tpu.memref_slice %arg5[%dma_start3A_581, %dma_start3A_582] : memref<100000x128xf32, #tpu.memory_space<hbm>> -> memref<100000x128xf32, #tpu.memory_space<hbm>>
    tpu.enqueue_indirect_dma source(%dma_start3A_583 : memref<100000x128xf32, #tpu.memory_space<hbm>>) target(%dma_start3A_578 : memref<72x128xf32, #tpu.memory_space<vmem>>) offsets(%dma_start3A_580 : memref<72xi32, #tpu.memory_space<vmem>>) semaphore(%arg25 : memref<!tpu.dma_semaphore, #tpu.memory_space<semaphore_mem>>)
    %dma_wait3A_584 = arith.constant 0 : i32
    %dma_wait3A_585 = arith.constant 0 : i32
    %dma_wait3A_586 = tpu.memref_slice %arg5[%dma_wait3A_584, %dma_wait3A_585] : memref<100000x128xf32, #tpu.memory_space<hbm>> -> memref<200x128xf32, #tpu.memory_space<hbm>>
    %dma_wait3A_587 = arith.constant 0 : i32
    %dma_wait3A_588 = arith.constant 0 : i32
    %dma_wait3A_589 = tpu.memref_slice %arg5[%dma_wait3A_587, %dma_wait3A_588] : memref<100000x128xf32, #tpu.memory_space<hbm>> -> memref<200x128xf32, #tpu.memory_space<hbm>>
    tpu.wait_dma2 semaphore(%arg23 : memref<!tpu.dma_semaphore, #tpu.memory_space<semaphore_mem>>) src(%dma_wait3A_589 : memref<200x128xf32, #tpu.memory_space<hbm>>) dst(%arg14 : memref<200x128xf32, #tpu.memory_space<vmem>>)
    %add3A_590 = arith.constant 4 : i32
    %add3A_591 = arith.addi %mul3A_2, %add3A_590 : i32
    %dma_start3A_592 = arith.constant 0 : i32
    %dma_start3A_593 = tpu.memref_slice %arg3[%add3A_591, %dma_start3A_592] : memref<1024x200xi32, #tpu.memory_space<hbm>> -> memref<1x200xi32, #tpu.memory_space<hbm>>
    %dma_start3A_594 = tpu.memref_squeeze %dma_start3A_593 : memref<1x200xi32, #tpu.memory_space<hbm>> -> memref<200xi32, #tpu.memory_space<hbm>>
    %dma_start3A_595 = arith.constant 0 : i32
    %dma_start3A_596 = tpu.memref_slice %arg3[%add3A_591, %dma_start3A_595] : memref<1024x200xi32, #tpu.memory_space<hbm>> -> memref<1x200xi32, #tpu.memory_space<hbm>>
    %dma_start3A_597 = tpu.memref_squeeze %dma_start3A_596 : memref<1x200xi32, #tpu.memory_space<hbm>> -> memref<200xi32, #tpu.memory_space<hbm>>
    tpu.enqueue_dma source(%dma_start3A_597 : memref<200xi32, #tpu.memory_space<hbm>>) target(%arg10 : memref<200xi32, #tpu.memory_space<vmem>>) target_semaphore(%arg19 : memref<!tpu.dma_semaphore, #tpu.memory_space<semaphore_mem>>)
    %scan3A_598 = arith.constant 0 : i32
    %scan3A_599 = arith.constant 0 : i32
    %scan3A_600 = arith.constant 200 : i32
    %scan3A_601 = arith.addi %scan3A_599, %scan3A_600 : i32
    %scan3A_602 = arith.constant 1 : i32
    scf.for %scan3A_972 = %scan3A_599 to %scan3A_601 step %scan3A_602  : i32 {
      %get3A = arith.index_cast %scan3A_972 : i32 to index
      %get3A_973 = arith.constant 0 : index
      %get3A_974 = tpu.vector_load %arg9[%get3A, %get3A_973] {strides = array<i32>} : memref<200x128xf32, #tpu.memory_space<vmem>>, vector<1x16xf32>,
      %get3A_975 = vector.shape_cast %get3A_974 : vector<1x16xf32> to vector<16xf32>
      %swap3A = arith.index_cast %scan3A_972 : i32 to index
      %swap3A_976 = arith.constant 0 : index
      %swap3A_977 = tpu.vector_load %arg14[%swap3A, %swap3A_976] {strides = array<i32>} : memref<200x128xf32, #tpu.memory_space<vmem>>, vector<1x16xf32>,
      %swap3A_978 = vector.shape_cast %swap3A_977 : vector<1x16xf32> to vector<16xf32>
      %swap3A_979 = vector.shape_cast %get3A_975 : vector<16xf32> to vector<1x16xf32>
      tpu.vector_store %arg14[%swap3A, %swap3A_976], %swap3A_979 {add = true, strides = array<i32>} : memref<200x128xf32, #tpu.memory_space<vmem>>, vector<1x16xf32>,
      %get3A_980 = arith.index_cast %scan3A_972 : i32 to index
      %get3A_981 = arith.constant 16 : index
      %get3A_982 = tpu.vector_load %arg9[%get3A_980, %get3A_981] {strides = array<i32>} : memref<200x128xf32, #tpu.memory_space<vmem>>, vector<1x16xf32>,
      %get3A_983 = vector.shape_cast %get3A_982 : vector<1x16xf32> to vector<16xf32>
      %swap3A_984 = arith.index_cast %scan3A_972 : i32 to index
      %swap3A_985 = arith.constant 16 : index
      %swap3A_986 = tpu.vector_load %arg14[%swap3A_984, %swap3A_985] {strides = array<i32>} : memref<200x128xf32, #tpu.memory_space<vmem>>, vector<1x16xf32>,
      %swap3A_987 = vector.shape_cast %swap3A_986 : vector<1x16xf32> to vector<16xf32>
      %swap3A_988 = vector.shape_cast %get3A_983 : vector<16xf32> to vector<1x16xf32>
      tpu.vector_store %arg14[%swap3A_984, %swap3A_985], %swap3A_988 {add = true, strides = array<i32>} : memref<200x128xf32, #tpu.memory_space<vmem>>, vector<1x16xf32>,
      %get3A_989 = arith.index_cast %scan3A_972 : i32 to index
      %get3A_990 = arith.constant 32 : index
      %get3A_991 = tpu.vector_load %arg9[%get3A_989, %get3A_990] {strides = array<i32>} : memref<200x128xf32, #tpu.memory_space<vmem>>, vector<1x16xf32>,
      %get3A_992 = vector.shape_cast %get3A_991 : vector<1x16xf32> to vector<16xf32>
      %swap3A_993 = arith.index_cast %scan3A_972 : i32 to index
      %swap3A_994 = arith.constant 32 : index
      %swap3A_995 = tpu.vector_load %arg14[%swap3A_993, %swap3A_994] {strides = array<i32>} : memref<200x128xf32, #tpu.memory_space<vmem>>, vector<1x16xf32>,
      %swap3A_996 = vector.shape_cast %swap3A_995 : vector<1x16xf32> to vector<16xf32>
      %swap3A_997 = vector.shape_cast %get3A_992 : vector<16xf32> to vector<1x16xf32>
      tpu.vector_store %arg14[%swap3A_993, %swap3A_994], %swap3A_997 {add = true, strides = array<i32>} : memref<200x128xf32, #tpu.memory_space<vmem>>, vector<1x16xf32>,
      %get3A_998 = arith.index_cast %scan3A_972 : i32 to index
      %get3A_999 = arith.constant 48 : index
      %get3A_1000 = tpu.vector_load %arg9[%get3A_998, %get3A_999] {strides = array<i32>} : memref<200x128xf32, #tpu.memory_space<vmem>>, vector<1x16xf32>,
      %get3A_1001 = vector.shape_cast %get3A_1000 : vector<1x16xf32> to vector<16xf32>
      %swap3A_1002 = arith.index_cast %scan3A_972 : i32 to index
      %swap3A_1003 = arith.constant 48 : index
      %swap3A_1004 = tpu.vector_load %arg14[%swap3A_1002, %swap3A_1003] {strides = array<i32>} : memref<200x128xf32, #tpu.memory_space<vmem>>, vector<1x16xf32>,
      %swap3A_1005 = vector.shape_cast %swap3A_1004 : vector<1x16xf32> to vector<16xf32>
      %swap3A_1006 = vector.shape_cast %get3A_1001 : vector<16xf32> to vector<1x16xf32>
      tpu.vector_store %arg14[%swap3A_1002, %swap3A_1003], %swap3A_1006 {add = true, strides = array<i32>} : memref<200x128xf32, #tpu.memory_space<vmem>>, vector<1x16xf32>,
      %get3A_1007 = arith.index_cast %scan3A_972 : i32 to index
      %get3A_1008 = arith.constant 64 : index
      %get3A_1009 = tpu.vector_load %arg9[%get3A_1007, %get3A_1008] {strides = array<i32>} : memref<200x128xf32, #tpu.memory_space<vmem>>, vector<1x16xf32>,
      %get3A_1010 = vector.shape_cast %get3A_1009 : vector<1x16xf32> to vector<16xf32>
      %swap3A_1011 = arith.index_cast %scan3A_972 : i32 to index
      %swap3A_1012 = arith.constant 64 : index
      %swap3A_1013 = tpu.vector_load %arg14[%swap3A_1011, %swap3A_1012] {strides = array<i32>} : memref<200x128xf32, #tpu.memory_space<vmem>>, vector<1x16xf32>,
      %swap3A_1014 = vector.shape_cast %swap3A_1013 : vector<1x16xf32> to vector<16xf32>
      %swap3A_1015 = vector.shape_cast %get3A_1010 : vector<16xf32> to vector<1x16xf32>
      tpu.vector_store %arg14[%swap3A_1011, %swap3A_1012], %swap3A_1015 {add = true, strides = array<i32>} : memref<200x128xf32, #tpu.memory_space<vmem>>, vector<1x16xf32>,
      %get3A_1016 = arith.index_cast %scan3A_972 : i32 to index
      %get3A_1017 = arith.constant 80 : index
      %get3A_1018 = tpu.vector_load %arg9[%get3A_1016, %get3A_1017] {strides = array<i32>} : memref<200x128xf32, #tpu.memory_space<vmem>>, vector<1x16xf32>,
      %get3A_1019 = vector.shape_cast %get3A_1018 : vector<1x16xf32> to vector<16xf32>
      %swap3A_1020 = arith.index_cast %scan3A_972 : i32 to index
      %swap3A_1021 = arith.constant 80 : index
      %swap3A_1022 = tpu.vector_load %arg14[%swap3A_1020, %swap3A_1021] {strides = array<i32>} : memref<200x128xf32, #tpu.memory_space<vmem>>, vector<1x16xf32>,
      %swap3A_1023 = vector.shape_cast %swap3A_1022 : vector<1x16xf32> to vector<16xf32>
      %swap3A_1024 = vector.shape_cast %get3A_1019 : vector<16xf32> to vector<1x16xf32>
      tpu.vector_store %arg14[%swap3A_1020, %swap3A_1021], %swap3A_1024 {add = true, strides = array<i32>} : memref<200x128xf32, #tpu.memory_space<vmem>>, vector<1x16xf32>,
      %get3A_1025 = arith.index_cast %scan3A_972 : i32 to index
      %get3A_1026 = arith.constant 96 : index
      %get3A_1027 = tpu.vector_load %arg9[%get3A_1025, %get3A_1026] {strides = array<i32>} : memref<200x128xf32, #tpu.memory_space<vmem>>, vector<1x16xf32>,
      %get3A_1028 = vector.shape_cast %get3A_1027 : vector<1x16xf32> to vector<16xf32>
      %swap3A_1029 = arith.index_cast %scan3A_972 : i32 to index
      %swap3A_1030 = arith.constant 96 : index
      %swap3A_1031 = tpu.vector_load %arg14[%swap3A_1029, %swap3A_1030] {strides = array<i32>} : memref<200x128xf32, #tpu.memory_space<vmem>>, vector<1x16xf32>,
      %swap3A_1032 = vector.shape_cast %swap3A_1031 : vector<1x16xf32> to vector<16xf32>
      %swap3A_1033 = vector.shape_cast %get3A_1028 : vector<16xf32> to vector<1x16xf32>
      tpu.vector_store %arg14[%swap3A_1029, %swap3A_1030], %swap3A_1033 {add = true, strides = array<i32>} : memref<200x128xf32, #tpu.memory_space<vmem>>, vector<1x16xf32>,
      %get3A_1034 = arith.index_cast %scan3A_972 : i32 to index
      %get3A_1035 = arith.constant 112 : index
      %get3A_1036 = tpu.vector_load %arg9[%get3A_1034, %get3A_1035] {strides = array<i32>} : memref<200x128xf32, #tpu.memory_space<vmem>>, vector<1x16xf32>,
      %get3A_1037 = vector.shape_cast %get3A_1036 : vector<1x16xf32> to vector<16xf32>
      %swap3A_1038 = arith.index_cast %scan3A_972 : i32 to index
      %swap3A_1039 = arith.constant 112 : index
      %swap3A_1040 = tpu.vector_load %arg14[%swap3A_1038, %swap3A_1039] {strides = array<i32>} : memref<200x128xf32, #tpu.memory_space<vmem>>, vector<1x16xf32>,
      %swap3A_1041 = vector.shape_cast %swap3A_1040 : vector<1x16xf32> to vector<16xf32>
      %swap3A_1042 = vector.shape_cast %get3A_1037 : vector<16xf32> to vector<1x16xf32>
      tpu.vector_store %arg14[%swap3A_1038, %swap3A_1039], %swap3A_1042 {add = true, strides = array<i32>} : memref<200x128xf32, #tpu.memory_space<vmem>>, vector<1x16xf32>,
    }
    %scan3A_603 = arith.constant 200 : i32
    %add3A_604 = arith.constant 0 : i32
    %add3A_605 = arith.addi %mul3A_2, %add3A_604 : i32
    %dma_start3A_606 = arith.constant 0 : i32
    %dma_start3A_607 = arith.constant 0 : i32
    %dma_start3A_608 = tpu.memref_slice %arg8[%add3A_605, %dma_start3A_606, %dma_start3A_607] : memref<1024x200x128xf32, #tpu.memory_space<hbm>> -> memref<1x200x128xf32, #tpu.memory_space<hbm>>
    %dma_start3A_609 = tpu.memref_squeeze %dma_start3A_608 : memref<1x200x128xf32, #tpu.memory_space<hbm>> -> memref<200x128xf32, #tpu.memory_space<hbm>>
    %dma_start3A_610 = arith.constant 0 : i32
    %dma_start3A_611 = arith.constant 0 : i32
    %dma_start3A_612 = tpu.memref_slice %arg8[%add3A_605, %dma_start3A_610, %dma_start3A_611] : memref<1024x200x128xf32, #tpu.memory_space<hbm>> -> memref<1x200x128xf32, #tpu.memory_space<hbm>>
    %dma_start3A_613 = tpu.memref_squeeze %dma_start3A_612 : memref<1x200x128xf32, #tpu.memory_space<hbm>> -> memref<200x128xf32, #tpu.memory_space<hbm>>
    tpu.enqueue_dma source(%arg14 : memref<200x128xf32, #tpu.memory_space<vmem>>) target(%dma_start3A_613 : memref<200x128xf32, #tpu.memory_space<hbm>>) target_semaphore(%arg27 : memref<!tpu.dma_semaphore, #tpu.memory_space<semaphore_mem>>)
    %dma_wait3A_614 = arith.constant 0 : i32
    %dma_wait3A_615 = tpu.memref_slice %arg3[%mul3A_2, %dma_wait3A_614] : memref<1024x200xi32, #tpu.memory_space<hbm>> -> memref<1x200xi32, #tpu.memory_space<hbm>>
    %dma_wait3A_616 = tpu.memref_squeeze %dma_wait3A_615 : memref<1x200xi32, #tpu.memory_space<hbm>> -> memref<200xi32, #tpu.memory_space<hbm>>
    %dma_wait3A_617 = arith.constant 0 : i32
    %dma_wait3A_618 = tpu.memref_slice %arg3[%mul3A_2, %dma_wait3A_617] : memref<1024x200xi32, #tpu.memory_space<hbm>> -> memref<1x200xi32, #tpu.memory_space<hbm>>
    %dma_wait3A_619 = tpu.memref_squeeze %dma_wait3A_618 : memref<1x200xi32, #tpu.memory_space<hbm>> -> memref<200xi32, #tpu.memory_space<hbm>>
    tpu.wait_dma2 semaphore(%arg22 : memref<!tpu.dma_semaphore, #tpu.memory_space<semaphore_mem>>) src(%dma_wait3A_619 : memref<200xi32, #tpu.memory_space<hbm>>) dst(%arg13 : memref<200xi32, #tpu.memory_space<vmem>>)
    %dma_start3A_620 = arith.constant 0 : i32
    %dma_start3A_621 = arith.constant 0 : i32
    %dma_start3A_622 = tpu.memref_slice %arg17[%dma_start3A_620, %dma_start3A_621] : memref<200x128xf32, #tpu.memory_space<vmem>> -> memref<128x128xf32, #tpu.memory_space<vmem>>
    %dma_start3A_623 = arith.constant 0 : i32
    %dma_start3A_624 = tpu.memref_slice %arg13[%dma_start3A_623] : memref<200xi32, #tpu.memory_space<vmem>> -> memref<128xi32, #tpu.memory_space<vmem>>
    %dma_start3A_625 = arith.constant 0 : i32
    %dma_start3A_626 = arith.constant 0 : i32
    %dma_start3A_627 = tpu.memref_slice %arg5[%dma_start3A_625, %dma_start3A_626] : memref<100000x128xf32, #tpu.memory_space<hbm>> -> memref<100000x128xf32, #tpu.memory_space<hbm>>
    tpu.enqueue_indirect_dma source(%dma_start3A_627 : memref<100000x128xf32, #tpu.memory_space<hbm>>) target(%dma_start3A_622 : memref<128x128xf32, #tpu.memory_space<vmem>>) offsets(%dma_start3A_624 : memref<128xi32, #tpu.memory_space<vmem>>) semaphore(%arg26 : memref<!tpu.dma_semaphore, #tpu.memory_space<semaphore_mem>>)
    %dma_start3A_628 = arith.constant 128 : i32
    %dma_start3A_629 = arith.constant 0 : i32
    %dma_start3A_630 = tpu.memref_slice %arg17[%dma_start3A_628, %dma_start3A_629] : memref<200x128xf32, #tpu.memory_space<vmem>> -> memref<72x128xf32, #tpu.memory_space<vmem>>
    %dma_start3A_631 = arith.constant 128 : i32
    %dma_start3A_632 = tpu.memref_slice %arg13[%dma_start3A_631] : memref<200xi32, #tpu.memory_space<vmem>> -> memref<72xi32, #tpu.memory_space<vmem>>
    %dma_start3A_633 = arith.constant 0 : i32
    %dma_start3A_634 = arith.constant 0 : i32
    %dma_start3A_635 = tpu.memref_slice %arg5[%dma_start3A_633, %dma_start3A_634] : memref<100000x128xf32, #tpu.memory_space<hbm>> -> memref<100000x128xf32, #tpu.memory_space<hbm>>
    tpu.enqueue_indirect_dma source(%dma_start3A_635 : memref<100000x128xf32, #tpu.memory_space<hbm>>) target(%dma_start3A_630 : memref<72x128xf32, #tpu.memory_space<vmem>>) offsets(%dma_start3A_632 : memref<72xi32, #tpu.memory_space<vmem>>) semaphore(%arg26 : memref<!tpu.dma_semaphore, #tpu.memory_space<semaphore_mem>>)
    %scan3A_636 = arith.constant 0 : i32
    %scan3A_637 = arith.constant 0 : i32
    %scan3A_638 = arith.constant 6 : i32
    %scan3A_639 = arith.addi %scan3A_637, %scan3A_638 : i32
    %scan3A_640 = arith.constant 1 : i32
    scf.for %scan3A_972 = %scan3A_637 to %scan3A_639 step %scan3A_640  : i32 {
      %mul3A_973 = arith.constant 4 : i32
      %mul3A_974 = arith.muli %mul3A_973, %scan3A_972 : i32
      %add3A_975 = arith.constant 1 : i32
      %add3A_976 = arith.addi %mul3A_974, %add3A_975 : i32
      %add3A_977 = arith.constant 4 : i32
      %add3A_978 = arith.addi %add3A_976, %add3A_977 : i32
      %add3A_979 = arith.constant 3 : i32
      %add3A_980 = arith.addi %add3A_976, %add3A_979 : i32
      %dma_wait3A_981 = arith.constant 0 : i32
      %dma_wait3A_982 = arith.constant 0 : i32
      %dma_wait3A_983 = tpu.memref_slice %arg5[%dma_wait3A_981, %dma_wait3A_982] : memref<100000x128xf32, #tpu.memory_space<hbm>> -> memref<200x128xf32, #tpu.memory_space<hbm>>
      %dma_wait3A_984 = arith.constant 0 : i32
      %dma_wait3A_985 = arith.constant 0 : i32
      %dma_wait3A_986 = tpu.memref_slice %arg5[%dma_wait3A_984, %dma_wait3A_985] : memref<100000x128xf32, #tpu.memory_space<hbm>> -> memref<200x128xf32, #tpu.memory_space<hbm>>
      tpu.wait_dma2 semaphore(%arg24 : memref<!tpu.dma_semaphore, #tpu.memory_space<semaphore_mem>>) src(%dma_wait3A_986 : memref<200x128xf32, #tpu.memory_space<hbm>>) dst(%arg15 : memref<200x128xf32, #tpu.memory_space<vmem>>)
      %add3A_987 = arith.addi %mul3A_2, %add3A_978 : i32
      %dma_start3A_988 = arith.constant 0 : i32
      %dma_start3A_989 = tpu.memref_slice %arg3[%add3A_987, %dma_start3A_988] : memref<1024x200xi32, #tpu.memory_space<hbm>> -> memref<1x200xi32, #tpu.memory_space<hbm>>
      %dma_start3A_990 = tpu.memref_squeeze %dma_start3A_989 : memref<1x200xi32, #tpu.memory_space<hbm>> -> memref<200xi32, #tpu.memory_space<hbm>>
      %dma_start3A_991 = arith.constant 0 : i32
      %dma_start3A_992 = tpu.memref_slice %arg3[%add3A_987, %dma_start3A_991] : memref<1024x200xi32, #tpu.memory_space<hbm>> -> memref<1x200xi32, #tpu.memory_space<hbm>>
      %dma_start3A_993 = tpu.memref_squeeze %dma_start3A_992 : memref<1x200xi32, #tpu.memory_space<hbm>> -> memref<200xi32, #tpu.memory_space<hbm>>
      tpu.enqueue_dma source(%dma_start3A_993 : memref<200xi32, #tpu.memory_space<hbm>>) target(%arg11 : memref<200xi32, #tpu.memory_space<vmem>>) target_semaphore(%arg20 : memref<!tpu.dma_semaphore, #tpu.memory_space<semaphore_mem>>)
      %scan3A_994 = arith.constant 0 : i32
      %scan3A_995 = arith.constant 0 : i32
      %scan3A_996 = arith.constant 200 : i32
      %scan3A_997 = arith.addi %scan3A_995, %scan3A_996 : i32
      %scan3A_998 = arith.constant 1 : i32
      scf.for %scan3A_1231 = %scan3A_995 to %scan3A_997 step %scan3A_998  : i32 {
        %get3A = arith.index_cast %scan3A_1231 : i32 to index
        %get3A_1232 = arith.constant 0 : index
        %get3A_1233 = tpu.vector_load %arg9[%get3A, %get3A_1232] {strides = array<i32>} : memref<200x128xf32, #tpu.memory_space<vmem>>, vector<1x16xf32>,
        %get3A_1234 = vector.shape_cast %get3A_1233 : vector<1x16xf32> to vector<16xf32>
        %swap3A = arith.index_cast %scan3A_1231 : i32 to index
        %swap3A_1235 = arith.constant 0 : index
        %swap3A_1236 = tpu.vector_load %arg15[%swap3A, %swap3A_1235] {strides = array<i32>} : memref<200x128xf32, #tpu.memory_space<vmem>>, vector<1x16xf32>,
        %swap3A_1237 = vector.shape_cast %swap3A_1236 : vector<1x16xf32> to vector<16xf32>
        %swap3A_1238 = vector.shape_cast %get3A_1234 : vector<16xf32> to vector<1x16xf32>
        tpu.vector_store %arg15[%swap3A, %swap3A_1235], %swap3A_1238 {add = true, strides = array<i32>} : memref<200x128xf32, #tpu.memory_space<vmem>>, vector<1x16xf32>,
        %get3A_1239 = arith.index_cast %scan3A_1231 : i32 to index
        %get3A_1240 = arith.constant 16 : index
        %get3A_1241 = tpu.vector_load %arg9[%get3A_1239, %get3A_1240] {strides = array<i32>} : memref<200x128xf32, #tpu.memory_space<vmem>>, vector<1x16xf32>,
        %get3A_1242 = vector.shape_cast %get3A_1241 : vector<1x16xf32> to vector<16xf32>
        %swap3A_1243 = arith.index_cast %scan3A_1231 : i32 to index
        %swap3A_1244 = arith.constant 16 : index
        %swap3A_1245 = tpu.vector_load %arg15[%swap3A_1243, %swap3A_1244] {strides = array<i32>} : memref<200x128xf32, #tpu.memory_space<vmem>>, vector<1x16xf32>,
        %swap3A_1246 = vector.shape_cast %swap3A_1245 : vector<1x16xf32> to vector<16xf32>
        %swap3A_1247 = vector.shape_cast %get3A_1242 : vector<16xf32> to vector<1x16xf32>
        tpu.vector_store %arg15[%swap3A_1243, %swap3A_1244], %swap3A_1247 {add = true, strides = array<i32>} : memref<200x128xf32, #tpu.memory_space<vmem>>, vector<1x16xf32>,
        %get3A_1248 = arith.index_cast %scan3A_1231 : i32 to index
        %get3A_1249 = arith.constant 32 : index
        %get3A_1250 = tpu.vector_load %arg9[%get3A_1248, %get3A_1249] {strides = array<i32>} : memref<200x128xf32, #tpu.memory_space<vmem>>, vector<1x16xf32>,
        %get3A_1251 = vector.shape_cast %get3A_1250 : vector<1x16xf32> to vector<16xf32>
        %swap3A_1252 = arith.index_cast %scan3A_1231 : i32 to index
        %swap3A_1253 = arith.constant 32 : index
        %swap3A_1254 = tpu.vector_load %arg15[%swap3A_1252, %swap3A_1253] {strides = array<i32>} : memref<200x128xf32, #tpu.memory_space<vmem>>, vector<1x16xf32>,
        %swap3A_1255 = vector.shape_cast %swap3A_1254 : vector<1x16xf32> to vector<16xf32>
        %swap3A_1256 = vector.shape_cast %get3A_1251 : vector<16xf32> to vector<1x16xf32>
        tpu.vector_store %arg15[%swap3A_1252, %swap3A_1253], %swap3A_1256 {add = true, strides = array<i32>} : memref<200x128xf32, #tpu.memory_space<vmem>>, vector<1x16xf32>,
        %get3A_1257 = arith.index_cast %scan3A_1231 : i32 to index
        %get3A_1258 = arith.constant 48 : index
        %get3A_1259 = tpu.vector_load %arg9[%get3A_1257, %get3A_1258] {strides = array<i32>} : memref<200x128xf32, #tpu.memory_space<vmem>>, vector<1x16xf32>,
        %get3A_1260 = vector.shape_cast %get3A_1259 : vector<1x16xf32> to vector<16xf32>
        %swap3A_1261 = arith.index_cast %scan3A_1231 : i32 to index
        %swap3A_1262 = arith.constant 48 : index
        %swap3A_1263 = tpu.vector_load %arg15[%swap3A_1261, %swap3A_1262] {strides = array<i32>} : memref<200x128xf32, #tpu.memory_space<vmem>>, vector<1x16xf32>,
        %swap3A_1264 = vector.shape_cast %swap3A_1263 : vector<1x16xf32> to vector<16xf32>
        %swap3A_1265 = vector.shape_cast %get3A_1260 : vector<16xf32> to vector<1x16xf32>
        tpu.vector_store %arg15[%swap3A_1261, %swap3A_1262], %swap3A_1265 {add = true, strides = array<i32>} : memref<200x128xf32, #tpu.memory_space<vmem>>, vector<1x16xf32>,
        %get3A_1266 = arith.index_cast %scan3A_1231 : i32 to index
        %get3A_1267 = arith.constant 64 : index
        %get3A_1268 = tpu.vector_load %arg9[%get3A_1266, %get3A_1267] {strides = array<i32>} : memref<200x128xf32, #tpu.memory_space<vmem>>, vector<1x16xf32>,
        %get3A_1269 = vector.shape_cast %get3A_1268 : vector<1x16xf32> to vector<16xf32>
        %swap3A_1270 = arith.index_cast %scan3A_1231 : i32 to index
        %swap3A_1271 = arith.constant 64 : index
        %swap3A_1272 = tpu.vector_load %arg15[%swap3A_1270, %swap3A_1271] {strides = array<i32>} : memref<200x128xf32, #tpu.memory_space<vmem>>, vector<1x16xf32>,
        %swap3A_1273 = vector.shape_cast %swap3A_1272 : vector<1x16xf32> to vector<16xf32>
        %swap3A_1274 = vector.shape_cast %get3A_1269 : vector<16xf32> to vector<1x16xf32>
        tpu.vector_store %arg15[%swap3A_1270, %swap3A_1271], %swap3A_1274 {add = true, strides = array<i32>} : memref<200x128xf32, #tpu.memory_space<vmem>>, vector<1x16xf32>,
        %get3A_1275 = arith.index_cast %scan3A_1231 : i32 to index
        %get3A_1276 = arith.constant 80 : index
        %get3A_1277 = tpu.vector_load %arg9[%get3A_1275, %get3A_1276] {strides = array<i32>} : memref<200x128xf32, #tpu.memory_space<vmem>>, vector<1x16xf32>,
        %get3A_1278 = vector.shape_cast %get3A_1277 : vector<1x16xf32> to vector<16xf32>
        %swap3A_1279 = arith.index_cast %scan3A_1231 : i32 to index
        %swap3A_1280 = arith.constant 80 : index
        %swap3A_1281 = tpu.vector_load %arg15[%swap3A_1279, %swap3A_1280] {strides = array<i32>} : memref<200x128xf32, #tpu.memory_space<vmem>>, vector<1x16xf32>,
        %swap3A_1282 = vector.shape_cast %swap3A_1281 : vector<1x16xf32> to vector<16xf32>
        %swap3A_1283 = vector.shape_cast %get3A_1278 : vector<16xf32> to vector<1x16xf32>
        tpu.vector_store %arg15[%swap3A_1279, %swap3A_1280], %swap3A_1283 {add = true, strides = array<i32>} : memref<200x128xf32, #tpu.memory_space<vmem>>, vector<1x16xf32>,
        %get3A_1284 = arith.index_cast %scan3A_1231 : i32 to index
        %get3A_1285 = arith.constant 96 : index
        %get3A_1286 = tpu.vector_load %arg9[%get3A_1284, %get3A_1285] {strides = array<i32>} : memref<200x128xf32, #tpu.memory_space<vmem>>, vector<1x16xf32>,
        %get3A_1287 = vector.shape_cast %get3A_1286 : vector<1x16xf32> to vector<16xf32>
        %swap3A_1288 = arith.index_cast %scan3A_1231 : i32 to index
        %swap3A_1289 = arith.constant 96 : index
        %swap3A_1290 = tpu.vector_load %arg15[%swap3A_1288, %swap3A_1289] {strides = array<i32>} : memref<200x128xf32, #tpu.memory_space<vmem>>, vector<1x16xf32>,
        %swap3A_1291 = vector.shape_cast %swap3A_1290 : vector<1x16xf32> to vector<16xf32>
        %swap3A_1292 = vector.shape_cast %get3A_1287 : vector<16xf32> to vector<1x16xf32>
        tpu.vector_store %arg15[%swap3A_1288, %swap3A_1289], %swap3A_1292 {add = true, strides = array<i32>} : memref<200x128xf32, #tpu.memory_space<vmem>>, vector<1x16xf32>,
        %get3A_1293 = arith.index_cast %scan3A_1231 : i32 to index
        %get3A_1294 = arith.constant 112 : index
        %get3A_1295 = tpu.vector_load %arg9[%get3A_1293, %get3A_1294] {strides = array<i32>} : memref<200x128xf32, #tpu.memory_space<vmem>>, vector<1x16xf32>,
        %get3A_1296 = vector.shape_cast %get3A_1295 : vector<1x16xf32> to vector<16xf32>
        %swap3A_1297 = arith.index_cast %scan3A_1231 : i32 to index
        %swap3A_1298 = arith.constant 112 : index
        %swap3A_1299 = tpu.vector_load %arg15[%swap3A_1297, %swap3A_1298] {strides = array<i32>} : memref<200x128xf32, #tpu.memory_space<vmem>>, vector<1x16xf32>,
        %swap3A_1300 = vector.shape_cast %swap3A_1299 : vector<1x16xf32> to vector<16xf32>
        %swap3A_1301 = vector.shape_cast %get3A_1296 : vector<16xf32> to vector<1x16xf32>
        tpu.vector_store %arg15[%swap3A_1297, %swap3A_1298], %swap3A_1301 {add = true, strides = array<i32>} : memref<200x128xf32, #tpu.memory_space<vmem>>, vector<1x16xf32>,
      }
      %scan3A_999 = arith.constant 200 : i32
      %add3A_1000 = arith.addi %mul3A_2, %add3A_976 : i32
      %dma_start3A_1001 = arith.constant 0 : i32
      %dma_start3A_1002 = arith.constant 0 : i32
      %dma_start3A_1003 = tpu.memref_slice %arg8[%add3A_1000, %dma_start3A_1001, %dma_start3A_1002] : memref<1024x200x128xf32, #tpu.memory_space<hbm>> -> memref<1x200x128xf32, #tpu.memory_space<hbm>>
      %dma_start3A_1004 = tpu.memref_squeeze %dma_start3A_1003 : memref<1x200x128xf32, #tpu.memory_space<hbm>> -> memref<200x128xf32, #tpu.memory_space<hbm>>
      %dma_start3A_1005 = arith.constant 0 : i32
      %dma_start3A_1006 = arith.constant 0 : i32
      %dma_start3A_1007 = tpu.memref_slice %arg8[%add3A_1000, %dma_start3A_1005, %dma_start3A_1006] : memref<1024x200x128xf32, #tpu.memory_space<hbm>> -> memref<1x200x128xf32, #tpu.memory_space<hbm>>
      %dma_start3A_1008 = tpu.memref_squeeze %dma_start3A_1007 : memref<1x200x128xf32, #tpu.memory_space<hbm>> -> memref<200x128xf32, #tpu.memory_space<hbm>>
      tpu.enqueue_dma source(%arg15 : memref<200x128xf32, #tpu.memory_space<vmem>>) target(%dma_start3A_1008 : memref<200x128xf32, #tpu.memory_space<hbm>>) target_semaphore(%arg28 : memref<!tpu.dma_semaphore, #tpu.memory_space<semaphore_mem>>)
      %dma_wait3A_1009 = arith.constant 0 : i32
      %dma_wait3A_1010 = tpu.memref_slice %arg3[%mul3A_2, %dma_wait3A_1009] : memref<1024x200xi32, #tpu.memory_space<hbm>> -> memref<1x200xi32, #tpu.memory_space<hbm>>
      %dma_wait3A_1011 = tpu.memref_squeeze %dma_wait3A_1010 : memref<1x200xi32, #tpu.memory_space<hbm>> -> memref<200xi32, #tpu.memory_space<hbm>>
      %dma_wait3A_1012 = arith.constant 0 : i32
      %dma_wait3A_1013 = tpu.memref_slice %arg3[%mul3A_2, %dma_wait3A_1012] : memref<1024x200xi32, #tpu.memory_space<hbm>> -> memref<1x200xi32, #tpu.memory_space<hbm>>
      %dma_wait3A_1014 = tpu.memref_squeeze %dma_wait3A_1013 : memref<1x200xi32, #tpu.memory_space<hbm>> -> memref<200xi32, #tpu.memory_space<hbm>>
      tpu.wait_dma2 semaphore(%arg19 : memref<!tpu.dma_semaphore, #tpu.memory_space<semaphore_mem>>) src(%dma_wait3A_1014 : memref<200xi32, #tpu.memory_space<hbm>>) dst(%arg10 : memref<200xi32, #tpu.memory_space<vmem>>)
      %dma_wait3A_1015 = arith.constant 0 : i32
      %dma_wait3A_1016 = arith.constant 0 : i32
      %dma_wait3A_1017 = tpu.memref_slice %arg8[%mul3A_2, %dma_wait3A_1015, %dma_wait3A_1016] : memref<1024x200x128xf32, #tpu.memory_space<hbm>> -> memref<1x200x128xf32, #tpu.memory_space<hbm>>
      %dma_wait3A_1018 = tpu.memref_squeeze %dma_wait3A_1017 : memref<1x200x128xf32, #tpu.memory_space<hbm>> -> memref<200x128xf32, #tpu.memory_space<hbm>>
      %dma_wait3A_1019 = arith.constant 0 : i32
      %dma_wait3A_1020 = arith.constant 0 : i32
      %dma_wait3A_1021 = tpu.memref_slice %arg8[%mul3A_2, %dma_wait3A_1019, %dma_wait3A_1020] : memref<1024x200x128xf32, #tpu.memory_space<hbm>> -> memref<1x200x128xf32, #tpu.memory_space<hbm>>
      %dma_wait3A_1022 = tpu.memref_squeeze %dma_wait3A_1021 : memref<1x200x128xf32, #tpu.memory_space<hbm>> -> memref<200x128xf32, #tpu.memory_space<hbm>>
      tpu.wait_dma2 semaphore(%arg27 : memref<!tpu.dma_semaphore, #tpu.memory_space<semaphore_mem>>) src(%arg14 : memref<200x128xf32, #tpu.memory_space<vmem>>) dst(%dma_wait3A_1022 : memref<200x128xf32, #tpu.memory_space<hbm>>)
      %dma_start3A_1023 = arith.constant 0 : i32
      %dma_start3A_1024 = arith.constant 0 : i32
      %dma_start3A_1025 = tpu.memref_slice %arg14[%dma_start3A_1023, %dma_start3A_1024] : memref<200x128xf32, #tpu.memory_space<vmem>> -> memref<128x128xf32, #tpu.memory_space<vmem>>
      %dma_start3A_1026 = arith.constant 0 : i32
      %dma_start3A_1027 = tpu.memref_slice %arg10[%dma_start3A_1026] : memref<200xi32, #tpu.memory_space<vmem>> -> memref<128xi32, #tpu.memory_space<vmem>>
      %dma_start3A_1028 = arith.constant 0 : i32
      %dma_start3A_1029 = arith.constant 0 : i32
      %dma_start3A_1030 = tpu.memref_slice %arg5[%dma_start3A_1028, %dma_start3A_1029] : memref<100000x128xf32, #tpu.memory_space<hbm>> -> memref<100000x128xf32, #tpu.memory_space<hbm>>
      tpu.enqueue_indirect_dma source(%dma_start3A_1030 : memref<100000x128xf32, #tpu.memory_space<hbm>>) target(%dma_start3A_1025 : memref<128x128xf32, #tpu.memory_space<vmem>>) offsets(%dma_start3A_1027 : memref<128xi32, #tpu.memory_space<vmem>>) semaphore(%arg23 : memref<!tpu.dma_semaphore, #tpu.memory_space<semaphore_mem>>)
      %dma_start3A_1031 = arith.constant 128 : i32
      %dma_start3A_1032 = arith.constant 0 : i32
      %dma_start3A_1033 = tpu.memref_slice %arg14[%dma_start3A_1031, %dma_start3A_1032] : memref<200x128xf32, #tpu.memory_space<vmem>> -> memref<72x128xf32, #tpu.memory_space<vmem>>
      %dma_start3A_1034 = arith.constant 128 : i32
      %dma_start3A_1035 = tpu.memref_slice %arg10[%dma_start3A_1034] : memref<200xi32, #tpu.memory_space<vmem>> -> memref<72xi32, #tpu.memory_space<vmem>>
      %dma_start3A_1036 = arith.constant 0 : i32
      %dma_start3A_1037 = arith.constant 0 : i32
      %dma_start3A_1038 = tpu.memref_slice %arg5[%dma_start3A_1036, %dma_start3A_1037] : memref<100000x128xf32, #tpu.memory_space<hbm>> -> memref<100000x128xf32, #tpu.memory_space<hbm>>
      tpu.enqueue_indirect_dma source(%dma_start3A_1038 : memref<100000x128xf32, #tpu.memory_space<hbm>>) target(%dma_start3A_1033 : memref<72x128xf32, #tpu.memory_space<vmem>>) offsets(%dma_start3A_1035 : memref<72xi32, #tpu.memory_space<vmem>>) semaphore(%arg23 : memref<!tpu.dma_semaphore, #tpu.memory_space<semaphore_mem>>)
      %add3A_1039 = arith.constant 1 : i32
      %add3A_1040 = arith.addi %add3A_976, %add3A_1039 : i32
      %add3A_1041 = arith.constant 5 : i32
      %add3A_1042 = arith.addi %add3A_976, %add3A_1041 : i32
      %add3A_1043 = arith.constant 4 : i32
      %add3A_1044 = arith.addi %add3A_976, %add3A_1043 : i32
      %dma_wait3A_1045 = arith.constant 0 : i32
      %dma_wait3A_1046 = arith.constant 0 : i32
      %dma_wait3A_1047 = tpu.memref_slice %arg5[%dma_wait3A_1045, %dma_wait3A_1046] : memref<100000x128xf32, #tpu.memory_space<hbm>> -> memref<200x128xf32, #tpu.memory_space<hbm>>
      %dma_wait3A_1048 = arith.constant 0 : i32
      %dma_wait3A_1049 = arith.constant 0 : i32
      %dma_wait3A_1050 = tpu.memref_slice %arg5[%dma_wait3A_1048, %dma_wait3A_1049] : memref<100000x128xf32, #tpu.memory_space<hbm>> -> memref<200x128xf32, #tpu.memory_space<hbm>>
      tpu.wait_dma2 semaphore(%arg25 : memref<!tpu.dma_semaphore, #tpu.memory_space<semaphore_mem>>) src(%dma_wait3A_1050 : memref<200x128xf32, #tpu.memory_space<hbm>>) dst(%arg16 : memref<200x128xf32, #tpu.memory_space<vmem>>)
      %add3A_1051 = arith.addi %mul3A_2, %add3A_1042 : i32
      %dma_start3A_1052 = arith.constant 0 : i32
      %dma_start3A_1053 = tpu.memref_slice %arg3[%add3A_1051, %dma_start3A_1052] : memref<1024x200xi32, #tpu.memory_space<hbm>> -> memref<1x200xi32, #tpu.memory_space<hbm>>
      %dma_start3A_1054 = tpu.memref_squeeze %dma_start3A_1053 : memref<1x200xi32, #tpu.memory_space<hbm>> -> memref<200xi32, #tpu.memory_space<hbm>>
      %dma_start3A_1055 = arith.constant 0 : i32
      %dma_start3A_1056 = tpu.memref_slice %arg3[%add3A_1051, %dma_start3A_1055] : memref<1024x200xi32, #tpu.memory_space<hbm>> -> memref<1x200xi32, #tpu.memory_space<hbm>>
      %dma_start3A_1057 = tpu.memref_squeeze %dma_start3A_1056 : memref<1x200xi32, #tpu.memory_space<hbm>> -> memref<200xi32, #tpu.memory_space<hbm>>
      tpu.enqueue_dma source(%dma_start3A_1057 : memref<200xi32, #tpu.memory_space<hbm>>) target(%arg12 : memref<200xi32, #tpu.memory_space<vmem>>) target_semaphore(%arg21 : memref<!tpu.dma_semaphore, #tpu.memory_space<semaphore_mem>>)
      %scan3A_1058 = arith.constant 0 : i32
      %scan3A_1059 = arith.constant 0 : i32
      %scan3A_1060 = arith.constant 200 : i32
      %scan3A_1061 = arith.addi %scan3A_1059, %scan3A_1060 : i32
      %scan3A_1062 = arith.constant 1 : i32
      scf.for %scan3A_1231 = %scan3A_1059 to %scan3A_1061 step %scan3A_1062  : i32 {
        %get3A = arith.index_cast %scan3A_1231 : i32 to index
        %get3A_1232 = arith.constant 0 : index
        %get3A_1233 = tpu.vector_load %arg9[%get3A, %get3A_1232] {strides = array<i32>} : memref<200x128xf32, #tpu.memory_space<vmem>>, vector<1x16xf32>,
        %get3A_1234 = vector.shape_cast %get3A_1233 : vector<1x16xf32> to vector<16xf32>
        %swap3A = arith.index_cast %scan3A_1231 : i32 to index
        %swap3A_1235 = arith.constant 0 : index
        %swap3A_1236 = tpu.vector_load %arg16[%swap3A, %swap3A_1235] {strides = array<i32>} : memref<200x128xf32, #tpu.memory_space<vmem>>, vector<1x16xf32>,
        %swap3A_1237 = vector.shape_cast %swap3A_1236 : vector<1x16xf32> to vector<16xf32>
        %swap3A_1238 = vector.shape_cast %get3A_1234 : vector<16xf32> to vector<1x16xf32>
        tpu.vector_store %arg16[%swap3A, %swap3A_1235], %swap3A_1238 {add = true, strides = array<i32>} : memref<200x128xf32, #tpu.memory_space<vmem>>, vector<1x16xf32>,
        %get3A_1239 = arith.index_cast %scan3A_1231 : i32 to index
        %get3A_1240 = arith.constant 16 : index
        %get3A_1241 = tpu.vector_load %arg9[%get3A_1239, %get3A_1240] {strides = array<i32>} : memref<200x128xf32, #tpu.memory_space<vmem>>, vector<1x16xf32>,
        %get3A_1242 = vector.shape_cast %get3A_1241 : vector<1x16xf32> to vector<16xf32>
        %swap3A_1243 = arith.index_cast %scan3A_1231 : i32 to index
        %swap3A_1244 = arith.constant 16 : index
        %swap3A_1245 = tpu.vector_load %arg16[%swap3A_1243, %swap3A_1244] {strides = array<i32>} : memref<200x128xf32, #tpu.memory_space<vmem>>, vector<1x16xf32>,
        %swap3A_1246 = vector.shape_cast %swap3A_1245 : vector<1x16xf32> to vector<16xf32>
        %swap3A_1247 = vector.shape_cast %get3A_1242 : vector<16xf32> to vector<1x16xf32>
        tpu.vector_store %arg16[%swap3A_1243, %swap3A_1244], %swap3A_1247 {add = true, strides = array<i32>} : memref<200x128xf32, #tpu.memory_space<vmem>>, vector<1x16xf32>,
        %get3A_1248 = arith.index_cast %scan3A_1231 : i32 to index
        %get3A_1249 = arith.constant 32 : index
        %get3A_1250 = tpu.vector_load %arg9[%get3A_1248, %get3A_1249] {strides = array<i32>} : memref<200x128xf32, #tpu.memory_space<vmem>>, vector<1x16xf32>,
        %get3A_1251 = vector.shape_cast %get3A_1250 : vector<1x16xf32> to vector<16xf32>
        %swap3A_1252 = arith.index_cast %scan3A_1231 : i32 to index
        %swap3A_1253 = arith.constant 32 : index
        %swap3A_1254 = tpu.vector_load %arg16[%swap3A_1252, %swap3A_1253] {strides = array<i32>} : memref<200x128xf32, #tpu.memory_space<vmem>>, vector<1x16xf32>,
        %swap3A_1255 = vector.shape_cast %swap3A_1254 : vector<1x16xf32> to vector<16xf32>
        %swap3A_1256 = vector.shape_cast %get3A_1251 : vector<16xf32> to vector<1x16xf32>
        tpu.vector_store %arg16[%swap3A_1252, %swap3A_1253], %swap3A_1256 {add = true, strides = array<i32>} : memref<200x128xf32, #tpu.memory_space<vmem>>, vector<1x16xf32>,
        %get3A_1257 = arith.index_cast %scan3A_1231 : i32 to index
        %get3A_1258 = arith.constant 48 : index
        %get3A_1259 = tpu.vector_load %arg9[%get3A_1257, %get3A_1258] {strides = array<i32>} : memref<200x128xf32, #tpu.memory_space<vmem>>, vector<1x16xf32>,
        %get3A_1260 = vector.shape_cast %get3A_1259 : vector<1x16xf32> to vector<16xf32>
        %swap3A_1261 = arith.index_cast %scan3A_1231 : i32 to index
        %swap3A_1262 = arith.constant 48 : index
        %swap3A_1263 = tpu.vector_load %arg16[%swap3A_1261, %swap3A_1262] {strides = array<i32>} : memref<200x128xf32, #tpu.memory_space<vmem>>, vector<1x16xf32>,
        %swap3A_1264 = vector.shape_cast %swap3A_1263 : vector<1x16xf32> to vector<16xf32>
        %swap3A_1265 = vector.shape_cast %get3A_1260 : vector<16xf32> to vector<1x16xf32>
        tpu.vector_store %arg16[%swap3A_1261, %swap3A_1262], %swap3A_1265 {add = true, strides = array<i32>} : memref<200x128xf32, #tpu.memory_space<vmem>>, vector<1x16xf32>,
        %get3A_1266 = arith.index_cast %scan3A_1231 : i32 to index
        %get3A_1267 = arith.constant 64 : index
        %get3A_1268 = tpu.vector_load %arg9[%get3A_1266, %get3A_1267] {strides = array<i32>} : memref<200x128xf32, #tpu.memory_space<vmem>>, vector<1x16xf32>,
        %get3A_1269 = vector.shape_cast %get3A_1268 : vector<1x16xf32> to vector<16xf32>
        %swap3A_1270 = arith.index_cast %scan3A_1231 : i32 to index
        %swap3A_1271 = arith.constant 64 : index
        %swap3A_1272 = tpu.vector_load %arg16[%swap3A_1270, %swap3A_1271] {strides = array<i32>} : memref<200x128xf32, #tpu.memory_space<vmem>>, vector<1x16xf32>,
        %swap3A_1273 = vector.shape_cast %swap3A_1272 : vector<1x16xf32> to vector<16xf32>
        %swap3A_1274 = vector.shape_cast %get3A_1269 : vector<16xf32> to vector<1x16xf32>
        tpu.vector_store %arg16[%swap3A_1270, %swap3A_1271], %swap3A_1274 {add = true, strides = array<i32>} : memref<200x128xf32, #tpu.memory_space<vmem>>, vector<1x16xf32>,
        %get3A_1275 = arith.index_cast %scan3A_1231 : i32 to index
        %get3A_1276 = arith.constant 80 : index
        %get3A_1277 = tpu.vector_load %arg9[%get3A_1275, %get3A_1276] {strides = array<i32>} : memref<200x128xf32, #tpu.memory_space<vmem>>, vector<1x16xf32>,
        %get3A_1278 = vector.shape_cast %get3A_1277 : vector<1x16xf32> to vector<16xf32>
        %swap3A_1279 = arith.index_cast %scan3A_1231 : i32 to index
        %swap3A_1280 = arith.constant 80 : index
        %swap3A_1281 = tpu.vector_load %arg16[%swap3A_1279, %swap3A_1280] {strides = array<i32>} : memref<200x128xf32, #tpu.memory_space<vmem>>, vector<1x16xf32>,
        %swap3A_1282 = vector.shape_cast %swap3A_1281 : vector<1x16xf32> to vector<16xf32>
        %swap3A_1283 = vector.shape_cast %get3A_1278 : vector<16xf32> to vector<1x16xf32>
        tpu.vector_store %arg16[%swap3A_1279, %swap3A_1280], %swap3A_1283 {add = true, strides = array<i32>} : memref<200x128xf32, #tpu.memory_space<vmem>>, vector<1x16xf32>,
        %get3A_1284 = arith.index_cast %scan3A_1231 : i32 to index
        %get3A_1285 = arith.constant 96 : index
        %get3A_1286 = tpu.vector_load %arg9[%get3A_1284, %get3A_1285] {strides = array<i32>} : memref<200x128xf32, #tpu.memory_space<vmem>>, vector<1x16xf32>,
        %get3A_1287 = vector.shape_cast %get3A_1286 : vector<1x16xf32> to vector<16xf32>
        %swap3A_1288 = arith.index_cast %scan3A_1231 : i32 to index
        %swap3A_1289 = arith.constant 96 : index
        %swap3A_1290 = tpu.vector_load %arg16[%swap3A_1288, %swap3A_1289] {strides = array<i32>} : memref<200x128xf32, #tpu.memory_space<vmem>>, vector<1x16xf32>,
        %swap3A_1291 = vector.shape_cast %swap3A_1290 : vector<1x16xf32> to vector<16xf32>
        %swap3A_1292 = vector.shape_cast %get3A_1287 : vector<16xf32> to vector<1x16xf32>
        tpu.vector_store %arg16[%swap3A_1288, %swap3A_1289], %swap3A_1292 {add = true, strides = array<i32>} : memref<200x128xf32, #tpu.memory_space<vmem>>, vector<1x16xf32>,
        %get3A_1293 = arith.index_cast %scan3A_1231 : i32 to index
        %get3A_1294 = arith.constant 112 : index
        %get3A_1295 = tpu.vector_load %arg9[%get3A_1293, %get3A_1294] {strides = array<i32>} : memref<200x128xf32, #tpu.memory_space<vmem>>, vector<1x16xf32>,
        %get3A_1296 = vector.shape_cast %get3A_1295 : vector<1x16xf32> to vector<16xf32>
        %swap3A_1297 = arith.index_cast %scan3A_1231 : i32 to index
        %swap3A_1298 = arith.constant 112 : index
        %swap3A_1299 = tpu.vector_load %arg16[%swap3A_1297, %swap3A_1298] {strides = array<i32>} : memref<200x128xf32, #tpu.memory_space<vmem>>, vector<1x16xf32>,
        %swap3A_1300 = vector.shape_cast %swap3A_1299 : vector<1x16xf32> to vector<16xf32>
        %swap3A_1301 = vector.shape_cast %get3A_1296 : vector<16xf32> to vector<1x16xf32>
        tpu.vector_store %arg16[%swap3A_1297, %swap3A_1298], %swap3A_1301 {add = true, strides = array<i32>} : memref<200x128xf32, #tpu.memory_space<vmem>>, vector<1x16xf32>,
      }
      %scan3A_1063 = arith.constant 200 : i32
      %add3A_1064 = arith.addi %mul3A_2, %add3A_1040 : i32
      %dma_start3A_1065 = arith.constant 0 : i32
      %dma_start3A_1066 = arith.constant 0 : i32
      %dma_start3A_1067 = tpu.memref_slice %arg8[%add3A_1064, %dma_start3A_1065, %dma_start3A_1066] : memref<1024x200x128xf32, #tpu.memory_space<hbm>> -> memref<1x200x128xf32, #tpu.memory_space<hbm>>
      %dma_start3A_1068 = tpu.memref_squeeze %dma_start3A_1067 : memref<1x200x128xf32, #tpu.memory_space<hbm>> -> memref<200x128xf32, #tpu.memory_space<hbm>>
      %dma_start3A_1069 = arith.constant 0 : i32
      %dma_start3A_1070 = arith.constant 0 : i32
      %dma_start3A_1071 = tpu.memref_slice %arg8[%add3A_1064, %dma_start3A_1069, %dma_start3A_1070] : memref<1024x200x128xf32, #tpu.memory_space<hbm>> -> memref<1x200x128xf32, #tpu.memory_space<hbm>>
      %dma_start3A_1072 = tpu.memref_squeeze %dma_start3A_1071 : memref<1x200x128xf32, #tpu.memory_space<hbm>> -> memref<200x128xf32, #tpu.memory_space<hbm>>
      tpu.enqueue_dma source(%arg16 : memref<200x128xf32, #tpu.memory_space<vmem>>) target(%dma_start3A_1072 : memref<200x128xf32, #tpu.memory_space<hbm>>) target_semaphore(%arg29 : memref<!tpu.dma_semaphore, #tpu.memory_space<semaphore_mem>>)
      %dma_wait3A_1073 = arith.constant 0 : i32
      %dma_wait3A_1074 = tpu.memref_slice %arg3[%mul3A_2, %dma_wait3A_1073] : memref<1024x200xi32, #tpu.memory_space<hbm>> -> memref<1x200xi32, #tpu.memory_space<hbm>>
      %dma_wait3A_1075 = tpu.memref_squeeze %dma_wait3A_1074 : memref<1x200xi32, #tpu.memory_space<hbm>> -> memref<200xi32, #tpu.memory_space<hbm>>
      %dma_wait3A_1076 = arith.constant 0 : i32
      %dma_wait3A_1077 = tpu.memref_slice %arg3[%mul3A_2, %dma_wait3A_1076] : memref<1024x200xi32, #tpu.memory_space<hbm>> -> memref<1x200xi32, #tpu.memory_space<hbm>>
      %dma_wait3A_1078 = tpu.memref_squeeze %dma_wait3A_1077 : memref<1x200xi32, #tpu.memory_space<hbm>> -> memref<200xi32, #tpu.memory_space<hbm>>
      tpu.wait_dma2 semaphore(%arg20 : memref<!tpu.dma_semaphore, #tpu.memory_space<semaphore_mem>>) src(%dma_wait3A_1078 : memref<200xi32, #tpu.memory_space<hbm>>) dst(%arg11 : memref<200xi32, #tpu.memory_space<vmem>>)
      %dma_wait3A_1079 = arith.constant 0 : i32
      %dma_wait3A_1080 = arith.constant 0 : i32
      %dma_wait3A_1081 = tpu.memref_slice %arg8[%mul3A_2, %dma_wait3A_1079, %dma_wait3A_1080] : memref<1024x200x128xf32, #tpu.memory_space<hbm>> -> memref<1x200x128xf32, #tpu.memory_space<hbm>>
      %dma_wait3A_1082 = tpu.memref_squeeze %dma_wait3A_1081 : memref<1x200x128xf32, #tpu.memory_space<hbm>> -> memref<200x128xf32, #tpu.memory_space<hbm>>
      %dma_wait3A_1083 = arith.constant 0 : i32
      %dma_wait3A_1084 = arith.constant 0 : i32
      %dma_wait3A_1085 = tpu.memref_slice %arg8[%mul3A_2, %dma_wait3A_1083, %dma_wait3A_1084] : memref<1024x200x128xf32, #tpu.memory_space<hbm>> -> memref<1x200x128xf32, #tpu.memory_space<hbm>>
      %dma_wait3A_1086 = tpu.memref_squeeze %dma_wait3A_1085 : memref<1x200x128xf32, #tpu.memory_space<hbm>> -> memref<200x128xf32, #tpu.memory_space<hbm>>
      tpu.wait_dma2 semaphore(%arg28 : memref<!tpu.dma_semaphore, #tpu.memory_space<semaphore_mem>>) src(%arg15 : memref<200x128xf32, #tpu.memory_space<vmem>>) dst(%dma_wait3A_1086 : memref<200x128xf32, #tpu.memory_space<hbm>>)
      %dma_start3A_1087 = arith.constant 0 : i32
      %dma_start3A_1088 = arith.constant 0 : i32
      %dma_start3A_1089 = tpu.memref_slice %arg15[%dma_start3A_1087, %dma_start3A_1088] : memref<200x128xf32, #tpu.memory_space<vmem>> -> memref<128x128xf32, #tpu.memory_space<vmem>>
      %dma_start3A_1090 = arith.constant 0 : i32
      %dma_start3A_1091 = tpu.memref_slice %arg11[%dma_start3A_1090] : memref<200xi32, #tpu.memory_space<vmem>> -> memref<128xi32, #tpu.memory_space<vmem>>
      %dma_start3A_1092 = arith.constant 0 : i32
      %dma_start3A_1093 = arith.constant 0 : i32
      %dma_start3A_1094 = tpu.memref_slice %arg5[%dma_start3A_1092, %dma_start3A_1093] : memref<100000x128xf32, #tpu.memory_space<hbm>> -> memref<100000x128xf32, #tpu.memory_space<hbm>>
      tpu.enqueue_indirect_dma source(%dma_start3A_1094 : memref<100000x128xf32, #tpu.memory_space<hbm>>) target(%dma_start3A_1089 : memref<128x128xf32, #tpu.memory_space<vmem>>) offsets(%dma_start3A_1091 : memref<128xi32, #tpu.memory_space<vmem>>) semaphore(%arg24 : memref<!tpu.dma_semaphore, #tpu.memory_space<semaphore_mem>>)
      %dma_start3A_1095 = arith.constant 128 : i32
      %dma_start3A_1096 = arith.constant 0 : i32
      %dma_start3A_1097 = tpu.memref_slice %arg15[%dma_start3A_1095, %dma_start3A_1096] : memref<200x128xf32, #tpu.memory_space<vmem>> -> memref<72x128xf32, #tpu.memory_space<vmem>>
      %dma_start3A_1098 = arith.constant 128 : i32
      %dma_start3A_1099 = tpu.memref_slice %arg11[%dma_start3A_1098] : memref<200xi32, #tpu.memory_space<vmem>> -> memref<72xi32, #tpu.memory_space<vmem>>
      %dma_start3A_1100 = arith.constant 0 : i32
      %dma_start3A_1101 = arith.constant 0 : i32
      %dma_start3A_1102 = tpu.memref_slice %arg5[%dma_start3A_1100, %dma_start3A_1101] : memref<100000x128xf32, #tpu.memory_space<hbm>> -> memref<100000x128xf32, #tpu.memory_space<hbm>>
      tpu.enqueue_indirect_dma source(%dma_start3A_1102 : memref<100000x128xf32, #tpu.memory_space<hbm>>) target(%dma_start3A_1097 : memref<72x128xf32, #tpu.memory_space<vmem>>) offsets(%dma_start3A_1099 : memref<72xi32, #tpu.memory_space<vmem>>) semaphore(%arg24 : memref<!tpu.dma_semaphore, #tpu.memory_space<semaphore_mem>>)
      %add3A_1103 = arith.constant 2 : i32
      %add3A_1104 = arith.addi %add3A_976, %add3A_1103 : i32
      %add3A_1105 = arith.constant 6 : i32
      %add3A_1106 = arith.addi %add3A_976, %add3A_1105 : i32
      %add3A_1107 = arith.constant 5 : i32
      %add3A_1108 = arith.addi %add3A_976, %add3A_1107 : i32
      %dma_wait3A_1109 = arith.constant 0 : i32
      %dma_wait3A_1110 = arith.constant 0 : i32
      %dma_wait3A_1111 = tpu.memref_slice %arg5[%dma_wait3A_1109, %dma_wait3A_1110] : memref<100000x128xf32, #tpu.memory_space<hbm>> -> memref<200x128xf32, #tpu.memory_space<hbm>>
      %dma_wait3A_1112 = arith.constant 0 : i32
      %dma_wait3A_1113 = arith.constant 0 : i32
      %dma_wait3A_1114 = tpu.memref_slice %arg5[%dma_wait3A_1112, %dma_wait3A_1113] : memref<100000x128xf32, #tpu.memory_space<hbm>> -> memref<200x128xf32, #tpu.memory_space<hbm>>
      tpu.wait_dma2 semaphore(%arg26 : memref<!tpu.dma_semaphore, #tpu.memory_space<semaphore_mem>>) src(%dma_wait3A_1114 : memref<200x128xf32, #tpu.memory_space<hbm>>) dst(%arg17 : memref<200x128xf32, #tpu.memory_space<vmem>>)
      %add3A_1115 = arith.addi %mul3A_2, %add3A_1106 : i32
      %dma_start3A_1116 = arith.constant 0 : i32
      %dma_start3A_1117 = tpu.memref_slice %arg3[%add3A_1115, %dma_start3A_1116] : memref<1024x200xi32, #tpu.memory_space<hbm>> -> memref<1x200xi32, #tpu.memory_space<hbm>>
      %dma_start3A_1118 = tpu.memref_squeeze %dma_start3A_1117 : memref<1x200xi32, #tpu.memory_space<hbm>> -> memref<200xi32, #tpu.memory_space<hbm>>
      %dma_start3A_1119 = arith.constant 0 : i32
      %dma_start3A_1120 = tpu.memref_slice %arg3[%add3A_1115, %dma_start3A_1119] : memref<1024x200xi32, #tpu.memory_space<hbm>> -> memref<1x200xi32, #tpu.memory_space<hbm>>
      %dma_start3A_1121 = tpu.memref_squeeze %dma_start3A_1120 : memref<1x200xi32, #tpu.memory_space<hbm>> -> memref<200xi32, #tpu.memory_space<hbm>>
      tpu.enqueue_dma source(%dma_start3A_1121 : memref<200xi32, #tpu.memory_space<hbm>>) target(%arg13 : memref<200xi32, #tpu.memory_space<vmem>>) target_semaphore(%arg22 : memref<!tpu.dma_semaphore, #tpu.memory_space<semaphore_mem>>)
      %scan3A_1122 = arith.constant 0 : i32
      %scan3A_1123 = arith.constant 0 : i32
      %scan3A_1124 = arith.constant 200 : i32
      %scan3A_1125 = arith.addi %scan3A_1123, %scan3A_1124 : i32
      %scan3A_1126 = arith.constant 1 : i32
      scf.for %scan3A_1231 = %scan3A_1123 to %scan3A_1125 step %scan3A_1126  : i32 {
        %get3A = arith.index_cast %scan3A_1231 : i32 to index
        %get3A_1232 = arith.constant 0 : index
        %get3A_1233 = tpu.vector_load %arg9[%get3A, %get3A_1232] {strides = array<i32>} : memref<200x128xf32, #tpu.memory_space<vmem>>, vector<1x16xf32>,
        %get3A_1234 = vector.shape_cast %get3A_1233 : vector<1x16xf32> to vector<16xf32>
        %swap3A = arith.index_cast %scan3A_1231 : i32 to index
        %swap3A_1235 = arith.constant 0 : index
        %swap3A_1236 = tpu.vector_load %arg17[%swap3A, %swap3A_1235] {strides = array<i32>} : memref<200x128xf32, #tpu.memory_space<vmem>>, vector<1x16xf32>,
        %swap3A_1237 = vector.shape_cast %swap3A_1236 : vector<1x16xf32> to vector<16xf32>
        %swap3A_1238 = vector.shape_cast %get3A_1234 : vector<16xf32> to vector<1x16xf32>
        tpu.vector_store %arg17[%swap3A, %swap3A_1235], %swap3A_1238 {add = true, strides = array<i32>} : memref<200x128xf32, #tpu.memory_space<vmem>>, vector<1x16xf32>,
        %get3A_1239 = arith.index_cast %scan3A_1231 : i32 to index
        %get3A_1240 = arith.constant 16 : index
        %get3A_1241 = tpu.vector_load %arg9[%get3A_1239, %get3A_1240] {strides = array<i32>} : memref<200x128xf32, #tpu.memory_space<vmem>>, vector<1x16xf32>,
        %get3A_1242 = vector.shape_cast %get3A_1241 : vector<1x16xf32> to vector<16xf32>
        %swap3A_1243 = arith.index_cast %scan3A_1231 : i32 to index
        %swap3A_1244 = arith.constant 16 : index
        %swap3A_1245 = tpu.vector_load %arg17[%swap3A_1243, %swap3A_1244] {strides = array<i32>} : memref<200x128xf32, #tpu.memory_space<vmem>>, vector<1x16xf32>,
        %swap3A_1246 = vector.shape_cast %swap3A_1245 : vector<1x16xf32> to vector<16xf32>
        %swap3A_1247 = vector.shape_cast %get3A_1242 : vector<16xf32> to vector<1x16xf32>
        tpu.vector_store %arg17[%swap3A_1243, %swap3A_1244], %swap3A_1247 {add = true, strides = array<i32>} : memref<200x128xf32, #tpu.memory_space<vmem>>, vector<1x16xf32>,
        %get3A_1248 = arith.index_cast %scan3A_1231 : i32 to index
        %get3A_1249 = arith.constant 32 : index
        %get3A_1250 = tpu.vector_load %arg9[%get3A_1248, %get3A_1249] {strides = array<i32>} : memref<200x128xf32, #tpu.memory_space<vmem>>, vector<1x16xf32>,
        %get3A_1251 = vector.shape_cast %get3A_1250 : vector<1x16xf32> to vector<16xf32>
        %swap3A_1252 = arith.index_cast %scan3A_1231 : i32 to index
        %swap3A_1253 = arith.constant 32 : index
        %swap3A_1254 = tpu.vector_load %arg17[%swap3A_1252, %swap3A_1253] {strides = array<i32>} : memref<200x128xf32, #tpu.memory_space<vmem>>, vector<1x16xf32>,
        %swap3A_1255 = vector.shape_cast %swap3A_1254 : vector<1x16xf32> to vector<16xf32>
        %swap3A_1256 = vector.shape_cast %get3A_1251 : vector<16xf32> to vector<1x16xf32>
        tpu.vector_store %arg17[%swap3A_1252, %swap3A_1253], %swap3A_1256 {add = true, strides = array<i32>} : memref<200x128xf32, #tpu.memory_space<vmem>>, vector<1x16xf32>,
        %get3A_1257 = arith.index_cast %scan3A_1231 : i32 to index
        %get3A_1258 = arith.constant 48 : index
        %get3A_1259 = tpu.vector_load %arg9[%get3A_1257, %get3A_1258] {strides = array<i32>} : memref<200x128xf32, #tpu.memory_space<vmem>>, vector<1x16xf32>,
        %get3A_1260 = vector.shape_cast %get3A_1259 : vector<1x16xf32> to vector<16xf32>
        %swap3A_1261 = arith.index_cast %scan3A_1231 : i32 to index
        %swap3A_1262 = arith.constant 48 : index
        %swap3A_1263 = tpu.vector_load %arg17[%swap3A_1261, %swap3A_1262] {strides = array<i32>} : memref<200x128xf32, #tpu.memory_space<vmem>>, vector<1x16xf32>,
        %swap3A_1264 = vector.shape_cast %swap3A_1263 : vector<1x16xf32> to vector<16xf32>
        %swap3A_1265 = vector.shape_cast %get3A_1260 : vector<16xf32> to vector<1x16xf32>
        tpu.vector_store %arg17[%swap3A_1261, %swap3A_1262], %swap3A_1265 {add = true, strides = array<i32>} : memref<200x128xf32, #tpu.memory_space<vmem>>, vector<1x16xf32>,
        %get3A_1266 = arith.index_cast %scan3A_1231 : i32 to index
        %get3A_1267 = arith.constant 64 : index
        %get3A_1268 = tpu.vector_load %arg9[%get3A_1266, %get3A_1267] {strides = array<i32>} : memref<200x128xf32, #tpu.memory_space<vmem>>, vector<1x16xf32>,
        %get3A_1269 = vector.shape_cast %get3A_1268 : vector<1x16xf32> to vector<16xf32>
        %swap3A_1270 = arith.index_cast %scan3A_1231 : i32 to index
        %swap3A_1271 = arith.constant 64 : index
        %swap3A_1272 = tpu.vector_load %arg17[%swap3A_1270, %swap3A_1271] {strides = array<i32>} : memref<200x128xf32, #tpu.memory_space<vmem>>, vector<1x16xf32>,
        %swap3A_1273 = vector.shape_cast %swap3A_1272 : vector<1x16xf32> to vector<16xf32>
        %swap3A_1274 = vector.shape_cast %get3A_1269 : vector<16xf32> to vector<1x16xf32>
        tpu.vector_store %arg17[%swap3A_1270, %swap3A_1271], %swap3A_1274 {add = true, strides = array<i32>} : memref<200x128xf32, #tpu.memory_space<vmem>>, vector<1x16xf32>,
        %get3A_1275 = arith.index_cast %scan3A_1231 : i32 to index
        %get3A_1276 = arith.constant 80 : index
        %get3A_1277 = tpu.vector_load %arg9[%get3A_1275, %get3A_1276] {strides = array<i32>} : memref<200x128xf32, #tpu.memory_space<vmem>>, vector<1x16xf32>,
        %get3A_1278 = vector.shape_cast %get3A_1277 : vector<1x16xf32> to vector<16xf32>
        %swap3A_1279 = arith.index_cast %scan3A_1231 : i32 to index
        %swap3A_1280 = arith.constant 80 : index
        %swap3A_1281 = tpu.vector_load %arg17[%swap3A_1279, %swap3A_1280] {strides = array<i32>} : memref<200x128xf32, #tpu.memory_space<vmem>>, vector<1x16xf32>,
        %swap3A_1282 = vector.shape_cast %swap3A_1281 : vector<1x16xf32> to vector<16xf32>
        %swap3A_1283 = vector.shape_cast %get3A_1278 : vector<16xf32> to vector<1x16xf32>
        tpu.vector_store %arg17[%swap3A_1279, %swap3A_1280], %swap3A_1283 {add = true, strides = array<i32>} : memref<200x128xf32, #tpu.memory_space<vmem>>, vector<1x16xf32>,
        %get3A_1284 = arith.index_cast %scan3A_1231 : i32 to index
        %get3A_1285 = arith.constant 96 : index
        %get3A_1286 = tpu.vector_load %arg9[%get3A_1284, %get3A_1285] {strides = array<i32>} : memref<200x128xf32, #tpu.memory_space<vmem>>, vector<1x16xf32>,
        %get3A_1287 = vector.shape_cast %get3A_1286 : vector<1x16xf32> to vector<16xf32>
        %swap3A_1288 = arith.index_cast %scan3A_1231 : i32 to index
        %swap3A_1289 = arith.constant 96 : index
        %swap3A_1290 = tpu.vector_load %arg17[%swap3A_1288, %swap3A_1289] {strides = array<i32>} : memref<200x128xf32, #tpu.memory_space<vmem>>, vector<1x16xf32>,
        %swap3A_1291 = vector.shape_cast %swap3A_1290 : vector<1x16xf32> to vector<16xf32>
        %swap3A_1292 = vector.shape_cast %get3A_1287 : vector<16xf32> to vector<1x16xf32>
        tpu.vector_store %arg17[%swap3A_1288, %swap3A_1289], %swap3A_1292 {add = true, strides = array<i32>} : memref<200x128xf32, #tpu.memory_space<vmem>>, vector<1x16xf32>,
        %get3A_1293 = arith.index_cast %scan3A_1231 : i32 to index
        %get3A_1294 = arith.constant 112 : index
        %get3A_1295 = tpu.vector_load %arg9[%get3A_1293, %get3A_1294] {strides = array<i32>} : memref<200x128xf32, #tpu.memory_space<vmem>>, vector<1x16xf32>,
        %get3A_1296 = vector.shape_cast %get3A_1295 : vector<1x16xf32> to vector<16xf32>
        %swap3A_1297 = arith.index_cast %scan3A_1231 : i32 to index
        %swap3A_1298 = arith.constant 112 : index
        %swap3A_1299 = tpu.vector_load %arg17[%swap3A_1297, %swap3A_1298] {strides = array<i32>} : memref<200x128xf32, #tpu.memory_space<vmem>>, vector<1x16xf32>,
        %swap3A_1300 = vector.shape_cast %swap3A_1299 : vector<1x16xf32> to vector<16xf32>
        %swap3A_1301 = vector.shape_cast %get3A_1296 : vector<16xf32> to vector<1x16xf32>
        tpu.vector_store %arg17[%swap3A_1297, %swap3A_1298], %swap3A_1301 {add = true, strides = array<i32>} : memref<200x128xf32, #tpu.memory_space<vmem>>, vector<1x16xf32>,
      }
      %scan3A_1127 = arith.constant 200 : i32
      %add3A_1128 = arith.addi %mul3A_2, %add3A_1104 : i32
      %dma_start3A_1129 = arith.constant 0 : i32
      %dma_start3A_1130 = arith.constant 0 : i32
      %dma_start3A_1131 = tpu.memref_slice %arg8[%add3A_1128, %dma_start3A_1129, %dma_start3A_1130] : memref<1024x200x128xf32, #tpu.memory_space<hbm>> -> memref<1x200x128xf32, #tpu.memory_space<hbm>>
      %dma_start3A_1132 = tpu.memref_squeeze %dma_start3A_1131 : memref<1x200x128xf32, #tpu.memory_space<hbm>> -> memref<200x128xf32, #tpu.memory_space<hbm>>
      %dma_start3A_1133 = arith.constant 0 : i32
      %dma_start3A_1134 = arith.constant 0 : i32
      %dma_start3A_1135 = tpu.memref_slice %arg8[%add3A_1128, %dma_start3A_1133, %dma_start3A_1134] : memref<1024x200x128xf32, #tpu.memory_space<hbm>> -> memref<1x200x128xf32, #tpu.memory_space<hbm>>
      %dma_start3A_1136 = tpu.memref_squeeze %dma_start3A_1135 : memref<1x200x128xf32, #tpu.memory_space<hbm>> -> memref<200x128xf32, #tpu.memory_space<hbm>>
      tpu.enqueue_dma source(%arg17 : memref<200x128xf32, #tpu.memory_space<vmem>>) target(%dma_start3A_1136 : memref<200x128xf32, #tpu.memory_space<hbm>>) target_semaphore(%arg30 : memref<!tpu.dma_semaphore, #tpu.memory_space<semaphore_mem>>)
      %dma_wait3A_1137 = arith.constant 0 : i32
      %dma_wait3A_1138 = tpu.memref_slice %arg3[%mul3A_2, %dma_wait3A_1137] : memref<1024x200xi32, #tpu.memory_space<hbm>> -> memref<1x200xi32, #tpu.memory_space<hbm>>
      %dma_wait3A_1139 = tpu.memref_squeeze %dma_wait3A_1138 : memref<1x200xi32, #tpu.memory_space<hbm>> -> memref<200xi32, #tpu.memory_space<hbm>>
      %dma_wait3A_1140 = arith.constant 0 : i32
      %dma_wait3A_1141 = tpu.memref_slice %arg3[%mul3A_2, %dma_wait3A_1140] : memref<1024x200xi32, #tpu.memory_space<hbm>> -> memref<1x200xi32, #tpu.memory_space<hbm>>
      %dma_wait3A_1142 = tpu.memref_squeeze %dma_wait3A_1141 : memref<1x200xi32, #tpu.memory_space<hbm>> -> memref<200xi32, #tpu.memory_space<hbm>>
      tpu.wait_dma2 semaphore(%arg21 : memref<!tpu.dma_semaphore, #tpu.memory_space<semaphore_mem>>) src(%dma_wait3A_1142 : memref<200xi32, #tpu.memory_space<hbm>>) dst(%arg12 : memref<200xi32, #tpu.memory_space<vmem>>)
      %dma_wait3A_1143 = arith.constant 0 : i32
      %dma_wait3A_1144 = arith.constant 0 : i32
      %dma_wait3A_1145 = tpu.memref_slice %arg8[%mul3A_2, %dma_wait3A_1143, %dma_wait3A_1144] : memref<1024x200x128xf32, #tpu.memory_space<hbm>> -> memref<1x200x128xf32, #tpu.memory_space<hbm>>
      %dma_wait3A_1146 = tpu.memref_squeeze %dma_wait3A_1145 : memref<1x200x128xf32, #tpu.memory_space<hbm>> -> memref<200x128xf32, #tpu.memory_space<hbm>>
      %dma_wait3A_1147 = arith.constant 0 : i32
      %dma_wait3A_1148 = arith.constant 0 : i32
      %dma_wait3A_1149 = tpu.memref_slice %arg8[%mul3A_2, %dma_wait3A_1147, %dma_wait3A_1148] : memref<1024x200x128xf32, #tpu.memory_space<hbm>> -> memref<1x200x128xf32, #tpu.memory_space<hbm>>
      %dma_wait3A_1150 = tpu.memref_squeeze %dma_wait3A_1149 : memref<1x200x128xf32, #tpu.memory_space<hbm>> -> memref<200x128xf32, #tpu.memory_space<hbm>>
      tpu.wait_dma2 semaphore(%arg29 : memref<!tpu.dma_semaphore, #tpu.memory_space<semaphore_mem>>) src(%arg16 : memref<200x128xf32, #tpu.memory_space<vmem>>) dst(%dma_wait3A_1150 : memref<200x128xf32, #tpu.memory_space<hbm>>)
      %dma_start3A_1151 = arith.constant 0 : i32
      %dma_start3A_1152 = arith.constant 0 : i32
      %dma_start3A_1153 = tpu.memref_slice %arg16[%dma_start3A_1151, %dma_start3A_1152] : memref<200x128xf32, #tpu.memory_space<vmem>> -> memref<128x128xf32, #tpu.memory_space<vmem>>
      %dma_start3A_1154 = arith.constant 0 : i32
      %dma_start3A_1155 = tpu.memref_slice %arg12[%dma_start3A_1154] : memref<200xi32, #tpu.memory_space<vmem>> -> memref<128xi32, #tpu.memory_space<vmem>>
      %dma_start3A_1156 = arith.constant 0 : i32
      %dma_start3A_1157 = arith.constant 0 : i32
      %dma_start3A_1158 = tpu.memref_slice %arg5[%dma_start3A_1156, %dma_start3A_1157] : memref<100000x128xf32, #tpu.memory_space<hbm>> -> memref<100000x128xf32, #tpu.memory_space<hbm>>
      tpu.enqueue_indirect_dma source(%dma_start3A_1158 : memref<100000x128xf32, #tpu.memory_space<hbm>>) target(%dma_start3A_1153 : memref<128x128xf32, #tpu.memory_space<vmem>>) offsets(%dma_start3A_1155 : memref<128xi32, #tpu.memory_space<vmem>>) semaphore(%arg25 : memref<!tpu.dma_semaphore, #tpu.memory_space<semaphore_mem>>)
      %dma_start3A_1159 = arith.constant 128 : i32
      %dma_start3A_1160 = arith.constant 0 : i32
      %dma_start3A_1161 = tpu.memref_slice %arg16[%dma_start3A_1159, %dma_start3A_1160] : memref<200x128xf32, #tpu.memory_space<vmem>> -> memref<72x128xf32, #tpu.memory_space<vmem>>
      %dma_start3A_1162 = arith.constant 128 : i32
      %dma_start3A_1163 = tpu.memref_slice %arg12[%dma_start3A_1162] : memref<200xi32, #tpu.memory_space<vmem>> -> memref<72xi32, #tpu.memory_space<vmem>>
      %dma_start3A_1164 = arith.constant 0 : i32
      %dma_start3A_1165 = arith.constant 0 : i32
      %dma_start3A_1166 = tpu.memref_slice %arg5[%dma_start3A_1164, %dma_start3A_1165] : memref<100000x128xf32, #tpu.memory_space<hbm>> -> memref<100000x128xf32, #tpu.memory_space<hbm>>
      tpu.enqueue_indirect_dma source(%dma_start3A_1166 : memref<100000x128xf32, #tpu.memory_space<hbm>>) target(%dma_start3A_1161 : memref<72x128xf32, #tpu.memory_space<vmem>>) offsets(%dma_start3A_1163 : memref<72xi32, #tpu.memory_space<vmem>>) semaphore(%arg25 : memref<!tpu.dma_semaphore, #tpu.memory_space<semaphore_mem>>)
      %add3A_1167 = arith.constant 3 : i32
      %add3A_1168 = arith.addi %add3A_976, %add3A_1167 : i32
      %add3A_1169 = arith.constant 7 : i32
      %add3A_1170 = arith.addi %add3A_976, %add3A_1169 : i32
      %add3A_1171 = arith.constant 6 : i32
      %add3A_1172 = arith.addi %add3A_976, %add3A_1171 : i32
      %dma_wait3A_1173 = arith.constant 0 : i32
      %dma_wait3A_1174 = arith.constant 0 : i32
      %dma_wait3A_1175 = tpu.memref_slice %arg5[%dma_wait3A_1173, %dma_wait3A_1174] : memref<100000x128xf32, #tpu.memory_space<hbm>> -> memref<200x128xf32, #tpu.memory_space<hbm>>
      %dma_wait3A_1176 = arith.constant 0 : i32
      %dma_wait3A_1177 = arith.constant 0 : i32
      %dma_wait3A_1178 = tpu.memref_slice %arg5[%dma_wait3A_1176, %dma_wait3A_1177] : memref<100000x128xf32, #tpu.memory_space<hbm>> -> memref<200x128xf32, #tpu.memory_space<hbm>>
      tpu.wait_dma2 semaphore(%arg23 : memref<!tpu.dma_semaphore, #tpu.memory_space<semaphore_mem>>) src(%dma_wait3A_1178 : memref<200x128xf32, #tpu.memory_space<hbm>>) dst(%arg14 : memref<200x128xf32, #tpu.memory_space<vmem>>)
      %add3A_1179 = arith.addi %mul3A_2, %add3A_1170 : i32
      %dma_start3A_1180 = arith.constant 0 : i32
      %dma_start3A_1181 = tpu.memref_slice %arg3[%add3A_1179, %dma_start3A_1180] : memref<1024x200xi32, #tpu.memory_space<hbm>> -> memref<1x200xi32, #tpu.memory_space<hbm>>
      %dma_start3A_1182 = tpu.memref_squeeze %dma_start3A_1181 : memref<1x200xi32, #tpu.memory_space<hbm>> -> memref<200xi32, #tpu.memory_space<hbm>>
      %dma_start3A_1183 = arith.constant 0 : i32
      %dma_start3A_1184 = tpu.memref_slice %arg3[%add3A_1179, %dma_start3A_1183] : memref<1024x200xi32, #tpu.memory_space<hbm>> -> memref<1x200xi32, #tpu.memory_space<hbm>>
      %dma_start3A_1185 = tpu.memref_squeeze %dma_start3A_1184 : memref<1x200xi32, #tpu.memory_space<hbm>> -> memref<200xi32, #tpu.memory_space<hbm>>
      tpu.enqueue_dma source(%dma_start3A_1185 : memref<200xi32, #tpu.memory_space<hbm>>) target(%arg10 : memref<200xi32, #tpu.memory_space<vmem>>) target_semaphore(%arg19 : memref<!tpu.dma_semaphore, #tpu.memory_space<semaphore_mem>>)
      %scan3A_1186 = arith.constant 0 : i32
      %scan3A_1187 = arith.constant 0 : i32
      %scan3A_1188 = arith.constant 200 : i32
      %scan3A_1189 = arith.addi %scan3A_1187, %scan3A_1188 : i32
      %scan3A_1190 = arith.constant 1 : i32
      scf.for %scan3A_1231 = %scan3A_1187 to %scan3A_1189 step %scan3A_1190  : i32 {
        %get3A = arith.index_cast %scan3A_1231 : i32 to index
        %get3A_1232 = arith.constant 0 : index
        %get3A_1233 = tpu.vector_load %arg9[%get3A, %get3A_1232] {strides = array<i32>} : memref<200x128xf32, #tpu.memory_space<vmem>>, vector<1x16xf32>,
        %get3A_1234 = vector.shape_cast %get3A_1233 : vector<1x16xf32> to vector<16xf32>
        %swap3A = arith.index_cast %scan3A_1231 : i32 to index
        %swap3A_1235 = arith.constant 0 : index
        %swap3A_1236 = tpu.vector_load %arg14[%swap3A, %swap3A_1235] {strides = array<i32>} : memref<200x128xf32, #tpu.memory_space<vmem>>, vector<1x16xf32>,
        %swap3A_1237 = vector.shape_cast %swap3A_1236 : vector<1x16xf32> to vector<16xf32>
        %swap3A_1238 = vector.shape_cast %get3A_1234 : vector<16xf32> to vector<1x16xf32>
        tpu.vector_store %arg14[%swap3A, %swap3A_1235], %swap3A_1238 {add = true, strides = array<i32>} : memref<200x128xf32, #tpu.memory_space<vmem>>, vector<1x16xf32>,
        %get3A_1239 = arith.index_cast %scan3A_1231 : i32 to index
        %get3A_1240 = arith.constant 16 : index
        %get3A_1241 = tpu.vector_load %arg9[%get3A_1239, %get3A_1240] {strides = array<i32>} : memref<200x128xf32, #tpu.memory_space<vmem>>, vector<1x16xf32>,
        %get3A_1242 = vector.shape_cast %get3A_1241 : vector<1x16xf32> to vector<16xf32>
        %swap3A_1243 = arith.index_cast %scan3A_1231 : i32 to index
        %swap3A_1244 = arith.constant 16 : index
        %swap3A_1245 = tpu.vector_load %arg14[%swap3A_1243, %swap3A_1244] {strides = array<i32>} : memref<200x128xf32, #tpu.memory_space<vmem>>, vector<1x16xf32>,
        %swap3A_1246 = vector.shape_cast %swap3A_1245 : vector<1x16xf32> to vector<16xf32>
        %swap3A_1247 = vector.shape_cast %get3A_1242 : vector<16xf32> to vector<1x16xf32>
        tpu.vector_store %arg14[%swap3A_1243, %swap3A_1244], %swap3A_1247 {add = true, strides = array<i32>} : memref<200x128xf32, #tpu.memory_space<vmem>>, vector<1x16xf32>,
        %get3A_1248 = arith.index_cast %scan3A_1231 : i32 to index
        %get3A_1249 = arith.constant 32 : index
        %get3A_1250 = tpu.vector_load %arg9[%get3A_1248, %get3A_1249] {strides = array<i32>} : memref<200x128xf32, #tpu.memory_space<vmem>>, vector<1x16xf32>,
        %get3A_1251 = vector.shape_cast %get3A_1250 : vector<1x16xf32> to vector<16xf32>
        %swap3A_1252 = arith.index_cast %scan3A_1231 : i32 to index
        %swap3A_1253 = arith.constant 32 : index
        %swap3A_1254 = tpu.vector_load %arg14[%swap3A_1252, %swap3A_1253] {strides = array<i32>} : memref<200x128xf32, #tpu.memory_space<vmem>>, vector<1x16xf32>,
        %swap3A_1255 = vector.shape_cast %swap3A_1254 : vector<1x16xf32> to vector<16xf32>
        %swap3A_1256 = vector.shape_cast %get3A_1251 : vector<16xf32> to vector<1x16xf32>
        tpu.vector_store %arg14[%swap3A_1252, %swap3A_1253], %swap3A_1256 {add = true, strides = array<i32>} : memref<200x128xf32, #tpu.memory_space<vmem>>, vector<1x16xf32>,
        %get3A_1257 = arith.index_cast %scan3A_1231 : i32 to index
        %get3A_1258 = arith.constant 48 : index
        %get3A_1259 = tpu.vector_load %arg9[%get3A_1257, %get3A_1258] {strides = array<i32>} : memref<200x128xf32, #tpu.memory_space<vmem>>, vector<1x16xf32>,
        %get3A_1260 = vector.shape_cast %get3A_1259 : vector<1x16xf32> to vector<16xf32>
        %swap3A_1261 = arith.index_cast %scan3A_1231 : i32 to index
        %swap3A_1262 = arith.constant 48 : index
        %swap3A_1263 = tpu.vector_load %arg14[%swap3A_1261, %swap3A_1262] {strides = array<i32>} : memref<200x128xf32, #tpu.memory_space<vmem>>, vector<1x16xf32>,
        %swap3A_1264 = vector.shape_cast %swap3A_1263 : vector<1x16xf32> to vector<16xf32>
        %swap3A_1265 = vector.shape_cast %get3A_1260 : vector<16xf32> to vector<1x16xf32>
        tpu.vector_store %arg14[%swap3A_1261, %swap3A_1262], %swap3A_1265 {add = true, strides = array<i32>} : memref<200x128xf32, #tpu.memory_space<vmem>>, vector<1x16xf32>,
        %get3A_1266 = arith.index_cast %scan3A_1231 : i32 to index
        %get3A_1267 = arith.constant 64 : index
        %get3A_1268 = tpu.vector_load %arg9[%get3A_1266, %get3A_1267] {strides = array<i32>} : memref<200x128xf32, #tpu.memory_space<vmem>>, vector<1x16xf32>,
        %get3A_1269 = vector.shape_cast %get3A_1268 : vector<1x16xf32> to vector<16xf32>
        %swap3A_1270 = arith.index_cast %scan3A_1231 : i32 to index
        %swap3A_1271 = arith.constant 64 : index
        %swap3A_1272 = tpu.vector_load %arg14[%swap3A_1270, %swap3A_1271] {strides = array<i32>} : memref<200x128xf32, #tpu.memory_space<vmem>>, vector<1x16xf32>,
        %swap3A_1273 = vector.shape_cast %swap3A_1272 : vector<1x16xf32> to vector<16xf32>
        %swap3A_1274 = vector.shape_cast %get3A_1269 : vector<16xf32> to vector<1x16xf32>
        tpu.vector_store %arg14[%swap3A_1270, %swap3A_1271], %swap3A_1274 {add = true, strides = array<i32>} : memref<200x128xf32, #tpu.memory_space<vmem>>, vector<1x16xf32>,
        %get3A_1275 = arith.index_cast %scan3A_1231 : i32 to index
        %get3A_1276 = arith.constant 80 : index
        %get3A_1277 = tpu.vector_load %arg9[%get3A_1275, %get3A_1276] {strides = array<i32>} : memref<200x128xf32, #tpu.memory_space<vmem>>, vector<1x16xf32>,
        %get3A_1278 = vector.shape_cast %get3A_1277 : vector<1x16xf32> to vector<16xf32>
        %swap3A_1279 = arith.index_cast %scan3A_1231 : i32 to index
        %swap3A_1280 = arith.constant 80 : index
        %swap3A_1281 = tpu.vector_load %arg14[%swap3A_1279, %swap3A_1280] {strides = array<i32>} : memref<200x128xf32, #tpu.memory_space<vmem>>, vector<1x16xf32>,
        %swap3A_1282 = vector.shape_cast %swap3A_1281 : vector<1x16xf32> to vector<16xf32>
        %swap3A_1283 = vector.shape_cast %get3A_1278 : vector<16xf32> to vector<1x16xf32>
        tpu.vector_store %arg14[%swap3A_1279, %swap3A_1280], %swap3A_1283 {add = true, strides = array<i32>} : memref<200x128xf32, #tpu.memory_space<vmem>>, vector<1x16xf32>,
        %get3A_1284 = arith.index_cast %scan3A_1231 : i32 to index
        %get3A_1285 = arith.constant 96 : index
        %get3A_1286 = tpu.vector_load %arg9[%get3A_1284, %get3A_1285] {strides = array<i32>} : memref<200x128xf32, #tpu.memory_space<vmem>>, vector<1x16xf32>,
        %get3A_1287 = vector.shape_cast %get3A_1286 : vector<1x16xf32> to vector<16xf32>
        %swap3A_1288 = arith.index_cast %scan3A_1231 : i32 to index
        %swap3A_1289 = arith.constant 96 : index
        %swap3A_1290 = tpu.vector_load %arg14[%swap3A_1288, %swap3A_1289] {strides = array<i32>} : memref<200x128xf32, #tpu.memory_space<vmem>>, vector<1x16xf32>,
        %swap3A_1291 = vector.shape_cast %swap3A_1290 : vector<1x16xf32> to vector<16xf32>
        %swap3A_1292 = vector.shape_cast %get3A_1287 : vector<16xf32> to vector<1x16xf32>
        tpu.vector_store %arg14[%swap3A_1288, %swap3A_1289], %swap3A_1292 {add = true, strides = array<i32>} : memref<200x128xf32, #tpu.memory_space<vmem>>, vector<1x16xf32>,
        %get3A_1293 = arith.index_cast %scan3A_1231 : i32 to index
        %get3A_1294 = arith.constant 112 : index
        %get3A_1295 = tpu.vector_load %arg9[%get3A_1293, %get3A_1294] {strides = array<i32>} : memref<200x128xf32, #tpu.memory_space<vmem>>, vector<1x16xf32>,
        %get3A_1296 = vector.shape_cast %get3A_1295 : vector<1x16xf32> to vector<16xf32>
        %swap3A_1297 = arith.index_cast %scan3A_1231 : i32 to index
        %swap3A_1298 = arith.constant 112 : index
        %swap3A_1299 = tpu.vector_load %arg14[%swap3A_1297, %swap3A_1298] {strides = array<i32>} : memref<200x128xf32, #tpu.memory_space<vmem>>, vector<1x16xf32>,
        %swap3A_1300 = vector.shape_cast %swap3A_1299 : vector<1x16xf32> to vector<16xf32>
        %swap3A_1301 = vector.shape_cast %get3A_1296 : vector<16xf32> to vector<1x16xf32>
        tpu.vector_store %arg14[%swap3A_1297, %swap3A_1298], %swap3A_1301 {add = true, strides = array<i32>} : memref<200x128xf32, #tpu.memory_space<vmem>>, vector<1x16xf32>,
      }
      %scan3A_1191 = arith.constant 200 : i32
      %add3A_1192 = arith.addi %mul3A_2, %add3A_1168 : i32
      %dma_start3A_1193 = arith.constant 0 : i32
      %dma_start3A_1194 = arith.constant 0 : i32
      %dma_start3A_1195 = tpu.memref_slice %arg8[%add3A_1192, %dma_start3A_1193, %dma_start3A_1194] : memref<1024x200x128xf32, #tpu.memory_space<hbm>> -> memref<1x200x128xf32, #tpu.memory_space<hbm>>
      %dma_start3A_1196 = tpu.memref_squeeze %dma_start3A_1195 : memref<1x200x128xf32, #tpu.memory_space<hbm>> -> memref<200x128xf32, #tpu.memory_space<hbm>>
      %dma_start3A_1197 = arith.constant 0 : i32
      %dma_start3A_1198 = arith.constant 0 : i32
      %dma_start3A_1199 = tpu.memref_slice %arg8[%add3A_1192, %dma_start3A_1197, %dma_start3A_1198] : memref<1024x200x128xf32, #tpu.memory_space<hbm>> -> memref<1x200x128xf32, #tpu.memory_space<hbm>>
      %dma_start3A_1200 = tpu.memref_squeeze %dma_start3A_1199 : memref<1x200x128xf32, #tpu.memory_space<hbm>> -> memref<200x128xf32, #tpu.memory_space<hbm>>
      tpu.enqueue_dma source(%arg14 : memref<200x128xf32, #tpu.memory_space<vmem>>) target(%dma_start3A_1200 : memref<200x128xf32, #tpu.memory_space<hbm>>) target_semaphore(%arg27 : memref<!tpu.dma_semaphore, #tpu.memory_space<semaphore_mem>>)
      %dma_wait3A_1201 = arith.constant 0 : i32
      %dma_wait3A_1202 = tpu.memref_slice %arg3[%mul3A_2, %dma_wait3A_1201] : memref<1024x200xi32, #tpu.memory_space<hbm>> -> memref<1x200xi32, #tpu.memory_space<hbm>>
      %dma_wait3A_1203 = tpu.memref_squeeze %dma_wait3A_1202 : memref<1x200xi32, #tpu.memory_space<hbm>> -> memref<200xi32, #tpu.memory_space<hbm>>
      %dma_wait3A_1204 = arith.constant 0 : i32
      %dma_wait3A_1205 = tpu.memref_slice %arg3[%mul3A_2, %dma_wait3A_1204] : memref<1024x200xi32, #tpu.memory_space<hbm>> -> memref<1x200xi32, #tpu.memory_space<hbm>>
      %dma_wait3A_1206 = tpu.memref_squeeze %dma_wait3A_1205 : memref<1x200xi32, #tpu.memory_space<hbm>> -> memref<200xi32, #tpu.memory_space<hbm>>
      tpu.wait_dma2 semaphore(%arg22 : memref<!tpu.dma_semaphore, #tpu.memory_space<semaphore_mem>>) src(%dma_wait3A_1206 : memref<200xi32, #tpu.memory_space<hbm>>) dst(%arg13 : memref<200xi32, #tpu.memory_space<vmem>>)
      %dma_wait3A_1207 = arith.constant 0 : i32
      %dma_wait3A_1208 = arith.constant 0 : i32
      %dma_wait3A_1209 = tpu.memref_slice %arg8[%mul3A_2, %dma_wait3A_1207, %dma_wait3A_1208] : memref<1024x200x128xf32, #tpu.memory_space<hbm>> -> memref<1x200x128xf32, #tpu.memory_space<hbm>>
      %dma_wait3A_1210 = tpu.memref_squeeze %dma_wait3A_1209 : memref<1x200x128xf32, #tpu.memory_space<hbm>> -> memref<200x128xf32, #tpu.memory_space<hbm>>
      %dma_wait3A_1211 = arith.constant 0 : i32
      %dma_wait3A_1212 = arith.constant 0 : i32
      %dma_wait3A_1213 = tpu.memref_slice %arg8[%mul3A_2, %dma_wait3A_1211, %dma_wait3A_1212] : memref<1024x200x128xf32, #tpu.memory_space<hbm>> -> memref<1x200x128xf32, #tpu.memory_space<hbm>>
      %dma_wait3A_1214 = tpu.memref_squeeze %dma_wait3A_1213 : memref<1x200x128xf32, #tpu.memory_space<hbm>> -> memref<200x128xf32, #tpu.memory_space<hbm>>
      tpu.wait_dma2 semaphore(%arg30 : memref<!tpu.dma_semaphore, #tpu.memory_space<semaphore_mem>>) src(%arg17 : memref<200x128xf32, #tpu.memory_space<vmem>>) dst(%dma_wait3A_1214 : memref<200x128xf32, #tpu.memory_space<hbm>>)
      %dma_start3A_1215 = arith.constant 0 : i32
      %dma_start3A_1216 = arith.constant 0 : i32
      %dma_start3A_1217 = tpu.memref_slice %arg17[%dma_start3A_1215, %dma_start3A_1216] : memref<200x128xf32, #tpu.memory_space<vmem>> -> memref<128x128xf32, #tpu.memory_space<vmem>>
      %dma_start3A_1218 = arith.constant 0 : i32
      %dma_start3A_1219 = tpu.memref_slice %arg13[%dma_start3A_1218] : memref<200xi32, #tpu.memory_space<vmem>> -> memref<128xi32, #tpu.memory_space<vmem>>
      %dma_start3A_1220 = arith.constant 0 : i32
      %dma_start3A_1221 = arith.constant 0 : i32
      %dma_start3A_1222 = tpu.memref_slice %arg5[%dma_start3A_1220, %dma_start3A_1221] : memref<100000x128xf32, #tpu.memory_space<hbm>> -> memref<100000x128xf32, #tpu.memory_space<hbm>>
      tpu.enqueue_indirect_dma source(%dma_start3A_1222 : memref<100000x128xf32, #tpu.memory_space<hbm>>) target(%dma_start3A_1217 : memref<128x128xf32, #tpu.memory_space<vmem>>) offsets(%dma_start3A_1219 : memref<128xi32, #tpu.memory_space<vmem>>) semaphore(%arg26 : memref<!tpu.dma_semaphore, #tpu.memory_space<semaphore_mem>>)
      %dma_start3A_1223 = arith.constant 128 : i32
      %dma_start3A_1224 = arith.constant 0 : i32
      %dma_start3A_1225 = tpu.memref_slice %arg17[%dma_start3A_1223, %dma_start3A_1224] : memref<200x128xf32, #tpu.memory_space<vmem>> -> memref<72x128xf32, #tpu.memory_space<vmem>>
      %dma_start3A_1226 = arith.constant 128 : i32
      %dma_start3A_1227 = tpu.memref_slice %arg13[%dma_start3A_1226] : memref<200xi32, #tpu.memory_space<vmem>> -> memref<72xi32, #tpu.memory_space<vmem>>
      %dma_start3A_1228 = arith.constant 0 : i32
      %dma_start3A_1229 = arith.constant 0 : i32
      %dma_start3A_1230 = tpu.memref_slice %arg5[%dma_start3A_1228, %dma_start3A_1229] : memref<100000x128xf32, #tpu.memory_space<hbm>> -> memref<100000x128xf32, #tpu.memory_space<hbm>>
      tpu.enqueue_indirect_dma source(%dma_start3A_1230 : memref<100000x128xf32, #tpu.memory_space<hbm>>) target(%dma_start3A_1225 : memref<72x128xf32, #tpu.memory_space<vmem>>) offsets(%dma_start3A_1227 : memref<72xi32, #tpu.memory_space<vmem>>) semaphore(%arg26 : memref<!tpu.dma_semaphore, #tpu.memory_space<semaphore_mem>>)
    }
    %scan3A_641 = arith.constant 6 : i32
    %dma_wait3A_642 = arith.constant 0 : i32
    %dma_wait3A_643 = arith.constant 0 : i32
    %dma_wait3A_644 = tpu.memref_slice %arg5[%dma_wait3A_642, %dma_wait3A_643] : memref<100000x128xf32, #tpu.memory_space<hbm>> -> memref<200x128xf32, #tpu.memory_space<hbm>>
    %dma_wait3A_645 = arith.constant 0 : i32
    %dma_wait3A_646 = arith.constant 0 : i32
    %dma_wait3A_647 = tpu.memref_slice %arg5[%dma_wait3A_645, %dma_wait3A_646] : memref<100000x128xf32, #tpu.memory_space<hbm>> -> memref<200x128xf32, #tpu.memory_space<hbm>>
    tpu.wait_dma2 semaphore(%arg24 : memref<!tpu.dma_semaphore, #tpu.memory_space<semaphore_mem>>) src(%dma_wait3A_647 : memref<200x128xf32, #tpu.memory_space<hbm>>) dst(%arg15 : memref<200x128xf32, #tpu.memory_space<vmem>>)
    %add3A_648 = arith.constant 29 : i32
    %add3A_649 = arith.addi %mul3A_2, %add3A_648 : i32
    %dma_start3A_650 = arith.constant 0 : i32
    %dma_start3A_651 = tpu.memref_slice %arg3[%add3A_649, %dma_start3A_650] : memref<1024x200xi32, #tpu.memory_space<hbm>> -> memref<1x200xi32, #tpu.memory_space<hbm>>
    %dma_start3A_652 = tpu.memref_squeeze %dma_start3A_651 : memref<1x200xi32, #tpu.memory_space<hbm>> -> memref<200xi32, #tpu.memory_space<hbm>>
    %dma_start3A_653 = arith.constant 0 : i32
    %dma_start3A_654 = tpu.memref_slice %arg3[%add3A_649, %dma_start3A_653] : memref<1024x200xi32, #tpu.memory_space<hbm>> -> memref<1x200xi32, #tpu.memory_space<hbm>>
    %dma_start3A_655 = tpu.memref_squeeze %dma_start3A_654 : memref<1x200xi32, #tpu.memory_space<hbm>> -> memref<200xi32, #tpu.memory_space<hbm>>
    tpu.enqueue_dma source(%dma_start3A_655 : memref<200xi32, #tpu.memory_space<hbm>>) target(%arg11 : memref<200xi32, #tpu.memory_space<vmem>>) target_semaphore(%arg20 : memref<!tpu.dma_semaphore, #tpu.memory_space<semaphore_mem>>)
    %scan3A_656 = arith.constant 0 : i32
    %scan3A_657 = arith.constant 0 : i32
    %scan3A_658 = arith.constant 200 : i32
    %scan3A_659 = arith.addi %scan3A_657, %scan3A_658 : i32
    %scan3A_660 = arith.constant 1 : i32
    scf.for %scan3A_972 = %scan3A_657 to %scan3A_659 step %scan3A_660  : i32 {
      %get3A = arith.index_cast %scan3A_972 : i32 to index
      %get3A_973 = arith.constant 0 : index
      %get3A_974 = tpu.vector_load %arg9[%get3A, %get3A_973] {strides = array<i32>} : memref<200x128xf32, #tpu.memory_space<vmem>>, vector<1x16xf32>,
      %get3A_975 = vector.shape_cast %get3A_974 : vector<1x16xf32> to vector<16xf32>
      %swap3A = arith.index_cast %scan3A_972 : i32 to index
      %swap3A_976 = arith.constant 0 : index
      %swap3A_977 = tpu.vector_load %arg15[%swap3A, %swap3A_976] {strides = array<i32>} : memref<200x128xf32, #tpu.memory_space<vmem>>, vector<1x16xf32>,
      %swap3A_978 = vector.shape_cast %swap3A_977 : vector<1x16xf32> to vector<16xf32>
      %swap3A_979 = vector.shape_cast %get3A_975 : vector<16xf32> to vector<1x16xf32>
      tpu.vector_store %arg15[%swap3A, %swap3A_976], %swap3A_979 {add = true, strides = array<i32>} : memref<200x128xf32, #tpu.memory_space<vmem>>, vector<1x16xf32>,
      %get3A_980 = arith.index_cast %scan3A_972 : i32 to index
      %get3A_981 = arith.constant 16 : index
      %get3A_982 = tpu.vector_load %arg9[%get3A_980, %get3A_981] {strides = array<i32>} : memref<200x128xf32, #tpu.memory_space<vmem>>, vector<1x16xf32>,
      %get3A_983 = vector.shape_cast %get3A_982 : vector<1x16xf32> to vector<16xf32>
      %swap3A_984 = arith.index_cast %scan3A_972 : i32 to index
      %swap3A_985 = arith.constant 16 : index
      %swap3A_986 = tpu.vector_load %arg15[%swap3A_984, %swap3A_985] {strides = array<i32>} : memref<200x128xf32, #tpu.memory_space<vmem>>, vector<1x16xf32>,
      %swap3A_987 = vector.shape_cast %swap3A_986 : vector<1x16xf32> to vector<16xf32>
      %swap3A_988 = vector.shape_cast %get3A_983 : vector<16xf32> to vector<1x16xf32>
      tpu.vector_store %arg15[%swap3A_984, %swap3A_985], %swap3A_988 {add = true, strides = array<i32>} : memref<200x128xf32, #tpu.memory_space<vmem>>, vector<1x16xf32>,
      %get3A_989 = arith.index_cast %scan3A_972 : i32 to index
      %get3A_990 = arith.constant 32 : index
      %get3A_991 = tpu.vector_load %arg9[%get3A_989, %get3A_990] {strides = array<i32>} : memref<200x128xf32, #tpu.memory_space<vmem>>, vector<1x16xf32>,
      %get3A_992 = vector.shape_cast %get3A_991 : vector<1x16xf32> to vector<16xf32>
      %swap3A_993 = arith.index_cast %scan3A_972 : i32 to index
      %swap3A_994 = arith.constant 32 : index
      %swap3A_995 = tpu.vector_load %arg15[%swap3A_993, %swap3A_994] {strides = array<i32>} : memref<200x128xf32, #tpu.memory_space<vmem>>, vector<1x16xf32>,
      %swap3A_996 = vector.shape_cast %swap3A_995 : vector<1x16xf32> to vector<16xf32>
      %swap3A_997 = vector.shape_cast %get3A_992 : vector<16xf32> to vector<1x16xf32>
      tpu.vector_store %arg15[%swap3A_993, %swap3A_994], %swap3A_997 {add = true, strides = array<i32>} : memref<200x128xf32, #tpu.memory_space<vmem>>, vector<1x16xf32>,
      %get3A_998 = arith.index_cast %scan3A_972 : i32 to index
      %get3A_999 = arith.constant 48 : index
      %get3A_1000 = tpu.vector_load %arg9[%get3A_998, %get3A_999] {strides = array<i32>} : memref<200x128xf32, #tpu.memory_space<vmem>>, vector<1x16xf32>,
      %get3A_1001 = vector.shape_cast %get3A_1000 : vector<1x16xf32> to vector<16xf32>
      %swap3A_1002 = arith.index_cast %scan3A_972 : i32 to index
      %swap3A_1003 = arith.constant 48 : index
      %swap3A_1004 = tpu.vector_load %arg15[%swap3A_1002, %swap3A_1003] {strides = array<i32>} : memref<200x128xf32, #tpu.memory_space<vmem>>, vector<1x16xf32>,
      %swap3A_1005 = vector.shape_cast %swap3A_1004 : vector<1x16xf32> to vector<16xf32>
      %swap3A_1006 = vector.shape_cast %get3A_1001 : vector<16xf32> to vector<1x16xf32>
      tpu.vector_store %arg15[%swap3A_1002, %swap3A_1003], %swap3A_1006 {add = true, strides = array<i32>} : memref<200x128xf32, #tpu.memory_space<vmem>>, vector<1x16xf32>,
      %get3A_1007 = arith.index_cast %scan3A_972 : i32 to index
      %get3A_1008 = arith.constant 64 : index
      %get3A_1009 = tpu.vector_load %arg9[%get3A_1007, %get3A_1008] {strides = array<i32>} : memref<200x128xf32, #tpu.memory_space<vmem>>, vector<1x16xf32>,
      %get3A_1010 = vector.shape_cast %get3A_1009 : vector<1x16xf32> to vector<16xf32>
      %swap3A_1011 = arith.index_cast %scan3A_972 : i32 to index
      %swap3A_1012 = arith.constant 64 : index
      %swap3A_1013 = tpu.vector_load %arg15[%swap3A_1011, %swap3A_1012] {strides = array<i32>} : memref<200x128xf32, #tpu.memory_space<vmem>>, vector<1x16xf32>,
      %swap3A_1014 = vector.shape_cast %swap3A_1013 : vector<1x16xf32> to vector<16xf32>
      %swap3A_1015 = vector.shape_cast %get3A_1010 : vector<16xf32> to vector<1x16xf32>
      tpu.vector_store %arg15[%swap3A_1011, %swap3A_1012], %swap3A_1015 {add = true, strides = array<i32>} : memref<200x128xf32, #tpu.memory_space<vmem>>, vector<1x16xf32>,
      %get3A_1016 = arith.index_cast %scan3A_972 : i32 to index
      %get3A_1017 = arith.constant 80 : index
      %get3A_1018 = tpu.vector_load %arg9[%get3A_1016, %get3A_1017] {strides = array<i32>} : memref<200x128xf32, #tpu.memory_space<vmem>>, vector<1x16xf32>,
      %get3A_1019 = vector.shape_cast %get3A_1018 : vector<1x16xf32> to vector<16xf32>
      %swap3A_1020 = arith.index_cast %scan3A_972 : i32 to index
      %swap3A_1021 = arith.constant 80 : index
      %swap3A_1022 = tpu.vector_load %arg15[%swap3A_1020, %swap3A_1021] {strides = array<i32>} : memref<200x128xf32, #tpu.memory_space<vmem>>, vector<1x16xf32>,
      %swap3A_1023 = vector.shape_cast %swap3A_1022 : vector<1x16xf32> to vector<16xf32>
      %swap3A_1024 = vector.shape_cast %get3A_1019 : vector<16xf32> to vector<1x16xf32>
      tpu.vector_store %arg15[%swap3A_1020, %swap3A_1021], %swap3A_1024 {add = true, strides = array<i32>} : memref<200x128xf32, #tpu.memory_space<vmem>>, vector<1x16xf32>,
      %get3A_1025 = arith.index_cast %scan3A_972 : i32 to index
      %get3A_1026 = arith.constant 96 : index
      %get3A_1027 = tpu.vector_load %arg9[%get3A_1025, %get3A_1026] {strides = array<i32>} : memref<200x128xf32, #tpu.memory_space<vmem>>, vector<1x16xf32>,
      %get3A_1028 = vector.shape_cast %get3A_1027 : vector<1x16xf32> to vector<16xf32>
      %swap3A_1029 = arith.index_cast %scan3A_972 : i32 to index
      %swap3A_1030 = arith.constant 96 : index
      %swap3A_1031 = tpu.vector_load %arg15[%swap3A_1029, %swap3A_1030] {strides = array<i32>} : memref<200x128xf32, #tpu.memory_space<vmem>>, vector<1x16xf32>,
      %swap3A_1032 = vector.shape_cast %swap3A_1031 : vector<1x16xf32> to vector<16xf32>
      %swap3A_1033 = vector.shape_cast %get3A_1028 : vector<16xf32> to vector<1x16xf32>
      tpu.vector_store %arg15[%swap3A_1029, %swap3A_1030], %swap3A_1033 {add = true, strides = array<i32>} : memref<200x128xf32, #tpu.memory_space<vmem>>, vector<1x16xf32>,
      %get3A_1034 = arith.index_cast %scan3A_972 : i32 to index
      %get3A_1035 = arith.constant 112 : index
      %get3A_1036 = tpu.vector_load %arg9[%get3A_1034, %get3A_1035] {strides = array<i32>} : memref<200x128xf32, #tpu.memory_space<vmem>>, vector<1x16xf32>,
      %get3A_1037 = vector.shape_cast %get3A_1036 : vector<1x16xf32> to vector<16xf32>
      %swap3A_1038 = arith.index_cast %scan3A_972 : i32 to index
      %swap3A_1039 = arith.constant 112 : index
      %swap3A_1040 = tpu.vector_load %arg15[%swap3A_1038, %swap3A_1039] {strides = array<i32>} : memref<200x128xf32, #tpu.memory_space<vmem>>, vector<1x16xf32>,
      %swap3A_1041 = vector.shape_cast %swap3A_1040 : vector<1x16xf32> to vector<16xf32>
      %swap3A_1042 = vector.shape_cast %get3A_1037 : vector<16xf32> to vector<1x16xf32>
      tpu.vector_store %arg15[%swap3A_1038, %swap3A_1039], %swap3A_1042 {add = true, strides = array<i32>} : memref<200x128xf32, #tpu.memory_space<vmem>>, vector<1x16xf32>,
    }
    %scan3A_661 = arith.constant 200 : i32
    %add3A_662 = arith.constant 25 : i32
    %add3A_663 = arith.addi %mul3A_2, %add3A_662 : i32
    %dma_start3A_664 = arith.constant 0 : i32
    %dma_start3A_665 = arith.constant 0 : i32
    %dma_start3A_666 = tpu.memref_slice %arg8[%add3A_663, %dma_start3A_664, %dma_start3A_665] : memref<1024x200x128xf32, #tpu.memory_space<hbm>> -> memref<1x200x128xf32, #tpu.memory_space<hbm>>
    %dma_start3A_667 = tpu.memref_squeeze %dma_start3A_666 : memref<1x200x128xf32, #tpu.memory_space<hbm>> -> memref<200x128xf32, #tpu.memory_space<hbm>>
    %dma_start3A_668 = arith.constant 0 : i32
    %dma_start3A_669 = arith.constant 0 : i32
    %dma_start3A_670 = tpu.memref_slice %arg8[%add3A_663, %dma_start3A_668, %dma_start3A_669] : memref<1024x200x128xf32, #tpu.memory_space<hbm>> -> memref<1x200x128xf32, #tpu.memory_space<hbm>>
    %dma_start3A_671 = tpu.memref_squeeze %dma_start3A_670 : memref<1x200x128xf32, #tpu.memory_space<hbm>> -> memref<200x128xf32, #tpu.memory_space<hbm>>
    tpu.enqueue_dma source(%arg15 : memref<200x128xf32, #tpu.memory_space<vmem>>) target(%dma_start3A_671 : memref<200x128xf32, #tpu.memory_space<hbm>>) target_semaphore(%arg28 : memref<!tpu.dma_semaphore, #tpu.memory_space<semaphore_mem>>)
    %dma_wait3A_672 = arith.constant 0 : i32
    %dma_wait3A_673 = tpu.memref_slice %arg3[%mul3A_2, %dma_wait3A_672] : memref<1024x200xi32, #tpu.memory_space<hbm>> -> memref<1x200xi32, #tpu.memory_space<hbm>>
    %dma_wait3A_674 = tpu.memref_squeeze %dma_wait3A_673 : memref<1x200xi32, #tpu.memory_space<hbm>> -> memref<200xi32, #tpu.memory_space<hbm>>
    %dma_wait3A_675 = arith.constant 0 : i32
    %dma_wait3A_676 = tpu.memref_slice %arg3[%mul3A_2, %dma_wait3A_675] : memref<1024x200xi32, #tpu.memory_space<hbm>> -> memref<1x200xi32, #tpu.memory_space<hbm>>
    %dma_wait3A_677 = tpu.memref_squeeze %dma_wait3A_676 : memref<1x200xi32, #tpu.memory_space<hbm>> -> memref<200xi32, #tpu.memory_space<hbm>>
    tpu.wait_dma2 semaphore(%arg19 : memref<!tpu.dma_semaphore, #tpu.memory_space<semaphore_mem>>) src(%dma_wait3A_677 : memref<200xi32, #tpu.memory_space<hbm>>) dst(%arg10 : memref<200xi32, #tpu.memory_space<vmem>>)
    %dma_wait3A_678 = arith.constant 0 : i32
    %dma_wait3A_679 = arith.constant 0 : i32
    %dma_wait3A_680 = tpu.memref_slice %arg8[%mul3A_2, %dma_wait3A_678, %dma_wait3A_679] : memref<1024x200x128xf32, #tpu.memory_space<hbm>> -> memref<1x200x128xf32, #tpu.memory_space<hbm>>
    %dma_wait3A_681 = tpu.memref_squeeze %dma_wait3A_680 : memref<1x200x128xf32, #tpu.memory_space<hbm>> -> memref<200x128xf32, #tpu.memory_space<hbm>>
    %dma_wait3A_682 = arith.constant 0 : i32
    %dma_wait3A_683 = arith.constant 0 : i32
    %dma_wait3A_684 = tpu.memref_slice %arg8[%mul3A_2, %dma_wait3A_682, %dma_wait3A_683] : memref<1024x200x128xf32, #tpu.memory_space<hbm>> -> memref<1x200x128xf32, #tpu.memory_space<hbm>>
    %dma_wait3A_685 = tpu.memref_squeeze %dma_wait3A_684 : memref<1x200x128xf32, #tpu.memory_space<hbm>> -> memref<200x128xf32, #tpu.memory_space<hbm>>
    tpu.wait_dma2 semaphore(%arg27 : memref<!tpu.dma_semaphore, #tpu.memory_space<semaphore_mem>>) src(%arg14 : memref<200x128xf32, #tpu.memory_space<vmem>>) dst(%dma_wait3A_685 : memref<200x128xf32, #tpu.memory_space<hbm>>)
    %dma_start3A_686 = arith.constant 0 : i32
    %dma_start3A_687 = arith.constant 0 : i32
    %dma_start3A_688 = tpu.memref_slice %arg14[%dma_start3A_686, %dma_start3A_687] : memref<200x128xf32, #tpu.memory_space<vmem>> -> memref<128x128xf32, #tpu.memory_space<vmem>>
    %dma_start3A_689 = arith.constant 0 : i32
    %dma_start3A_690 = tpu.memref_slice %arg10[%dma_start3A_689] : memref<200xi32, #tpu.memory_space<vmem>> -> memref<128xi32, #tpu.memory_space<vmem>>
    %dma_start3A_691 = arith.constant 0 : i32
    %dma_start3A_692 = arith.constant 0 : i32
    %dma_start3A_693 = tpu.memref_slice %arg5[%dma_start3A_691, %dma_start3A_692] : memref<100000x128xf32, #tpu.memory_space<hbm>> -> memref<100000x128xf32, #tpu.memory_space<hbm>>
    tpu.enqueue_indirect_dma source(%dma_start3A_693 : memref<100000x128xf32, #tpu.memory_space<hbm>>) target(%dma_start3A_688 : memref<128x128xf32, #tpu.memory_space<vmem>>) offsets(%dma_start3A_690 : memref<128xi32, #tpu.memory_space<vmem>>) semaphore(%arg23 : memref<!tpu.dma_semaphore, #tpu.memory_space<semaphore_mem>>)
    %dma_start3A_694 = arith.constant 128 : i32
    %dma_start3A_695 = arith.constant 0 : i32
    %dma_start3A_696 = tpu.memref_slice %arg14[%dma_start3A_694, %dma_start3A_695] : memref<200x128xf32, #tpu.memory_space<vmem>> -> memref<72x128xf32, #tpu.memory_space<vmem>>
    %dma_start3A_697 = arith.constant 128 : i32
    %dma_start3A_698 = tpu.memref_slice %arg10[%dma_start3A_697] : memref<200xi32, #tpu.memory_space<vmem>> -> memref<72xi32, #tpu.memory_space<vmem>>
    %dma_start3A_699 = arith.constant 0 : i32
    %dma_start3A_700 = arith.constant 0 : i32
    %dma_start3A_701 = tpu.memref_slice %arg5[%dma_start3A_699, %dma_start3A_700] : memref<100000x128xf32, #tpu.memory_space<hbm>> -> memref<100000x128xf32, #tpu.memory_space<hbm>>
    tpu.enqueue_indirect_dma source(%dma_start3A_701 : memref<100000x128xf32, #tpu.memory_space<hbm>>) target(%dma_start3A_696 : memref<72x128xf32, #tpu.memory_space<vmem>>) offsets(%dma_start3A_698 : memref<72xi32, #tpu.memory_space<vmem>>) semaphore(%arg23 : memref<!tpu.dma_semaphore, #tpu.memory_space<semaphore_mem>>)
    %dma_wait3A_702 = arith.constant 0 : i32
    %dma_wait3A_703 = arith.constant 0 : i32
    %dma_wait3A_704 = tpu.memref_slice %arg5[%dma_wait3A_702, %dma_wait3A_703] : memref<100000x128xf32, #tpu.memory_space<hbm>> -> memref<200x128xf32, #tpu.memory_space<hbm>>
    %dma_wait3A_705 = arith.constant 0 : i32
    %dma_wait3A_706 = arith.constant 0 : i32
    %dma_wait3A_707 = tpu.memref_slice %arg5[%dma_wait3A_705, %dma_wait3A_706] : memref<100000x128xf32, #tpu.memory_space<hbm>> -> memref<200x128xf32, #tpu.memory_space<hbm>>
    tpu.wait_dma2 semaphore(%arg25 : memref<!tpu.dma_semaphore, #tpu.memory_space<semaphore_mem>>) src(%dma_wait3A_707 : memref<200x128xf32, #tpu.memory_space<hbm>>) dst(%arg16 : memref<200x128xf32, #tpu.memory_space<vmem>>)
    %add3A_708 = arith.constant 30 : i32
    %add3A_709 = arith.addi %mul3A_2, %add3A_708 : i32
    %dma_start3A_710 = arith.constant 0 : i32
    %dma_start3A_711 = tpu.memref_slice %arg3[%add3A_709, %dma_start3A_710] : memref<1024x200xi32, #tpu.memory_space<hbm>> -> memref<1x200xi32, #tpu.memory_space<hbm>>
    %dma_start3A_712 = tpu.memref_squeeze %dma_start3A_711 : memref<1x200xi32, #tpu.memory_space<hbm>> -> memref<200xi32, #tpu.memory_space<hbm>>
    %dma_start3A_713 = arith.constant 0 : i32
    %dma_start3A_714 = tpu.memref_slice %arg3[%add3A_709, %dma_start3A_713] : memref<1024x200xi32, #tpu.memory_space<hbm>> -> memref<1x200xi32, #tpu.memory_space<hbm>>
    %dma_start3A_715 = tpu.memref_squeeze %dma_start3A_714 : memref<1x200xi32, #tpu.memory_space<hbm>> -> memref<200xi32, #tpu.memory_space<hbm>>
    tpu.enqueue_dma source(%dma_start3A_715 : memref<200xi32, #tpu.memory_space<hbm>>) target(%arg12 : memref<200xi32, #tpu.memory_space<vmem>>) target_semaphore(%arg21 : memref<!tpu.dma_semaphore, #tpu.memory_space<semaphore_mem>>)
    %scan3A_716 = arith.constant 0 : i32
    %scan3A_717 = arith.constant 0 : i32
    %scan3A_718 = arith.constant 200 : i32
    %scan3A_719 = arith.addi %scan3A_717, %scan3A_718 : i32
    %scan3A_720 = arith.constant 1 : i32
    scf.for %scan3A_972 = %scan3A_717 to %scan3A_719 step %scan3A_720  : i32 {
      %get3A = arith.index_cast %scan3A_972 : i32 to index
      %get3A_973 = arith.constant 0 : index
      %get3A_974 = tpu.vector_load %arg9[%get3A, %get3A_973] {strides = array<i32>} : memref<200x128xf32, #tpu.memory_space<vmem>>, vector<1x16xf32>,
      %get3A_975 = vector.shape_cast %get3A_974 : vector<1x16xf32> to vector<16xf32>
      %swap3A = arith.index_cast %scan3A_972 : i32 to index
      %swap3A_976 = arith.constant 0 : index
      %swap3A_977 = tpu.vector_load %arg16[%swap3A, %swap3A_976] {strides = array<i32>} : memref<200x128xf32, #tpu.memory_space<vmem>>, vector<1x16xf32>,
      %swap3A_978 = vector.shape_cast %swap3A_977 : vector<1x16xf32> to vector<16xf32>
      %swap3A_979 = vector.shape_cast %get3A_975 : vector<16xf32> to vector<1x16xf32>
      tpu.vector_store %arg16[%swap3A, %swap3A_976], %swap3A_979 {add = true, strides = array<i32>} : memref<200x128xf32, #tpu.memory_space<vmem>>, vector<1x16xf32>,
      %get3A_980 = arith.index_cast %scan3A_972 : i32 to index
      %get3A_981 = arith.constant 16 : index
      %get3A_982 = tpu.vector_load %arg9[%get3A_980, %get3A_981] {strides = array<i32>} : memref<200x128xf32, #tpu.memory_space<vmem>>, vector<1x16xf32>,
      %get3A_983 = vector.shape_cast %get3A_982 : vector<1x16xf32> to vector<16xf32>
      %swap3A_984 = arith.index_cast %scan3A_972 : i32 to index
      %swap3A_985 = arith.constant 16 : index
      %swap3A_986 = tpu.vector_load %arg16[%swap3A_984, %swap3A_985] {strides = array<i32>} : memref<200x128xf32, #tpu.memory_space<vmem>>, vector<1x16xf32>,
      %swap3A_987 = vector.shape_cast %swap3A_986 : vector<1x16xf32> to vector<16xf32>
      %swap3A_988 = vector.shape_cast %get3A_983 : vector<16xf32> to vector<1x16xf32>
      tpu.vector_store %arg16[%swap3A_984, %swap3A_985], %swap3A_988 {add = true, strides = array<i32>} : memref<200x128xf32, #tpu.memory_space<vmem>>, vector<1x16xf32>,
      %get3A_989 = arith.index_cast %scan3A_972 : i32 to index
      %get3A_990 = arith.constant 32 : index
      %get3A_991 = tpu.vector_load %arg9[%get3A_989, %get3A_990] {strides = array<i32>} : memref<200x128xf32, #tpu.memory_space<vmem>>, vector<1x16xf32>,
      %get3A_992 = vector.shape_cast %get3A_991 : vector<1x16xf32> to vector<16xf32>
      %swap3A_993 = arith.index_cast %scan3A_972 : i32 to index
      %swap3A_994 = arith.constant 32 : index
      %swap3A_995 = tpu.vector_load %arg16[%swap3A_993, %swap3A_994] {strides = array<i32>} : memref<200x128xf32, #tpu.memory_space<vmem>>, vector<1x16xf32>,
      %swap3A_996 = vector.shape_cast %swap3A_995 : vector<1x16xf32> to vector<16xf32>
      %swap3A_997 = vector.shape_cast %get3A_992 : vector<16xf32> to vector<1x16xf32>
      tpu.vector_store %arg16[%swap3A_993, %swap3A_994], %swap3A_997 {add = true, strides = array<i32>} : memref<200x128xf32, #tpu.memory_space<vmem>>, vector<1x16xf32>,
      %get3A_998 = arith.index_cast %scan3A_972 : i32 to index
      %get3A_999 = arith.constant 48 : index
      %get3A_1000 = tpu.vector_load %arg9[%get3A_998, %get3A_999] {strides = array<i32>} : memref<200x128xf32, #tpu.memory_space<vmem>>, vector<1x16xf32>,
      %get3A_1001 = vector.shape_cast %get3A_1000 : vector<1x16xf32> to vector<16xf32>
      %swap3A_1002 = arith.index_cast %scan3A_972 : i32 to index
      %swap3A_1003 = arith.constant 48 : index
      %swap3A_1004 = tpu.vector_load %arg16[%swap3A_1002, %swap3A_1003] {strides = array<i32>} : memref<200x128xf32, #tpu.memory_space<vmem>>, vector<1x16xf32>,
      %swap3A_1005 = vector.shape_cast %swap3A_1004 : vector<1x16xf32> to vector<16xf32>
      %swap3A_1006 = vector.shape_cast %get3A_1001 : vector<16xf32> to vector<1x16xf32>
      tpu.vector_store %arg16[%swap3A_1002, %swap3A_1003], %swap3A_1006 {add = true, strides = array<i32>} : memref<200x128xf32, #tpu.memory_space<vmem>>, vector<1x16xf32>,
      %get3A_1007 = arith.index_cast %scan3A_972 : i32 to index
      %get3A_1008 = arith.constant 64 : index
      %get3A_1009 = tpu.vector_load %arg9[%get3A_1007, %get3A_1008] {strides = array<i32>} : memref<200x128xf32, #tpu.memory_space<vmem>>, vector<1x16xf32>,
      %get3A_1010 = vector.shape_cast %get3A_1009 : vector<1x16xf32> to vector<16xf32>
      %swap3A_1011 = arith.index_cast %scan3A_972 : i32 to index
      %swap3A_1012 = arith.constant 64 : index
      %swap3A_1013 = tpu.vector_load %arg16[%swap3A_1011, %swap3A_1012] {strides = array<i32>} : memref<200x128xf32, #tpu.memory_space<vmem>>, vector<1x16xf32>,
      %swap3A_1014 = vector.shape_cast %swap3A_1013 : vector<1x16xf32> to vector<16xf32>
      %swap3A_1015 = vector.shape_cast %get3A_1010 : vector<16xf32> to vector<1x16xf32>
      tpu.vector_store %arg16[%swap3A_1011, %swap3A_1012], %swap3A_1015 {add = true, strides = array<i32>} : memref<200x128xf32, #tpu.memory_space<vmem>>, vector<1x16xf32>,
      %get3A_1016 = arith.index_cast %scan3A_972 : i32 to index
      %get3A_1017 = arith.constant 80 : index
      %get3A_1018 = tpu.vector_load %arg9[%get3A_1016, %get3A_1017] {strides = array<i32>} : memref<200x128xf32, #tpu.memory_space<vmem>>, vector<1x16xf32>,
      %get3A_1019 = vector.shape_cast %get3A_1018 : vector<1x16xf32> to vector<16xf32>
      %swap3A_1020 = arith.index_cast %scan3A_972 : i32 to index
      %swap3A_1021 = arith.constant 80 : index
      %swap3A_1022 = tpu.vector_load %arg16[%swap3A_1020, %swap3A_1021] {strides = array<i32>} : memref<200x128xf32, #tpu.memory_space<vmem>>, vector<1x16xf32>,
      %swap3A_1023 = vector.shape_cast %swap3A_1022 : vector<1x16xf32> to vector<16xf32>
      %swap3A_1024 = vector.shape_cast %get3A_1019 : vector<16xf32> to vector<1x16xf32>
      tpu.vector_store %arg16[%swap3A_1020, %swap3A_1021], %swap3A_1024 {add = true, strides = array<i32>} : memref<200x128xf32, #tpu.memory_space<vmem>>, vector<1x16xf32>,
      %get3A_1025 = arith.index_cast %scan3A_972 : i32 to index
      %get3A_1026 = arith.constant 96 : index
      %get3A_1027 = tpu.vector_load %arg9[%get3A_1025, %get3A_1026] {strides = array<i32>} : memref<200x128xf32, #tpu.memory_space<vmem>>, vector<1x16xf32>,
      %get3A_1028 = vector.shape_cast %get3A_1027 : vector<1x16xf32> to vector<16xf32>
      %swap3A_1029 = arith.index_cast %scan3A_972 : i32 to index
      %swap3A_1030 = arith.constant 96 : index
      %swap3A_1031 = tpu.vector_load %arg16[%swap3A_1029, %swap3A_1030] {strides = array<i32>} : memref<200x128xf32, #tpu.memory_space<vmem>>, vector<1x16xf32>,
      %swap3A_1032 = vector.shape_cast %swap3A_1031 : vector<1x16xf32> to vector<16xf32>
      %swap3A_1033 = vector.shape_cast %get3A_1028 : vector<16xf32> to vector<1x16xf32>
      tpu.vector_store %arg16[%swap3A_1029, %swap3A_1030], %swap3A_1033 {add = true, strides = array<i32>} : memref<200x128xf32, #tpu.memory_space<vmem>>, vector<1x16xf32>,
      %get3A_1034 = arith.index_cast %scan3A_972 : i32 to index
      %get3A_1035 = arith.constant 112 : index
      %get3A_1036 = tpu.vector_load %arg9[%get3A_1034, %get3A_1035] {strides = array<i32>} : memref<200x128xf32, #tpu.memory_space<vmem>>, vector<1x16xf32>,
      %get3A_1037 = vector.shape_cast %get3A_1036 : vector<1x16xf32> to vector<16xf32>
      %swap3A_1038 = arith.index_cast %scan3A_972 : i32 to index
      %swap3A_1039 = arith.constant 112 : index
      %swap3A_1040 = tpu.vector_load %arg16[%swap3A_1038, %swap3A_1039] {strides = array<i32>} : memref<200x128xf32, #tpu.memory_space<vmem>>, vector<1x16xf32>,
      %swap3A_1041 = vector.shape_cast %swap3A_1040 : vector<1x16xf32> to vector<16xf32>
      %swap3A_1042 = vector.shape_cast %get3A_1037 : vector<16xf32> to vector<1x16xf32>
      tpu.vector_store %arg16[%swap3A_1038, %swap3A_1039], %swap3A_1042 {add = true, strides = array<i32>} : memref<200x128xf32, #tpu.memory_space<vmem>>, vector<1x16xf32>,
    }
    %scan3A_721 = arith.constant 200 : i32
    %add3A_722 = arith.constant 26 : i32
    %add3A_723 = arith.addi %mul3A_2, %add3A_722 : i32
    %dma_start3A_724 = arith.constant 0 : i32
    %dma_start3A_725 = arith.constant 0 : i32
    %dma_start3A_726 = tpu.memref_slice %arg8[%add3A_723, %dma_start3A_724, %dma_start3A_725] : memref<1024x200x128xf32, #tpu.memory_space<hbm>> -> memref<1x200x128xf32, #tpu.memory_space<hbm>>
    %dma_start3A_727 = tpu.memref_squeeze %dma_start3A_726 : memref<1x200x128xf32, #tpu.memory_space<hbm>> -> memref<200x128xf32, #tpu.memory_space<hbm>>
    %dma_start3A_728 = arith.constant 0 : i32
    %dma_start3A_729 = arith.constant 0 : i32
    %dma_start3A_730 = tpu.memref_slice %arg8[%add3A_723, %dma_start3A_728, %dma_start3A_729] : memref<1024x200x128xf32, #tpu.memory_space<hbm>> -> memref<1x200x128xf32, #tpu.memory_space<hbm>>
    %dma_start3A_731 = tpu.memref_squeeze %dma_start3A_730 : memref<1x200x128xf32, #tpu.memory_space<hbm>> -> memref<200x128xf32, #tpu.memory_space<hbm>>
    tpu.enqueue_dma source(%arg16 : memref<200x128xf32, #tpu.memory_space<vmem>>) target(%dma_start3A_731 : memref<200x128xf32, #tpu.memory_space<hbm>>) target_semaphore(%arg29 : memref<!tpu.dma_semaphore, #tpu.memory_space<semaphore_mem>>)
    %dma_wait3A_732 = arith.constant 0 : i32
    %dma_wait3A_733 = tpu.memref_slice %arg3[%mul3A_2, %dma_wait3A_732] : memref<1024x200xi32, #tpu.memory_space<hbm>> -> memref<1x200xi32, #tpu.memory_space<hbm>>
    %dma_wait3A_734 = tpu.memref_squeeze %dma_wait3A_733 : memref<1x200xi32, #tpu.memory_space<hbm>> -> memref<200xi32, #tpu.memory_space<hbm>>
    %dma_wait3A_735 = arith.constant 0 : i32
    %dma_wait3A_736 = tpu.memref_slice %arg3[%mul3A_2, %dma_wait3A_735] : memref<1024x200xi32, #tpu.memory_space<hbm>> -> memref<1x200xi32, #tpu.memory_space<hbm>>
    %dma_wait3A_737 = tpu.memref_squeeze %dma_wait3A_736 : memref<1x200xi32, #tpu.memory_space<hbm>> -> memref<200xi32, #tpu.memory_space<hbm>>
    tpu.wait_dma2 semaphore(%arg20 : memref<!tpu.dma_semaphore, #tpu.memory_space<semaphore_mem>>) src(%dma_wait3A_737 : memref<200xi32, #tpu.memory_space<hbm>>) dst(%arg11 : memref<200xi32, #tpu.memory_space<vmem>>)
    %dma_wait3A_738 = arith.constant 0 : i32
    %dma_wait3A_739 = arith.constant 0 : i32
    %dma_wait3A_740 = tpu.memref_slice %arg8[%mul3A_2, %dma_wait3A_738, %dma_wait3A_739] : memref<1024x200x128xf32, #tpu.memory_space<hbm>> -> memref<1x200x128xf32, #tpu.memory_space<hbm>>
    %dma_wait3A_741 = tpu.memref_squeeze %dma_wait3A_740 : memref<1x200x128xf32, #tpu.memory_space<hbm>> -> memref<200x128xf32, #tpu.memory_space<hbm>>
    %dma_wait3A_742 = arith.constant 0 : i32
    %dma_wait3A_743 = arith.constant 0 : i32
    %dma_wait3A_744 = tpu.memref_slice %arg8[%mul3A_2, %dma_wait3A_742, %dma_wait3A_743] : memref<1024x200x128xf32, #tpu.memory_space<hbm>> -> memref<1x200x128xf32, #tpu.memory_space<hbm>>
    %dma_wait3A_745 = tpu.memref_squeeze %dma_wait3A_744 : memref<1x200x128xf32, #tpu.memory_space<hbm>> -> memref<200x128xf32, #tpu.memory_space<hbm>>
    tpu.wait_dma2 semaphore(%arg28 : memref<!tpu.dma_semaphore, #tpu.memory_space<semaphore_mem>>) src(%arg15 : memref<200x128xf32, #tpu.memory_space<vmem>>) dst(%dma_wait3A_745 : memref<200x128xf32, #tpu.memory_space<hbm>>)
    %dma_start3A_746 = arith.constant 0 : i32
    %dma_start3A_747 = arith.constant 0 : i32
    %dma_start3A_748 = tpu.memref_slice %arg15[%dma_start3A_746, %dma_start3A_747] : memref<200x128xf32, #tpu.memory_space<vmem>> -> memref<128x128xf32, #tpu.memory_space<vmem>>
    %dma_start3A_749 = arith.constant 0 : i32
    %dma_start3A_750 = tpu.memref_slice %arg11[%dma_start3A_749] : memref<200xi32, #tpu.memory_space<vmem>> -> memref<128xi32, #tpu.memory_space<vmem>>
    %dma_start3A_751 = arith.constant 0 : i32
    %dma_start3A_752 = arith.constant 0 : i32
    %dma_start3A_753 = tpu.memref_slice %arg5[%dma_start3A_751, %dma_start3A_752] : memref<100000x128xf32, #tpu.memory_space<hbm>> -> memref<100000x128xf32, #tpu.memory_space<hbm>>
    tpu.enqueue_indirect_dma source(%dma_start3A_753 : memref<100000x128xf32, #tpu.memory_space<hbm>>) target(%dma_start3A_748 : memref<128x128xf32, #tpu.memory_space<vmem>>) offsets(%dma_start3A_750 : memref<128xi32, #tpu.memory_space<vmem>>) semaphore(%arg24 : memref<!tpu.dma_semaphore, #tpu.memory_space<semaphore_mem>>)
    %dma_start3A_754 = arith.constant 128 : i32
    %dma_start3A_755 = arith.constant 0 : i32
    %dma_start3A_756 = tpu.memref_slice %arg15[%dma_start3A_754, %dma_start3A_755] : memref<200x128xf32, #tpu.memory_space<vmem>> -> memref<72x128xf32, #tpu.memory_space<vmem>>
    %dma_start3A_757 = arith.constant 128 : i32
    %dma_start3A_758 = tpu.memref_slice %arg11[%dma_start3A_757] : memref<200xi32, #tpu.memory_space<vmem>> -> memref<72xi32, #tpu.memory_space<vmem>>
    %dma_start3A_759 = arith.constant 0 : i32
    %dma_start3A_760 = arith.constant 0 : i32
    %dma_start3A_761 = tpu.memref_slice %arg5[%dma_start3A_759, %dma_start3A_760] : memref<100000x128xf32, #tpu.memory_space<hbm>> -> memref<100000x128xf32, #tpu.memory_space<hbm>>
    tpu.enqueue_indirect_dma source(%dma_start3A_761 : memref<100000x128xf32, #tpu.memory_space<hbm>>) target(%dma_start3A_756 : memref<72x128xf32, #tpu.memory_space<vmem>>) offsets(%dma_start3A_758 : memref<72xi32, #tpu.memory_space<vmem>>) semaphore(%arg24 : memref<!tpu.dma_semaphore, #tpu.memory_space<semaphore_mem>>)
    %dma_wait3A_762 = arith.constant 0 : i32
    %dma_wait3A_763 = arith.constant 0 : i32
    %dma_wait3A_764 = tpu.memref_slice %arg5[%dma_wait3A_762, %dma_wait3A_763] : memref<100000x128xf32, #tpu.memory_space<hbm>> -> memref<200x128xf32, #tpu.memory_space<hbm>>
    %dma_wait3A_765 = arith.constant 0 : i32
    %dma_wait3A_766 = arith.constant 0 : i32
    %dma_wait3A_767 = tpu.memref_slice %arg5[%dma_wait3A_765, %dma_wait3A_766] : memref<100000x128xf32, #tpu.memory_space<hbm>> -> memref<200x128xf32, #tpu.memory_space<hbm>>
    tpu.wait_dma2 semaphore(%arg26 : memref<!tpu.dma_semaphore, #tpu.memory_space<semaphore_mem>>) src(%dma_wait3A_767 : memref<200x128xf32, #tpu.memory_space<hbm>>) dst(%arg17 : memref<200x128xf32, #tpu.memory_space<vmem>>)
    %add3A_768 = arith.constant 31 : i32
    %add3A_769 = arith.addi %mul3A_2, %add3A_768 : i32
    %dma_start3A_770 = arith.constant 0 : i32
    %dma_start3A_771 = tpu.memref_slice %arg3[%add3A_769, %dma_start3A_770] : memref<1024x200xi32, #tpu.memory_space<hbm>> -> memref<1x200xi32, #tpu.memory_space<hbm>>
    %dma_start3A_772 = tpu.memref_squeeze %dma_start3A_771 : memref<1x200xi32, #tpu.memory_space<hbm>> -> memref<200xi32, #tpu.memory_space<hbm>>
    %dma_start3A_773 = arith.constant 0 : i32
    %dma_start3A_774 = tpu.memref_slice %arg3[%add3A_769, %dma_start3A_773] : memref<1024x200xi32, #tpu.memory_space<hbm>> -> memref<1x200xi32, #tpu.memory_space<hbm>>
    %dma_start3A_775 = tpu.memref_squeeze %dma_start3A_774 : memref<1x200xi32, #tpu.memory_space<hbm>> -> memref<200xi32, #tpu.memory_space<hbm>>
    tpu.enqueue_dma source(%dma_start3A_775 : memref<200xi32, #tpu.memory_space<hbm>>) target(%arg13 : memref<200xi32, #tpu.memory_space<vmem>>) target_semaphore(%arg22 : memref<!tpu.dma_semaphore, #tpu.memory_space<semaphore_mem>>)
    %scan3A_776 = arith.constant 0 : i32
    %scan3A_777 = arith.constant 0 : i32
    %scan3A_778 = arith.constant 200 : i32
    %scan3A_779 = arith.addi %scan3A_777, %scan3A_778 : i32
    %scan3A_780 = arith.constant 1 : i32
    scf.for %scan3A_972 = %scan3A_777 to %scan3A_779 step %scan3A_780  : i32 {
      %get3A = arith.index_cast %scan3A_972 : i32 to index
      %get3A_973 = arith.constant 0 : index
      %get3A_974 = tpu.vector_load %arg9[%get3A, %get3A_973] {strides = array<i32>} : memref<200x128xf32, #tpu.memory_space<vmem>>, vector<1x16xf32>,
      %get3A_975 = vector.shape_cast %get3A_974 : vector<1x16xf32> to vector<16xf32>
      %swap3A = arith.index_cast %scan3A_972 : i32 to index
      %swap3A_976 = arith.constant 0 : index
      %swap3A_977 = tpu.vector_load %arg17[%swap3A, %swap3A_976] {strides = array<i32>} : memref<200x128xf32, #tpu.memory_space<vmem>>, vector<1x16xf32>,
      %swap3A_978 = vector.shape_cast %swap3A_977 : vector<1x16xf32> to vector<16xf32>
      %swap3A_979 = vector.shape_cast %get3A_975 : vector<16xf32> to vector<1x16xf32>
      tpu.vector_store %arg17[%swap3A, %swap3A_976], %swap3A_979 {add = true, strides = array<i32>} : memref<200x128xf32, #tpu.memory_space<vmem>>, vector<1x16xf32>,
      %get3A_980 = arith.index_cast %scan3A_972 : i32 to index
      %get3A_981 = arith.constant 16 : index
      %get3A_982 = tpu.vector_load %arg9[%get3A_980, %get3A_981] {strides = array<i32>} : memref<200x128xf32, #tpu.memory_space<vmem>>, vector<1x16xf32>,
      %get3A_983 = vector.shape_cast %get3A_982 : vector<1x16xf32> to vector<16xf32>
      %swap3A_984 = arith.index_cast %scan3A_972 : i32 to index
      %swap3A_985 = arith.constant 16 : index
      %swap3A_986 = tpu.vector_load %arg17[%swap3A_984, %swap3A_985] {strides = array<i32>} : memref<200x128xf32, #tpu.memory_space<vmem>>, vector<1x16xf32>,
      %swap3A_987 = vector.shape_cast %swap3A_986 : vector<1x16xf32> to vector<16xf32>
      %swap3A_988 = vector.shape_cast %get3A_983 : vector<16xf32> to vector<1x16xf32>
      tpu.vector_store %arg17[%swap3A_984, %swap3A_985], %swap3A_988 {add = true, strides = array<i32>} : memref<200x128xf32, #tpu.memory_space<vmem>>, vector<1x16xf32>,
      %get3A_989 = arith.index_cast %scan3A_972 : i32 to index
      %get3A_990 = arith.constant 32 : index
      %get3A_991 = tpu.vector_load %arg9[%get3A_989, %get3A_990] {strides = array<i32>} : memref<200x128xf32, #tpu.memory_space<vmem>>, vector<1x16xf32>,
      %get3A_992 = vector.shape_cast %get3A_991 : vector<1x16xf32> to vector<16xf32>
      %swap3A_993 = arith.index_cast %scan3A_972 : i32 to index
      %swap3A_994 = arith.constant 32 : index
      %swap3A_995 = tpu.vector_load %arg17[%swap3A_993, %swap3A_994] {strides = array<i32>} : memref<200x128xf32, #tpu.memory_space<vmem>>, vector<1x16xf32>,
      %swap3A_996 = vector.shape_cast %swap3A_995 : vector<1x16xf32> to vector<16xf32>
      %swap3A_997 = vector.shape_cast %get3A_992 : vector<16xf32> to vector<1x16xf32>
      tpu.vector_store %arg17[%swap3A_993, %swap3A_994], %swap3A_997 {add = true, strides = array<i32>} : memref<200x128xf32, #tpu.memory_space<vmem>>, vector<1x16xf32>,
      %get3A_998 = arith.index_cast %scan3A_972 : i32 to index
      %get3A_999 = arith.constant 48 : index
      %get3A_1000 = tpu.vector_load %arg9[%get3A_998, %get3A_999] {strides = array<i32>} : memref<200x128xf32, #tpu.memory_space<vmem>>, vector<1x16xf32>,
      %get3A_1001 = vector.shape_cast %get3A_1000 : vector<1x16xf32> to vector<16xf32>
      %swap3A_1002 = arith.index_cast %scan3A_972 : i32 to index
      %swap3A_1003 = arith.constant 48 : index
      %swap3A_1004 = tpu.vector_load %arg17[%swap3A_1002, %swap3A_1003] {strides = array<i32>} : memref<200x128xf32, #tpu.memory_space<vmem>>, vector<1x16xf32>,
      %swap3A_1005 = vector.shape_cast %swap3A_1004 : vector<1x16xf32> to vector<16xf32>
      %swap3A_1006 = vector.shape_cast %get3A_1001 : vector<16xf32> to vector<1x16xf32>
      tpu.vector_store %arg17[%swap3A_1002, %swap3A_1003], %swap3A_1006 {add = true, strides = array<i32>} : memref<200x128xf32, #tpu.memory_space<vmem>>, vector<1x16xf32>,
      %get3A_1007 = arith.index_cast %scan3A_972 : i32 to index
      %get3A_1008 = arith.constant 64 : index
      %get3A_1009 = tpu.vector_load %arg9[%get3A_1007, %get3A_1008] {strides = array<i32>} : memref<200x128xf32, #tpu.memory_space<vmem>>, vector<1x16xf32>,
      %get3A_1010 = vector.shape_cast %get3A_1009 : vector<1x16xf32> to vector<16xf32>
      %swap3A_1011 = arith.index_cast %scan3A_972 : i32 to index
      %swap3A_1012 = arith.constant 64 : index
      %swap3A_1013 = tpu.vector_load %arg17[%swap3A_1011, %swap3A_1012] {strides = array<i32>} : memref<200x128xf32, #tpu.memory_space<vmem>>, vector<1x16xf32>,
      %swap3A_1014 = vector.shape_cast %swap3A_1013 : vector<1x16xf32> to vector<16xf32>
      %swap3A_1015 = vector.shape_cast %get3A_1010 : vector<16xf32> to vector<1x16xf32>
      tpu.vector_store %arg17[%swap3A_1011, %swap3A_1012], %swap3A_1015 {add = true, strides = array<i32>} : memref<200x128xf32, #tpu.memory_space<vmem>>, vector<1x16xf32>,
      %get3A_1016 = arith.index_cast %scan3A_972 : i32 to index
      %get3A_1017 = arith.constant 80 : index
      %get3A_1018 = tpu.vector_load %arg9[%get3A_1016, %get3A_1017] {strides = array<i32>} : memref<200x128xf32, #tpu.memory_space<vmem>>, vector<1x16xf32>,
      %get3A_1019 = vector.shape_cast %get3A_1018 : vector<1x16xf32> to vector<16xf32>
      %swap3A_1020 = arith.index_cast %scan3A_972 : i32 to index
      %swap3A_1021 = arith.constant 80 : index
      %swap3A_1022 = tpu.vector_load %arg17[%swap3A_1020, %swap3A_1021] {strides = array<i32>} : memref<200x128xf32, #tpu.memory_space<vmem>>, vector<1x16xf32>,
      %swap3A_1023 = vector.shape_cast %swap3A_1022 : vector<1x16xf32> to vector<16xf32>
      %swap3A_1024 = vector.shape_cast %get3A_1019 : vector<16xf32> to vector<1x16xf32>
      tpu.vector_store %arg17[%swap3A_1020, %swap3A_1021], %swap3A_1024 {add = true, strides = array<i32>} : memref<200x128xf32, #tpu.memory_space<vmem>>, vector<1x16xf32>,
      %get3A_1025 = arith.index_cast %scan3A_972 : i32 to index
      %get3A_1026 = arith.constant 96 : index
      %get3A_1027 = tpu.vector_load %arg9[%get3A_1025, %get3A_1026] {strides = array<i32>} : memref<200x128xf32, #tpu.memory_space<vmem>>, vector<1x16xf32>,
      %get3A_1028 = vector.shape_cast %get3A_1027 : vector<1x16xf32> to vector<16xf32>
      %swap3A_1029 = arith.index_cast %scan3A_972 : i32 to index
      %swap3A_1030 = arith.constant 96 : index
      %swap3A_1031 = tpu.vector_load %arg17[%swap3A_1029, %swap3A_1030] {strides = array<i32>} : memref<200x128xf32, #tpu.memory_space<vmem>>, vector<1x16xf32>,
      %swap3A_1032 = vector.shape_cast %swap3A_1031 : vector<1x16xf32> to vector<16xf32>
      %swap3A_1033 = vector.shape_cast %get3A_1028 : vector<16xf32> to vector<1x16xf32>
      tpu.vector_store %arg17[%swap3A_1029, %swap3A_1030], %swap3A_1033 {add = true, strides = array<i32>} : memref<200x128xf32, #tpu.memory_space<vmem>>, vector<1x16xf32>,
      %get3A_1034 = arith.index_cast %scan3A_972 : i32 to index
      %get3A_1035 = arith.constant 112 : index
      %get3A_1036 = tpu.vector_load %arg9[%get3A_1034, %get3A_1035] {strides = array<i32>} : memref<200x128xf32, #tpu.memory_space<vmem>>, vector<1x16xf32>,
      %get3A_1037 = vector.shape_cast %get3A_1036 : vector<1x16xf32> to vector<16xf32>
      %swap3A_1038 = arith.index_cast %scan3A_972 : i32 to index
      %swap3A_1039 = arith.constant 112 : index
      %swap3A_1040 = tpu.vector_load %arg17[%swap3A_1038, %swap3A_1039] {strides = array<i32>} : memref<200x128xf32, #tpu.memory_space<vmem>>, vector<1x16xf32>,
      %swap3A_1041 = vector.shape_cast %swap3A_1040 : vector<1x16xf32> to vector<16xf32>
      %swap3A_1042 = vector.shape_cast %get3A_1037 : vector<16xf32> to vector<1x16xf32>
      tpu.vector_store %arg17[%swap3A_1038, %swap3A_1039], %swap3A_1042 {add = true, strides = array<i32>} : memref<200x128xf32, #tpu.memory_space<vmem>>, vector<1x16xf32>,
    }
    %scan3A_781 = arith.constant 200 : i32
    %add3A_782 = arith.constant 27 : i32
    %add3A_783 = arith.addi %mul3A_2, %add3A_782 : i32
    %dma_start3A_784 = arith.constant 0 : i32
    %dma_start3A_785 = arith.constant 0 : i32
    %dma_start3A_786 = tpu.memref_slice %arg8[%add3A_783, %dma_start3A_784, %dma_start3A_785] : memref<1024x200x128xf32, #tpu.memory_space<hbm>> -> memref<1x200x128xf32, #tpu.memory_space<hbm>>
    %dma_start3A_787 = tpu.memref_squeeze %dma_start3A_786 : memref<1x200x128xf32, #tpu.memory_space<hbm>> -> memref<200x128xf32, #tpu.memory_space<hbm>>
    %dma_start3A_788 = arith.constant 0 : i32
    %dma_start3A_789 = arith.constant 0 : i32
    %dma_start3A_790 = tpu.memref_slice %arg8[%add3A_783, %dma_start3A_788, %dma_start3A_789] : memref<1024x200x128xf32, #tpu.memory_space<hbm>> -> memref<1x200x128xf32, #tpu.memory_space<hbm>>
    %dma_start3A_791 = tpu.memref_squeeze %dma_start3A_790 : memref<1x200x128xf32, #tpu.memory_space<hbm>> -> memref<200x128xf32, #tpu.memory_space<hbm>>
    tpu.enqueue_dma source(%arg17 : memref<200x128xf32, #tpu.memory_space<vmem>>) target(%dma_start3A_791 : memref<200x128xf32, #tpu.memory_space<hbm>>) target_semaphore(%arg30 : memref<!tpu.dma_semaphore, #tpu.memory_space<semaphore_mem>>)
    %dma_wait3A_792 = arith.constant 0 : i32
    %dma_wait3A_793 = tpu.memref_slice %arg3[%mul3A_2, %dma_wait3A_792] : memref<1024x200xi32, #tpu.memory_space<hbm>> -> memref<1x200xi32, #tpu.memory_space<hbm>>
    %dma_wait3A_794 = tpu.memref_squeeze %dma_wait3A_793 : memref<1x200xi32, #tpu.memory_space<hbm>> -> memref<200xi32, #tpu.memory_space<hbm>>
    %dma_wait3A_795 = arith.constant 0 : i32
    %dma_wait3A_796 = tpu.memref_slice %arg3[%mul3A_2, %dma_wait3A_795] : memref<1024x200xi32, #tpu.memory_space<hbm>> -> memref<1x200xi32, #tpu.memory_space<hbm>>
    %dma_wait3A_797 = tpu.memref_squeeze %dma_wait3A_796 : memref<1x200xi32, #tpu.memory_space<hbm>> -> memref<200xi32, #tpu.memory_space<hbm>>
    tpu.wait_dma2 semaphore(%arg21 : memref<!tpu.dma_semaphore, #tpu.memory_space<semaphore_mem>>) src(%dma_wait3A_797 : memref<200xi32, #tpu.memory_space<hbm>>) dst(%arg12 : memref<200xi32, #tpu.memory_space<vmem>>)
    %dma_wait3A_798 = arith.constant 0 : i32
    %dma_wait3A_799 = arith.constant 0 : i32
    %dma_wait3A_800 = tpu.memref_slice %arg8[%mul3A_2, %dma_wait3A_798, %dma_wait3A_799] : memref<1024x200x128xf32, #tpu.memory_space<hbm>> -> memref<1x200x128xf32, #tpu.memory_space<hbm>>
    %dma_wait3A_801 = tpu.memref_squeeze %dma_wait3A_800 : memref<1x200x128xf32, #tpu.memory_space<hbm>> -> memref<200x128xf32, #tpu.memory_space<hbm>>
    %dma_wait3A_802 = arith.constant 0 : i32
    %dma_wait3A_803 = arith.constant 0 : i32
    %dma_wait3A_804 = tpu.memref_slice %arg8[%mul3A_2, %dma_wait3A_802, %dma_wait3A_803] : memref<1024x200x128xf32, #tpu.memory_space<hbm>> -> memref<1x200x128xf32, #tpu.memory_space<hbm>>
    %dma_wait3A_805 = tpu.memref_squeeze %dma_wait3A_804 : memref<1x200x128xf32, #tpu.memory_space<hbm>> -> memref<200x128xf32, #tpu.memory_space<hbm>>
    tpu.wait_dma2 semaphore(%arg29 : memref<!tpu.dma_semaphore, #tpu.memory_space<semaphore_mem>>) src(%arg16 : memref<200x128xf32, #tpu.memory_space<vmem>>) dst(%dma_wait3A_805 : memref<200x128xf32, #tpu.memory_space<hbm>>)
    %dma_start3A_806 = arith.constant 0 : i32
    %dma_start3A_807 = arith.constant 0 : i32
    %dma_start3A_808 = tpu.memref_slice %arg16[%dma_start3A_806, %dma_start3A_807] : memref<200x128xf32, #tpu.memory_space<vmem>> -> memref<128x128xf32, #tpu.memory_space<vmem>>
    %dma_start3A_809 = arith.constant 0 : i32
    %dma_start3A_810 = tpu.memref_slice %arg12[%dma_start3A_809] : memref<200xi32, #tpu.memory_space<vmem>> -> memref<128xi32, #tpu.memory_space<vmem>>
    %dma_start3A_811 = arith.constant 0 : i32
    %dma_start3A_812 = arith.constant 0 : i32
    %dma_start3A_813 = tpu.memref_slice %arg5[%dma_start3A_811, %dma_start3A_812] : memref<100000x128xf32, #tpu.memory_space<hbm>> -> memref<100000x128xf32, #tpu.memory_space<hbm>>
    tpu.enqueue_indirect_dma source(%dma_start3A_813 : memref<100000x128xf32, #tpu.memory_space<hbm>>) target(%dma_start3A_808 : memref<128x128xf32, #tpu.memory_space<vmem>>) offsets(%dma_start3A_810 : memref<128xi32, #tpu.memory_space<vmem>>) semaphore(%arg25 : memref<!tpu.dma_semaphore, #tpu.memory_space<semaphore_mem>>)
    %dma_start3A_814 = arith.constant 128 : i32
    %dma_start3A_815 = arith.constant 0 : i32
    %dma_start3A_816 = tpu.memref_slice %arg16[%dma_start3A_814, %dma_start3A_815] : memref<200x128xf32, #tpu.memory_space<vmem>> -> memref<72x128xf32, #tpu.memory_space<vmem>>
    %dma_start3A_817 = arith.constant 128 : i32
    %dma_start3A_818 = tpu.memref_slice %arg12[%dma_start3A_817] : memref<200xi32, #tpu.memory_space<vmem>> -> memref<72xi32, #tpu.memory_space<vmem>>
    %dma_start3A_819 = arith.constant 0 : i32
    %dma_start3A_820 = arith.constant 0 : i32
    %dma_start3A_821 = tpu.memref_slice %arg5[%dma_start3A_819, %dma_start3A_820] : memref<100000x128xf32, #tpu.memory_space<hbm>> -> memref<100000x128xf32, #tpu.memory_space<hbm>>
    tpu.enqueue_indirect_dma source(%dma_start3A_821 : memref<100000x128xf32, #tpu.memory_space<hbm>>) target(%dma_start3A_816 : memref<72x128xf32, #tpu.memory_space<vmem>>) offsets(%dma_start3A_818 : memref<72xi32, #tpu.memory_space<vmem>>) semaphore(%arg25 : memref<!tpu.dma_semaphore, #tpu.memory_space<semaphore_mem>>)
    %dma_wait3A_822 = arith.constant 0 : i32
    %dma_wait3A_823 = arith.constant 0 : i32
    %dma_wait3A_824 = tpu.memref_slice %arg5[%dma_wait3A_822, %dma_wait3A_823] : memref<100000x128xf32, #tpu.memory_space<hbm>> -> memref<200x128xf32, #tpu.memory_space<hbm>>
    %dma_wait3A_825 = arith.constant 0 : i32
    %dma_wait3A_826 = arith.constant 0 : i32
    %dma_wait3A_827 = tpu.memref_slice %arg5[%dma_wait3A_825, %dma_wait3A_826] : memref<100000x128xf32, #tpu.memory_space<hbm>> -> memref<200x128xf32, #tpu.memory_space<hbm>>
    tpu.wait_dma2 semaphore(%arg23 : memref<!tpu.dma_semaphore, #tpu.memory_space<semaphore_mem>>) src(%dma_wait3A_827 : memref<200x128xf32, #tpu.memory_space<hbm>>) dst(%arg14 : memref<200x128xf32, #tpu.memory_space<vmem>>)
    %scan3A_828 = arith.constant 0 : i32
    %scan3A_829 = arith.constant 0 : i32
    %scan3A_830 = arith.constant 200 : i32
    %scan3A_831 = arith.addi %scan3A_829, %scan3A_830 : i32
    %scan3A_832 = arith.constant 1 : i32
    scf.for %scan3A_972 = %scan3A_829 to %scan3A_831 step %scan3A_832  : i32 {
      %get3A = arith.index_cast %scan3A_972 : i32 to index
      %get3A_973 = arith.constant 0 : index
      %get3A_974 = tpu.vector_load %arg9[%get3A, %get3A_973] {strides = array<i32>} : memref<200x128xf32, #tpu.memory_space<vmem>>, vector<1x16xf32>,
      %get3A_975 = vector.shape_cast %get3A_974 : vector<1x16xf32> to vector<16xf32>
      %swap3A = arith.index_cast %scan3A_972 : i32 to index
      %swap3A_976 = arith.constant 0 : index
      %swap3A_977 = tpu.vector_load %arg14[%swap3A, %swap3A_976] {strides = array<i32>} : memref<200x128xf32, #tpu.memory_space<vmem>>, vector<1x16xf32>,
      %swap3A_978 = vector.shape_cast %swap3A_977 : vector<1x16xf32> to vector<16xf32>
      %swap3A_979 = vector.shape_cast %get3A_975 : vector<16xf32> to vector<1x16xf32>
      tpu.vector_store %arg14[%swap3A, %swap3A_976], %swap3A_979 {add = true, strides = array<i32>} : memref<200x128xf32, #tpu.memory_space<vmem>>, vector<1x16xf32>,
      %get3A_980 = arith.index_cast %scan3A_972 : i32 to index
      %get3A_981 = arith.constant 16 : index
      %get3A_982 = tpu.vector_load %arg9[%get3A_980, %get3A_981] {strides = array<i32>} : memref<200x128xf32, #tpu.memory_space<vmem>>, vector<1x16xf32>,
      %get3A_983 = vector.shape_cast %get3A_982 : vector<1x16xf32> to vector<16xf32>
      %swap3A_984 = arith.index_cast %scan3A_972 : i32 to index
      %swap3A_985 = arith.constant 16 : index
      %swap3A_986 = tpu.vector_load %arg14[%swap3A_984, %swap3A_985] {strides = array<i32>} : memref<200x128xf32, #tpu.memory_space<vmem>>, vector<1x16xf32>,
      %swap3A_987 = vector.shape_cast %swap3A_986 : vector<1x16xf32> to vector<16xf32>
      %swap3A_988 = vector.shape_cast %get3A_983 : vector<16xf32> to vector<1x16xf32>
      tpu.vector_store %arg14[%swap3A_984, %swap3A_985], %swap3A_988 {add = true, strides = array<i32>} : memref<200x128xf32, #tpu.memory_space<vmem>>, vector<1x16xf32>,
      %get3A_989 = arith.index_cast %scan3A_972 : i32 to index
      %get3A_990 = arith.constant 32 : index
      %get3A_991 = tpu.vector_load %arg9[%get3A_989, %get3A_990] {strides = array<i32>} : memref<200x128xf32, #tpu.memory_space<vmem>>, vector<1x16xf32>,
      %get3A_992 = vector.shape_cast %get3A_991 : vector<1x16xf32> to vector<16xf32>
      %swap3A_993 = arith.index_cast %scan3A_972 : i32 to index
      %swap3A_994 = arith.constant 32 : index
      %swap3A_995 = tpu.vector_load %arg14[%swap3A_993, %swap3A_994] {strides = array<i32>} : memref<200x128xf32, #tpu.memory_space<vmem>>, vector<1x16xf32>,
      %swap3A_996 = vector.shape_cast %swap3A_995 : vector<1x16xf32> to vector<16xf32>
      %swap3A_997 = vector.shape_cast %get3A_992 : vector<16xf32> to vector<1x16xf32>
      tpu.vector_store %arg14[%swap3A_993, %swap3A_994], %swap3A_997 {add = true, strides = array<i32>} : memref<200x128xf32, #tpu.memory_space<vmem>>, vector<1x16xf32>,
      %get3A_998 = arith.index_cast %scan3A_972 : i32 to index
      %get3A_999 = arith.constant 48 : index
      %get3A_1000 = tpu.vector_load %arg9[%get3A_998, %get3A_999] {strides = array<i32>} : memref<200x128xf32, #tpu.memory_space<vmem>>, vector<1x16xf32>,
      %get3A_1001 = vector.shape_cast %get3A_1000 : vector<1x16xf32> to vector<16xf32>
      %swap3A_1002 = arith.index_cast %scan3A_972 : i32 to index
      %swap3A_1003 = arith.constant 48 : index
      %swap3A_1004 = tpu.vector_load %arg14[%swap3A_1002, %swap3A_1003] {strides = array<i32>} : memref<200x128xf32, #tpu.memory_space<vmem>>, vector<1x16xf32>,
      %swap3A_1005 = vector.shape_cast %swap3A_1004 : vector<1x16xf32> to vector<16xf32>
      %swap3A_1006 = vector.shape_cast %get3A_1001 : vector<16xf32> to vector<1x16xf32>
      tpu.vector_store %arg14[%swap3A_1002, %swap3A_1003], %swap3A_1006 {add = true, strides = array<i32>} : memref<200x128xf32, #tpu.memory_space<vmem>>, vector<1x16xf32>,
      %get3A_1007 = arith.index_cast %scan3A_972 : i32 to index
      %get3A_1008 = arith.constant 64 : index
      %get3A_1009 = tpu.vector_load %arg9[%get3A_1007, %get3A_1008] {strides = array<i32>} : memref<200x128xf32, #tpu.memory_space<vmem>>, vector<1x16xf32>,
      %get3A_1010 = vector.shape_cast %get3A_1009 : vector<1x16xf32> to vector<16xf32>
      %swap3A_1011 = arith.index_cast %scan3A_972 : i32 to index
      %swap3A_1012 = arith.constant 64 : index
      %swap3A_1013 = tpu.vector_load %arg14[%swap3A_1011, %swap3A_1012] {strides = array<i32>} : memref<200x128xf32, #tpu.memory_space<vmem>>, vector<1x16xf32>,
      %swap3A_1014 = vector.shape_cast %swap3A_1013 : vector<1x16xf32> to vector<16xf32>
      %swap3A_1015 = vector.shape_cast %get3A_1010 : vector<16xf32> to vector<1x16xf32>
      tpu.vector_store %arg14[%swap3A_1011, %swap3A_1012], %swap3A_1015 {add = true, strides = array<i32>} : memref<200x128xf32, #tpu.memory_space<vmem>>, vector<1x16xf32>,
      %get3A_1016 = arith.index_cast %scan3A_972 : i32 to index
      %get3A_1017 = arith.constant 80 : index
      %get3A_1018 = tpu.vector_load %arg9[%get3A_1016, %get3A_1017] {strides = array<i32>} : memref<200x128xf32, #tpu.memory_space<vmem>>, vector<1x16xf32>,
      %get3A_1019 = vector.shape_cast %get3A_1018 : vector<1x16xf32> to vector<16xf32>
      %swap3A_1020 = arith.index_cast %scan3A_972 : i32 to index
      %swap3A_1021 = arith.constant 80 : index
      %swap3A_1022 = tpu.vector_load %arg14[%swap3A_1020, %swap3A_1021] {strides = array<i32>} : memref<200x128xf32, #tpu.memory_space<vmem>>, vector<1x16xf32>,
      %swap3A_1023 = vector.shape_cast %swap3A_1022 : vector<1x16xf32> to vector<16xf32>
      %swap3A_1024 = vector.shape_cast %get3A_1019 : vector<16xf32> to vector<1x16xf32>
      tpu.vector_store %arg14[%swap3A_1020, %swap3A_1021], %swap3A_1024 {add = true, strides = array<i32>} : memref<200x128xf32, #tpu.memory_space<vmem>>, vector<1x16xf32>,
      %get3A_1025 = arith.index_cast %scan3A_972 : i32 to index
      %get3A_1026 = arith.constant 96 : index
      %get3A_1027 = tpu.vector_load %arg9[%get3A_1025, %get3A_1026] {strides = array<i32>} : memref<200x128xf32, #tpu.memory_space<vmem>>, vector<1x16xf32>,
      %get3A_1028 = vector.shape_cast %get3A_1027 : vector<1x16xf32> to vector<16xf32>
      %swap3A_1029 = arith.index_cast %scan3A_972 : i32 to index
      %swap3A_1030 = arith.constant 96 : index
      %swap3A_1031 = tpu.vector_load %arg14[%swap3A_1029, %swap3A_1030] {strides = array<i32>} : memref<200x128xf32, #tpu.memory_space<vmem>>, vector<1x16xf32>,
      %swap3A_1032 = vector.shape_cast %swap3A_1031 : vector<1x16xf32> to vector<16xf32>
      %swap3A_1033 = vector.shape_cast %get3A_1028 : vector<16xf32> to vector<1x16xf32>
      tpu.vector_store %arg14[%swap3A_1029, %swap3A_1030], %swap3A_1033 {add = true, strides = array<i32>} : memref<200x128xf32, #tpu.memory_space<vmem>>, vector<1x16xf32>,
      %get3A_1034 = arith.index_cast %scan3A_972 : i32 to index
      %get3A_1035 = arith.constant 112 : index
      %get3A_1036 = tpu.vector_load %arg9[%get3A_1034, %get3A_1035] {strides = array<i32>} : memref<200x128xf32, #tpu.memory_space<vmem>>, vector<1x16xf32>,
      %get3A_1037 = vector.shape_cast %get3A_1036 : vector<1x16xf32> to vector<16xf32>
      %swap3A_1038 = arith.index_cast %scan3A_972 : i32 to index
      %swap3A_1039 = arith.constant 112 : index
      %swap3A_1040 = tpu.vector_load %arg14[%swap3A_1038, %swap3A_1039] {strides = array<i32>} : memref<200x128xf32, #tpu.memory_space<vmem>>, vector<1x16xf32>,
      %swap3A_1041 = vector.shape_cast %swap3A_1040 : vector<1x16xf32> to vector<16xf32>
      %swap3A_1042 = vector.shape_cast %get3A_1037 : vector<16xf32> to vector<1x16xf32>
      tpu.vector_store %arg14[%swap3A_1038, %swap3A_1039], %swap3A_1042 {add = true, strides = array<i32>} : memref<200x128xf32, #tpu.memory_space<vmem>>, vector<1x16xf32>,
    }
    %scan3A_833 = arith.constant 200 : i32
    %add3A_834 = arith.constant 28 : i32
    %add3A_835 = arith.addi %mul3A_2, %add3A_834 : i32
    %dma_start3A_836 = arith.constant 0 : i32
    %dma_start3A_837 = arith.constant 0 : i32
    %dma_start3A_838 = tpu.memref_slice %arg8[%add3A_835, %dma_start3A_836, %dma_start3A_837] : memref<1024x200x128xf32, #tpu.memory_space<hbm>> -> memref<1x200x128xf32, #tpu.memory_space<hbm>>
    %dma_start3A_839 = tpu.memref_squeeze %dma_start3A_838 : memref<1x200x128xf32, #tpu.memory_space<hbm>> -> memref<200x128xf32, #tpu.memory_space<hbm>>
    %dma_start3A_840 = arith.constant 0 : i32
    %dma_start3A_841 = arith.constant 0 : i32
    %dma_start3A_842 = tpu.memref_slice %arg8[%add3A_835, %dma_start3A_840, %dma_start3A_841] : memref<1024x200x128xf32, #tpu.memory_space<hbm>> -> memref<1x200x128xf32, #tpu.memory_space<hbm>>
    %dma_start3A_843 = tpu.memref_squeeze %dma_start3A_842 : memref<1x200x128xf32, #tpu.memory_space<hbm>> -> memref<200x128xf32, #tpu.memory_space<hbm>>
    tpu.enqueue_dma source(%arg14 : memref<200x128xf32, #tpu.memory_space<vmem>>) target(%dma_start3A_843 : memref<200x128xf32, #tpu.memory_space<hbm>>) target_semaphore(%arg27 : memref<!tpu.dma_semaphore, #tpu.memory_space<semaphore_mem>>)
    %dma_wait3A_844 = arith.constant 0 : i32
    %dma_wait3A_845 = tpu.memref_slice %arg3[%mul3A_2, %dma_wait3A_844] : memref<1024x200xi32, #tpu.memory_space<hbm>> -> memref<1x200xi32, #tpu.memory_space<hbm>>
    %dma_wait3A_846 = tpu.memref_squeeze %dma_wait3A_845 : memref<1x200xi32, #tpu.memory_space<hbm>> -> memref<200xi32, #tpu.memory_space<hbm>>
    %dma_wait3A_847 = arith.constant 0 : i32
    %dma_wait3A_848 = tpu.memref_slice %arg3[%mul3A_2, %dma_wait3A_847] : memref<1024x200xi32, #tpu.memory_space<hbm>> -> memref<1x200xi32, #tpu.memory_space<hbm>>
    %dma_wait3A_849 = tpu.memref_squeeze %dma_wait3A_848 : memref<1x200xi32, #tpu.memory_space<hbm>> -> memref<200xi32, #tpu.memory_space<hbm>>
    tpu.wait_dma2 semaphore(%arg22 : memref<!tpu.dma_semaphore, #tpu.memory_space<semaphore_mem>>) src(%dma_wait3A_849 : memref<200xi32, #tpu.memory_space<hbm>>) dst(%arg13 : memref<200xi32, #tpu.memory_space<vmem>>)
    %dma_wait3A_850 = arith.constant 0 : i32
    %dma_wait3A_851 = arith.constant 0 : i32
    %dma_wait3A_852 = tpu.memref_slice %arg8[%mul3A_2, %dma_wait3A_850, %dma_wait3A_851] : memref<1024x200x128xf32, #tpu.memory_space<hbm>> -> memref<1x200x128xf32, #tpu.memory_space<hbm>>
    %dma_wait3A_853 = tpu.memref_squeeze %dma_wait3A_852 : memref<1x200x128xf32, #tpu.memory_space<hbm>> -> memref<200x128xf32, #tpu.memory_space<hbm>>
    %dma_wait3A_854 = arith.constant 0 : i32
    %dma_wait3A_855 = arith.constant 0 : i32
    %dma_wait3A_856 = tpu.memref_slice %arg8[%mul3A_2, %dma_wait3A_854, %dma_wait3A_855] : memref<1024x200x128xf32, #tpu.memory_space<hbm>> -> memref<1x200x128xf32, #tpu.memory_space<hbm>>
    %dma_wait3A_857 = tpu.memref_squeeze %dma_wait3A_856 : memref<1x200x128xf32, #tpu.memory_space<hbm>> -> memref<200x128xf32, #tpu.memory_space<hbm>>
    tpu.wait_dma2 semaphore(%arg30 : memref<!tpu.dma_semaphore, #tpu.memory_space<semaphore_mem>>) src(%arg17 : memref<200x128xf32, #tpu.memory_space<vmem>>) dst(%dma_wait3A_857 : memref<200x128xf32, #tpu.memory_space<hbm>>)
    %dma_start3A_858 = arith.constant 0 : i32
    %dma_start3A_859 = arith.constant 0 : i32
    %dma_start3A_860 = tpu.memref_slice %arg17[%dma_start3A_858, %dma_start3A_859] : memref<200x128xf32, #tpu.memory_space<vmem>> -> memref<128x128xf32, #tpu.memory_space<vmem>>
    %dma_start3A_861 = arith.constant 0 : i32
    %dma_start3A_862 = tpu.memref_slice %arg13[%dma_start3A_861] : memref<200xi32, #tpu.memory_space<vmem>> -> memref<128xi32, #tpu.memory_space<vmem>>
    %dma_start3A_863 = arith.constant 0 : i32
    %dma_start3A_864 = arith.constant 0 : i32
    %dma_start3A_865 = tpu.memref_slice %arg5[%dma_start3A_863, %dma_start3A_864] : memref<100000x128xf32, #tpu.memory_space<hbm>> -> memref<100000x128xf32, #tpu.memory_space<hbm>>
    tpu.enqueue_indirect_dma source(%dma_start3A_865 : memref<100000x128xf32, #tpu.memory_space<hbm>>) target(%dma_start3A_860 : memref<128x128xf32, #tpu.memory_space<vmem>>) offsets(%dma_start3A_862 : memref<128xi32, #tpu.memory_space<vmem>>) semaphore(%arg26 : memref<!tpu.dma_semaphore, #tpu.memory_space<semaphore_mem>>)
    %dma_start3A_866 = arith.constant 128 : i32
    %dma_start3A_867 = arith.constant 0 : i32
    %dma_start3A_868 = tpu.memref_slice %arg17[%dma_start3A_866, %dma_start3A_867] : memref<200x128xf32, #tpu.memory_space<vmem>> -> memref<72x128xf32, #tpu.memory_space<vmem>>
    %dma_start3A_869 = arith.constant 128 : i32
    %dma_start3A_870 = tpu.memref_slice %arg13[%dma_start3A_869] : memref<200xi32, #tpu.memory_space<vmem>> -> memref<72xi32, #tpu.memory_space<vmem>>
    %dma_start3A_871 = arith.constant 0 : i32
    %dma_start3A_872 = arith.constant 0 : i32
    %dma_start3A_873 = tpu.memref_slice %arg5[%dma_start3A_871, %dma_start3A_872] : memref<100000x128xf32, #tpu.memory_space<hbm>> -> memref<100000x128xf32, #tpu.memory_space<hbm>>
    tpu.enqueue_indirect_dma source(%dma_start3A_873 : memref<100000x128xf32, #tpu.memory_space<hbm>>) target(%dma_start3A_868 : memref<72x128xf32, #tpu.memory_space<vmem>>) offsets(%dma_start3A_870 : memref<72xi32, #tpu.memory_space<vmem>>) semaphore(%arg26 : memref<!tpu.dma_semaphore, #tpu.memory_space<semaphore_mem>>)
    %dma_wait3A_874 = arith.constant 0 : i32
    %dma_wait3A_875 = arith.constant 0 : i32
    %dma_wait3A_876 = tpu.memref_slice %arg5[%dma_wait3A_874, %dma_wait3A_875] : memref<100000x128xf32, #tpu.memory_space<hbm>> -> memref<200x128xf32, #tpu.memory_space<hbm>>
    %dma_wait3A_877 = arith.constant 0 : i32
    %dma_wait3A_878 = arith.constant 0 : i32
    %dma_wait3A_879 = tpu.memref_slice %arg5[%dma_wait3A_877, %dma_wait3A_878] : memref<100000x128xf32, #tpu.memory_space<hbm>> -> memref<200x128xf32, #tpu.memory_space<hbm>>
    tpu.wait_dma2 semaphore(%arg24 : memref<!tpu.dma_semaphore, #tpu.memory_space<semaphore_mem>>) src(%dma_wait3A_879 : memref<200x128xf32, #tpu.memory_space<hbm>>) dst(%arg15 : memref<200x128xf32, #tpu.memory_space<vmem>>)
    %scan3A_880 = arith.constant 0 : i32
    %scan3A_881 = arith.constant 0 : i32
    %scan3A_882 = arith.constant 200 : i32
    %scan3A_883 = arith.addi %scan3A_881, %scan3A_882 : i32
    %scan3A_884 = arith.constant 1 : i32
    scf.for %scan3A_972 = %scan3A_881 to %scan3A_883 step %scan3A_884  : i32 {
      %get3A = arith.index_cast %scan3A_972 : i32 to index
      %get3A_973 = arith.constant 0 : index
      %get3A_974 = tpu.vector_load %arg9[%get3A, %get3A_973] {strides = array<i32>} : memref<200x128xf32, #tpu.memory_space<vmem>>, vector<1x16xf32>,
      %get3A_975 = vector.shape_cast %get3A_974 : vector<1x16xf32> to vector<16xf32>
      %swap3A = arith.index_cast %scan3A_972 : i32 to index
      %swap3A_976 = arith.constant 0 : index
      %swap3A_977 = tpu.vector_load %arg15[%swap3A, %swap3A_976] {strides = array<i32>} : memref<200x128xf32, #tpu.memory_space<vmem>>, vector<1x16xf32>,
      %swap3A_978 = vector.shape_cast %swap3A_977 : vector<1x16xf32> to vector<16xf32>
      %swap3A_979 = vector.shape_cast %get3A_975 : vector<16xf32> to vector<1x16xf32>
      tpu.vector_store %arg15[%swap3A, %swap3A_976], %swap3A_979 {add = true, strides = array<i32>} : memref<200x128xf32, #tpu.memory_space<vmem>>, vector<1x16xf32>,
      %get3A_980 = arith.index_cast %scan3A_972 : i32 to index
      %get3A_981 = arith.constant 16 : index
      %get3A_982 = tpu.vector_load %arg9[%get3A_980, %get3A_981] {strides = array<i32>} : memref<200x128xf32, #tpu.memory_space<vmem>>, vector<1x16xf32>,
      %get3A_983 = vector.shape_cast %get3A_982 : vector<1x16xf32> to vector<16xf32>
      %swap3A_984 = arith.index_cast %scan3A_972 : i32 to index
      %swap3A_985 = arith.constant 16 : index
      %swap3A_986 = tpu.vector_load %arg15[%swap3A_984, %swap3A_985] {strides = array<i32>} : memref<200x128xf32, #tpu.memory_space<vmem>>, vector<1x16xf32>,
      %swap3A_987 = vector.shape_cast %swap3A_986 : vector<1x16xf32> to vector<16xf32>
      %swap3A_988 = vector.shape_cast %get3A_983 : vector<16xf32> to vector<1x16xf32>
      tpu.vector_store %arg15[%swap3A_984, %swap3A_985], %swap3A_988 {add = true, strides = array<i32>} : memref<200x128xf32, #tpu.memory_space<vmem>>, vector<1x16xf32>,
      %get3A_989 = arith.index_cast %scan3A_972 : i32 to index
      %get3A_990 = arith.constant 32 : index
      %get3A_991 = tpu.vector_load %arg9[%get3A_989, %get3A_990] {strides = array<i32>} : memref<200x128xf32, #tpu.memory_space<vmem>>, vector<1x16xf32>,
      %get3A_992 = vector.shape_cast %get3A_991 : vector<1x16xf32> to vector<16xf32>
      %swap3A_993 = arith.index_cast %scan3A_972 : i32 to index
      %swap3A_994 = arith.constant 32 : index
      %swap3A_995 = tpu.vector_load %arg15[%swap3A_993, %swap3A_994] {strides = array<i32>} : memref<200x128xf32, #tpu.memory_space<vmem>>, vector<1x16xf32>,
      %swap3A_996 = vector.shape_cast %swap3A_995 : vector<1x16xf32> to vector<16xf32>
      %swap3A_997 = vector.shape_cast %get3A_992 : vector<16xf32> to vector<1x16xf32>
      tpu.vector_store %arg15[%swap3A_993, %swap3A_994], %swap3A_997 {add = true, strides = array<i32>} : memref<200x128xf32, #tpu.memory_space<vmem>>, vector<1x16xf32>,
      %get3A_998 = arith.index_cast %scan3A_972 : i32 to index
      %get3A_999 = arith.constant 48 : index
      %get3A_1000 = tpu.vector_load %arg9[%get3A_998, %get3A_999] {strides = array<i32>} : memref<200x128xf32, #tpu.memory_space<vmem>>, vector<1x16xf32>,
      %get3A_1001 = vector.shape_cast %get3A_1000 : vector<1x16xf32> to vector<16xf32>
      %swap3A_1002 = arith.index_cast %scan3A_972 : i32 to index
      %swap3A_1003 = arith.constant 48 : index
      %swap3A_1004 = tpu.vector_load %arg15[%swap3A_1002, %swap3A_1003] {strides = array<i32>} : memref<200x128xf32, #tpu.memory_space<vmem>>, vector<1x16xf32>,
      %swap3A_1005 = vector.shape_cast %swap3A_1004 : vector<1x16xf32> to vector<16xf32>
      %swap3A_1006 = vector.shape_cast %get3A_1001 : vector<16xf32> to vector<1x16xf32>
      tpu.vector_store %arg15[%swap3A_1002, %swap3A_1003], %swap3A_1006 {add = true, strides = array<i32>} : memref<200x128xf32, #tpu.memory_space<vmem>>, vector<1x16xf32>,
      %get3A_1007 = arith.index_cast %scan3A_972 : i32 to index
      %get3A_1008 = arith.constant 64 : index
      %get3A_1009 = tpu.vector_load %arg9[%get3A_1007, %get3A_1008] {strides = array<i32>} : memref<200x128xf32, #tpu.memory_space<vmem>>, vector<1x16xf32>,
      %get3A_1010 = vector.shape_cast %get3A_1009 : vector<1x16xf32> to vector<16xf32>
      %swap3A_1011 = arith.index_cast %scan3A_972 : i32 to index
      %swap3A_1012 = arith.constant 64 : index
      %swap3A_1013 = tpu.vector_load %arg15[%swap3A_1011, %swap3A_1012] {strides = array<i32>} : memref<200x128xf32, #tpu.memory_space<vmem>>, vector<1x16xf32>,
      %swap3A_1014 = vector.shape_cast %swap3A_1013 : vector<1x16xf32> to vector<16xf32>
      %swap3A_1015 = vector.shape_cast %get3A_1010 : vector<16xf32> to vector<1x16xf32>
      tpu.vector_store %arg15[%swap3A_1011, %swap3A_1012], %swap3A_1015 {add = true, strides = array<i32>} : memref<200x128xf32, #tpu.memory_space<vmem>>, vector<1x16xf32>,
      %get3A_1016 = arith.index_cast %scan3A_972 : i32 to index
      %get3A_1017 = arith.constant 80 : index
      %get3A_1018 = tpu.vector_load %arg9[%get3A_1016, %get3A_1017] {strides = array<i32>} : memref<200x128xf32, #tpu.memory_space<vmem>>, vector<1x16xf32>,
      %get3A_1019 = vector.shape_cast %get3A_1018 : vector<1x16xf32> to vector<16xf32>
      %swap3A_1020 = arith.index_cast %scan3A_972 : i32 to index
      %swap3A_1021 = arith.constant 80 : index
      %swap3A_1022 = tpu.vector_load %arg15[%swap3A_1020, %swap3A_1021] {strides = array<i32>} : memref<200x128xf32, #tpu.memory_space<vmem>>, vector<1x16xf32>,
      %swap3A_1023 = vector.shape_cast %swap3A_1022 : vector<1x16xf32> to vector<16xf32>
      %swap3A_1024 = vector.shape_cast %get3A_1019 : vector<16xf32> to vector<1x16xf32>
      tpu.vector_store %arg15[%swap3A_1020, %swap3A_1021], %swap3A_1024 {add = true, strides = array<i32>} : memref<200x128xf32, #tpu.memory_space<vmem>>, vector<1x16xf32>,
      %get3A_1025 = arith.index_cast %scan3A_972 : i32 to index
      %get3A_1026 = arith.constant 96 : index
      %get3A_1027 = tpu.vector_load %arg9[%get3A_1025, %get3A_1026] {strides = array<i32>} : memref<200x128xf32, #tpu.memory_space<vmem>>, vector<1x16xf32>,
      %get3A_1028 = vector.shape_cast %get3A_1027 : vector<1x16xf32> to vector<16xf32>
      %swap3A_1029 = arith.index_cast %scan3A_972 : i32 to index
      %swap3A_1030 = arith.constant 96 : index
      %swap3A_1031 = tpu.vector_load %arg15[%swap3A_1029, %swap3A_1030] {strides = array<i32>} : memref<200x128xf32, #tpu.memory_space<vmem>>, vector<1x16xf32>,
      %swap3A_1032 = vector.shape_cast %swap3A_1031 : vector<1x16xf32> to vector<16xf32>
      %swap3A_1033 = vector.shape_cast %get3A_1028 : vector<16xf32> to vector<1x16xf32>
      tpu.vector_store %arg15[%swap3A_1029, %swap3A_1030], %swap3A_1033 {add = true, strides = array<i32>} : memref<200x128xf32, #tpu.memory_space<vmem>>, vector<1x16xf32>,
      %get3A_1034 = arith.index_cast %scan3A_972 : i32 to index
      %get3A_1035 = arith.constant 112 : index
      %get3A_1036 = tpu.vector_load %arg9[%get3A_1034, %get3A_1035] {strides = array<i32>} : memref<200x128xf32, #tpu.memory_space<vmem>>, vector<1x16xf32>,
      %get3A_1037 = vector.shape_cast %get3A_1036 : vector<1x16xf32> to vector<16xf32>
      %swap3A_1038 = arith.index_cast %scan3A_972 : i32 to index
      %swap3A_1039 = arith.constant 112 : index
      %swap3A_1040 = tpu.vector_load %arg15[%swap3A_1038, %swap3A_1039] {strides = array<i32>} : memref<200x128xf32, #tpu.memory_space<vmem>>, vector<1x16xf32>,
      %swap3A_1041 = vector.shape_cast %swap3A_1040 : vector<1x16xf32> to vector<16xf32>
      %swap3A_1042 = vector.shape_cast %get3A_1037 : vector<16xf32> to vector<1x16xf32>
      tpu.vector_store %arg15[%swap3A_1038, %swap3A_1039], %swap3A_1042 {add = true, strides = array<i32>} : memref<200x128xf32, #tpu.memory_space<vmem>>, vector<1x16xf32>,
    }
    %scan3A_885 = arith.constant 200 : i32
    %add3A_886 = arith.constant 29 : i32
    %add3A_887 = arith.addi %mul3A_2, %add3A_886 : i32
    %dma_start3A_888 = arith.constant 0 : i32
    %dma_start3A_889 = arith.constant 0 : i32
    %dma_start3A_890 = tpu.memref_slice %arg8[%add3A_887, %dma_start3A_888, %dma_start3A_889] : memref<1024x200x128xf32, #tpu.memory_space<hbm>> -> memref<1x200x128xf32, #tpu.memory_space<hbm>>
    %dma_start3A_891 = tpu.memref_squeeze %dma_start3A_890 : memref<1x200x128xf32, #tpu.memory_space<hbm>> -> memref<200x128xf32, #tpu.memory_space<hbm>>
    %dma_start3A_892 = arith.constant 0 : i32
    %dma_start3A_893 = arith.constant 0 : i32
    %dma_start3A_894 = tpu.memref_slice %arg8[%add3A_887, %dma_start3A_892, %dma_start3A_893] : memref<1024x200x128xf32, #tpu.memory_space<hbm>> -> memref<1x200x128xf32, #tpu.memory_space<hbm>>
    %dma_start3A_895 = tpu.memref_squeeze %dma_start3A_894 : memref<1x200x128xf32, #tpu.memory_space<hbm>> -> memref<200x128xf32, #tpu.memory_space<hbm>>
    tpu.enqueue_dma source(%arg15 : memref<200x128xf32, #tpu.memory_space<vmem>>) target(%dma_start3A_895 : memref<200x128xf32, #tpu.memory_space<hbm>>) target_semaphore(%arg28 : memref<!tpu.dma_semaphore, #tpu.memory_space<semaphore_mem>>)
    %dma_wait3A_896 = arith.constant 0 : i32
    %dma_wait3A_897 = arith.constant 0 : i32
    %dma_wait3A_898 = tpu.memref_slice %arg5[%dma_wait3A_896, %dma_wait3A_897] : memref<100000x128xf32, #tpu.memory_space<hbm>> -> memref<200x128xf32, #tpu.memory_space<hbm>>
    %dma_wait3A_899 = arith.constant 0 : i32
    %dma_wait3A_900 = arith.constant 0 : i32
    %dma_wait3A_901 = tpu.memref_slice %arg5[%dma_wait3A_899, %dma_wait3A_900] : memref<100000x128xf32, #tpu.memory_space<hbm>> -> memref<200x128xf32, #tpu.memory_space<hbm>>
    tpu.wait_dma2 semaphore(%arg25 : memref<!tpu.dma_semaphore, #tpu.memory_space<semaphore_mem>>) src(%dma_wait3A_901 : memref<200x128xf32, #tpu.memory_space<hbm>>) dst(%arg16 : memref<200x128xf32, #tpu.memory_space<vmem>>)
    %scan3A_902 = arith.constant 0 : i32
    %scan3A_903 = arith.constant 0 : i32
    %scan3A_904 = arith.constant 200 : i32
    %scan3A_905 = arith.addi %scan3A_903, %scan3A_904 : i32
    %scan3A_906 = arith.constant 1 : i32
    scf.for %scan3A_972 = %scan3A_903 to %scan3A_905 step %scan3A_906  : i32 {
      %get3A = arith.index_cast %scan3A_972 : i32 to index
      %get3A_973 = arith.constant 0 : index
      %get3A_974 = tpu.vector_load %arg9[%get3A, %get3A_973] {strides = array<i32>} : memref<200x128xf32, #tpu.memory_space<vmem>>, vector<1x16xf32>,
      %get3A_975 = vector.shape_cast %get3A_974 : vector<1x16xf32> to vector<16xf32>
      %swap3A = arith.index_cast %scan3A_972 : i32 to index
      %swap3A_976 = arith.constant 0 : index
      %swap3A_977 = tpu.vector_load %arg16[%swap3A, %swap3A_976] {strides = array<i32>} : memref<200x128xf32, #tpu.memory_space<vmem>>, vector<1x16xf32>,
      %swap3A_978 = vector.shape_cast %swap3A_977 : vector<1x16xf32> to vector<16xf32>
      %swap3A_979 = vector.shape_cast %get3A_975 : vector<16xf32> to vector<1x16xf32>
      tpu.vector_store %arg16[%swap3A, %swap3A_976], %swap3A_979 {add = true, strides = array<i32>} : memref<200x128xf32, #tpu.memory_space<vmem>>, vector<1x16xf32>,
      %get3A_980 = arith.index_cast %scan3A_972 : i32 to index
      %get3A_981 = arith.constant 16 : index
      %get3A_982 = tpu.vector_load %arg9[%get3A_980, %get3A_981] {strides = array<i32>} : memref<200x128xf32, #tpu.memory_space<vmem>>, vector<1x16xf32>,
      %get3A_983 = vector.shape_cast %get3A_982 : vector<1x16xf32> to vector<16xf32>
      %swap3A_984 = arith.index_cast %scan3A_972 : i32 to index
      %swap3A_985 = arith.constant 16 : index
      %swap3A_986 = tpu.vector_load %arg16[%swap3A_984, %swap3A_985] {strides = array<i32>} : memref<200x128xf32, #tpu.memory_space<vmem>>, vector<1x16xf32>,
      %swap3A_987 = vector.shape_cast %swap3A_986 : vector<1x16xf32> to vector<16xf32>
      %swap3A_988 = vector.shape_cast %get3A_983 : vector<16xf32> to vector<1x16xf32>
      tpu.vector_store %arg16[%swap3A_984, %swap3A_985], %swap3A_988 {add = true, strides = array<i32>} : memref<200x128xf32, #tpu.memory_space<vmem>>, vector<1x16xf32>,
      %get3A_989 = arith.index_cast %scan3A_972 : i32 to index
      %get3A_990 = arith.constant 32 : index
      %get3A_991 = tpu.vector_load %arg9[%get3A_989, %get3A_990] {strides = array<i32>} : memref<200x128xf32, #tpu.memory_space<vmem>>, vector<1x16xf32>,
      %get3A_992 = vector.shape_cast %get3A_991 : vector<1x16xf32> to vector<16xf32>
      %swap3A_993 = arith.index_cast %scan3A_972 : i32 to index
      %swap3A_994 = arith.constant 32 : index
      %swap3A_995 = tpu.vector_load %arg16[%swap3A_993, %swap3A_994] {strides = array<i32>} : memref<200x128xf32, #tpu.memory_space<vmem>>, vector<1x16xf32>,
      %swap3A_996 = vector.shape_cast %swap3A_995 : vector<1x16xf32> to vector<16xf32>
      %swap3A_997 = vector.shape_cast %get3A_992 : vector<16xf32> to vector<1x16xf32>
      tpu.vector_store %arg16[%swap3A_993, %swap3A_994], %swap3A_997 {add = true, strides = array<i32>} : memref<200x128xf32, #tpu.memory_space<vmem>>, vector<1x16xf32>,
      %get3A_998 = arith.index_cast %scan3A_972 : i32 to index
      %get3A_999 = arith.constant 48 : index
      %get3A_1000 = tpu.vector_load %arg9[%get3A_998, %get3A_999] {strides = array<i32>} : memref<200x128xf32, #tpu.memory_space<vmem>>, vector<1x16xf32>,
      %get3A_1001 = vector.shape_cast %get3A_1000 : vector<1x16xf32> to vector<16xf32>
      %swap3A_1002 = arith.index_cast %scan3A_972 : i32 to index
      %swap3A_1003 = arith.constant 48 : index
      %swap3A_1004 = tpu.vector_load %arg16[%swap3A_1002, %swap3A_1003] {strides = array<i32>} : memref<200x128xf32, #tpu.memory_space<vmem>>, vector<1x16xf32>,
      %swap3A_1005 = vector.shape_cast %swap3A_1004 : vector<1x16xf32> to vector<16xf32>
      %swap3A_1006 = vector.shape_cast %get3A_1001 : vector<16xf32> to vector<1x16xf32>
      tpu.vector_store %arg16[%swap3A_1002, %swap3A_1003], %swap3A_1006 {add = true, strides = array<i32>} : memref<200x128xf32, #tpu.memory_space<vmem>>, vector<1x16xf32>,
      %get3A_1007 = arith.index_cast %scan3A_972 : i32 to index
      %get3A_1008 = arith.constant 64 : index
      %get3A_1009 = tpu.vector_load %arg9[%get3A_1007, %get3A_1008] {strides = array<i32>} : memref<200x128xf32, #tpu.memory_space<vmem>>, vector<1x16xf32>,
      %get3A_1010 = vector.shape_cast %get3A_1009 : vector<1x16xf32> to vector<16xf32>
      %swap3A_1011 = arith.index_cast %scan3A_972 : i32 to index
      %swap3A_1012 = arith.constant 64 : index
      %swap3A_1013 = tpu.vector_load %arg16[%swap3A_1011, %swap3A_1012] {strides = array<i32>} : memref<200x128xf32, #tpu.memory_space<vmem>>, vector<1x16xf32>,
      %swap3A_1014 = vector.shape_cast %swap3A_1013 : vector<1x16xf32> to vector<16xf32>
      %swap3A_1015 = vector.shape_cast %get3A_1010 : vector<16xf32> to vector<1x16xf32>
      tpu.vector_store %arg16[%swap3A_1011, %swap3A_1012], %swap3A_1015 {add = true, strides = array<i32>} : memref<200x128xf32, #tpu.memory_space<vmem>>, vector<1x16xf32>,
      %get3A_1016 = arith.index_cast %scan3A_972 : i32 to index
      %get3A_1017 = arith.constant 80 : index
      %get3A_1018 = tpu.vector_load %arg9[%get3A_1016, %get3A_1017] {strides = array<i32>} : memref<200x128xf32, #tpu.memory_space<vmem>>, vector<1x16xf32>,
      %get3A_1019 = vector.shape_cast %get3A_1018 : vector<1x16xf32> to vector<16xf32>
      %swap3A_1020 = arith.index_cast %scan3A_972 : i32 to index
      %swap3A_1021 = arith.constant 80 : index
      %swap3A_1022 = tpu.vector_load %arg16[%swap3A_1020, %swap3A_1021] {strides = array<i32>} : memref<200x128xf32, #tpu.memory_space<vmem>>, vector<1x16xf32>,
      %swap3A_1023 = vector.shape_cast %swap3A_1022 : vector<1x16xf32> to vector<16xf32>
      %swap3A_1024 = vector.shape_cast %get3A_1019 : vector<16xf32> to vector<1x16xf32>
      tpu.vector_store %arg16[%swap3A_1020, %swap3A_1021], %swap3A_1024 {add = true, strides = array<i32>} : memref<200x128xf32, #tpu.memory_space<vmem>>, vector<1x16xf32>,
      %get3A_1025 = arith.index_cast %scan3A_972 : i32 to index
      %get3A_1026 = arith.constant 96 : index
      %get3A_1027 = tpu.vector_load %arg9[%get3A_1025, %get3A_1026] {strides = array<i32>} : memref<200x128xf32, #tpu.memory_space<vmem>>, vector<1x16xf32>,
      %get3A_1028 = vector.shape_cast %get3A_1027 : vector<1x16xf32> to vector<16xf32>
      %swap3A_1029 = arith.index_cast %scan3A_972 : i32 to index
      %swap3A_1030 = arith.constant 96 : index
      %swap3A_1031 = tpu.vector_load %arg16[%swap3A_1029, %swap3A_1030] {strides = array<i32>} : memref<200x128xf32, #tpu.memory_space<vmem>>, vector<1x16xf32>,
      %swap3A_1032 = vector.shape_cast %swap3A_1031 : vector<1x16xf32> to vector<16xf32>
      %swap3A_1033 = vector.shape_cast %get3A_1028 : vector<16xf32> to vector<1x16xf32>
      tpu.vector_store %arg16[%swap3A_1029, %swap3A_1030], %swap3A_1033 {add = true, strides = array<i32>} : memref<200x128xf32, #tpu.memory_space<vmem>>, vector<1x16xf32>,
      %get3A_1034 = arith.index_cast %scan3A_972 : i32 to index
      %get3A_1035 = arith.constant 112 : index
      %get3A_1036 = tpu.vector_load %arg9[%get3A_1034, %get3A_1035] {strides = array<i32>} : memref<200x128xf32, #tpu.memory_space<vmem>>, vector<1x16xf32>,
      %get3A_1037 = vector.shape_cast %get3A_1036 : vector<1x16xf32> to vector<16xf32>
      %swap3A_1038 = arith.index_cast %scan3A_972 : i32 to index
      %swap3A_1039 = arith.constant 112 : index
      %swap3A_1040 = tpu.vector_load %arg16[%swap3A_1038, %swap3A_1039] {strides = array<i32>} : memref<200x128xf32, #tpu.memory_space<vmem>>, vector<1x16xf32>,
      %swap3A_1041 = vector.shape_cast %swap3A_1040 : vector<1x16xf32> to vector<16xf32>
      %swap3A_1042 = vector.shape_cast %get3A_1037 : vector<16xf32> to vector<1x16xf32>
      tpu.vector_store %arg16[%swap3A_1038, %swap3A_1039], %swap3A_1042 {add = true, strides = array<i32>} : memref<200x128xf32, #tpu.memory_space<vmem>>, vector<1x16xf32>,
    }
    %scan3A_907 = arith.constant 200 : i32
    %add3A_908 = arith.constant 30 : i32
    %add3A_909 = arith.addi %mul3A_2, %add3A_908 : i32
    %dma_start3A_910 = arith.constant 0 : i32
    %dma_start3A_911 = arith.constant 0 : i32
    %dma_start3A_912 = tpu.memref_slice %arg8[%add3A_909, %dma_start3A_910, %dma_start3A_911] : memref<1024x200x128xf32, #tpu.memory_space<hbm>> -> memref<1x200x128xf32, #tpu.memory_space<hbm>>
    %dma_start3A_913 = tpu.memref_squeeze %dma_start3A_912 : memref<1x200x128xf32, #tpu.memory_space<hbm>> -> memref<200x128xf32, #tpu.memory_space<hbm>>
    %dma_start3A_914 = arith.constant 0 : i32
    %dma_start3A_915 = arith.constant 0 : i32
    %dma_start3A_916 = tpu.memref_slice %arg8[%add3A_909, %dma_start3A_914, %dma_start3A_915] : memref<1024x200x128xf32, #tpu.memory_space<hbm>> -> memref<1x200x128xf32, #tpu.memory_space<hbm>>
    %dma_start3A_917 = tpu.memref_squeeze %dma_start3A_916 : memref<1x200x128xf32, #tpu.memory_space<hbm>> -> memref<200x128xf32, #tpu.memory_space<hbm>>
    tpu.enqueue_dma source(%arg16 : memref<200x128xf32, #tpu.memory_space<vmem>>) target(%dma_start3A_917 : memref<200x128xf32, #tpu.memory_space<hbm>>) target_semaphore(%arg29 : memref<!tpu.dma_semaphore, #tpu.memory_space<semaphore_mem>>)
    %dma_wait3A_918 = arith.constant 0 : i32
    %dma_wait3A_919 = arith.constant 0 : i32
    %dma_wait3A_920 = tpu.memref_slice %arg5[%dma_wait3A_918, %dma_wait3A_919] : memref<100000x128xf32, #tpu.memory_space<hbm>> -> memref<200x128xf32, #tpu.memory_space<hbm>>
    %dma_wait3A_921 = arith.constant 0 : i32
    %dma_wait3A_922 = arith.constant 0 : i32
    %dma_wait3A_923 = tpu.memref_slice %arg5[%dma_wait3A_921, %dma_wait3A_922] : memref<100000x128xf32, #tpu.memory_space<hbm>> -> memref<200x128xf32, #tpu.memory_space<hbm>>
    tpu.wait_dma2 semaphore(%arg26 : memref<!tpu.dma_semaphore, #tpu.memory_space<semaphore_mem>>) src(%dma_wait3A_923 : memref<200x128xf32, #tpu.memory_space<hbm>>) dst(%arg17 : memref<200x128xf32, #tpu.memory_space<vmem>>)
    %scan3A_924 = arith.constant 0 : i32
    %scan3A_925 = arith.constant 0 : i32
    %scan3A_926 = arith.constant 200 : i32
    %scan3A_927 = arith.addi %scan3A_925, %scan3A_926 : i32
    %scan3A_928 = arith.constant 1 : i32
    scf.for %scan3A_972 = %scan3A_925 to %scan3A_927 step %scan3A_928  : i32 {
      %get3A = arith.index_cast %scan3A_972 : i32 to index
      %get3A_973 = arith.constant 0 : index
      %get3A_974 = tpu.vector_load %arg9[%get3A, %get3A_973] {strides = array<i32>} : memref<200x128xf32, #tpu.memory_space<vmem>>, vector<1x16xf32>,
      %get3A_975 = vector.shape_cast %get3A_974 : vector<1x16xf32> to vector<16xf32>
      %swap3A = arith.index_cast %scan3A_972 : i32 to index
      %swap3A_976 = arith.constant 0 : index
      %swap3A_977 = tpu.vector_load %arg17[%swap3A, %swap3A_976] {strides = array<i32>} : memref<200x128xf32, #tpu.memory_space<vmem>>, vector<1x16xf32>,
      %swap3A_978 = vector.shape_cast %swap3A_977 : vector<1x16xf32> to vector<16xf32>
      %swap3A_979 = vector.shape_cast %get3A_975 : vector<16xf32> to vector<1x16xf32>
      tpu.vector_store %arg17[%swap3A, %swap3A_976], %swap3A_979 {add = true, strides = array<i32>} : memref<200x128xf32, #tpu.memory_space<vmem>>, vector<1x16xf32>,
      %get3A_980 = arith.index_cast %scan3A_972 : i32 to index
      %get3A_981 = arith.constant 16 : index
      %get3A_982 = tpu.vector_load %arg9[%get3A_980, %get3A_981] {strides = array<i32>} : memref<200x128xf32, #tpu.memory_space<vmem>>, vector<1x16xf32>,
      %get3A_983 = vector.shape_cast %get3A_982 : vector<1x16xf32> to vector<16xf32>
      %swap3A_984 = arith.index_cast %scan3A_972 : i32 to index
      %swap3A_985 = arith.constant 16 : index
      %swap3A_986 = tpu.vector_load %arg17[%swap3A_984, %swap3A_985] {strides = array<i32>} : memref<200x128xf32, #tpu.memory_space<vmem>>, vector<1x16xf32>,
      %swap3A_987 = vector.shape_cast %swap3A_986 : vector<1x16xf32> to vector<16xf32>
      %swap3A_988 = vector.shape_cast %get3A_983 : vector<16xf32> to vector<1x16xf32>
      tpu.vector_store %arg17[%swap3A_984, %swap3A_985], %swap3A_988 {add = true, strides = array<i32>} : memref<200x128xf32, #tpu.memory_space<vmem>>, vector<1x16xf32>,
      %get3A_989 = arith.index_cast %scan3A_972 : i32 to index
      %get3A_990 = arith.constant 32 : index
      %get3A_991 = tpu.vector_load %arg9[%get3A_989, %get3A_990] {strides = array<i32>} : memref<200x128xf32, #tpu.memory_space<vmem>>, vector<1x16xf32>,
      %get3A_992 = vector.shape_cast %get3A_991 : vector<1x16xf32> to vector<16xf32>
      %swap3A_993 = arith.index_cast %scan3A_972 : i32 to index
      %swap3A_994 = arith.constant 32 : index
      %swap3A_995 = tpu.vector_load %arg17[%swap3A_993, %swap3A_994] {strides = array<i32>} : memref<200x128xf32, #tpu.memory_space<vmem>>, vector<1x16xf32>,
      %swap3A_996 = vector.shape_cast %swap3A_995 : vector<1x16xf32> to vector<16xf32>
      %swap3A_997 = vector.shape_cast %get3A_992 : vector<16xf32> to vector<1x16xf32>
      tpu.vector_store %arg17[%swap3A_993, %swap3A_994], %swap3A_997 {add = true, strides = array<i32>} : memref<200x128xf32, #tpu.memory_space<vmem>>, vector<1x16xf32>,
      %get3A_998 = arith.index_cast %scan3A_972 : i32 to index
      %get3A_999 = arith.constant 48 : index
      %get3A_1000 = tpu.vector_load %arg9[%get3A_998, %get3A_999] {strides = array<i32>} : memref<200x128xf32, #tpu.memory_space<vmem>>, vector<1x16xf32>,
      %get3A_1001 = vector.shape_cast %get3A_1000 : vector<1x16xf32> to vector<16xf32>
      %swap3A_1002 = arith.index_cast %scan3A_972 : i32 to index
      %swap3A_1003 = arith.constant 48 : index
      %swap3A_1004 = tpu.vector_load %arg17[%swap3A_1002, %swap3A_1003] {strides = array<i32>} : memref<200x128xf32, #tpu.memory_space<vmem>>, vector<1x16xf32>,
      %swap3A_1005 = vector.shape_cast %swap3A_1004 : vector<1x16xf32> to vector<16xf32>
      %swap3A_1006 = vector.shape_cast %get3A_1001 : vector<16xf32> to vector<1x16xf32>
      tpu.vector_store %arg17[%swap3A_1002, %swap3A_1003], %swap3A_1006 {add = true, strides = array<i32>} : memref<200x128xf32, #tpu.memory_space<vmem>>, vector<1x16xf32>,
      %get3A_1007 = arith.index_cast %scan3A_972 : i32 to index
      %get3A_1008 = arith.constant 64 : index
      %get3A_1009 = tpu.vector_load %arg9[%get3A_1007, %get3A_1008] {strides = array<i32>} : memref<200x128xf32, #tpu.memory_space<vmem>>, vector<1x16xf32>,
      %get3A_1010 = vector.shape_cast %get3A_1009 : vector<1x16xf32> to vector<16xf32>
      %swap3A_1011 = arith.index_cast %scan3A_972 : i32 to index
      %swap3A_1012 = arith.constant 64 : index
      %swap3A_1013 = tpu.vector_load %arg17[%swap3A_1011, %swap3A_1012] {strides = array<i32>} : memref<200x128xf32, #tpu.memory_space<vmem>>, vector<1x16xf32>,
      %swap3A_1014 = vector.shape_cast %swap3A_1013 : vector<1x16xf32> to vector<16xf32>
      %swap3A_1015 = vector.shape_cast %get3A_1010 : vector<16xf32> to vector<1x16xf32>
      tpu.vector_store %arg17[%swap3A_1011, %swap3A_1012], %swap3A_1015 {add = true, strides = array<i32>} : memref<200x128xf32, #tpu.memory_space<vmem>>, vector<1x16xf32>,
      %get3A_1016 = arith.index_cast %scan3A_972 : i32 to index
      %get3A_1017 = arith.constant 80 : index
      %get3A_1018 = tpu.vector_load %arg9[%get3A_1016, %get3A_1017] {strides = array<i32>} : memref<200x128xf32, #tpu.memory_space<vmem>>, vector<1x16xf32>,
      %get3A_1019 = vector.shape_cast %get3A_1018 : vector<1x16xf32> to vector<16xf32>
      %swap3A_1020 = arith.index_cast %scan3A_972 : i32 to index
      %swap3A_1021 = arith.constant 80 : index
      %swap3A_1022 = tpu.vector_load %arg17[%swap3A_1020, %swap3A_1021] {strides = array<i32>} : memref<200x128xf32, #tpu.memory_space<vmem>>, vector<1x16xf32>,
      %swap3A_1023 = vector.shape_cast %swap3A_1022 : vector<1x16xf32> to vector<16xf32>
      %swap3A_1024 = vector.shape_cast %get3A_1019 : vector<16xf32> to vector<1x16xf32>
      tpu.vector_store %arg17[%swap3A_1020, %swap3A_1021], %swap3A_1024 {add = true, strides = array<i32>} : memref<200x128xf32, #tpu.memory_space<vmem>>, vector<1x16xf32>,
      %get3A_1025 = arith.index_cast %scan3A_972 : i32 to index
      %get3A_1026 = arith.constant 96 : index
      %get3A_1027 = tpu.vector_load %arg9[%get3A_1025, %get3A_1026] {strides = array<i32>} : memref<200x128xf32, #tpu.memory_space<vmem>>, vector<1x16xf32>,
      %get3A_1028 = vector.shape_cast %get3A_1027 : vector<1x16xf32> to vector<16xf32>
      %swap3A_1029 = arith.index_cast %scan3A_972 : i32 to index
      %swap3A_1030 = arith.constant 96 : index
      %swap3A_1031 = tpu.vector_load %arg17[%swap3A_1029, %swap3A_1030] {strides = array<i32>} : memref<200x128xf32, #tpu.memory_space<vmem>>, vector<1x16xf32>,
      %swap3A_1032 = vector.shape_cast %swap3A_1031 : vector<1x16xf32> to vector<16xf32>
      %swap3A_1033 = vector.shape_cast %get3A_1028 : vector<16xf32> to vector<1x16xf32>
      tpu.vector_store %arg17[%swap3A_1029, %swap3A_1030], %swap3A_1033 {add = true, strides = array<i32>} : memref<200x128xf32, #tpu.memory_space<vmem>>, vector<1x16xf32>,
      %get3A_1034 = arith.index_cast %scan3A_972 : i32 to index
      %get3A_1035 = arith.constant 112 : index
      %get3A_1036 = tpu.vector_load %arg9[%get3A_1034, %get3A_1035] {strides = array<i32>} : memref<200x128xf32, #tpu.memory_space<vmem>>, vector<1x16xf32>,
      %get3A_1037 = vector.shape_cast %get3A_1036 : vector<1x16xf32> to vector<16xf32>
      %swap3A_1038 = arith.index_cast %scan3A_972 : i32 to index
      %swap3A_1039 = arith.constant 112 : index
      %swap3A_1040 = tpu.vector_load %arg17[%swap3A_1038, %swap3A_1039] {strides = array<i32>} : memref<200x128xf32, #tpu.memory_space<vmem>>, vector<1x16xf32>,
      %swap3A_1041 = vector.shape_cast %swap3A_1040 : vector<1x16xf32> to vector<16xf32>
      %swap3A_1042 = vector.shape_cast %get3A_1037 : vector<16xf32> to vector<1x16xf32>
      tpu.vector_store %arg17[%swap3A_1038, %swap3A_1039], %swap3A_1042 {add = true, strides = array<i32>} : memref<200x128xf32, #tpu.memory_space<vmem>>, vector<1x16xf32>,
    }
    %scan3A_929 = arith.constant 200 : i32
    %add3A_930 = arith.constant 31 : i32
    %add3A_931 = arith.addi %mul3A_2, %add3A_930 : i32
    %dma_start3A_932 = arith.constant 0 : i32
    %dma_start3A_933 = arith.constant 0 : i32
    %dma_start3A_934 = tpu.memref_slice %arg8[%add3A_931, %dma_start3A_932, %dma_start3A_933] : memref<1024x200x128xf32, #tpu.memory_space<hbm>> -> memref<1x200x128xf32, #tpu.memory_space<hbm>>
    %dma_start3A_935 = tpu.memref_squeeze %dma_start3A_934 : memref<1x200x128xf32, #tpu.memory_space<hbm>> -> memref<200x128xf32, #tpu.memory_space<hbm>>
    %dma_start3A_936 = arith.constant 0 : i32
    %dma_start3A_937 = arith.constant 0 : i32
    %dma_start3A_938 = tpu.memref_slice %arg8[%add3A_931, %dma_start3A_936, %dma_start3A_937] : memref<1024x200x128xf32, #tpu.memory_space<hbm>> -> memref<1x200x128xf32, #tpu.memory_space<hbm>>
    %dma_start3A_939 = tpu.memref_squeeze %dma_start3A_938 : memref<1x200x128xf32, #tpu.memory_space<hbm>> -> memref<200x128xf32, #tpu.memory_space<hbm>>
    tpu.enqueue_dma source(%arg17 : memref<200x128xf32, #tpu.memory_space<vmem>>) target(%dma_start3A_939 : memref<200x128xf32, #tpu.memory_space<hbm>>) target_semaphore(%arg30 : memref<!tpu.dma_semaphore, #tpu.memory_space<semaphore_mem>>)
    %dma_wait3A_940 = arith.constant 0 : i32
    %dma_wait3A_941 = arith.constant 0 : i32
    %dma_wait3A_942 = tpu.memref_slice %arg8[%mul3A_2, %dma_wait3A_940, %dma_wait3A_941] : memref<1024x200x128xf32, #tpu.memory_space<hbm>> -> memref<1x200x128xf32, #tpu.memory_space<hbm>>
    %dma_wait3A_943 = tpu.memref_squeeze %dma_wait3A_942 : memref<1x200x128xf32, #tpu.memory_space<hbm>> -> memref<200x128xf32, #tpu.memory_space<hbm>>
    %dma_wait3A_944 = arith.constant 0 : i32
    %dma_wait3A_945 = arith.constant 0 : i32
    %dma_wait3A_946 = tpu.memref_slice %arg8[%mul3A_2, %dma_wait3A_944, %dma_wait3A_945] : memref<1024x200x128xf32, #tpu.memory_space<hbm>> -> memref<1x200x128xf32, #tpu.memory_space<hbm>>
    %dma_wait3A_947 = tpu.memref_squeeze %dma_wait3A_946 : memref<1x200x128xf32, #tpu.memory_space<hbm>> -> memref<200x128xf32, #tpu.memory_space<hbm>>
    tpu.wait_dma2 semaphore(%arg27 : memref<!tpu.dma_semaphore, #tpu.memory_space<semaphore_mem>>) src(%arg14 : memref<200x128xf32, #tpu.memory_space<vmem>>) dst(%dma_wait3A_947 : memref<200x128xf32, #tpu.memory_space<hbm>>)
    %dma_wait3A_948 = arith.constant 0 : i32
    %dma_wait3A_949 = arith.constant 0 : i32
    %dma_wait3A_950 = tpu.memref_slice %arg8[%mul3A_2, %dma_wait3A_948, %dma_wait3A_949] : memref<1024x200x128xf32, #tpu.memory_space<hbm>> -> memref<1x200x128xf32, #tpu.memory_space<hbm>>
    %dma_wait3A_951 = tpu.memref_squeeze %dma_wait3A_950 : memref<1x200x128xf32, #tpu.memory_space<hbm>> -> memref<200x128xf32, #tpu.memory_space<hbm>>
    %dma_wait3A_952 = arith.constant 0 : i32
    %dma_wait3A_953 = arith.constant 0 : i32
    %dma_wait3A_954 = tpu.memref_slice %arg8[%mul3A_2, %dma_wait3A_952, %dma_wait3A_953] : memref<1024x200x128xf32, #tpu.memory_space<hbm>> -> memref<1x200x128xf32, #tpu.memory_space<hbm>>
    %dma_wait3A_955 = tpu.memref_squeeze %dma_wait3A_954 : memref<1x200x128xf32, #tpu.memory_space<hbm>> -> memref<200x128xf32, #tpu.memory_space<hbm>>
    tpu.wait_dma2 semaphore(%arg28 : memref<!tpu.dma_semaphore, #tpu.memory_space<semaphore_mem>>) src(%arg15 : memref<200x128xf32, #tpu.memory_space<vmem>>) dst(%dma_wait3A_955 : memref<200x128xf32, #tpu.memory_space<hbm>>)
    %dma_wait3A_956 = arith.constant 0 : i32
    %dma_wait3A_957 = arith.constant 0 : i32
    %dma_wait3A_958 = tpu.memref_slice %arg8[%mul3A_2, %dma_wait3A_956, %dma_wait3A_957] : memref<1024x200x128xf32, #tpu.memory_space<hbm>> -> memref<1x200x128xf32, #tpu.memory_space<hbm>>
    %dma_wait3A_959 = tpu.memref_squeeze %dma_wait3A_958 : memref<1x200x128xf32, #tpu.memory_space<hbm>> -> memref<200x128xf32, #tpu.memory_space<hbm>>
    %dma_wait3A_960 = arith.constant 0 : i32
    %dma_wait3A_961 = arith.constant 0 : i32
    %dma_wait3A_962 = tpu.memref_slice %arg8[%mul3A_2, %dma_wait3A_960, %dma_wait3A_961] : memref<1024x200x128xf32, #tpu.memory_space<hbm>> -> memref<1x200x128xf32, #tpu.memory_space<hbm>>
    %dma_wait3A_963 = tpu.memref_squeeze %dma_wait3A_962 : memref<1x200x128xf32, #tpu.memory_space<hbm>> -> memref<200x128xf32, #tpu.memory_space<hbm>>
    tpu.wait_dma2 semaphore(%arg29 : memref<!tpu.dma_semaphore, #tpu.memory_space<semaphore_mem>>) src(%arg16 : memref<200x128xf32, #tpu.memory_space<vmem>>) dst(%dma_wait3A_963 : memref<200x128xf32, #tpu.memory_space<hbm>>)
    %dma_wait3A_964 = arith.constant 0 : i32
    %dma_wait3A_965 = arith.constant 0 : i32
    %dma_wait3A_966 = tpu.memref_slice %arg8[%mul3A_2, %dma_wait3A_964, %dma_wait3A_965] : memref<1024x200x128xf32, #tpu.memory_space<hbm>> -> memref<1x200x128xf32, #tpu.memory_space<hbm>>
    %dma_wait3A_967 = tpu.memref_squeeze %dma_wait3A_966 : memref<1x200x128xf32, #tpu.memory_space<hbm>> -> memref<200x128xf32, #tpu.memory_space<hbm>>
    %dma_wait3A_968 = arith.constant 0 : i32
    %dma_wait3A_969 = arith.constant 0 : i32
    %dma_wait3A_970 = tpu.memref_slice %arg8[%mul3A_2, %dma_wait3A_968, %dma_wait3A_969] : memref<1024x200x128xf32, #tpu.memory_space<hbm>> -> memref<1x200x128xf32, #tpu.memory_space<hbm>>
    %dma_wait3A_971 = tpu.memref_squeeze %dma_wait3A_970 : memref<1x200x128xf32, #tpu.memory_space<hbm>> -> memref<200x128xf32, #tpu.memory_space<hbm>>
    tpu.wait_dma2 semaphore(%arg30 : memref<!tpu.dma_semaphore, #tpu.memory_space<semaphore_mem>>) src(%arg17 : memref<200x128xf32, #tpu.memory_space<vmem>>) dst(%dma_wait3A_971 : memref<200x128xf32, #tpu.memory_space<hbm>>)
    return
  }
}

</mosaic_0001>

<sc_bundles>
// kernel: kernel.3.cloned.1.call-start
scs
__scs_entry_jumppad:
0x0: {  	(pc) =	sbr.rel $0x88, $3  }
0x1: {  	(tag) =	ssettag $0x0;
	lr =	simm.s32 $0x1  }
0x2: {  	[smem:$0x3F9D] =	sst lr;
	_ =	strace $0xD0000000  }
0x3: {  	_ = 	snop  }
0x4: {  	_ = 	snop  }
0x5: {  	_ = 	snop  }
0x6: {  	_ = 	snop  }
0x7: {  	_ = 	snop  }
__scs_overlays_trampoline_lowered:
0x8: {  	[smem:$0x3FAC] =	sst s0  }
0x9: {  	[smem:$0x3FAD] =	sst s1  }
0xa: {  	[smem:$0x3FAE] =	sst s2  }
0xb: {  	[smem:$0x3FAF] =	sst s3  }
0xc: {  	[smem:$0x3FB0] =	sst s4  }
0xd: {  	[smem:$0x3FB1] =	sst s5  }
0xe: {  	[smem:$0x3FB2] =	sst s6  }
0xf: {  	[smem:$0x3FB3] =	sst s7  }
0x10: {  	[smem:$0x3FB4] =	sst s8  }
0x11: {  	[smem:$0x3FB5] =	sst s9;
	s0 =	simm.s32 @!p0 $0x0  }
0x12: {  	s1 =	sld [smem:$0x3F9B];
	s0 =	simm.s32 @p0 $0x1  }
0x13: {  	[smem:$0x3FB6] =	sst s0;
	s0 =	simm.s32 @!p1 $0x0  }
0x14: {  	s2 =	sld [smem:$0x3F9A];
	s0 =	simm.s32 @p1 $0x1  }
0x15: {  	[smem:$0x3FB7] =	sst s0;
	s0 =	simm.s32 @!p2 $0x0  }
0x16: {  	s3 =	sld [smem:$0x3FDB];
	s0 =	simm.s32 @p2 $0x1  }
0x17: {  	s4 =	simm.s32 $0x1BF5;
	[smem:$0x3FB9] =	sst s0  }
0x18: {  	s0 =	sld [smem:$0x3F9C];
	_ =	swait.ge [sflag:s4], $0x0  }
0x19: {  	s7 =	sld [smem:$0x3F9D]  }
0x1a: {  	s8 =	sadd.s32 $0xFFFFE003, lr  }
0x1b: {  	s9 =	sadd.s32 $0xFFFFFEF7, lr;
	s5 =	simm.s32 $0xFFFFFFFF;
	p2 =	slt.u32 s8, $0xFFFFF086  }
0x1c: {  	p1 =	slt.u32 s9, $0xF7A;
	s5 =	simm.s32 @!p2 $0x0  }
0x1d: {  	s5 =	simm.s32 @p1 $0x1;
	p0 =	seq.s32 s7, s2  }
0x1e: {  	s7 =	smul.u32 @!p0 $0xF7A, s2;
	p2 =	seq.s32 @!p0 s5, $0x0  }
0x1f: {  	s9 =	smul.u32 $0xF7A, s1;
	s8 =	simm.s32 @!p0 $0x1BF5;
	p2 =	por !p2, p0  }
0x20: {  	[sflag:s8] =	ssyncset.s32 @!p0 $0xFFFFF086;
	s6 =	sadd.s32 @!p0 s3, s7;
	s7 =	simm.s32 @!p0 $0x108  }
0x21: {  	s3 =	sadd.s32 s3, s9;
	s6 =	sadd.s32 @!p0 $0x88, s6;
	s7 =	simm.s32 @p2 $0x1082  }
0x22: {  	[simem:s7], [sflag:s8] =	dma.local @!p0 [hbm:s6], $0xF7A  }
0x23: {  	s9 =	sor.u32 $0xD0000000, s2;
	s6 =	simm.s32 $0x108;
	_ =	swait.ge @!p0 [sflag:s8], $0x0  }
0x24: {  	s3 =	sadd.s32 $0x88, s3;
	s6 =	simm.s32 @!p1 $0x1082;
	[sflag:s4] =	ssyncset.s32 $0xFFFFF086  }
0x25: {  	[simem:s6], [sflag:s4] =	dma.local [hbm:s3], $0xF7A  }
0x26: {  	[smem:$0x3F9D] =	sst s1;
	(tag) =	ssettag s2;
	_ =	strace s9  }
0x27: {  	s1 =	sld [smem:$0x3FAD]  }
0x28: {  	s2 =	sld [smem:$0x3FAE]  }
0x29: {  	s4 =	sld [smem:$0x3FB0]  }
0x2a: {  	p0 =	seq.s32 s5, $0x0;
	s5 =	sld [smem:$0x3FB1]  }
0x2b: {  	s6 =	sld [smem:$0x3FB2]  }
0x2c: {  	s7 =	sld [smem:$0x3FB3]  }
0x2d: {  	s3 =	simm.s32 $0x108;
	s8 =	sld [smem:$0x3FB4]  }
0x2e: {  	s3 =	simm.s32 @!p0 $0x1082;
	s9 =	sld [smem:$0x3FB5]  }
0x2f: {  	lr =	sadd.s32 s0, s3;
	s0 =	sld [smem:$0x3FAC]  }
0x30: {  	s3 =	sld [smem:$0x3FAF]  }
0x31: {  	[smem:$0x3FB8] =	sst s10  }
0x32: {  	s10 =	sld [smem:$0x3FB6];
	_ =	sdelay $0x3  }
0x33: {  	p0 =	seq.s32 s10, $0x1;
	s10 =	sld [smem:$0x3FB8];
	_ =	sdelay $0x3  }
0x34: {  	[smem:$0x3FB8] =	sst s10  }
0x35: {  	s10 =	sld [smem:$0x3FB7];
	_ =	sdelay $0x3  }
0x36: {  	p1 =	seq.s32 s10, $0x1;
	s10 =	sld [smem:$0x3FB8];
	_ =	sdelay $0x3  }
0x37: {  	[smem:$0x3FB8] =	sst s10  }
0x38: {  	s10 =	sld [smem:$0x3FB9]  }
0x39: {  	_ = 	snop;
	(pc) =	sbr.ind lr, $3  }
0x3a: {  	_ = 	snop  }
0x3b: {  	_ = 	snop  }
0x3c: {  	p2 =	seq.s32 s10, $0x1;
	s10 =	sld [smem:$0x3FB8]  }
0x3d: {  	_ =	shalt  }
0x3e: {  	_ =	shalt  }
0x3f: {  	_ =	shalt  }
0x40: {  	_ =	shalt  }
0x41: {  	_ =	shalt  }
0x42: {  	_ =	shalt  }
0x43: {  	_ =	shalt  }
0x44: {  	_ =	shalt  }
0x45: {  	_ =	shalt  }
0x46: {  	_ =	shalt  }
0x47: {  	_ =	shalt  }
0x48: {  	_ =	shalt  }
0x49: {  	_ =	shalt  }
0x4a: {  	_ =	shalt  }
0x4b: {  	_ =	shalt  }
0x4c: {  	_ =	shalt  }
0x4d: {  	_ =	shalt  }
0x4e: {  	_ =	shalt  }
0x4f: {  	_ =	shalt  }
0x50: {  	_ =	shalt  }
0x51: {  	_ =	shalt  }
0x52: {  	_ =	shalt  }
0x53: {  	_ =	shalt  }
0x54: {  	_ =	shalt  }
0x55: {  	_ =	shalt  }
0x56: {  	_ =	shalt  }
0x57: {  	_ =	shalt  }
0x58: {  	_ =	shalt  }
0x59: {  	_ =	shalt  }
0x5a: {  	_ =	shalt  }
0x5b: {  	_ =	shalt  }
0x5c: {  	_ =	shalt  }
0x5d: {  	_ =	shalt  }
0x5e: {  	_ =	shalt  }
0x5f: {  	_ =	shalt  }
0x60: {  	_ =	shalt  }
0x61: {  	_ =	shalt  }
0x62: {  	_ =	shalt  }
0x63: {  	_ =	shalt  }
0x64: {  	_ =	shalt  }
0x65: {  	_ =	shalt  }
0x66: {  	_ =	shalt  }
0x67: {  	_ =	shalt  }
0x68: {  	_ =	shalt  }
0x69: {  	_ =	shalt  }
0x6a: {  	_ =	shalt  }
0x6b: {  	_ =	shalt  }
0x6c: {  	_ =	shalt  }
0x6d: {  	_ =	shalt  }
0x6e: {  	_ =	shalt  }
0x6f: {  	_ =	shalt  }
0x70: {  	_ =	shalt  }
0x71: {  	_ =	shalt  }
0x72: {  	_ =	shalt  }
0x73: {  	_ =	shalt  }
0x74: {  	_ =	shalt  }
0x75: {  	_ =	shalt  }
0x76: {  	_ =	shalt  }
0x77: {  	_ =	shalt  }
0x78: {  	_ =	shalt  }
0x79: {  	_ =	shalt  }
0x7a: {  	_ =	shalt  }
0x7b: {  	_ =	shalt  }
0x7c: {  	_ =	shalt  }
0x7d: {  	_ =	shalt  }
0x7e: {  	_ =	shalt  }
0x7f: {  	_ =	shalt  }
0x80: {  	_ =	shalt  }
0x81: {  	_ =	shalt  }
0x82: {  	_ =	shalt  }
0x83: {  	_ =	shalt  }
0x84: {  	_ =	shalt  }
0x85: {  	_ =	shalt  }
0x86: {  	_ =	shalt  }
0x87: {  	_ =	shalt  }
.Lfunc_end0:
.L_simem_size_0:
called_computation_lowered:
.L_overlay_start_0:
0x88: {  	s2 =	sld [smem:$0x3FD9]  }
0x89: {  	s3 =	sld [smem:$0x3FFE];
	_ =	sdelay $0x1  }
0x8a: {  	s1 =	srdreg.scid  }
0x8b: {  	s0 =	sand.u32 $0x1, s1  }
0x8c: {  	s14 =	sshll.u32 s0, $0xA;
	s2 =	sadd.s32 s3, s2  }
0x8d: {  	s2 =	sadd.s32 s2, s14  }
0x8e: {  	[smem:$0x3FC4] =	sst s2  }
0x8f: {  	_ = 	snop  }
0x90: {  	s2 =	sld [smem:$0x3FD0];
	_ =	sdelay $0x1  }
0x91: {  	s15 =	sld [smem:$0x3FC7]  }
0x92: {  	s5 =	simm.s32 $0xA;
	s6 =	simm.s32 $0x10;
	s4 =	sld [smem:$0x3FC6]  }
0x93: {  	[smem:s6], [sflag:s5] =	dma.local [hbm:s2], $0x1  }
0x94: {  	_ =	swait.eq [sflag:s5], $0x1  }
0x95: {  	[sflag:s5] =	ssyncset.done $0x0  }
0x96: {  	s16 =	sld [smem:$0x10];
	[sflag:s5] =	ssyncadd.s32 $0xFFFFFFFF  }
0x97: {  	s17 =	sld [smem:$0x11];
	(tm) =	ssettm $0x1  }
0x98: {  	s18 =	sld [smem:$0x3FFB];
	_ =	sdelay $0x3  }
0x99: {  	_ =	strace s18  }
0x9a: {  	s6 =	sld [smem:$0x3FFC];
	_ =	sdelay $0x3  }
0x9b: {  	_ =	strace s6  }
0x9c: {  	s6 =	sld [smem:$0x3FFD];
	_ =	sdelay $0x3  }
0x9d: {  	_ =	strace s6  }
0x9e: {  	_ =	strace $0x8FFFFFFF  }
0x9f: {  	s19 =	sld [smem:$0x3FDB];
	_ =	sdelay $0x1  }
0xa0: {  	s7 =	simm.s32 $_scs_section_size  }
0xa1: {  	s8 =	simm.s32 $_size__tile_overlayer_lowered;
	s9 =	simm.s32 $_tile_overlayer_lowered  }
0xa2: {  	s22 =	simm.s32 $0x1BFF;
	s21 =	sshll.u32 s9, $0x1;
	s6 =	sadd.s32 s7, s19  }
0xa3: {  	s10 =	simm.s32 $0x0;
	s20 =	sshll.u32 s8, $0x1;
	s8 =	sadd.s32 s21, s6  }
0xa4: {  	[timem:s10], [sflag:s22] =	dma.local [hbm:s8], s20  }
0xa5: {  	_ =	swait.ge [sflag:s22], s20  }
0xa6: {  	s7 =	ssub.s32 $0x0, s20;
	[sflag:s22] =	ssyncset.done $0x0  }
0xa7: {  	[sflag:s22] =	ssyncadd.s32 s7;
	_ =	sdelay $0x1  }
0xa8: {  	s23 =	simm.s32 $0x1B8B  }
0xa9: {  	_ =	swait.ge [sflag:s23], $0x1  }
0xaa: {  	[sflag:s23] =	ssyncset.done $0x0  }
0xab: {  	s25 =	simm.s32 $0x1B8E;
	s24 =	sld [smem:$0x3FFE];
	[sflag:s23] =	ssyncadd.s32 $0xFFFFFFFF  }
0xac: {  	s26 =	simm.s32 $execute0_lowered;
	[smem:$0x3FD2] =	sst s25  }
0xad: {  	s8 =	sshll.u32 s26, $0x1;
	_ =	strace $0x80000046;
	[dreg:$0x1] =	wrdreg $0xFFFFFFFF  }
0xae: {  	s28 =	simm.s32 $_size_execute0_lowered;
	s6 =	sadd.s32 s6, s8;
	[dreg:$0x0] =	wrdreg $0x0  }
0xaf: {  	s8 =	sshll.u32 s28, $0x1;
	[dreg:$0x2] =	wrdreg s6  }
0xb0: {  	[dreg:$0x3] =	wrdreg s8  }
0xb1: {  	[dreg:$0x4] =	wrdreg $0xC0  }
0xb2: {  	_ =	task [dreg:s10], $0x5FFFF  }
0xb3: {  	[dreg:$0x1] =	wrdreg $0xFFFFFFFF  }
0xb4: {  	[dreg:$0x0] =	wrdreg $0x60  }
0xb5: {  	[dreg:$0x2] =	wrdreg s24  }
0xb6: {  	[dreg:$0x3] =	wrdreg s15  }
0xb7: {  	[dreg:$0x4] =	wrdreg s4  }
0xb8: {  	[dreg:$0x5] =	wrdreg s16  }
0xb9: {  	[dreg:$0x6] =	wrdreg s17  }
0xba: {  	[dreg:$0x7] =	wrdreg $0x9  }
0xbb: {  	_ =	task.clear_ibuf [dreg:s10], $0x8FFFF;
	_ =	strace $0x90000046  }
0xbc: {  	s29 =	simm.s32 $0x9;
	_ =	strace $0x80000048  }
0xbd: {  	_ =	swait.ge [sflag:s29], $0x1  }
0xbe: {  	[sflag:s29] =	ssyncadd.s32 $0xFFFFFFFF  }
0xbf: {  	_ =	strace $0x90000048  }
0xc0: {  	_ =	sfence  }
0xc1: {  	s30 =	sld [smem:$0x0];
	_ =	sdelay $0x2  }
0xc2: {  	s31 =	sshll.u32 s1, $0xD;
	s1 =	sshrl.u32 s1, $0x2  }
0xc3: {  	s3 =	sand.u32 $0x4000, s31;
	s1 =	sadd.s32 s1, s30  }
0xc4: {  	s0 =	sor.u32 s3, s0;
	s1 =	sshll.u32 s1, $0x11  }
0xc5: {  	s0 =	sor.u32 s1, s0  }
0xc6: {  	s0 =	sadd.s32 $0x8F2B, s0  }
0xc7: {  	[sflag:s0] =	ssyncadd.remote.s32 $0x1  }
0xc8: {  	_ =	sfence.sel $0xFFFF  }
0xc9: {  	[dreg:$0x0] =	wrdreg $0xFFFFFFFF;
	(pc) =	sbr.abs _section_cstart, $3  }
0xca: {  	[dreg:$0x1] =	wrdreg $0xFFFFFFFF  }
0xcb: {  	_ =	task.clear_ibuf [dreg:s10], $0x2FFFF;
	_ =	strace $0x9FFFFFFF  }
0xcc: {  	(tm) =	ssettm $0x7FFFFFFF  }
0xcd: {  	_ =	shalt  }
tec
execute0_lowered:
.L_overlay_start_1:
0x0: {  	(tag) =	ssettag $0x1  }
0x1: {  	s0 =	rddreg [dreg:$0x0]  }
0x2: {  	s1 =	rddreg [dreg:$0x1]  }
0x3: {  	s2 =	rddreg [dreg:$0x2]  }
0x4: {  	s21 =	rddreg [dreg:$0x3]  }
0x5: {  	s22 =	rddreg [dreg:$0x4]  }
0x6: {  	s25 =	simm.s32 $0x0;
	s3 =	srdreg.scid;
	s5 =	stileid.u32  }
0x7: {  	[smem:$0x7FF] =	sst s25;
	s7 =	sadd.s32 $0x600, s0;
	s3 =	sand.u32 $0x1, s3  }
0x8: {  	s5 =	sshll.u32 s5, $0x6;
	s4 =	ssub.s32 $0x2, s3;
	s3 =	sshll.u32 s3, $0x5  }
0x9: {  	s8 =	sadd.s32 $0x8600, s0;
	s0 =	sadd.s32 $0x10600, s0;
	s10 =	sor.u32 s3, s5  }
0xa: {  	_ =	strace $0x80000047;
	s24 =	sshrl.u32 s4, $0x1;
	s3 =	sshll.u32 s10, $0x5  }
0xb: {  	[dreg:$0x6] =	wrdreg s0;
	s0 =	ssub.s32 s4, s24;
	s28 =	sadd.s32 s7, s3  }
0xc: {  	s29 =	sor.u32 $0x10, s3;
	s12 =	sor.u32 $0x20, s3;
	s19 =	sor.u32 $0x30, s3  }
0xd: {  	s20 =	sor.u32 $0x40, s3;
	s3 =	sadd.s32 s8, s3;
	[dreg:$0x7] =	wrdreg s28  }
0xe: {  	s30 =	simm.s32 $0x2;
	s0 =	smax.u32 s0, $0x1;
	[dreg:$0x8] =	wrdreg s3  }
0xf: {  	s26 =	sor.u32 $0x1D, s10;
	s31 =	sadd.s32 s7, s29;
	[smem:$0x7FB] =	sst s0  }
0x10: {  	s9 =	smul.u32 $0x6400, s10;
	s23 =	sadd.s32 s8, s29;
	[dreg:$0x9] =	wrdreg s31  }
0x11: {  	s11 =	sor.u32 $0x1E, s10;
	s24 =	sadd.s32 s7, s12;
	[dreg:$0xa] =	wrdreg s23  }
0x12: {  	s14 =	sor.u32 $0x1F, s10;
	s28 =	sadd.s32 s8, s12;
	[dreg:$0xb] =	wrdreg s24  }
0x13: {  	s6 =	sshll.u32 s26, $0x5;
	s29 =	sadd.s32 s7, s19;
	[dreg:$0xc] =	wrdreg s28  }
0x14: {  	s4 =	smul.u32 $0xC80, s26;
	s12 =	sadd.s32 s7, s20;
	[dreg:$0xd] =	wrdreg s29  }
0x15: {  	s26 =	smul.u32 $0xC80, s10;
	s31 =	sadd.s32 s8, s19;
	[dreg:$0xf] =	wrdreg s12  }
0x16: {  	s13 =	sshll.u32 s11, $0x5;
	s19 =	sadd.s32 s8, s20;
	[dreg:$0xe] =	wrdreg s31  }
0x17: {  	s6 =	sand.u32 $0x7F00, s6;
	s20 =	sadd.s32 s21, s26;
	[dreg:$0x10] =	wrdreg s19  }
0x18: {  	s6 =	sor.u32 $0x50, s6;
	s3 =	sadd.s32 s22, s26;
	[dreg:$0x11] =	wrdreg s20  }
0x19: {  	s9 =	sshrl.u32 s9, $0x3;
	[dreg:$0x12] =	wrdreg s3;
	s23 =	sadd.s32 s7, s6  }
0x1a: {  	s15 =	sadd.s32 $0x13880, s9;
	s24 =	sadd.s32 s8, s6;
	[dreg:$0x13] =	wrdreg s23  }
0x1b: {  	s13 =	sand.u32 $0x7F00, s13;
	s26 =	sadd.s32 s21, s15;
	[dreg:$0x14] =	wrdreg s24  }
0x1c: {  	s13 =	sor.u32 $0x60, s13;
	s28 =	sadd.s32 s22, s15;
	[dreg:$0x15] =	wrdreg s26  }
0x1d: {  	s16 =	sshll.u32 s14, $0x5;
	s29 =	sadd.s32 s7, s13;
	[dreg:$0x16] =	wrdreg s28  }
0x1e: {  	s17 =	sadd.s32 $0x14500, s9;
	s31 =	sadd.s32 s8, s13;
	[dreg:$0x17] =	wrdreg s29  }
0x1f: {  	s16 =	sand.u32 $0x7F00, s16;
	s5 =	sadd.s32 s21, s17;
	[dreg:$0x18] =	wrdreg s31  }
0x20: {  	s16 =	sor.u32 $0x70, s16;
	s6 =	sadd.s32 s22, s17;
	[dreg:$0x19] =	wrdreg s5  }
0x21: {  	s11 =	smul.u32 $0xC80, s11;
	s12 =	sadd.s32 s7, s16;
	[dreg:$0x1a] =	wrdreg s6  }
0x22: {  	s18 =	sadd.s32 $0x15180, s9;
	s13 =	sadd.s32 s8, s16;
	[dreg:$0x1b] =	wrdreg s12  }
0x23: {  	s14 =	smul.u32 $0xC80, s14;
	s15 =	sadd.s32 s21, s18;
	[dreg:$0x1c] =	wrdreg s13  }
0x24: {  	s9 =	sadd.s32 $0x15E00, s9;
	s16 =	sadd.s32 s22, s18;
	[dreg:$0x1d] =	wrdreg s15  }
0x25: {  	s0 =	simm.s32 $0x48;
	s17 =	sadd.s32 s21, s9;
	[dreg:$0x1e] =	wrdreg s16  }
0x26: {  	s18 =	sadd.s32 s22, s9;
	s19 =	sadd.s32 s21, s4;
	[dreg:$0x1f] =	wrdreg s17  }
0x27: {  	s20 =	sadd.s32 s22, s4;
	s3 =	simm.s32 $0x19400;
	[smem:$0x7F4] =	sst s18  }
0x28: {  	s9 =	simm.s32 $0xA;
	s4 =	simm.s32 $0xD;
	[smem:$0x7F5] =	sst s19  }
0x29: {  	[smem:$0x7F6] =	sst s20;
	s23 =	sadd.s32 s21, s11;
	s24 =	sadd.s32 s22, s11  }
0x2a: {  	s26 =	sadd.s32 s21, s14;
	s28 =	sadd.s32 s22, s14;
	s29 =	sor.u32 $0x8, s10  }
0x2b: {  	s31 =	sor.u32 $0x4, s10;
	s11 =	simm.s32 $0x3;
	s12 =	simm.s32 $0xCC00  }
0x2c: {  	s15 =	simm.s32 $0x4;
	s16 =	simm.s32 $0x13000;
	[smem:$0x7F7] =	sst s23  }
0x2d: {  	s19 =	simm.s32 $0x6;
	s20 =	simm.s32 $0x5;
	[smem:$0x7F8] =	sst s24  }
0x2e: {  	s6 =	simm.s32 $0x7;
	s13 =	simm.s32 $0x8;
	[smem:$0x7F9] =	sst s26  }
0x2f: {  	s14 =	simm.s32 $0xB;
	s17 =	simm.s32 $0x9;
	[smem:$0x7FA] =	sst s28  }
0x30: {  	s18 =	simm.s32 $0xC;
	s21 =	simm.s32 $0x0;
	[smem:$0x7FC] =	sst s29  }
0x31: {  	[smem:$0x7FD] =	sst s31;
	s23 =	simm.s32 $0x80;
	s24 =	simm.s32 $0x400  }
.LBB2_1:
0x32: {  	[smem:$0x7F3] =	sst s21  }
0x33: {  	s5 =	rddreg [dreg:$0x6]  }
0x34: {  	[tilespmem:s25], [sflag:$0x1] =	stream.linear.gather [hbm4b:s5+s25], $0x6400, $0x38;
	[tilespmem:$0x1F800] =	vst v63  }
0x35: {  	s22 =	rddreg [dreg:$0x7];
	s21 =	simm.s32 $0x6400  }
0x36: {  	[tilespmem:s21], [sflag:$0x2] =	stream.strided.gather [hbm4b:s22+s23], $0x100, s24, s23, $0x38;
	[tilespmem:$0x1F800] =	vst v63  }
0x37: {  	s25 =	rddreg [dreg:$0x9];
	s22 =	simm.s32 $0x6500  }
0x38: {  	[tilespmem:s22], [sflag:$0x3] =	stream.strided.gather [hbm4b:s25+s23], $0x100, s24, s23, $0x38;
	[tilespmem:$0x1F800] =	vst v63  }
0x39: {  	s26 =	rddreg [dreg:$0xb];
	s25 =	simm.s32 $0x6600  }
0x3a: {  	[tilespmem:s25], [sflag:$0x4] =	stream.strided.gather [hbm4b:s26+s23], $0x100, s24, s23, $0x38;
	[tilespmem:$0x1F800] =	vst v63  }
0x3b: {  	s5 =	rddreg [dreg:$0xd];
	s26 =	simm.s32 $0x6700  }
0x3c: {  	[tilespmem:s26], [sflag:$0x5] =	stream.strided.gather [hbm4b:s5+s23], $0x100, s24, s23, $0x38;
	[tilespmem:$0x1F800] =	vst v63  }
0x3d: {  	_ =	swait.ge [sflag:s30], $0x100  }
0x3e: {  	[sflag:s30] =	ssyncset.done $0x0  }
0x3f: {  	s26 =	simm.s32 $0x6800;
	[sflag:s30] =	ssyncadd.s32 $0xFFFFFF00  }
0x40: {  	[tilespmem:s26], [sflag:$0x6] =	stream.indirect.gather [hbm4b:s1+s23], $0x80, s21, s23, $0xb8;
	[tilespmem:$0x1F800] =	vst v63  }
0x41: {  	s5 =	simm.s32 $0x6480;
	s26 =	simm.s32 $0xA800  }
0x42: {  	[tilespmem:s26], [sflag:$0x6] =	stream.indirect.gather [hbm4b:s1+s0], $0x80, s5, s0, $0xb8;
	[tilespmem:$0x1F800] =	vst v63  }
0x43: {  	_ =	swait.ge [sflag:s11], $0x100  }
0x44: {  	[sflag:s11] =	ssyncset.done $0x0  }
0x45: {  	[sflag:s11] =	ssyncadd.s32 $0xFFFFFF00  }
0x46: {  	[tilespmem:s12], [sflag:$0x7] =	stream.indirect.gather [hbm4b:s1+s23], $0x80, s22, s23, $0xb8;
	[tilespmem:$0x1F800] =	vst v63  }
0x47: {  	s26 =	simm.s32 $0x10C00;
	s22 =	simm.s32 $0x6580  }
0x48: {  	[tilespmem:s26], [sflag:$0x7] =	stream.indirect.gather [hbm4b:s1+s0], $0x80, s22, s0, $0xb8;
	[tilespmem:$0x1F800] =	vst v63  }
0x49: {  	_ =	swait.ge [sflag:s15], $0x100  }
0x4a: {  	[sflag:s15] =	ssyncset.done $0x0  }
0x4b: {  	[sflag:s15] =	ssyncadd.s32 $0xFFFFFF00  }
0x4c: {  	[tilespmem:s16], [sflag:$0x8] =	stream.indirect.gather [hbm4b:s1+s23], $0x80, s25, s23, $0xb8;
	[tilespmem:$0x1F800] =	vst v63  }
0x4d: {  	s26 =	simm.s32 $0x17000;
	s25 =	simm.s32 $0x6680  }
0x4e: {  	[tilespmem:s26], [sflag:$0x8] =	stream.indirect.gather [hbm4b:s1+s0], $0x80, s25, s0, $0xb8;
	[tilespmem:$0x1F800] =	vst v63  }
0x4f: {  	_ =	swait.ge [sflag:s19], $0x6400  }
0x50: {  	[sflag:s19] =	ssyncset.done $0x0  }
0x51: {  	s26 =	simm.s32 $0x1;
	s25 =	rddreg [dreg:$0xf];
	[sflag:s19] =	ssyncadd.s32 $0xFFFF9C00  }
0x52: {  	[tilespmem:s21], [sflag:$0x2] =	stream.strided.gather [hbm4b:s25+s23], $0x100, s24, s23, $0x38;
	[tilespmem:$0x1F800] =	vst v63  }
0x53: {  	s29 =	simm.s32 $0x6500;
	_ =	swait.ge [sflag:s26], $0x6400  }
0x54: {  	s31 =	simm.s32 $0x6600;
	s28 =	simm.s32 $0x6400;
	[sflag:s26] =	ssyncset.done $0x0  }
0x55: {  	s5 =	simm.s32 $0x0;
	s21 =	simm.s32 $0x200;
	[sflag:s26] =	ssyncadd.s32 $0xFFFF9C00  }
.LBB2_2:
0x56: {  	p0 =	sne.s32 s21, $0x18E00;
	v0 =	vld [tilespmem:s5+$0x70]  }
0x57: {  	v1 =	vld [tilespmem:s5+$0x0]  }
0x58: {  	v2 =	vld [tilespmem:s5+$0x10]  }
0x59: {  	v3 =	vld [tilespmem:s5+$0x20]  }
0x5a: {  	v4 =	vld [tilespmem:s5+$0x30]  }
0x5b: {  	[tilespmem:s5+$0x6870] =	vst.add.f32.msk $0xffff, v0  }
0x5c: {  	v0 =	vld [tilespmem:s5+$0x40]  }
0x5d: {  	v5 =	vld [tilespmem:s5+$0x50]  }
0x5e: {  	v6 =	vld [tilespmem:s5+$0x60]  }
0x5f: {  	[tilespmem:s5+$0x6800] =	vst.add.f32.msk $0xffff, v1  }
0x60: {  	[tilespmem:s5+$0x6810] =	vst.add.f32.msk $0xffff, v2  }
.Ltmp0:
0x61: {  	[tilespmem:s5+$0x6820] =	vst.add.f32.msk $0xffff, v3;
	(pc) =	sbr.rel @p0 .LBB2_2-.Ltmp0, $4  }
0x62: {  	[tilespmem:s5+$0x6830] =	vst.add.f32.msk $0xffff, v4  }
0x63: {  	[tilespmem:s5+$0x6840] =	vst.add.f32.msk $0xffff, v0  }
0x64: {  	[tilespmem:s5+$0x6850] =	vst.add.f32.msk $0xffff, v5  }
0x65: {  	[tilespmem:s5+$0x6860] =	vst.add.f32.msk $0xffff, v6;
	s5 =	sshra.s32 s21, $0x2;
	s21 =	sadd.s32 $0x200, s21  }
0x66: {  	v0 =	vld [tilespmem:s5+$0x70]  }
0x67: {  	v1 =	vld [tilespmem:s5+$0x0]  }
0x68: {  	v2 =	vld [tilespmem:s5+$0x10]  }
0x69: {  	v3 =	vld [tilespmem:s5+$0x20]  }
0x6a: {  	v4 =	vld [tilespmem:s5+$0x30]  }
0x6b: {  	v63 =	vld [tilespmem:s5+$0x40]  }
0x6c: {  	v5 =	vld [tilespmem:s5+$0x50]  }
0x6d: {  	v6 =	vld [tilespmem:s5+$0x60]  }
0x6e: {  	[tilespmem:s5+$0x6870] =	vst.add.f32.msk $0xffff, v0  }
0x6f: {  	[tilespmem:s5+$0x6800] =	vst.add.f32.msk $0xffff, v1  }
0x70: {  	[tilespmem:s5+$0x6810] =	vst.add.f32.msk $0xffff, v2  }
0x71: {  	[tilespmem:s5+$0x6820] =	vst.add.f32.msk $0xffff, v3  }
0x72: {  	[tilespmem:s5+$0x6830] =	vst.add.f32.msk $0xffff, v4  }
0x73: {  	[tilespmem:s5+$0x6840] =	vst.add.f32.msk $0xffff, v63  }
0x74: {  	[tilespmem:s5+$0x6850] =	vst.add.f32.msk $0xffff, v5  }
0x75: {  	s21 =	rddreg [dreg:$0x11];
	s22 =	simm.s32 $0x6800;
	[tilespmem:s5+$0x6860] =	vst.add.f32.msk $0xffff, v6;
	s5 =	simm.s32 $0x0  }
0x76: {  	[hbm4b:s21+s5] =	stream.linear.scatter [tilespmem:s22], [sflag:$0xA], $0x6400, $0x38;
	[tilespmem:$0x1F800] =	vst v63  }
0x77: {  	_ =	swait.ge [sflag:s20], $0x100  }
0x78: {  	[sflag:s20] =	ssyncset.done $0x0  }
0x79: {  	s22 =	simm.s32 $0x6700;
	[sflag:s20] =	ssyncadd.s32 $0xFFFFFF00  }
0x7a: {  	[tilespmem:s3], [sflag:$0x9] =	stream.indirect.gather [hbm4b:s1+s23], $0x80, s22, s23, $0xb8;
	[tilespmem:$0x1F800] =	vst v63  }
0x7b: {  	s25 =	simm.s32 $0x6780;
	s26 =	simm.s32 $0x1D400  }
0x7c: {  	[tilespmem:s26], [sflag:$0x9] =	stream.indirect.gather [hbm4b:s1+s0], $0x80, s25, s0, $0xb8;
	[tilespmem:$0x1F800] =	vst v63  }
.LBB2_4:
0x7d: {  	s21 =	sshll.u32 s5, $0x2  }
0x7e: {  	s22 =	sadd.s32 $0x5, s21  }
0x7f: {  	s25 =	sadd.s32 s10, s22;
	s22 =	sshll.u32 s22, $0x4  }
0x80: {  	_ =	swait.ge [sflag:s6], $0x6400;
	s25 =	sshll.u32 s25, $0x5;
	s22 =	sand.u32 $0x50, s22  }
0x81: {  	[sflag:s6] =	ssyncset.done $0x0;
	s25 =	sand.u32 $0xFF00, s25;
	s22 =	sadd.s32 s7, s22  }
0x82: {  	[sflag:s6] =	ssyncadd.s32 $0xFFFF9C00;
	s22 =	sadd.s32 s25, s22  }
0x83: {  	[tilespmem:s29], [sflag:$0x3] =	stream.strided.gather [hbm4b:s22+s23], $0x100, s24, s23, $0x38;
	[tilespmem:$0x1F800] =	vst v63  }
0x84: {  	s25 =	simm.s32 $0x0;
	s22 =	simm.s32 $0x200  }
.LBB2_5:
0x85: {  	p0 =	sne.s32 s22, $0x18E00;
	v0 =	vld [tilespmem:s25+$0x70]  }
0x86: {  	v1 =	vld [tilespmem:s25+$0x0]  }
0x87: {  	v2 =	vld [tilespmem:s25+$0x10]  }
0x88: {  	v3 =	vld [tilespmem:s25+$0x20]  }
0x89: {  	v4 =	vld [tilespmem:s25+$0x30]  }
0x8a: {  	[tilespmem:s25+$0xCC70] =	vst.add.f32.msk $0xffff, v0  }
0x8b: {  	v0 =	vld [tilespmem:s25+$0x40]  }
0x8c: {  	v5 =	vld [tilespmem:s25+$0x50]  }
0x8d: {  	v6 =	vld [tilespmem:s25+$0x60]  }
0x8e: {  	[tilespmem:s25+$0xCC00] =	vst.add.f32.msk $0xffff, v1  }
0x8f: {  	[tilespmem:s25+$0xCC10] =	vst.add.f32.msk $0xffff, v2  }
.Ltmp1:
0x90: {  	[tilespmem:s25+$0xCC20] =	vst.add.f32.msk $0xffff, v3;
	(pc) =	sbr.rel @p0 .LBB2_5-.Ltmp1, $4  }
0x91: {  	[tilespmem:s25+$0xCC30] =	vst.add.f32.msk $0xffff, v4  }
0x92: {  	[tilespmem:s25+$0xCC40] =	vst.add.f32.msk $0xffff, v0  }
0x93: {  	[tilespmem:s25+$0xCC50] =	vst.add.f32.msk $0xffff, v5  }
0x94: {  	[tilespmem:s25+$0xCC60] =	vst.add.f32.msk $0xffff, v6;
	s25 =	sshra.s32 s22, $0x2;
	s22 =	sadd.s32 $0x200, s22  }
0x95: {  	v0 =	vld [tilespmem:s25+$0x70]  }
0x96: {  	v1 =	vld [tilespmem:s25+$0x0]  }
0x97: {  	v2 =	vld [tilespmem:s25+$0x10]  }
0x98: {  	v3 =	vld [tilespmem:s25+$0x20]  }
0x99: {  	v4 =	vld [tilespmem:s25+$0x30]  }
0x9a: {  	v63 =	vld [tilespmem:s25+$0x40]  }
0x9b: {  	v5 =	vld [tilespmem:s25+$0x50]  }
0x9c: {  	v6 =	vld [tilespmem:s25+$0x60]  }
0x9d: {  	[tilespmem:s25+$0xCC70] =	vst.add.f32.msk $0xffff, v0  }
0x9e: {  	[tilespmem:s25+$0xCC00] =	vst.add.f32.msk $0xffff, v1  }
0x9f: {  	[tilespmem:s25+$0xCC10] =	vst.add.f32.msk $0xffff, v2  }
0xa0: {  	s22 =	sadd.s32 s21, s10;
	[tilespmem:s25+$0xCC20] =	vst.add.f32.msk $0xffff, v3  }
0xa1: {  	s22 =	smul.u32 $0xC80, s22;
	[tilespmem:s25+$0xCC30] =	vst.add.f32.msk $0xffff, v4  }
0xa2: {  	s26 =	rddreg [dreg:$0x3];
	[tilespmem:s25+$0xCC40] =	vst.add.f32.msk $0xffff, v63  }
0xa3: {  	s22 =	sadd.s32 s26, s22;
	[tilespmem:s25+$0xCC50] =	vst.add.f32.msk $0xffff, v5  }
0xa4: {  	s26 =	simm.s32 $0x0;
	[tilespmem:s25+$0xCC60] =	vst.add.f32.msk $0xffff, v6;
	s25 =	sadd.s32 $0xC80, s22  }
0xa5: {  	[hbm4b:s25+s26] =	stream.linear.scatter [tilespmem:s12], [sflag:$0xB], $0x6400, $0x38;
	[tilespmem:$0x1F800] =	vst v63  }
0xa6: {  	_ =	swait.ge [sflag:s30], $0x100  }
0xa7: {  	[sflag:s30] =	ssyncset.done $0x0  }
0xa8: {  	[sflag:s30] =	ssyncadd.s32 $0xFFFFFF00  }
0xa9: {  	_ =	swait.ge [sflag:s9], $0x6400  }
0xaa: {  	[sflag:s9] =	ssyncset.done $0x0  }
0xab: {  	s26 =	simm.s32 $0x6800;
	[sflag:s9] =	ssyncadd.s32 $0xFFFF9C00  }
0xac: {  	[tilespmem:s26], [sflag:$0x6] =	stream.indirect.gather [hbm4b:s1+s23], $0x80, s28, s23, $0xb8;
	[tilespmem:$0x1F800] =	vst v63  }
0xad: {  	s25 =	simm.s32 $0x6480;
	s26 =	simm.s32 $0xA800  }
0xae: {  	[tilespmem:s26], [sflag:$0x6] =	stream.indirect.gather [hbm4b:s1+s0], $0x80, s25, s0, $0xb8;
	[tilespmem:$0x1F800] =	vst v63  }
0xaf: {  	s25 =	sadd.s32 $0x6, s21  }
0xb0: {  	s26 =	sadd.s32 s10, s25;
	s25 =	sshll.u32 s25, $0x4  }
0xb1: {  	_ =	swait.ge [sflag:s13], $0x6400;
	s26 =	sshll.u32 s26, $0x5;
	s25 =	sand.u32 $0x60, s25  }
0xb2: {  	[sflag:s13] =	ssyncset.done $0x0;
	s26 =	sand.u32 $0xFF00, s26;
	s25 =	sadd.s32 s7, s25  }
0xb3: {  	[sflag:s13] =	ssyncadd.s32 $0xFFFF9C00;
	s25 =	sadd.s32 s26, s25  }
0xb4: {  	[tilespmem:s31], [sflag:$0x4] =	stream.strided.gather [hbm4b:s25+s23], $0x100, s24, s23, $0x38;
	[tilespmem:$0x1F800] =	vst v63  }
0xb5: {  	s26 =	simm.s32 $0x200;
	s25 =	simm.s32 $0x0  }
.LBB2_7:
0xb6: {  	p0 =	sne.s32 s26, $0x18E00;
	v0 =	vld [tilespmem:s25+$0x70]  }
0xb7: {  	v1 =	vld [tilespmem:s25+$0x0]  }
0xb8: {  	v2 =	vld [tilespmem:s25+$0x10]  }
0xb9: {  	v3 =	vld [tilespmem:s25+$0x20]  }
0xba: {  	v4 =	vld [tilespmem:s25+$0x30]  }
0xbb: {  	[tilespmem:s25+$0x13070] =	vst.add.f32.msk $0xffff, v0  }
0xbc: {  	v0 =	vld [tilespmem:s25+$0x40]  }
0xbd: {  	v5 =	vld [tilespmem:s25+$0x50]  }
0xbe: {  	v6 =	vld [tilespmem:s25+$0x60]  }
0xbf: {  	[tilespmem:s25+$0x13000] =	vst.add.f32.msk $0xffff, v1  }
0xc0: {  	[tilespmem:s25+$0x13010] =	vst.add.f32.msk $0xffff, v2  }
.Ltmp2:
0xc1: {  	[tilespmem:s25+$0x13020] =	vst.add.f32.msk $0xffff, v3;
	(pc) =	sbr.rel @p0 .LBB2_7-.Ltmp2, $4  }
0xc2: {  	[tilespmem:s25+$0x13030] =	vst.add.f32.msk $0xffff, v4  }
0xc3: {  	[tilespmem:s25+$0x13040] =	vst.add.f32.msk $0xffff, v0  }
0xc4: {  	[tilespmem:s25+$0x13050] =	vst.add.f32.msk $0xffff, v5  }
0xc5: {  	[tilespmem:s25+$0x13060] =	vst.add.f32.msk $0xffff, v6;
	s25 =	sshra.s32 s26, $0x2;
	s26 =	sadd.s32 $0x200, s26  }
0xc6: {  	v0 =	vld [tilespmem:s25+$0x70]  }
0xc7: {  	v1 =	vld [tilespmem:s25+$0x0]  }
0xc8: {  	v2 =	vld [tilespmem:s25+$0x10]  }
0xc9: {  	v3 =	vld [tilespmem:s25+$0x20]  }
0xca: {  	v4 =	vld [tilespmem:s25+$0x30]  }
0xcb: {  	v63 =	vld [tilespmem:s25+$0x40]  }
0xcc: {  	v5 =	vld [tilespmem:s25+$0x50]  }
0xcd: {  	v6 =	vld [tilespmem:s25+$0x60]  }
0xce: {  	[tilespmem:s25+$0x13070] =	vst.add.f32.msk $0xffff, v0  }
0xcf: {  	[tilespmem:s25+$0x13000] =	vst.add.f32.msk $0xffff, v1  }
0xd0: {  	[tilespmem:s25+$0x13010] =	vst.add.f32.msk $0xffff, v2  }
0xd1: {  	[tilespmem:s25+$0x13020] =	vst.add.f32.msk $0xffff, v3  }
0xd2: {  	[tilespmem:s25+$0x13030] =	vst.add.f32.msk $0xffff, v4  }
0xd3: {  	[tilespmem:s25+$0x13040] =	vst.add.f32.msk $0xffff, v63  }
0xd4: {  	[tilespmem:s25+$0x13050] =	vst.add.f32.msk $0xffff, v5  }
0xd5: {  	s26 =	simm.s32 $0x0;
	[tilespmem:s25+$0x13060] =	vst.add.f32.msk $0xffff, v6;
	s25 =	sadd.s32 $0x1900, s22  }
0xd6: {  	[hbm4b:s25+s26] =	stream.linear.scatter [tilespmem:s16], [sflag:$0xC], $0x6400, $0x38;
	[tilespmem:$0x1F800] =	vst v63  }
0xd7: {  	_ =	swait.ge [sflag:s11], $0x100  }
0xd8: {  	[sflag:s11] =	ssyncset.done $0x0  }
0xd9: {  	[sflag:s11] =	ssyncadd.s32 $0xFFFFFF00  }
0xda: {  	_ =	swait.ge [sflag:s14], $0x6400  }
0xdb: {  	[sflag:s14] =	ssyncset.done $0x0  }
0xdc: {  	[sflag:s14] =	ssyncadd.s32 $0xFFFF9C00  }
0xdd: {  	[tilespmem:s12], [sflag:$0x7] =	stream.indirect.gather [hbm4b:s1+s23], $0x80, s29, s23, $0xb8;
	[tilespmem:$0x1F800] =	vst v63  }
0xde: {  	s25 =	simm.s32 $0x6580;
	s26 =	simm.s32 $0x10C00  }
0xdf: {  	[tilespmem:s26], [sflag:$0x7] =	stream.indirect.gather [hbm4b:s1+s0], $0x80, s25, s0, $0xb8;
	[tilespmem:$0x1F800] =	vst v63  }
0xe0: {  	s25 =	sadd.s32 $0x7, s21  }
0xe1: {  	s26 =	sadd.s32 s10, s25;
	s25 =	sshll.u32 s25, $0x4  }
0xe2: {  	_ =	swait.ge [sflag:s17], $0x6400;
	s26 =	sshll.u32 s26, $0x5;
	s25 =	sand.u32 $0x70, s25  }
0xe3: {  	[sflag:s17] =	ssyncset.done $0x0;
	s26 =	sand.u32 $0xFF00, s26;
	s25 =	sadd.s32 s7, s25  }
0xe4: {  	[sflag:s17] =	ssyncadd.s32 $0xFFFF9C00;
	s25 =	sadd.s32 s26, s25;
	s26 =	simm.s32 $0x6700  }
0xe5: {  	[tilespmem:s26], [sflag:$0x5] =	stream.strided.gather [hbm4b:s25+s23], $0x100, s24, s23, $0x38;
	[tilespmem:$0x1F800] =	vst v63  }
0xe6: {  	s25 =	simm.s32 $0x0;
	s26 =	simm.s32 $0x200  }
.LBB2_9:
0xe7: {  	p0 =	sne.s32 s26, $0x18E00;
	v0 =	vld [tilespmem:s25+$0x70]  }
0xe8: {  	v1 =	vld [tilespmem:s25+$0x0]  }
0xe9: {  	v2 =	vld [tilespmem:s25+$0x10]  }
0xea: {  	v3 =	vld [tilespmem:s25+$0x20]  }
0xeb: {  	v4 =	vld [tilespmem:s25+$0x30]  }
0xec: {  	[tilespmem:s25+$0x19470] =	vst.add.f32.msk $0xffff, v0  }
0xed: {  	v0 =	vld [tilespmem:s25+$0x40]  }
0xee: {  	v5 =	vld [tilespmem:s25+$0x50]  }
0xef: {  	v6 =	vld [tilespmem:s25+$0x60]  }
0xf0: {  	[tilespmem:s25+$0x19400] =	vst.add.f32.msk $0xffff, v1  }
0xf1: {  	[tilespmem:s25+$0x19410] =	vst.add.f32.msk $0xffff, v2  }
.Ltmp3:
0xf2: {  	[tilespmem:s25+$0x19420] =	vst.add.f32.msk $0xffff, v3;
	(pc) =	sbr.rel @p0 .LBB2_9-.Ltmp3, $4  }
0xf3: {  	[tilespmem:s25+$0x19430] =	vst.add.f32.msk $0xffff, v4  }
0xf4: {  	[tilespmem:s25+$0x19440] =	vst.add.f32.msk $0xffff, v0  }
0xf5: {  	[tilespmem:s25+$0x19450] =	vst.add.f32.msk $0xffff, v5  }
0xf6: {  	[tilespmem:s25+$0x19460] =	vst.add.f32.msk $0xffff, v6;
	s25 =	sshra.s32 s26, $0x2;
	s26 =	sadd.s32 $0x200, s26  }
0xf7: {  	v0 =	vld [tilespmem:s25+$0x70]  }
0xf8: {  	v1 =	vld [tilespmem:s25+$0x0]  }
0xf9: {  	v2 =	vld [tilespmem:s25+$0x10]  }
0xfa: {  	v3 =	vld [tilespmem:s25+$0x20]  }
0xfb: {  	v4 =	vld [tilespmem:s25+$0x30]  }
0xfc: {  	v63 =	vld [tilespmem:s25+$0x40]  }
0xfd: {  	v5 =	vld [tilespmem:s25+$0x50]  }
0xfe: {  	v6 =	vld [tilespmem:s25+$0x60]  }
0xff: {  	[tilespmem:s25+$0x19470] =	vst.add.f32.msk $0xffff, v0  }
0x100: {  	[tilespmem:s25+$0x19400] =	vst.add.f32.msk $0xffff, v1  }
0x101: {  	[tilespmem:s25+$0x19410] =	vst.add.f32.msk $0xffff, v2  }
0x102: {  	[tilespmem:s25+$0x19420] =	vst.add.f32.msk $0xffff, v3  }
0x103: {  	[tilespmem:s25+$0x19430] =	vst.add.f32.msk $0xffff, v4  }
0x104: {  	[tilespmem:s25+$0x19440] =	vst.add.f32.msk $0xffff, v63  }
0x105: {  	[tilespmem:s25+$0x19450] =	vst.add.f32.msk $0xffff, v5  }
0x106: {  	s22 =	sadd.s32 $0x2580, s22;
	s26 =	simm.s32 $0x0;
	[tilespmem:s25+$0x19460] =	vst.add.f32.msk $0xffff, v6  }
0x107: {  	[hbm4b:s22+s26] =	stream.linear.scatter [tilespmem:s3], [sflag:$0xD], $0x6400, $0x38;
	[tilespmem:$0x1F800] =	vst v63  }
0x108: {  	_ =	swait.ge [sflag:s15], $0x100  }
0x109: {  	[sflag:s15] =	ssyncset.done $0x0  }
0x10a: {  	[sflag:s15] =	ssyncadd.s32 $0xFFFFFF00  }
0x10b: {  	_ =	swait.ge [sflag:s18], $0x6400  }
0x10c: {  	[sflag:s18] =	ssyncset.done $0x0  }
0x10d: {  	[sflag:s18] =	ssyncadd.s32 $0xFFFF9C00  }
0x10e: {  	[tilespmem:s16], [sflag:$0x8] =	stream.indirect.gather [hbm4b:s1+s23], $0x80, s31, s23, $0xb8;
	[tilespmem:$0x1F800] =	vst v63  }
0x10f: {  	s25 =	simm.s32 $0x6680;
	s26 =	simm.s32 $0x17000  }
0x110: {  	[tilespmem:s26], [sflag:$0x8] =	stream.indirect.gather [hbm4b:s1+s0], $0x80, s25, s0, $0xb8;
	[tilespmem:$0x1F800] =	vst v63  }
0x111: {  	s25 =	sld [smem:$0x7FC];
	_ =	sdelay $0x2  }
0x112: {  	s26 =	sshll.u32 s5, $0x6;
	s22 =	sadd.s32 s21, s25  }
0x113: {  	_ =	swait.ge [sflag:s19], $0x6400;
	s25 =	sand.u32 $0x40, s26;
	s22 =	sshll.u32 s22, $0x5  }
0x114: {  	[sflag:s19] =	ssyncset.done $0x0;
	s25 =	sadd.s32 s7, s25;
	s22 =	sand.u32 $0xFF00, s22  }
0x115: {  	[sflag:s19] =	ssyncadd.s32 $0xFFFF9C00;
	s22 =	sadd.s32 s22, s25  }
0x116: {  	[tilespmem:s28], [sflag:$0x2] =	stream.strided.gather [hbm4b:s22+s23], $0x100, s24, s23, $0x38;
	[tilespmem:$0x1F800] =	vst v63  }
0x117: {  	s25 =	simm.s32 $0x200;
	s22 =	simm.s32 $0x0  }
.LBB2_11:
0x118: {  	p0 =	sne.s32 s25, $0x18E00;
	v0 =	vld [tilespmem:s22+$0x70]  }
0x119: {  	v1 =	vld [tilespmem:s22+$0x0]  }
0x11a: {  	v2 =	vld [tilespmem:s22+$0x10]  }
0x11b: {  	v3 =	vld [tilespmem:s22+$0x20]  }
0x11c: {  	v4 =	vld [tilespmem:s22+$0x30]  }
0x11d: {  	[tilespmem:s22+$0x6870] =	vst.add.f32.msk $0xffff, v0  }
0x11e: {  	v0 =	vld [tilespmem:s22+$0x40]  }
0x11f: {  	v5 =	vld [tilespmem:s22+$0x50]  }
0x120: {  	v6 =	vld [tilespmem:s22+$0x60]  }
0x121: {  	[tilespmem:s22+$0x6800] =	vst.add.f32.msk $0xffff, v1  }
0x122: {  	[tilespmem:s22+$0x6810] =	vst.add.f32.msk $0xffff, v2  }
.Ltmp4:
0x123: {  	[tilespmem:s22+$0x6820] =	vst.add.f32.msk $0xffff, v3;
	(pc) =	sbr.rel @p0 .LBB2_11-.Ltmp4, $4  }
0x124: {  	[tilespmem:s22+$0x6830] =	vst.add.f32.msk $0xffff, v4  }
0x125: {  	[tilespmem:s22+$0x6840] =	vst.add.f32.msk $0xffff, v0  }
0x126: {  	[tilespmem:s22+$0x6850] =	vst.add.f32.msk $0xffff, v5  }
0x127: {  	[tilespmem:s22+$0x6860] =	vst.add.f32.msk $0xffff, v6;
	s22 =	sshra.s32 s25, $0x2;
	s25 =	sadd.s32 $0x200, s25  }
0x128: {  	v0 =	vld [tilespmem:s22+$0x70]  }
0x129: {  	v1 =	vld [tilespmem:s22+$0x0]  }
0x12a: {  	v2 =	vld [tilespmem:s22+$0x10]  }
0x12b: {  	v3 =	vld [tilespmem:s22+$0x20]  }
0x12c: {  	v4 =	vld [tilespmem:s22+$0x30]  }
0x12d: {  	v63 =	vld [tilespmem:s22+$0x40]  }
0x12e: {  	v5 =	vld [tilespmem:s22+$0x50]  }
0x12f: {  	v6 =	vld [tilespmem:s22+$0x60]  }
0x130: {  	[tilespmem:s22+$0x6870] =	vst.add.f32.msk $0xffff, v0  }
0x131: {  	s25 =	sld [smem:$0x7FD];
	[tilespmem:s22+$0x6800] =	vst.add.f32.msk $0xffff, v1  }
0x132: {  	[tilespmem:s22+$0x6810] =	vst.add.f32.msk $0xffff, v2  }
0x133: {  	[tilespmem:s22+$0x6820] =	vst.add.f32.msk $0xffff, v3  }
0x134: {  	s21 =	sadd.s32 s21, s25;
	[tilespmem:s22+$0x6830] =	vst.add.f32.msk $0xffff, v4  }
0x135: {  	s21 =	smul.u32 $0xC80, s21;
	[tilespmem:s22+$0x6840] =	vst.add.f32.msk $0xffff, v63  }
0x136: {  	s26 =	rddreg [dreg:$0x3];
	[tilespmem:s22+$0x6850] =	vst.add.f32.msk $0xffff, v5  }
0x137: {  	s25 =	simm.s32 $0x0;
	[tilespmem:s22+$0x6860] =	vst.add.f32.msk $0xffff, v6;
	s21 =	sadd.s32 s26, s21;
	s26 =	simm.s32 $0x6800  }
0x138: {  	[hbm4b:s21+s25] =	stream.linear.scatter [tilespmem:s26], [sflag:$0xA], $0x6400, $0x38;
	[tilespmem:$0x1F800] =	vst v63  }
0x139: {  	_ =	swait.ge [sflag:s20], $0x100  }
0x13a: {  	[sflag:s20] =	ssyncset.done $0x0  }
0x13b: {  	s5 =	sadd.s32 $0x1, s5;
	[sflag:s20] =	ssyncadd.s32 $0xFFFFFF00  }
0x13c: {  	p0 =	sne.s32 s5, $0x6;
	_ =	swait.ge [sflag:s4], $0x6400  }
.Ltmp5:
0x13d: {  	[sflag:s4] =	ssyncset.done $0x0;
	(pc) =	sbr.rel @p0 .LBB2_4-.Ltmp5, $4  }
0x13e: {  	s22 =	simm.s32 $0x6700;
	[sflag:s4] =	ssyncadd.s32 $0xFFFF9C00  }
0x13f: {  	[tilespmem:s3], [sflag:$0x9] =	stream.indirect.gather [hbm4b:s1+s23], $0x80, s22, s23, $0xb8;
	[tilespmem:$0x1F800] =	vst v63  }
0x140: {  	s25 =	simm.s32 $0x6780;
	s26 =	simm.s32 $0x1D400  }
0x141: {  	[tilespmem:s26], [sflag:$0x9] =	stream.indirect.gather [hbm4b:s1+s0], $0x80, s25, s0, $0xb8;
	[tilespmem:$0x1F800] =	vst v63  }
0x142: {  	_ =	swait.ge [sflag:s6], $0x6400  }
0x143: {  	[sflag:s6] =	ssyncset.done $0x0  }
0x144: {  	s5 =	rddreg [dreg:$0x13];
	[sflag:s6] =	ssyncadd.s32 $0xFFFF9C00  }
0x145: {  	[tilespmem:s29], [sflag:$0x3] =	stream.strided.gather [hbm4b:s5+s23], $0x100, s24, s23, $0x38;
	[tilespmem:$0x1F800] =	vst v63  }
0x146: {  	s21 =	simm.s32 $0x200;
	s5 =	simm.s32 $0x0  }
.LBB2_14:
0x147: {  	p0 =	sne.s32 s21, $0x18E00;
	v0 =	vld [tilespmem:s5+$0x70]  }
0x148: {  	v1 =	vld [tilespmem:s5+$0x0]  }
0x149: {  	v2 =	vld [tilespmem:s5+$0x10]  }
0x14a: {  	v3 =	vld [tilespmem:s5+$0x20]  }
0x14b: {  	v4 =	vld [tilespmem:s5+$0x30]  }
0x14c: {  	[tilespmem:s5+$0xCC70] =	vst.add.f32.msk $0xffff, v0  }
0x14d: {  	v0 =	vld [tilespmem:s5+$0x40]  }
0x14e: {  	v5 =	vld [tilespmem:s5+$0x50]  }
0x14f: {  	v6 =	vld [tilespmem:s5+$0x60]  }
0x150: {  	[tilespmem:s5+$0xCC00] =	vst.add.f32.msk $0xffff, v1  }
0x151: {  	[tilespmem:s5+$0xCC10] =	vst.add.f32.msk $0xffff, v2  }
.Ltmp6:
0x152: {  	[tilespmem:s5+$0xCC20] =	vst.add.f32.msk $0xffff, v3;
	(pc) =	sbr.rel @p0 .LBB2_14-.Ltmp6, $4  }
0x153: {  	[tilespmem:s5+$0xCC30] =	vst.add.f32.msk $0xffff, v4  }
0x154: {  	[tilespmem:s5+$0xCC40] =	vst.add.f32.msk $0xffff, v0  }
0x155: {  	[tilespmem:s5+$0xCC50] =	vst.add.f32.msk $0xffff, v5  }
0x156: {  	[tilespmem:s5+$0xCC60] =	vst.add.f32.msk $0xffff, v6;
	s5 =	sshra.s32 s21, $0x2;
	s21 =	sadd.s32 $0x200, s21  }
0x157: {  	v0 =	vld [tilespmem:s5+$0x70]  }
0x158: {  	v1 =	vld [tilespmem:s5+$0x0]  }
0x159: {  	v2 =	vld [tilespmem:s5+$0x10]  }
0x15a: {  	v3 =	vld [tilespmem:s5+$0x20]  }
0x15b: {  	v4 =	vld [tilespmem:s5+$0x30]  }
0x15c: {  	v63 =	vld [tilespmem:s5+$0x40]  }
0x15d: {  	v5 =	vld [tilespmem:s5+$0x50]  }
0x15e: {  	v6 =	vld [tilespmem:s5+$0x60]  }
0x15f: {  	[tilespmem:s5+$0xCC70] =	vst.add.f32.msk $0xffff, v0  }
0x160: {  	[tilespmem:s5+$0xCC00] =	vst.add.f32.msk $0xffff, v1  }
0x161: {  	[tilespmem:s5+$0xCC10] =	vst.add.f32.msk $0xffff, v2  }
0x162: {  	[tilespmem:s5+$0xCC20] =	vst.add.f32.msk $0xffff, v3  }
0x163: {  	[tilespmem:s5+$0xCC30] =	vst.add.f32.msk $0xffff, v4  }
0x164: {  	[tilespmem:s5+$0xCC40] =	vst.add.f32.msk $0xffff, v63  }
0x165: {  	[tilespmem:s5+$0xCC50] =	vst.add.f32.msk $0xffff, v5  }
0x166: {  	s26 =	simm.s32 $0x0;
	s21 =	rddreg [dreg:$0x15];
	[tilespmem:s5+$0xCC60] =	vst.add.f32.msk $0xffff, v6  }
0x167: {  	[hbm4b:s21+s26] =	stream.linear.scatter [tilespmem:s12], [sflag:$0xB], $0x6400, $0x38;
	[tilespmem:$0x1F800] =	vst v63  }
0x168: {  	_ =	swait.ge [sflag:s30], $0x100  }
0x169: {  	[sflag:s30] =	ssyncset.done $0x0  }
0x16a: {  	[sflag:s30] =	ssyncadd.s32 $0xFFFFFF00  }
0x16b: {  	_ =	swait.ge [sflag:s9], $0x6400  }
0x16c: {  	[sflag:s9] =	ssyncset.done $0x0  }
0x16d: {  	s22 =	simm.s32 $0x6800;
	[sflag:s9] =	ssyncadd.s32 $0xFFFF9C00  }
0x16e: {  	[tilespmem:s22], [sflag:$0x6] =	stream.indirect.gather [hbm4b:s1+s23], $0x80, s28, s23, $0xb8;
	[tilespmem:$0x1F800] =	vst v63  }
0x16f: {  	s25 =	simm.s32 $0x6480;
	s26 =	simm.s32 $0xA800  }
0x170: {  	[tilespmem:s26], [sflag:$0x6] =	stream.indirect.gather [hbm4b:s1+s0], $0x80, s25, s0, $0xb8;
	[tilespmem:$0x1F800] =	vst v63  }
0x171: {  	_ =	swait.ge [sflag:s13], $0x6400  }
0x172: {  	s5 =	simm.s32 $0x0;
	[sflag:s13] =	ssyncset.done $0x0  }
0x173: {  	s21 =	simm.s32 $0x200;
	s28 =	rddreg [dreg:$0x17];
	[sflag:s13] =	ssyncadd.s32 $0xFFFF9C00  }
0x174: {  	[tilespmem:s31], [sflag:$0x4] =	stream.strided.gather [hbm4b:s28+s23], $0x100, s24, s23, $0x38;
	[tilespmem:$0x1F800] =	vst v63  }
.LBB2_16:
0x175: {  	p0 =	sne.s32 s21, $0x18E00;
	v0 =	vld [tilespmem:s5+$0x70]  }
0x176: {  	v1 =	vld [tilespmem:s5+$0x0]  }
0x177: {  	v2 =	vld [tilespmem:s5+$0x10]  }
0x178: {  	v3 =	vld [tilespmem:s5+$0x20]  }
0x179: {  	v4 =	vld [tilespmem:s5+$0x30]  }
0x17a: {  	[tilespmem:s5+$0x13070] =	vst.add.f32.msk $0xffff, v0  }
0x17b: {  	v0 =	vld [tilespmem:s5+$0x40]  }
0x17c: {  	v5 =	vld [tilespmem:s5+$0x50]  }
0x17d: {  	v6 =	vld [tilespmem:s5+$0x60]  }
0x17e: {  	[tilespmem:s5+$0x13000] =	vst.add.f32.msk $0xffff, v1  }
0x17f: {  	[tilespmem:s5+$0x13010] =	vst.add.f32.msk $0xffff, v2  }
.Ltmp7:
0x180: {  	[tilespmem:s5+$0x13020] =	vst.add.f32.msk $0xffff, v3;
	(pc) =	sbr.rel @p0 .LBB2_16-.Ltmp7, $4  }
0x181: {  	[tilespmem:s5+$0x13030] =	vst.add.f32.msk $0xffff, v4  }
0x182: {  	[tilespmem:s5+$0x13040] =	vst.add.f32.msk $0xffff, v0  }
0x183: {  	[tilespmem:s5+$0x13050] =	vst.add.f32.msk $0xffff, v5  }
0x184: {  	[tilespmem:s5+$0x13060] =	vst.add.f32.msk $0xffff, v6;
	s5 =	sshra.s32 s21, $0x2;
	s21 =	sadd.s32 $0x200, s21  }
0x185: {  	v0 =	vld [tilespmem:s5+$0x70]  }
0x186: {  	v1 =	vld [tilespmem:s5+$0x0]  }
0x187: {  	v2 =	vld [tilespmem:s5+$0x10]  }
0x188: {  	v3 =	vld [tilespmem:s5+$0x20]  }
0x189: {  	v4 =	vld [tilespmem:s5+$0x30]  }
0x18a: {  	v63 =	vld [tilespmem:s5+$0x40]  }
0x18b: {  	v5 =	vld [tilespmem:s5+$0x50]  }
0x18c: {  	v6 =	vld [tilespmem:s5+$0x60]  }
0x18d: {  	[tilespmem:s5+$0x13070] =	vst.add.f32.msk $0xffff, v0  }
0x18e: {  	[tilespmem:s5+$0x13000] =	vst.add.f32.msk $0xffff, v1  }
0x18f: {  	[tilespmem:s5+$0x13010] =	vst.add.f32.msk $0xffff, v2  }
0x190: {  	[tilespmem:s5+$0x13020] =	vst.add.f32.msk $0xffff, v3  }
0x191: {  	[tilespmem:s5+$0x13030] =	vst.add.f32.msk $0xffff, v4  }
0x192: {  	[tilespmem:s5+$0x13040] =	vst.add.f32.msk $0xffff, v63  }
0x193: {  	[tilespmem:s5+$0x13050] =	vst.add.f32.msk $0xffff, v5  }
0x194: {  	s22 =	simm.s32 $0x0;
	s21 =	rddreg [dreg:$0x19];
	[tilespmem:s5+$0x13060] =	vst.add.f32.msk $0xffff, v6  }
0x195: {  	[hbm4b:s21+s22] =	stream.linear.scatter [tilespmem:s16], [sflag:$0xC], $0x6400, $0x38;
	[tilespmem:$0x1F800] =	vst v63  }
0x196: {  	_ =	swait.ge [sflag:s11], $0x100  }
0x197: {  	[sflag:s11] =	ssyncset.done $0x0  }
0x198: {  	[sflag:s11] =	ssyncadd.s32 $0xFFFFFF00  }
0x199: {  	_ =	swait.ge [sflag:s14], $0x6400  }
0x19a: {  	[sflag:s14] =	ssyncset.done $0x0  }
0x19b: {  	[sflag:s14] =	ssyncadd.s32 $0xFFFF9C00  }
0x19c: {  	[tilespmem:s12], [sflag:$0x7] =	stream.indirect.gather [hbm4b:s1+s23], $0x80, s29, s23, $0xb8;
	[tilespmem:$0x1F800] =	vst v63  }
0x19d: {  	s25 =	simm.s32 $0x6580;
	s26 =	simm.s32 $0x10C00  }
0x19e: {  	[tilespmem:s26], [sflag:$0x7] =	stream.indirect.gather [hbm4b:s1+s0], $0x80, s25, s0, $0xb8;
	[tilespmem:$0x1F800] =	vst v63  }
0x19f: {  	_ =	swait.ge [sflag:s17], $0x6400  }
0x1a0: {  	s5 =	simm.s32 $0x0;
	s21 =	simm.s32 $0x200;
	[sflag:s17] =	ssyncset.done $0x0  }
0x1a1: {  	s29 =	simm.s32 $0x6700;
	s28 =	rddreg [dreg:$0x1b];
	[sflag:s17] =	ssyncadd.s32 $0xFFFF9C00  }
0x1a2: {  	[tilespmem:s29], [sflag:$0x5] =	stream.strided.gather [hbm4b:s28+s23], $0x100, s24, s23, $0x38;
	[tilespmem:$0x1F800] =	vst v63  }
.LBB2_18:
0x1a3: {  	p0 =	sne.s32 s21, $0x18E00;
	v0 =	vld [tilespmem:s5+$0x70]  }
0x1a4: {  	v1 =	vld [tilespmem:s5+$0x0]  }
0x1a5: {  	v2 =	vld [tilespmem:s5+$0x10]  }
0x1a6: {  	v3 =	vld [tilespmem:s5+$0x20]  }
0x1a7: {  	v4 =	vld [tilespmem:s5+$0x30]  }
0x1a8: {  	[tilespmem:s5+$0x19470] =	vst.add.f32.msk $0xffff, v0  }
0x1a9: {  	v0 =	vld [tilespmem:s5+$0x40]  }
0x1aa: {  	v5 =	vld [tilespmem:s5+$0x50]  }
0x1ab: {  	v6 =	vld [tilespmem:s5+$0x60]  }
0x1ac: {  	[tilespmem:s5+$0x19400] =	vst.add.f32.msk $0xffff, v1  }
0x1ad: {  	[tilespmem:s5+$0x19410] =	vst.add.f32.msk $0xffff, v2  }
.Ltmp8:
0x1ae: {  	[tilespmem:s5+$0x19420] =	vst.add.f32.msk $0xffff, v3;
	(pc) =	sbr.rel @p0 .LBB2_18-.Ltmp8, $4  }
0x1af: {  	[tilespmem:s5+$0x19430] =	vst.add.f32.msk $0xffff, v4  }
0x1b0: {  	[tilespmem:s5+$0x19440] =	vst.add.f32.msk $0xffff, v0  }
0x1b1: {  	[tilespmem:s5+$0x19450] =	vst.add.f32.msk $0xffff, v5  }
0x1b2: {  	[tilespmem:s5+$0x19460] =	vst.add.f32.msk $0xffff, v6;
	s5 =	sshra.s32 s21, $0x2;
	s21 =	sadd.s32 $0x200, s21  }
0x1b3: {  	v0 =	vld [tilespmem:s5+$0x70]  }
0x1b4: {  	v1 =	vld [tilespmem:s5+$0x0]  }
0x1b5: {  	v2 =	vld [tilespmem:s5+$0x10]  }
0x1b6: {  	v3 =	vld [tilespmem:s5+$0x20]  }
0x1b7: {  	v4 =	vld [tilespmem:s5+$0x30]  }
0x1b8: {  	v63 =	vld [tilespmem:s5+$0x40]  }
0x1b9: {  	v5 =	vld [tilespmem:s5+$0x50]  }
0x1ba: {  	v6 =	vld [tilespmem:s5+$0x60]  }
0x1bb: {  	[tilespmem:s5+$0x19470] =	vst.add.f32.msk $0xffff, v0  }
0x1bc: {  	[tilespmem:s5+$0x19400] =	vst.add.f32.msk $0xffff, v1  }
0x1bd: {  	[tilespmem:s5+$0x19410] =	vst.add.f32.msk $0xffff, v2  }
0x1be: {  	[tilespmem:s5+$0x19420] =	vst.add.f32.msk $0xffff, v3  }
0x1bf: {  	[tilespmem:s5+$0x19430] =	vst.add.f32.msk $0xffff, v4  }
0x1c0: {  	[tilespmem:s5+$0x19440] =	vst.add.f32.msk $0xffff, v63  }
0x1c1: {  	[tilespmem:s5+$0x19450] =	vst.add.f32.msk $0xffff, v5  }
0x1c2: {  	s28 =	simm.s32 $0x0;
	s21 =	rddreg [dreg:$0x1d];
	[tilespmem:s5+$0x19460] =	vst.add.f32.msk $0xffff, v6  }
0x1c3: {  	[hbm4b:s21+s28] =	stream.linear.scatter [tilespmem:s3], [sflag:$0xD], $0x6400, $0x38;
	[tilespmem:$0x1F800] =	vst v63  }
0x1c4: {  	_ =	swait.ge [sflag:s15], $0x100  }
0x1c5: {  	[sflag:s15] =	ssyncset.done $0x0  }
0x1c6: {  	[sflag:s15] =	ssyncadd.s32 $0xFFFFFF00  }
0x1c7: {  	_ =	swait.ge [sflag:s18], $0x6400  }
0x1c8: {  	[sflag:s18] =	ssyncset.done $0x0  }
0x1c9: {  	[sflag:s18] =	ssyncadd.s32 $0xFFFF9C00  }
0x1ca: {  	[tilespmem:s16], [sflag:$0x8] =	stream.indirect.gather [hbm4b:s1+s23], $0x80, s31, s23, $0xb8;
	[tilespmem:$0x1F800] =	vst v63  }
0x1cb: {  	s29 =	simm.s32 $0x6680;
	s31 =	simm.s32 $0x17000  }
0x1cc: {  	[tilespmem:s31], [sflag:$0x8] =	stream.indirect.gather [hbm4b:s1+s0], $0x80, s29, s0, $0xb8;
	[tilespmem:$0x1F800] =	vst v63  }
0x1cd: {  	_ =	swait.ge [sflag:s19], $0x6400  }
0x1ce: {  	[sflag:s19] =	ssyncset.done $0x0  }
0x1cf: {  	s5 =	simm.s32 $0x0;
	s21 =	simm.s32 $0x200;
	[sflag:s19] =	ssyncadd.s32 $0xFFFF9C00  }
.LBB2_20:
0x1d0: {  	p0 =	sne.s32 s21, $0x18E00;
	v0 =	vld [tilespmem:s5+$0x70]  }
0x1d1: {  	v1 =	vld [tilespmem:s5+$0x0]  }
0x1d2: {  	v2 =	vld [tilespmem:s5+$0x10]  }
0x1d3: {  	v3 =	vld [tilespmem:s5+$0x20]  }
0x1d4: {  	v4 =	vld [tilespmem:s5+$0x30]  }
0x1d5: {  	[tilespmem:s5+$0x6870] =	vst.add.f32.msk $0xffff, v0  }
0x1d6: {  	v0 =	vld [tilespmem:s5+$0x40]  }
0x1d7: {  	v5 =	vld [tilespmem:s5+$0x50]  }
0x1d8: {  	v6 =	vld [tilespmem:s5+$0x60]  }
0x1d9: {  	[tilespmem:s5+$0x6800] =	vst.add.f32.msk $0xffff, v1  }
0x1da: {  	[tilespmem:s5+$0x6810] =	vst.add.f32.msk $0xffff, v2  }
.Ltmp9:
0x1db: {  	[tilespmem:s5+$0x6820] =	vst.add.f32.msk $0xffff, v3;
	(pc) =	sbr.rel @p0 .LBB2_20-.Ltmp9, $4  }
0x1dc: {  	[tilespmem:s5+$0x6830] =	vst.add.f32.msk $0xffff, v4  }
0x1dd: {  	[tilespmem:s5+$0x6840] =	vst.add.f32.msk $0xffff, v0  }
0x1de: {  	[tilespmem:s5+$0x6850] =	vst.add.f32.msk $0xffff, v5  }
0x1df: {  	[tilespmem:s5+$0x6860] =	vst.add.f32.msk $0xffff, v6;
	s5 =	sshra.s32 s21, $0x2;
	s21 =	sadd.s32 $0x200, s21  }
0x1e0: {  	v0 =	vld [tilespmem:s5+$0x70]  }
0x1e1: {  	v1 =	vld [tilespmem:s5+$0x0]  }
0x1e2: {  	v2 =	vld [tilespmem:s5+$0x10]  }
0x1e3: {  	v3 =	vld [tilespmem:s5+$0x20]  }
0x1e4: {  	v4 =	vld [tilespmem:s5+$0x30]  }
0x1e5: {  	v63 =	vld [tilespmem:s5+$0x40]  }
0x1e6: {  	v5 =	vld [tilespmem:s5+$0x50]  }
0x1e7: {  	v6 =	vld [tilespmem:s5+$0x60]  }
0x1e8: {  	[tilespmem:s5+$0x6870] =	vst.add.f32.msk $0xffff, v0  }
0x1e9: {  	[tilespmem:s5+$0x6800] =	vst.add.f32.msk $0xffff, v1  }
0x1ea: {  	[tilespmem:s5+$0x6810] =	vst.add.f32.msk $0xffff, v2  }
0x1eb: {  	[tilespmem:s5+$0x6820] =	vst.add.f32.msk $0xffff, v3  }
0x1ec: {  	[tilespmem:s5+$0x6830] =	vst.add.f32.msk $0xffff, v4  }
0x1ed: {  	[tilespmem:s5+$0x6840] =	vst.add.f32.msk $0xffff, v63  }
0x1ee: {  	[tilespmem:s5+$0x6850] =	vst.add.f32.msk $0xffff, v5  }
0x1ef: {  	s26 =	simm.s32 $0x0;
	s21 =	rddreg [dreg:$0x1f];
	s22 =	simm.s32 $0x6800;
	[tilespmem:s5+$0x6860] =	vst.add.f32.msk $0xffff, v6  }
0x1f0: {  	[hbm4b:s21+s26] =	stream.linear.scatter [tilespmem:s22], [sflag:$0xA], $0x6400, $0x38;
	[tilespmem:$0x1F800] =	vst v63  }
0x1f1: {  	_ =	swait.ge [sflag:s20], $0x100  }
0x1f2: {  	[sflag:s20] =	ssyncset.done $0x0  }
0x1f3: {  	[sflag:s20] =	ssyncadd.s32 $0xFFFFFF00  }
0x1f4: {  	_ =	swait.ge [sflag:s4], $0x6400  }
0x1f5: {  	[sflag:s4] =	ssyncset.done $0x0  }
0x1f6: {  	s28 =	simm.s32 $0x6700;
	[sflag:s4] =	ssyncadd.s32 $0xFFFF9C00  }
0x1f7: {  	[tilespmem:s3], [sflag:$0x9] =	stream.indirect.gather [hbm4b:s1+s23], $0x80, s28, s23, $0xb8;
	[tilespmem:$0x1F800] =	vst v63  }
0x1f8: {  	s29 =	simm.s32 $0x6780;
	s31 =	simm.s32 $0x1D400  }
0x1f9: {  	[tilespmem:s31], [sflag:$0x9] =	stream.indirect.gather [hbm4b:s1+s0], $0x80, s29, s0, $0xb8;
	[tilespmem:$0x1F800] =	vst v63  }
0x1fa: {  	_ =	swait.ge [sflag:s6], $0x6400  }
0x1fb: {  	[sflag:s6] =	ssyncset.done $0x0  }
0x1fc: {  	s5 =	simm.s32 $0x0;
	s21 =	simm.s32 $0x200;
	[sflag:s6] =	ssyncadd.s32 $0xFFFF9C00  }
.LBB2_22:
0x1fd: {  	p0 =	sne.s32 s21, $0x18E00;
	v0 =	vld [tilespmem:s5+$0x70]  }
0x1fe: {  	v1 =	vld [tilespmem:s5+$0x0]  }
0x1ff: {  	v2 =	vld [tilespmem:s5+$0x10]  }
0x200: {  	v3 =	vld [tilespmem:s5+$0x20]  }
0x201: {  	v4 =	vld [tilespmem:s5+$0x30]  }
0x202: {  	[tilespmem:s5+$0xCC70] =	vst.add.f32.msk $0xffff, v0  }
0x203: {  	v0 =	vld [tilespmem:s5+$0x40]  }
0x204: {  	v5 =	vld [tilespmem:s5+$0x50]  }
0x205: {  	v6 =	vld [tilespmem:s5+$0x60]  }
0x206: {  	[tilespmem:s5+$0xCC00] =	vst.add.f32.msk $0xffff, v1  }
0x207: {  	[tilespmem:s5+$0xCC10] =	vst.add.f32.msk $0xffff, v2  }
.Ltmp10:
0x208: {  	[tilespmem:s5+$0xCC20] =	vst.add.f32.msk $0xffff, v3;
	(pc) =	sbr.rel @p0 .LBB2_22-.Ltmp10, $4  }
0x209: {  	[tilespmem:s5+$0xCC30] =	vst.add.f32.msk $0xffff, v4  }
0x20a: {  	[tilespmem:s5+$0xCC40] =	vst.add.f32.msk $0xffff, v0  }
0x20b: {  	[tilespmem:s5+$0xCC50] =	vst.add.f32.msk $0xffff, v5  }
0x20c: {  	[tilespmem:s5+$0xCC60] =	vst.add.f32.msk $0xffff, v6;
	s5 =	sshra.s32 s21, $0x2;
	s21 =	sadd.s32 $0x200, s21  }
0x20d: {  	v0 =	vld [tilespmem:s5+$0x70]  }
0x20e: {  	v1 =	vld [tilespmem:s5+$0x0]  }
0x20f: {  	v2 =	vld [tilespmem:s5+$0x10]  }
0x210: {  	v3 =	vld [tilespmem:s5+$0x20]  }
0x211: {  	v4 =	vld [tilespmem:s5+$0x30]  }
0x212: {  	v63 =	vld [tilespmem:s5+$0x40]  }
0x213: {  	v5 =	vld [tilespmem:s5+$0x50]  }
0x214: {  	v6 =	vld [tilespmem:s5+$0x60]  }
0x215: {  	[tilespmem:s5+$0xCC70] =	vst.add.f32.msk $0xffff, v0  }
0x216: {  	[tilespmem:s5+$0xCC00] =	vst.add.f32.msk $0xffff, v1  }
0x217: {  	[tilespmem:s5+$0xCC10] =	vst.add.f32.msk $0xffff, v2  }
0x218: {  	[tilespmem:s5+$0xCC20] =	vst.add.f32.msk $0xffff, v3  }
0x219: {  	[tilespmem:s5+$0xCC30] =	vst.add.f32.msk $0xffff, v4  }
0x21a: {  	s21 =	sld [smem:$0x7F5];
	[tilespmem:s5+$0xCC40] =	vst.add.f32.msk $0xffff, v63  }
0x21b: {  	[tilespmem:s5+$0xCC50] =	vst.add.f32.msk $0xffff, v5  }
0x21c: {  	s31 =	simm.s32 $0x0;
	[tilespmem:s5+$0xCC60] =	vst.add.f32.msk $0xffff, v6  }
0x21d: {  	[hbm4b:s21+s31] =	stream.linear.scatter [tilespmem:s12], [sflag:$0xB], $0x6400, $0x38;
	[tilespmem:$0x1F800] =	vst v63  }
0x21e: {  	_ =	swait.ge [sflag:s13], $0x6400  }
0x21f: {  	[sflag:s13] =	ssyncset.done $0x0  }
0x220: {  	s5 =	simm.s32 $0x0;
	s21 =	simm.s32 $0x200;
	[sflag:s13] =	ssyncadd.s32 $0xFFFF9C00  }
.LBB2_24:
0x221: {  	p0 =	sne.s32 s21, $0x18E00;
	v0 =	vld [tilespmem:s5+$0x70]  }
0x222: {  	v1 =	vld [tilespmem:s5+$0x0]  }
0x223: {  	v2 =	vld [tilespmem:s5+$0x10]  }
0x224: {  	v3 =	vld [tilespmem:s5+$0x20]  }
0x225: {  	v4 =	vld [tilespmem:s5+$0x30]  }
0x226: {  	[tilespmem:s5+$0x13070] =	vst.add.f32.msk $0xffff, v0  }
0x227: {  	v0 =	vld [tilespmem:s5+$0x40]  }
0x228: {  	v5 =	vld [tilespmem:s5+$0x50]  }
0x229: {  	v6 =	vld [tilespmem:s5+$0x60]  }
0x22a: {  	[tilespmem:s5+$0x13000] =	vst.add.f32.msk $0xffff, v1  }
0x22b: {  	[tilespmem:s5+$0x13010] =	vst.add.f32.msk $0xffff, v2  }
.Ltmp11:
0x22c: {  	[tilespmem:s5+$0x13020] =	vst.add.f32.msk $0xffff, v3;
	(pc) =	sbr.rel @p0 .LBB2_24-.Ltmp11, $4  }
0x22d: {  	[tilespmem:s5+$0x13030] =	vst.add.f32.msk $0xffff, v4  }
0x22e: {  	[tilespmem:s5+$0x13040] =	vst.add.f32.msk $0xffff, v0  }
0x22f: {  	[tilespmem:s5+$0x13050] =	vst.add.f32.msk $0xffff, v5  }
0x230: {  	[tilespmem:s5+$0x13060] =	vst.add.f32.msk $0xffff, v6;
	s5 =	sshra.s32 s21, $0x2;
	s21 =	sadd.s32 $0x200, s21  }
0x231: {  	v0 =	vld [tilespmem:s5+$0x70]  }
0x232: {  	v1 =	vld [tilespmem:s5+$0x0]  }
0x233: {  	v2 =	vld [tilespmem:s5+$0x10]  }
0x234: {  	v3 =	vld [tilespmem:s5+$0x20]  }
0x235: {  	v4 =	vld [tilespmem:s5+$0x30]  }
0x236: {  	v63 =	vld [tilespmem:s5+$0x40]  }
0x237: {  	v5 =	vld [tilespmem:s5+$0x50]  }
0x238: {  	v6 =	vld [tilespmem:s5+$0x60]  }
0x239: {  	[tilespmem:s5+$0x13070] =	vst.add.f32.msk $0xffff, v0  }
0x23a: {  	[tilespmem:s5+$0x13000] =	vst.add.f32.msk $0xffff, v1  }
0x23b: {  	[tilespmem:s5+$0x13010] =	vst.add.f32.msk $0xffff, v2  }
0x23c: {  	[tilespmem:s5+$0x13020] =	vst.add.f32.msk $0xffff, v3  }
0x23d: {  	[tilespmem:s5+$0x13030] =	vst.add.f32.msk $0xffff, v4  }
0x23e: {  	s21 =	sld [smem:$0x7F7];
	[tilespmem:s5+$0x13040] =	vst.add.f32.msk $0xffff, v63  }
0x23f: {  	[tilespmem:s5+$0x13050] =	vst.add.f32.msk $0xffff, v5  }
0x240: {  	s31 =	simm.s32 $0x0;
	[tilespmem:s5+$0x13060] =	vst.add.f32.msk $0xffff, v6  }
0x241: {  	[hbm4b:s21+s31] =	stream.linear.scatter [tilespmem:s16], [sflag:$0xC], $0x6400, $0x38;
	[tilespmem:$0x1F800] =	vst v63  }
0x242: {  	_ =	swait.ge [sflag:s17], $0x6400  }
0x243: {  	[sflag:s17] =	ssyncset.done $0x0  }
0x244: {  	s5 =	simm.s32 $0x0;
	s21 =	simm.s32 $0x200;
	[sflag:s17] =	ssyncadd.s32 $0xFFFF9C00  }
.LBB2_26:
0x245: {  	p0 =	sne.s32 s21, $0x18E00;
	v0 =	vld [tilespmem:s5+$0x70]  }
0x246: {  	v1 =	vld [tilespmem:s5+$0x0]  }
0x247: {  	v2 =	vld [tilespmem:s5+$0x10]  }
0x248: {  	v3 =	vld [tilespmem:s5+$0x20]  }
0x249: {  	v4 =	vld [tilespmem:s5+$0x30]  }
0x24a: {  	[tilespmem:s5+$0x19470] =	vst.add.f32.msk $0xffff, v0  }
0x24b: {  	v0 =	vld [tilespmem:s5+$0x40]  }
0x24c: {  	v5 =	vld [tilespmem:s5+$0x50]  }
0x24d: {  	v6 =	vld [tilespmem:s5+$0x60]  }
0x24e: {  	[tilespmem:s5+$0x19400] =	vst.add.f32.msk $0xffff, v1  }
0x24f: {  	[tilespmem:s5+$0x19410] =	vst.add.f32.msk $0xffff, v2  }
.Ltmp12:
0x250: {  	[tilespmem:s5+$0x19420] =	vst.add.f32.msk $0xffff, v3;
	(pc) =	sbr.rel @p0 .LBB2_26-.Ltmp12, $4  }
0x251: {  	[tilespmem:s5+$0x19430] =	vst.add.f32.msk $0xffff, v4  }
0x252: {  	[tilespmem:s5+$0x19440] =	vst.add.f32.msk $0xffff, v0  }
0x253: {  	[tilespmem:s5+$0x19450] =	vst.add.f32.msk $0xffff, v5  }
0x254: {  	[tilespmem:s5+$0x19460] =	vst.add.f32.msk $0xffff, v6;
	s5 =	sshra.s32 s21, $0x2;
	s21 =	sadd.s32 $0x200, s21  }
0x255: {  	v0 =	vld [tilespmem:s5+$0x70]  }
0x256: {  	v1 =	vld [tilespmem:s5+$0x0]  }
0x257: {  	v2 =	vld [tilespmem:s5+$0x10]  }
0x258: {  	v3 =	vld [tilespmem:s5+$0x20]  }
0x259: {  	v4 =	vld [tilespmem:s5+$0x30]  }
0x25a: {  	v63 =	vld [tilespmem:s5+$0x40]  }
0x25b: {  	v5 =	vld [tilespmem:s5+$0x50]  }
0x25c: {  	v6 =	vld [tilespmem:s5+$0x60]  }
0x25d: {  	[tilespmem:s5+$0x19470] =	vst.add.f32.msk $0xffff, v0  }
0x25e: {  	[tilespmem:s5+$0x19400] =	vst.add.f32.msk $0xffff, v1  }
0x25f: {  	[tilespmem:s5+$0x19410] =	vst.add.f32.msk $0xffff, v2  }
0x260: {  	[tilespmem:s5+$0x19420] =	vst.add.f32.msk $0xffff, v3  }
0x261: {  	[tilespmem:s5+$0x19430] =	vst.add.f32.msk $0xffff, v4  }
0x262: {  	s21 =	sld [smem:$0x7F9];
	[tilespmem:s5+$0x19440] =	vst.add.f32.msk $0xffff, v63  }
0x263: {  	[tilespmem:s5+$0x19450] =	vst.add.f32.msk $0xffff, v5  }
0x264: {  	s26 =	simm.s32 $0x0;
	[tilespmem:s5+$0x19460] =	vst.add.f32.msk $0xffff, v6  }
0x265: {  	[hbm4b:s21+s26] =	stream.linear.scatter [tilespmem:s3], [sflag:$0xD], $0x6400, $0x38;
	[tilespmem:$0x1F800] =	vst v63  }
0x266: {  	_ =	swait.ge [sflag:s9], $0x6400  }
0x267: {  	[sflag:s9] =	ssyncset.done $0x0  }
0x268: {  	[sflag:s9] =	ssyncadd.s32 $0xFFFF9C00  }
0x269: {  	_ =	swait.ge [sflag:s14], $0x6400  }
0x26a: {  	[sflag:s14] =	ssyncset.done $0x0  }
0x26b: {  	[sflag:s14] =	ssyncadd.s32 $0xFFFF9C00  }
0x26c: {  	_ =	swait.ge [sflag:s18], $0x6400  }
0x26d: {  	[sflag:s18] =	ssyncset.done $0x0  }
0x26e: {  	[sflag:s18] =	ssyncadd.s32 $0xFFFF9C00  }
0x26f: {  	_ =	swait.ge [sflag:s4], $0x6400  }
0x270: {  	[sflag:s4] =	ssyncset.done $0x0  }
0x271: {  	s21 =	simm.s32 $0x6400;
	s22 =	rddreg [dreg:$0x8];
	[sflag:s4] =	ssyncadd.s32 $0xFFFF9C00  }
0x272: {  	[tilespmem:s21], [sflag:$0x2] =	stream.strided.gather [hbm4b:s22+s23], $0x100, s24, s23, $0x38;
	[tilespmem:$0x1F800] =	vst v63  }
0x273: {  	s25 =	rddreg [dreg:$0xa];
	s22 =	simm.s32 $0x6500  }
0x274: {  	[tilespmem:s22], [sflag:$0x3] =	stream.strided.gather [hbm4b:s25+s23], $0x100, s24, s23, $0x38;
	[tilespmem:$0x1F800] =	vst v63  }
0x275: {  	s26 =	rddreg [dreg:$0xc];
	s25 =	simm.s32 $0x6600  }
0x276: {  	[tilespmem:s25], [sflag:$0x4] =	stream.strided.gather [hbm4b:s26+s23], $0x100, s24, s23, $0x38;
	[tilespmem:$0x1F800] =	vst v63  }
0x277: {  	s5 =	rddreg [dreg:$0xe];
	s26 =	simm.s32 $0x6700  }
0x278: {  	[tilespmem:s26], [sflag:$0x5] =	stream.strided.gather [hbm4b:s5+s23], $0x100, s24, s23, $0x38;
	[tilespmem:$0x1F800] =	vst v63  }
0x279: {  	_ =	swait.ge [sflag:s30], $0x100  }
0x27a: {  	[sflag:s30] =	ssyncset.done $0x0  }
0x27b: {  	s26 =	simm.s32 $0x6800;
	[sflag:s30] =	ssyncadd.s32 $0xFFFFFF00  }
0x27c: {  	[tilespmem:s26], [sflag:$0x6] =	stream.indirect.gather [hbm4b:s2+s23], $0x80, s21, s23, $0xb8;
	[tilespmem:$0x1F800] =	vst v63  }
0x27d: {  	s5 =	simm.s32 $0x6480;
	s26 =	simm.s32 $0xA800  }
0x27e: {  	[tilespmem:s26], [sflag:$0x6] =	stream.indirect.gather [hbm4b:s2+s0], $0x80, s5, s0, $0xb8;
	[tilespmem:$0x1F800] =	vst v63  }
0x27f: {  	_ =	swait.ge [sflag:s11], $0x100  }
0x280: {  	[sflag:s11] =	ssyncset.done $0x0  }
0x281: {  	[sflag:s11] =	ssyncadd.s32 $0xFFFFFF00  }
0x282: {  	[tilespmem:s12], [sflag:$0x7] =	stream.indirect.gather [hbm4b:s2+s23], $0x80, s22, s23, $0xb8;
	[tilespmem:$0x1F800] =	vst v63  }
0x283: {  	s26 =	simm.s32 $0x10C00;
	s22 =	simm.s32 $0x6580  }
0x284: {  	[tilespmem:s26], [sflag:$0x7] =	stream.indirect.gather [hbm4b:s2+s0], $0x80, s22, s0, $0xb8;
	[tilespmem:$0x1F800] =	vst v63  }
0x285: {  	_ =	swait.ge [sflag:s15], $0x100  }
0x286: {  	[sflag:s15] =	ssyncset.done $0x0  }
0x287: {  	[sflag:s15] =	ssyncadd.s32 $0xFFFFFF00  }
0x288: {  	[tilespmem:s16], [sflag:$0x8] =	stream.indirect.gather [hbm4b:s2+s23], $0x80, s25, s23, $0xb8;
	[tilespmem:$0x1F800] =	vst v63  }
0x289: {  	s22 =	simm.s32 $0x6680;
	s25 =	simm.s32 $0x17000  }
0x28a: {  	[tilespmem:s25], [sflag:$0x8] =	stream.indirect.gather [hbm4b:s2+s0], $0x80, s22, s0, $0xb8;
	[tilespmem:$0x1F800] =	vst v63  }
0x28b: {  	_ =	swait.ge [sflag:s19], $0x6400  }
0x28c: {  	s29 =	simm.s32 $0x6500;
	[sflag:s19] =	ssyncset.done $0x0  }
0x28d: {  	s31 =	simm.s32 $0x6600;
	s26 =	rddreg [dreg:$0x10];
	[sflag:s19] =	ssyncadd.s32 $0xFFFF9C00  }
0x28e: {  	[tilespmem:s21], [sflag:$0x2] =	stream.strided.gather [hbm4b:s26+s23], $0x100, s24, s23, $0x38;
	[tilespmem:$0x1F800] =	vst v63  }
0x28f: {  	s28 =	simm.s32 $0x6400;
	s5 =	simm.s32 $0x0;
	s21 =	simm.s32 $0x200  }
.LBB2_28:
0x290: {  	p0 =	sne.s32 s21, $0x18E00;
	v0 =	vld [tilespmem:s5+$0x70]  }
0x291: {  	v1 =	vld [tilespmem:s5+$0x0]  }
0x292: {  	v2 =	vld [tilespmem:s5+$0x10]  }
0x293: {  	v3 =	vld [tilespmem:s5+$0x20]  }
0x294: {  	v4 =	vld [tilespmem:s5+$0x30]  }
0x295: {  	[tilespmem:s5+$0x6870] =	vst.add.f32.msk $0xffff, v0  }
0x296: {  	v0 =	vld [tilespmem:s5+$0x40]  }
0x297: {  	v5 =	vld [tilespmem:s5+$0x50]  }
0x298: {  	v6 =	vld [tilespmem:s5+$0x60]  }
0x299: {  	[tilespmem:s5+$0x6800] =	vst.add.f32.msk $0xffff, v1  }
0x29a: {  	[tilespmem:s5+$0x6810] =	vst.add.f32.msk $0xffff, v2  }
.Ltmp13:
0x29b: {  	[tilespmem:s5+$0x6820] =	vst.add.f32.msk $0xffff, v3;
	(pc) =	sbr.rel @p0 .LBB2_28-.Ltmp13, $4  }
0x29c: {  	[tilespmem:s5+$0x6830] =	vst.add.f32.msk $0xffff, v4  }
0x29d: {  	[tilespmem:s5+$0x6840] =	vst.add.f32.msk $0xffff, v0  }
0x29e: {  	[tilespmem:s5+$0x6850] =	vst.add.f32.msk $0xffff, v5  }
0x29f: {  	[tilespmem:s5+$0x6860] =	vst.add.f32.msk $0xffff, v6;
	s5 =	sshra.s32 s21, $0x2;
	s21 =	sadd.s32 $0x200, s21  }
0x2a0: {  	v0 =	vld [tilespmem:s5+$0x70]  }
0x2a1: {  	v1 =	vld [tilespmem:s5+$0x0]  }
0x2a2: {  	v2 =	vld [tilespmem:s5+$0x10]  }
0x2a3: {  	v3 =	vld [tilespmem:s5+$0x20]  }
0x2a4: {  	v4 =	vld [tilespmem:s5+$0x30]  }
0x2a5: {  	v63 =	vld [tilespmem:s5+$0x40]  }
0x2a6: {  	v5 =	vld [tilespmem:s5+$0x50]  }
0x2a7: {  	v6 =	vld [tilespmem:s5+$0x60]  }
0x2a8: {  	[tilespmem:s5+$0x6870] =	vst.add.f32.msk $0xffff, v0  }
0x2a9: {  	[tilespmem:s5+$0x6800] =	vst.add.f32.msk $0xffff, v1  }
0x2aa: {  	[tilespmem:s5+$0x6810] =	vst.add.f32.msk $0xffff, v2  }
0x2ab: {  	[tilespmem:s5+$0x6820] =	vst.add.f32.msk $0xffff, v3  }
0x2ac: {  	[tilespmem:s5+$0x6830] =	vst.add.f32.msk $0xffff, v4  }
0x2ad: {  	[tilespmem:s5+$0x6840] =	vst.add.f32.msk $0xffff, v63  }
0x2ae: {  	[tilespmem:s5+$0x6850] =	vst.add.f32.msk $0xffff, v5  }
0x2af: {  	s21 =	rddreg [dreg:$0x12];
	s22 =	simm.s32 $0x6800;
	[tilespmem:s5+$0x6860] =	vst.add.f32.msk $0xffff, v6;
	s5 =	simm.s32 $0x0  }
0x2b0: {  	[hbm4b:s21+s5] =	stream.linear.scatter [tilespmem:s22], [sflag:$0xA], $0x6400, $0x38;
	[tilespmem:$0x1F800] =	vst v63  }
0x2b1: {  	_ =	swait.ge [sflag:s20], $0x100  }
0x2b2: {  	[sflag:s20] =	ssyncset.done $0x0  }
0x2b3: {  	s22 =	simm.s32 $0x6700;
	[sflag:s20] =	ssyncadd.s32 $0xFFFFFF00  }
0x2b4: {  	[tilespmem:s3], [sflag:$0x9] =	stream.indirect.gather [hbm4b:s2+s23], $0x80, s22, s23, $0xb8;
	[tilespmem:$0x1F800] =	vst v63  }
0x2b5: {  	s25 =	simm.s32 $0x6780;
	s26 =	simm.s32 $0x1D400  }
0x2b6: {  	[tilespmem:s26], [sflag:$0x9] =	stream.indirect.gather [hbm4b:s2+s0], $0x80, s25, s0, $0xb8;
	[tilespmem:$0x1F800] =	vst v63  }
.LBB2_30:
0x2b7: {  	s21 =	sshll.u32 s5, $0x2  }
0x2b8: {  	s22 =	sadd.s32 $0x5, s21  }
0x2b9: {  	s25 =	sadd.s32 s10, s22;
	s22 =	sshll.u32 s22, $0x4  }
0x2ba: {  	_ =	swait.ge [sflag:s6], $0x6400;
	s25 =	sshll.u32 s25, $0x5;
	s22 =	sand.u32 $0x50, s22  }
0x2bb: {  	[sflag:s6] =	ssyncset.done $0x0;
	s25 =	sand.u32 $0xFF00, s25;
	s22 =	sadd.s32 s8, s22  }
0x2bc: {  	[sflag:s6] =	ssyncadd.s32 $0xFFFF9C00;
	s22 =	sadd.s32 s25, s22  }
0x2bd: {  	[tilespmem:s29], [sflag:$0x3] =	stream.strided.gather [hbm4b:s22+s23], $0x100, s24, s23, $0x38;
	[tilespmem:$0x1F800] =	vst v63  }
0x2be: {  	s25 =	simm.s32 $0x0;
	s22 =	simm.s32 $0x200  }
.LBB2_31:
0x2bf: {  	p0 =	sne.s32 s22, $0x18E00;
	v0 =	vld [tilespmem:s25+$0x70]  }
0x2c0: {  	v1 =	vld [tilespmem:s25+$0x0]  }
0x2c1: {  	v2 =	vld [tilespmem:s25+$0x10]  }
0x2c2: {  	v3 =	vld [tilespmem:s25+$0x20]  }
0x2c3: {  	v4 =	vld [tilespmem:s25+$0x30]  }
0x2c4: {  	[tilespmem:s25+$0xCC70] =	vst.add.f32.msk $0xffff, v0  }
0x2c5: {  	v0 =	vld [tilespmem:s25+$0x40]  }
0x2c6: {  	v5 =	vld [tilespmem:s25+$0x50]  }
0x2c7: {  	v6 =	vld [tilespmem:s25+$0x60]  }
0x2c8: {  	[tilespmem:s25+$0xCC00] =	vst.add.f32.msk $0xffff, v1  }
0x2c9: {  	[tilespmem:s25+$0xCC10] =	vst.add.f32.msk $0xffff, v2  }
.Ltmp14:
0x2ca: {  	[tilespmem:s25+$0xCC20] =	vst.add.f32.msk $0xffff, v3;
	(pc) =	sbr.rel @p0 .LBB2_31-.Ltmp14, $4  }
0x2cb: {  	[tilespmem:s25+$0xCC30] =	vst.add.f32.msk $0xffff, v4  }
0x2cc: {  	[tilespmem:s25+$0xCC40] =	vst.add.f32.msk $0xffff, v0  }
0x2cd: {  	[tilespmem:s25+$0xCC50] =	vst.add.f32.msk $0xffff, v5  }
0x2ce: {  	[tilespmem:s25+$0xCC60] =	vst.add.f32.msk $0xffff, v6;
	s25 =	sshra.s32 s22, $0x2;
	s22 =	sadd.s32 $0x200, s22  }
0x2cf: {  	v0 =	vld [tilespmem:s25+$0x70]  }
0x2d0: {  	v1 =	vld [tilespmem:s25+$0x0]  }
0x2d1: {  	v2 =	vld [tilespmem:s25+$0x10]  }
0x2d2: {  	v3 =	vld [tilespmem:s25+$0x20]  }
0x2d3: {  	v4 =	vld [tilespmem:s25+$0x30]  }
0x2d4: {  	v63 =	vld [tilespmem:s25+$0x40]  }
0x2d5: {  	v5 =	vld [tilespmem:s25+$0x50]  }
0x2d6: {  	v6 =	vld [tilespmem:s25+$0x60]  }
0x2d7: {  	[tilespmem:s25+$0xCC70] =	vst.add.f32.msk $0xffff, v0  }
0x2d8: {  	[tilespmem:s25+$0xCC00] =	vst.add.f32.msk $0xffff, v1  }
0x2d9: {  	[tilespmem:s25+$0xCC10] =	vst.add.f32.msk $0xffff, v2  }
0x2da: {  	s22 =	sadd.s32 s21, s10;
	[tilespmem:s25+$0xCC20] =	vst.add.f32.msk $0xffff, v3  }
0x2db: {  	s22 =	smul.u32 $0xC80, s22;
	[tilespmem:s25+$0xCC30] =	vst.add.f32.msk $0xffff, v4  }
0x2dc: {  	s26 =	rddreg [dreg:$0x4];
	[tilespmem:s25+$0xCC40] =	vst.add.f32.msk $0xffff, v63  }
0x2dd: {  	s22 =	sadd.s32 s26, s22;
	[tilespmem:s25+$0xCC50] =	vst.add.f32.msk $0xffff, v5  }
0x2de: {  	s26 =	simm.s32 $0x0;
	[tilespmem:s25+$0xCC60] =	vst.add.f32.msk $0xffff, v6;
	s25 =	sadd.s32 $0xC80, s22  }
0x2df: {  	[hbm4b:s25+s26] =	stream.linear.scatter [tilespmem:s12], [sflag:$0xB], $0x6400, $0x38;
	[tilespmem:$0x1F800] =	vst v63  }
0x2e0: {  	_ =	swait.ge [sflag:s30], $0x100  }
0x2e1: {  	[sflag:s30] =	ssyncset.done $0x0  }
0x2e2: {  	[sflag:s30] =	ssyncadd.s32 $0xFFFFFF00  }
0x2e3: {  	_ =	swait.ge [sflag:s9], $0x6400  }
0x2e4: {  	[sflag:s9] =	ssyncset.done $0x0  }
0x2e5: {  	s26 =	simm.s32 $0x6800;
	[sflag:s9] =	ssyncadd.s32 $0xFFFF9C00  }
0x2e6: {  	[tilespmem:s26], [sflag:$0x6] =	stream.indirect.gather [hbm4b:s2+s23], $0x80, s28, s23, $0xb8;
	[tilespmem:$0x1F800] =	vst v63  }
0x2e7: {  	s25 =	simm.s32 $0x6480;
	s26 =	simm.s32 $0xA800  }
0x2e8: {  	[tilespmem:s26], [sflag:$0x6] =	stream.indirect.gather [hbm4b:s2+s0], $0x80, s25, s0, $0xb8;
	[tilespmem:$0x1F800] =	vst v63  }
0x2e9: {  	s25 =	sadd.s32 $0x6, s21  }
0x2ea: {  	s26 =	sadd.s32 s10, s25;
	s25 =	sshll.u32 s25, $0x4  }
0x2eb: {  	_ =	swait.ge [sflag:s13], $0x6400;
	s26 =	sshll.u32 s26, $0x5;
	s25 =	sand.u32 $0x60, s25  }
0x2ec: {  	[sflag:s13] =	ssyncset.done $0x0;
	s26 =	sand.u32 $0xFF00, s26;
	s25 =	sadd.s32 s8, s25  }
0x2ed: {  	[sflag:s13] =	ssyncadd.s32 $0xFFFF9C00;
	s25 =	sadd.s32 s26, s25  }
0x2ee: {  	[tilespmem:s31], [sflag:$0x4] =	stream.strided.gather [hbm4b:s25+s23], $0x100, s24, s23, $0x38;
	[tilespmem:$0x1F800] =	vst v63  }
0x2ef: {  	s26 =	simm.s32 $0x200;
	s25 =	simm.s32 $0x0  }
.LBB2_33:
0x2f0: {  	p0 =	sne.s32 s26, $0x18E00;
	v0 =	vld [tilespmem:s25+$0x70]  }
0x2f1: {  	v1 =	vld [tilespmem:s25+$0x0]  }
0x2f2: {  	v2 =	vld [tilespmem:s25+$0x10]  }
0x2f3: {  	v3 =	vld [tilespmem:s25+$0x20]  }
0x2f4: {  	v4 =	vld [tilespmem:s25+$0x30]  }
0x2f5: {  	[tilespmem:s25+$0x13070] =	vst.add.f32.msk $0xffff, v0  }
0x2f6: {  	v0 =	vld [tilespmem:s25+$0x40]  }
0x2f7: {  	v5 =	vld [tilespmem:s25+$0x50]  }
0x2f8: {  	v6 =	vld [tilespmem:s25+$0x60]  }
0x2f9: {  	[tilespmem:s25+$0x13000] =	vst.add.f32.msk $0xffff, v1  }
0x2fa: {  	[tilespmem:s25+$0x13010] =	vst.add.f32.msk $0xffff, v2  }
.Ltmp15:
0x2fb: {  	[tilespmem:s25+$0x13020] =	vst.add.f32.msk $0xffff, v3;
	(pc) =	sbr.rel @p0 .LBB2_33-.Ltmp15, $4  }
0x2fc: {  	[tilespmem:s25+$0x13030] =	vst.add.f32.msk $0xffff, v4  }
0x2fd: {  	[tilespmem:s25+$0x13040] =	vst.add.f32.msk $0xffff, v0  }
0x2fe: {  	[tilespmem:s25+$0x13050] =	vst.add.f32.msk $0xffff, v5  }
0x2ff: {  	[tilespmem:s25+$0x13060] =	vst.add.f32.msk $0xffff, v6;
	s25 =	sshra.s32 s26, $0x2;
	s26 =	sadd.s32 $0x200, s26  }
0x300: {  	v0 =	vld [tilespmem:s25+$0x70]  }
0x301: {  	v1 =	vld [tilespmem:s25+$0x0]  }
0x302: {  	v2 =	vld [tilespmem:s25+$0x10]  }
0x303: {  	v3 =	vld [tilespmem:s25+$0x20]  }
0x304: {  	v4 =	vld [tilespmem:s25+$0x30]  }
0x305: {  	v63 =	vld [tilespmem:s25+$0x40]  }
0x306: {  	v5 =	vld [tilespmem:s25+$0x50]  }
0x307: {  	v6 =	vld [tilespmem:s25+$0x60]  }
0x308: {  	[tilespmem:s25+$0x13070] =	vst.add.f32.msk $0xffff, v0  }
0x309: {  	[tilespmem:s25+$0x13000] =	vst.add.f32.msk $0xffff, v1  }
0x30a: {  	[tilespmem:s25+$0x13010] =	vst.add.f32.msk $0xffff, v2  }
0x30b: {  	[tilespmem:s25+$0x13020] =	vst.add.f32.msk $0xffff, v3  }
0x30c: {  	[tilespmem:s25+$0x13030] =	vst.add.f32.msk $0xffff, v4  }
0x30d: {  	[tilespmem:s25+$0x13040] =	vst.add.f32.msk $0xffff, v63  }
0x30e: {  	[tilespmem:s25+$0x13050] =	vst.add.f32.msk $0xffff, v5  }
0x30f: {  	s26 =	simm.s32 $0x0;
	[tilespmem:s25+$0x13060] =	vst.add.f32.msk $0xffff, v6;
	s25 =	sadd.s32 $0x1900, s22  }
0x310: {  	[hbm4b:s25+s26] =	stream.linear.scatter [tilespmem:s16], [sflag:$0xC], $0x6400, $0x38;
	[tilespmem:$0x1F800] =	vst v63  }
0x311: {  	_ =	swait.ge [sflag:s11], $0x100  }
0x312: {  	[sflag:s11] =	ssyncset.done $0x0  }
0x313: {  	[sflag:s11] =	ssyncadd.s32 $0xFFFFFF00  }
0x314: {  	_ =	swait.ge [sflag:s14], $0x6400  }
0x315: {  	[sflag:s14] =	ssyncset.done $0x0  }
0x316: {  	[sflag:s14] =	ssyncadd.s32 $0xFFFF9C00  }
0x317: {  	[tilespmem:s12], [sflag:$0x7] =	stream.indirect.gather [hbm4b:s2+s23], $0x80, s29, s23, $0xb8;
	[tilespmem:$0x1F800] =	vst v63  }
0x318: {  	s25 =	simm.s32 $0x6580;
	s26 =	simm.s32 $0x10C00  }
0x319: {  	[tilespmem:s26], [sflag:$0x7] =	stream.indirect.gather [hbm4b:s2+s0], $0x80, s25, s0, $0xb8;
	[tilespmem:$0x1F800] =	vst v63  }
0x31a: {  	s25 =	sadd.s32 $0x7, s21  }
0x31b: {  	s26 =	sadd.s32 s10, s25;
	s25 =	sshll.u32 s25, $0x4  }
0x31c: {  	_ =	swait.ge [sflag:s17], $0x6400;
	s26 =	sshll.u32 s26, $0x5;
	s25 =	sand.u32 $0x70, s25  }
0x31d: {  	[sflag:s17] =	ssyncset.done $0x0;
	s26 =	sand.u32 $0xFF00, s26;
	s25 =	sadd.s32 s8, s25  }
0x31e: {  	[sflag:s17] =	ssyncadd.s32 $0xFFFF9C00;
	s25 =	sadd.s32 s26, s25;
	s26 =	simm.s32 $0x6700  }
0x31f: {  	[tilespmem:s26], [sflag:$0x5] =	stream.strided.gather [hbm4b:s25+s23], $0x100, s24, s23, $0x38;
	[tilespmem:$0x1F800] =	vst v63  }
0x320: {  	s25 =	simm.s32 $0x0;
	s26 =	simm.s32 $0x200  }
.LBB2_35:
0x321: {  	p0 =	sne.s32 s26, $0x18E00;
	v0 =	vld [tilespmem:s25+$0x70]  }
0x322: {  	v1 =	vld [tilespmem:s25+$0x0]  }
0x323: {  	v2 =	vld [tilespmem:s25+$0x10]  }
0x324: {  	v3 =	vld [tilespmem:s25+$0x20]  }
0x325: {  	v4 =	vld [tilespmem:s25+$0x30]  }
0x326: {  	[tilespmem:s25+$0x19470] =	vst.add.f32.msk $0xffff, v0  }
0x327: {  	v0 =	vld [tilespmem:s25+$0x40]  }
0x328: {  	v5 =	vld [tilespmem:s25+$0x50]  }
0x329: {  	v6 =	vld [tilespmem:s25+$0x60]  }
0x32a: {  	[tilespmem:s25+$0x19400] =	vst.add.f32.msk $0xffff, v1  }
0x32b: {  	[tilespmem:s25+$0x19410] =	vst.add.f32.msk $0xffff, v2  }
.Ltmp16:
0x32c: {  	[tilespmem:s25+$0x19420] =	vst.add.f32.msk $0xffff, v3;
	(pc) =	sbr.rel @p0 .LBB2_35-.Ltmp16, $4  }
0x32d: {  	[tilespmem:s25+$0x19430] =	vst.add.f32.msk $0xffff, v4  }
0x32e: {  	[tilespmem:s25+$0x19440] =	vst.add.f32.msk $0xffff, v0  }
0x32f: {  	[tilespmem:s25+$0x19450] =	vst.add.f32.msk $0xffff, v5  }
0x330: {  	[tilespmem:s25+$0x19460] =	vst.add.f32.msk $0xffff, v6;
	s25 =	sshra.s32 s26, $0x2;
	s26 =	sadd.s32 $0x200, s26  }
0x331: {  	v0 =	vld [tilespmem:s25+$0x70]  }
0x332: {  	v1 =	vld [tilespmem:s25+$0x0]  }
0x333: {  	v2 =	vld [tilespmem:s25+$0x10]  }
0x334: {  	v3 =	vld [tilespmem:s25+$0x20]  }
0x335: {  	v4 =	vld [tilespmem:s25+$0x30]  }
0x336: {  	v63 =	vld [tilespmem:s25+$0x40]  }
0x337: {  	v5 =	vld [tilespmem:s25+$0x50]  }
0x338: {  	v6 =	vld [tilespmem:s25+$0x60]  }
0x339: {  	[tilespmem:s25+$0x19470] =	vst.add.f32.msk $0xffff, v0  }
0x33a: {  	[tilespmem:s25+$0x19400] =	vst.add.f32.msk $0xffff, v1  }
0x33b: {  	[tilespmem:s25+$0x19410] =	vst.add.f32.msk $0xffff, v2  }
0x33c: {  	[tilespmem:s25+$0x19420] =	vst.add.f32.msk $0xffff, v3  }
0x33d: {  	[tilespmem:s25+$0x19430] =	vst.add.f32.msk $0xffff, v4  }
0x33e: {  	[tilespmem:s25+$0x19440] =	vst.add.f32.msk $0xffff, v63  }
0x33f: {  	[tilespmem:s25+$0x19450] =	vst.add.f32.msk $0xffff, v5  }
0x340: {  	s22 =	sadd.s32 $0x2580, s22;
	s26 =	simm.s32 $0x0;
	[tilespmem:s25+$0x19460] =	vst.add.f32.msk $0xffff, v6  }
0x341: {  	[hbm4b:s22+s26] =	stream.linear.scatter [tilespmem:s3], [sflag:$0xD], $0x6400, $0x38;
	[tilespmem:$0x1F800] =	vst v63  }
0x342: {  	_ =	swait.ge [sflag:s15], $0x100  }
0x343: {  	[sflag:s15] =	ssyncset.done $0x0  }
0x344: {  	[sflag:s15] =	ssyncadd.s32 $0xFFFFFF00  }
0x345: {  	_ =	swait.ge [sflag:s18], $0x6400  }
0x346: {  	[sflag:s18] =	ssyncset.done $0x0  }
0x347: {  	[sflag:s18] =	ssyncadd.s32 $0xFFFF9C00  }
0x348: {  	[tilespmem:s16], [sflag:$0x8] =	stream.indirect.gather [hbm4b:s2+s23], $0x80, s31, s23, $0xb8;
	[tilespmem:$0x1F800] =	vst v63  }
0x349: {  	s25 =	simm.s32 $0x6680;
	s26 =	simm.s32 $0x17000  }
0x34a: {  	[tilespmem:s26], [sflag:$0x8] =	stream.indirect.gather [hbm4b:s2+s0], $0x80, s25, s0, $0xb8;
	[tilespmem:$0x1F800] =	vst v63  }
0x34b: {  	s25 =	sld [smem:$0x7FC];
	_ =	sdelay $0x2  }
0x34c: {  	s26 =	sshll.u32 s5, $0x6;
	s22 =	sadd.s32 s21, s25  }
0x34d: {  	_ =	swait.ge [sflag:s19], $0x6400;
	s25 =	sand.u32 $0x40, s26;
	s22 =	sshll.u32 s22, $0x5  }
0x34e: {  	[sflag:s19] =	ssyncset.done $0x0;
	s25 =	sadd.s32 s8, s25;
	s22 =	sand.u32 $0xFF00, s22  }
0x34f: {  	[sflag:s19] =	ssyncadd.s32 $0xFFFF9C00;
	s22 =	sadd.s32 s22, s25  }
0x350: {  	[tilespmem:s28], [sflag:$0x2] =	stream.strided.gather [hbm4b:s22+s23], $0x100, s24, s23, $0x38;
	[tilespmem:$0x1F800] =	vst v63  }
0x351: {  	s25 =	simm.s32 $0x200;
	s22 =	simm.s32 $0x0  }
.LBB2_37:
0x352: {  	p0 =	sne.s32 s25, $0x18E00;
	v0 =	vld [tilespmem:s22+$0x70]  }
0x353: {  	v1 =	vld [tilespmem:s22+$0x0]  }
0x354: {  	v2 =	vld [tilespmem:s22+$0x10]  }
0x355: {  	v3 =	vld [tilespmem:s22+$0x20]  }
0x356: {  	v4 =	vld [tilespmem:s22+$0x30]  }
0x357: {  	[tilespmem:s22+$0x6870] =	vst.add.f32.msk $0xffff, v0  }
0x358: {  	v0 =	vld [tilespmem:s22+$0x40]  }
0x359: {  	v5 =	vld [tilespmem:s22+$0x50]  }
0x35a: {  	v6 =	vld [tilespmem:s22+$0x60]  }
0x35b: {  	[tilespmem:s22+$0x6800] =	vst.add.f32.msk $0xffff, v1  }
0x35c: {  	[tilespmem:s22+$0x6810] =	vst.add.f32.msk $0xffff, v2  }
.Ltmp17:
0x35d: {  	[tilespmem:s22+$0x6820] =	vst.add.f32.msk $0xffff, v3;
	(pc) =	sbr.rel @p0 .LBB2_37-.Ltmp17, $4  }
0x35e: {  	[tilespmem:s22+$0x6830] =	vst.add.f32.msk $0xffff, v4  }
0x35f: {  	[tilespmem:s22+$0x6840] =	vst.add.f32.msk $0xffff, v0  }
0x360: {  	[tilespmem:s22+$0x6850] =	vst.add.f32.msk $0xffff, v5  }
0x361: {  	[tilespmem:s22+$0x6860] =	vst.add.f32.msk $0xffff, v6;
	s22 =	sshra.s32 s25, $0x2;
	s25 =	sadd.s32 $0x200, s25  }
0x362: {  	v0 =	vld [tilespmem:s22+$0x70]  }
0x363: {  	v1 =	vld [tilespmem:s22+$0x0]  }
0x364: {  	v2 =	vld [tilespmem:s22+$0x10]  }
0x365: {  	v3 =	vld [tilespmem:s22+$0x20]  }
0x366: {  	v4 =	vld [tilespmem:s22+$0x30]  }
0x367: {  	v63 =	vld [tilespmem:s22+$0x40]  }
0x368: {  	v5 =	vld [tilespmem:s22+$0x50]  }
0x369: {  	v6 =	vld [tilespmem:s22+$0x60]  }
0x36a: {  	[tilespmem:s22+$0x6870] =	vst.add.f32.msk $0xffff, v0  }
0x36b: {  	s25 =	sld [smem:$0x7FD];
	[tilespmem:s22+$0x6800] =	vst.add.f32.msk $0xffff, v1  }
0x36c: {  	[tilespmem:s22+$0x6810] =	vst.add.f32.msk $0xffff, v2  }
0x36d: {  	[tilespmem:s22+$0x6820] =	vst.add.f32.msk $0xffff, v3  }
0x36e: {  	s21 =	sadd.s32 s21, s25;
	[tilespmem:s22+$0x6830] =	vst.add.f32.msk $0xffff, v4  }
0x36f: {  	s21 =	smul.u32 $0xC80, s21;
	[tilespmem:s22+$0x6840] =	vst.add.f32.msk $0xffff, v63  }
0x370: {  	s25 =	rddreg [dreg:$0x4];
	[tilespmem:s22+$0x6850] =	vst.add.f32.msk $0xffff, v5  }
0x371: {  	s26 =	simm.s32 $0x6800;
	[tilespmem:s22+$0x6860] =	vst.add.f32.msk $0xffff, v6;
	s21 =	sadd.s32 s25, s21;
	s25 =	simm.s32 $0x0  }
0x372: {  	[hbm4b:s21+s25] =	stream.linear.scatter [tilespmem:s26], [sflag:$0xA], $0x6400, $0x38;
	[tilespmem:$0x1F800] =	vst v63  }
0x373: {  	_ =	swait.ge [sflag:s20], $0x100  }
0x374: {  	[sflag:s20] =	ssyncset.done $0x0  }
0x375: {  	s5 =	sadd.s32 $0x1, s5;
	[sflag:s20] =	ssyncadd.s32 $0xFFFFFF00  }
0x376: {  	p0 =	sne.s32 s5, $0x6;
	_ =	swait.ge [sflag:s4], $0x6400  }
.Ltmp18:
0x377: {  	[sflag:s4] =	ssyncset.done $0x0;
	(pc) =	sbr.rel @p0 .LBB2_30-.Ltmp18, $4  }
0x378: {  	s26 =	simm.s32 $0x6700;
	[sflag:s4] =	ssyncadd.s32 $0xFFFF9C00  }
0x379: {  	[tilespmem:s3], [sflag:$0x9] =	stream.indirect.gather [hbm4b:s2+s23], $0x80, s26, s23, $0xb8;
	[tilespmem:$0x1F800] =	vst v63  }
0x37a: {  	s22 =	simm.s32 $0x6780;
	s26 =	simm.s32 $0x1D400  }
0x37b: {  	[tilespmem:s26], [sflag:$0x9] =	stream.indirect.gather [hbm4b:s2+s0], $0x80, s22, s0, $0xb8;
	[tilespmem:$0x1F800] =	vst v63  }
0x37c: {  	_ =	swait.ge [sflag:s6], $0x6400  }
0x37d: {  	[sflag:s6] =	ssyncset.done $0x0  }
0x37e: {  	s5 =	rddreg [dreg:$0x14];
	[sflag:s6] =	ssyncadd.s32 $0xFFFF9C00  }
0x37f: {  	[tilespmem:s29], [sflag:$0x3] =	stream.strided.gather [hbm4b:s5+s23], $0x100, s24, s23, $0x38;
	[tilespmem:$0x1F800] =	vst v63  }
0x380: {  	s21 =	simm.s32 $0x200;
	s5 =	simm.s32 $0x0  }
.LBB2_40:
0x381: {  	p0 =	sne.s32 s21, $0x18E00;
	v0 =	vld [tilespmem:s5+$0x70]  }
0x382: {  	v1 =	vld [tilespmem:s5+$0x0]  }
0x383: {  	v2 =	vld [tilespmem:s5+$0x10]  }
0x384: {  	v3 =	vld [tilespmem:s5+$0x20]  }
0x385: {  	v4 =	vld [tilespmem:s5+$0x30]  }
0x386: {  	[tilespmem:s5+$0xCC70] =	vst.add.f32.msk $0xffff, v0  }
0x387: {  	v0 =	vld [tilespmem:s5+$0x40]  }
0x388: {  	v5 =	vld [tilespmem:s5+$0x50]  }
0x389: {  	v6 =	vld [tilespmem:s5+$0x60]  }
0x38a: {  	[tilespmem:s5+$0xCC00] =	vst.add.f32.msk $0xffff, v1  }
0x38b: {  	[tilespmem:s5+$0xCC10] =	vst.add.f32.msk $0xffff, v2  }
.Ltmp19:
0x38c: {  	[tilespmem:s5+$0xCC20] =	vst.add.f32.msk $0xffff, v3;
	(pc) =	sbr.rel @p0 .LBB2_40-.Ltmp19, $4  }
0x38d: {  	[tilespmem:s5+$0xCC30] =	vst.add.f32.msk $0xffff, v4  }
0x38e: {  	[tilespmem:s5+$0xCC40] =	vst.add.f32.msk $0xffff, v0  }
0x38f: {  	[tilespmem:s5+$0xCC50] =	vst.add.f32.msk $0xffff, v5  }
0x390: {  	[tilespmem:s5+$0xCC60] =	vst.add.f32.msk $0xffff, v6;
	s5 =	sshra.s32 s21, $0x2;
	s21 =	sadd.s32 $0x200, s21  }
0x391: {  	v0 =	vld [tilespmem:s5+$0x70]  }
0x392: {  	v1 =	vld [tilespmem:s5+$0x0]  }
0x393: {  	v2 =	vld [tilespmem:s5+$0x10]  }
0x394: {  	v3 =	vld [tilespmem:s5+$0x20]  }
0x395: {  	v4 =	vld [tilespmem:s5+$0x30]  }
0x396: {  	v63 =	vld [tilespmem:s5+$0x40]  }
0x397: {  	v5 =	vld [tilespmem:s5+$0x50]  }
0x398: {  	v6 =	vld [tilespmem:s5+$0x60]  }
0x399: {  	[tilespmem:s5+$0xCC70] =	vst.add.f32.msk $0xffff, v0  }
0x39a: {  	[tilespmem:s5+$0xCC00] =	vst.add.f32.msk $0xffff, v1  }
0x39b: {  	[tilespmem:s5+$0xCC10] =	vst.add.f32.msk $0xffff, v2  }
0x39c: {  	[tilespmem:s5+$0xCC20] =	vst.add.f32.msk $0xffff, v3  }
0x39d: {  	[tilespmem:s5+$0xCC30] =	vst.add.f32.msk $0xffff, v4  }
0x39e: {  	[tilespmem:s5+$0xCC40] =	vst.add.f32.msk $0xffff, v63  }
0x39f: {  	[tilespmem:s5+$0xCC50] =	vst.add.f32.msk $0xffff, v5  }
0x3a0: {  	s26 =	simm.s32 $0x0;
	s21 =	rddreg [dreg:$0x16];
	[tilespmem:s5+$0xCC60] =	vst.add.f32.msk $0xffff, v6  }
0x3a1: {  	[hbm4b:s21+s26] =	stream.linear.scatter [tilespmem:s12], [sflag:$0xB], $0x6400, $0x38;
	[tilespmem:$0x1F800] =	vst v63  }
0x3a2: {  	_ =	swait.ge [sflag:s30], $0x100  }
0x3a3: {  	[sflag:s30] =	ssyncset.done $0x0  }
0x3a4: {  	[sflag:s30] =	ssyncadd.s32 $0xFFFFFF00  }
0x3a5: {  	_ =	swait.ge [sflag:s9], $0x6400  }
0x3a6: {  	[sflag:s9] =	ssyncset.done $0x0  }
0x3a7: {  	s21 =	simm.s32 $0x6800;
	[sflag:s9] =	ssyncadd.s32 $0xFFFF9C00  }
0x3a8: {  	[tilespmem:s21], [sflag:$0x6] =	stream.indirect.gather [hbm4b:s2+s23], $0x80, s28, s23, $0xb8;
	[tilespmem:$0x1F800] =	vst v63  }
0x3a9: {  	s22 =	simm.s32 $0x6480;
	s26 =	simm.s32 $0xA800  }
0x3aa: {  	[tilespmem:s26], [sflag:$0x6] =	stream.indirect.gather [hbm4b:s2+s0], $0x80, s22, s0, $0xb8;
	[tilespmem:$0x1F800] =	vst v63  }
0x3ab: {  	_ =	swait.ge [sflag:s13], $0x6400  }
0x3ac: {  	s5 =	simm.s32 $0x0;
	[sflag:s13] =	ssyncset.done $0x0  }
0x3ad: {  	s21 =	simm.s32 $0x200;
	s28 =	rddreg [dreg:$0x18];
	[sflag:s13] =	ssyncadd.s32 $0xFFFF9C00  }
0x3ae: {  	[tilespmem:s31], [sflag:$0x4] =	stream.strided.gather [hbm4b:s28+s23], $0x100, s24, s23, $0x38;
	[tilespmem:$0x1F800] =	vst v63  }
.LBB2_42:
0x3af: {  	p0 =	sne.s32 s21, $0x18E00;
	v0 =	vld [tilespmem:s5+$0x70]  }
0x3b0: {  	v1 =	vld [tilespmem:s5+$0x0]  }
0x3b1: {  	v2 =	vld [tilespmem:s5+$0x10]  }
0x3b2: {  	v3 =	vld [tilespmem:s5+$0x20]  }
0x3b3: {  	v4 =	vld [tilespmem:s5+$0x30]  }
0x3b4: {  	[tilespmem:s5+$0x13070] =	vst.add.f32.msk $0xffff, v0  }
0x3b5: {  	v0 =	vld [tilespmem:s5+$0x40]  }
0x3b6: {  	v5 =	vld [tilespmem:s5+$0x50]  }
0x3b7: {  	v6 =	vld [tilespmem:s5+$0x60]  }
0x3b8: {  	[tilespmem:s5+$0x13000] =	vst.add.f32.msk $0xffff, v1  }
0x3b9: {  	[tilespmem:s5+$0x13010] =	vst.add.f32.msk $0xffff, v2  }
.Ltmp20:
0x3ba: {  	[tilespmem:s5+$0x13020] =	vst.add.f32.msk $0xffff, v3;
	(pc) =	sbr.rel @p0 .LBB2_42-.Ltmp20, $4  }
0x3bb: {  	[tilespmem:s5+$0x13030] =	vst.add.f32.msk $0xffff, v4  }
0x3bc: {  	[tilespmem:s5+$0x13040] =	vst.add.f32.msk $0xffff, v0  }
0x3bd: {  	[tilespmem:s5+$0x13050] =	vst.add.f32.msk $0xffff, v5  }
0x3be: {  	[tilespmem:s5+$0x13060] =	vst.add.f32.msk $0xffff, v6;
	s5 =	sshra.s32 s21, $0x2;
	s21 =	sadd.s32 $0x200, s21  }
0x3bf: {  	v0 =	vld [tilespmem:s5+$0x70]  }
0x3c0: {  	v1 =	vld [tilespmem:s5+$0x0]  }
0x3c1: {  	v2 =	vld [tilespmem:s5+$0x10]  }
0x3c2: {  	v3 =	vld [tilespmem:s5+$0x20]  }
0x3c3: {  	v4 =	vld [tilespmem:s5+$0x30]  }
0x3c4: {  	v63 =	vld [tilespmem:s5+$0x40]  }
0x3c5: {  	v5 =	vld [tilespmem:s5+$0x50]  }
0x3c6: {  	v6 =	vld [tilespmem:s5+$0x60]  }
0x3c7: {  	[tilespmem:s5+$0x13070] =	vst.add.f32.msk $0xffff, v0  }
0x3c8: {  	[tilespmem:s5+$0x13000] =	vst.add.f32.msk $0xffff, v1  }
0x3c9: {  	[tilespmem:s5+$0x13010] =	vst.add.f32.msk $0xffff, v2  }
0x3ca: {  	[tilespmem:s5+$0x13020] =	vst.add.f32.msk $0xffff, v3  }
0x3cb: {  	[tilespmem:s5+$0x13030] =	vst.add.f32.msk $0xffff, v4  }
0x3cc: {  	[tilespmem:s5+$0x13040] =	vst.add.f32.msk $0xffff, v63  }
0x3cd: {  	[tilespmem:s5+$0x13050] =	vst.add.f32.msk $0xffff, v5  }
0x3ce: {  	s28 =	simm.s32 $0x0;
	s21 =	rddreg [dreg:$0x1a];
	[tilespmem:s5+$0x13060] =	vst.add.f32.msk $0xffff, v6  }
0x3cf: {  	[hbm4b:s21+s28] =	stream.linear.scatter [tilespmem:s16], [sflag:$0xC], $0x6400, $0x38;
	[tilespmem:$0x1F800] =	vst v63  }
0x3d0: {  	_ =	swait.ge [sflag:s11], $0x100  }
0x3d1: {  	[sflag:s11] =	ssyncset.done $0x0  }
0x3d2: {  	[sflag:s11] =	ssyncadd.s32 $0xFFFFFF00  }
0x3d3: {  	_ =	swait.ge [sflag:s14], $0x6400  }
0x3d4: {  	[sflag:s14] =	ssyncset.done $0x0  }
0x3d5: {  	[sflag:s14] =	ssyncadd.s32 $0xFFFF9C00  }
0x3d6: {  	[tilespmem:s12], [sflag:$0x7] =	stream.indirect.gather [hbm4b:s2+s23], $0x80, s29, s23, $0xb8;
	[tilespmem:$0x1F800] =	vst v63  }
0x3d7: {  	s22 =	simm.s32 $0x6580;
	s26 =	simm.s32 $0x10C00  }
0x3d8: {  	[tilespmem:s26], [sflag:$0x7] =	stream.indirect.gather [hbm4b:s2+s0], $0x80, s22, s0, $0xb8;
	[tilespmem:$0x1F800] =	vst v63  }
0x3d9: {  	_ =	swait.ge [sflag:s17], $0x6400  }
0x3da: {  	s5 =	simm.s32 $0x0;
	s21 =	simm.s32 $0x200;
	[sflag:s17] =	ssyncset.done $0x0  }
0x3db: {  	s29 =	simm.s32 $0x6700;
	s28 =	rddreg [dreg:$0x1c];
	[sflag:s17] =	ssyncadd.s32 $0xFFFF9C00  }
0x3dc: {  	[tilespmem:s29], [sflag:$0x5] =	stream.strided.gather [hbm4b:s28+s23], $0x100, s24, s23, $0x38;
	[tilespmem:$0x1F800] =	vst v63  }
.LBB2_44:
0x3dd: {  	p0 =	sne.s32 s21, $0x18E00;
	v0 =	vld [tilespmem:s5+$0x70]  }
0x3de: {  	v1 =	vld [tilespmem:s5+$0x0]  }
0x3df: {  	v2 =	vld [tilespmem:s5+$0x10]  }
0x3e0: {  	v3 =	vld [tilespmem:s5+$0x20]  }
0x3e1: {  	v4 =	vld [tilespmem:s5+$0x30]  }
0x3e2: {  	[tilespmem:s5+$0x19470] =	vst.add.f32.msk $0xffff, v0  }
0x3e3: {  	v0 =	vld [tilespmem:s5+$0x40]  }
0x3e4: {  	v5 =	vld [tilespmem:s5+$0x50]  }
0x3e5: {  	v6 =	vld [tilespmem:s5+$0x60]  }
0x3e6: {  	[tilespmem:s5+$0x19400] =	vst.add.f32.msk $0xffff, v1  }
0x3e7: {  	[tilespmem:s5+$0x19410] =	vst.add.f32.msk $0xffff, v2  }
.Ltmp21:
0x3e8: {  	[tilespmem:s5+$0x19420] =	vst.add.f32.msk $0xffff, v3;
	(pc) =	sbr.rel @p0 .LBB2_44-.Ltmp21, $4  }
0x3e9: {  	[tilespmem:s5+$0x19430] =	vst.add.f32.msk $0xffff, v4  }
0x3ea: {  	[tilespmem:s5+$0x19440] =	vst.add.f32.msk $0xffff, v0  }
0x3eb: {  	[tilespmem:s5+$0x19450] =	vst.add.f32.msk $0xffff, v5  }
0x3ec: {  	[tilespmem:s5+$0x19460] =	vst.add.f32.msk $0xffff, v6;
	s5 =	sshra.s32 s21, $0x2;
	s21 =	sadd.s32 $0x200, s21  }
0x3ed: {  	v0 =	vld [tilespmem:s5+$0x70]  }
0x3ee: {  	v1 =	vld [tilespmem:s5+$0x0]  }
0x3ef: {  	v2 =	vld [tilespmem:s5+$0x10]  }
0x3f0: {  	v3 =	vld [tilespmem:s5+$0x20]  }
0x3f1: {  	v4 =	vld [tilespmem:s5+$0x30]  }
0x3f2: {  	v63 =	vld [tilespmem:s5+$0x40]  }
0x3f3: {  	v5 =	vld [tilespmem:s5+$0x50]  }
0x3f4: {  	v6 =	vld [tilespmem:s5+$0x60]  }
0x3f5: {  	[tilespmem:s5+$0x19470] =	vst.add.f32.msk $0xffff, v0  }
0x3f6: {  	[tilespmem:s5+$0x19400] =	vst.add.f32.msk $0xffff, v1  }
0x3f7: {  	[tilespmem:s5+$0x19410] =	vst.add.f32.msk $0xffff, v2  }
0x3f8: {  	[tilespmem:s5+$0x19420] =	vst.add.f32.msk $0xffff, v3  }
0x3f9: {  	[tilespmem:s5+$0x19430] =	vst.add.f32.msk $0xffff, v4  }
0x3fa: {  	[tilespmem:s5+$0x19440] =	vst.add.f32.msk $0xffff, v63  }
0x3fb: {  	[tilespmem:s5+$0x19450] =	vst.add.f32.msk $0xffff, v5  }
0x3fc: {  	s28 =	simm.s32 $0x0;
	s21 =	rddreg [dreg:$0x1e];
	[tilespmem:s5+$0x19460] =	vst.add.f32.msk $0xffff, v6  }
0x3fd: {  	[hbm4b:s21+s28] =	stream.linear.scatter [tilespmem:s3], [sflag:$0xD], $0x6400, $0x38;
	[tilespmem:$0x1F800] =	vst v63  }
0x3fe: {  	_ =	swait.ge [sflag:s15], $0x100  }
0x3ff: {  	[sflag:s15] =	ssyncset.done $0x0  }
0x400: {  	[sflag:s15] =	ssyncadd.s32 $0xFFFFFF00  }
0x401: {  	_ =	swait.ge [sflag:s18], $0x6400  }
0x402: {  	[sflag:s18] =	ssyncset.done $0x0  }
0x403: {  	[sflag:s18] =	ssyncadd.s32 $0xFFFF9C00  }
0x404: {  	[tilespmem:s16], [sflag:$0x8] =	stream.indirect.gather [hbm4b:s2+s23], $0x80, s31, s23, $0xb8;
	[tilespmem:$0x1F800] =	vst v63  }
0x405: {  	s29 =	simm.s32 $0x6680;
	s31 =	simm.s32 $0x17000  }
0x406: {  	[tilespmem:s31], [sflag:$0x8] =	stream.indirect.gather [hbm4b:s2+s0], $0x80, s29, s0, $0xb8;
	[tilespmem:$0x1F800] =	vst v63  }
0x407: {  	_ =	swait.ge [sflag:s19], $0x6400  }
0x408: {  	[sflag:s19] =	ssyncset.done $0x0  }
0x409: {  	s5 =	simm.s32 $0x0;
	s21 =	simm.s32 $0x200;
	[sflag:s19] =	ssyncadd.s32 $0xFFFF9C00  }
.LBB2_46:
0x40a: {  	p0 =	sne.s32 s21, $0x18E00;
	v0 =	vld [tilespmem:s5+$0x70]  }
0x40b: {  	v1 =	vld [tilespmem:s5+$0x0]  }
0x40c: {  	v2 =	vld [tilespmem:s5+$0x10]  }
0x40d: {  	v3 =	vld [tilespmem:s5+$0x20]  }
0x40e: {  	v4 =	vld [tilespmem:s5+$0x30]  }
0x40f: {  	[tilespmem:s5+$0x6870] =	vst.add.f32.msk $0xffff, v0  }
0x410: {  	v0 =	vld [tilespmem:s5+$0x40]  }
0x411: {  	v5 =	vld [tilespmem:s5+$0x50]  }
0x412: {  	v6 =	vld [tilespmem:s5+$0x60]  }
0x413: {  	[tilespmem:s5+$0x6800] =	vst.add.f32.msk $0xffff, v1  }
0x414: {  	[tilespmem:s5+$0x6810] =	vst.add.f32.msk $0xffff, v2  }
.Ltmp22:
0x415: {  	[tilespmem:s5+$0x6820] =	vst.add.f32.msk $0xffff, v3;
	(pc) =	sbr.rel @p0 .LBB2_46-.Ltmp22, $4  }
0x416: {  	[tilespmem:s5+$0x6830] =	vst.add.f32.msk $0xffff, v4  }
0x417: {  	[tilespmem:s5+$0x6840] =	vst.add.f32.msk $0xffff, v0  }
0x418: {  	[tilespmem:s5+$0x6850] =	vst.add.f32.msk $0xffff, v5  }
0x419: {  	[tilespmem:s5+$0x6860] =	vst.add.f32.msk $0xffff, v6;
	s5 =	sshra.s32 s21, $0x2;
	s21 =	sadd.s32 $0x200, s21  }
0x41a: {  	v0 =	vld [tilespmem:s5+$0x70]  }
0x41b: {  	v1 =	vld [tilespmem:s5+$0x0]  }
0x41c: {  	v2 =	vld [tilespmem:s5+$0x10]  }
0x41d: {  	v3 =	vld [tilespmem:s5+$0x20]  }
0x41e: {  	v4 =	vld [tilespmem:s5+$0x30]  }
0x41f: {  	v63 =	vld [tilespmem:s5+$0x40]  }
0x420: {  	v5 =	vld [tilespmem:s5+$0x50]  }
0x421: {  	v6 =	vld [tilespmem:s5+$0x60]  }
0x422: {  	[tilespmem:s5+$0x6870] =	vst.add.f32.msk $0xffff, v0  }
0x423: {  	[tilespmem:s5+$0x6800] =	vst.add.f32.msk $0xffff, v1  }
0x424: {  	[tilespmem:s5+$0x6810] =	vst.add.f32.msk $0xffff, v2  }
0x425: {  	[tilespmem:s5+$0x6820] =	vst.add.f32.msk $0xffff, v3  }
0x426: {  	[tilespmem:s5+$0x6830] =	vst.add.f32.msk $0xffff, v4  }
0x427: {  	s21 =	sld [smem:$0x7F4];
	[tilespmem:s5+$0x6840] =	vst.add.f32.msk $0xffff, v63  }
0x428: {  	[tilespmem:s5+$0x6850] =	vst.add.f32.msk $0xffff, v5  }
0x429: {  	s26 =	simm.s32 $0x0;
	s22 =	simm.s32 $0x6800;
	[tilespmem:s5+$0x6860] =	vst.add.f32.msk $0xffff, v6  }
0x42a: {  	[hbm4b:s21+s26] =	stream.linear.scatter [tilespmem:s22], [sflag:$0xA], $0x6400, $0x38;
	[tilespmem:$0x1F800] =	vst v63  }
0x42b: {  	_ =	swait.ge [sflag:s20], $0x100  }
0x42c: {  	[sflag:s20] =	ssyncset.done $0x0  }
0x42d: {  	[sflag:s20] =	ssyncadd.s32 $0xFFFFFF00  }
0x42e: {  	_ =	swait.ge [sflag:s4], $0x6400  }
0x42f: {  	[sflag:s4] =	ssyncset.done $0x0  }
0x430: {  	s28 =	simm.s32 $0x6700;
	[sflag:s4] =	ssyncadd.s32 $0xFFFF9C00  }
0x431: {  	[tilespmem:s3], [sflag:$0x9] =	stream.indirect.gather [hbm4b:s2+s23], $0x80, s28, s23, $0xb8;
	[tilespmem:$0x1F800] =	vst v63  }
0x432: {  	s29 =	simm.s32 $0x6780;
	s31 =	simm.s32 $0x1D400  }
0x433: {  	[tilespmem:s31], [sflag:$0x9] =	stream.indirect.gather [hbm4b:s2+s0], $0x80, s29, s0, $0xb8;
	[tilespmem:$0x1F800] =	vst v63  }
0x434: {  	_ =	swait.ge [sflag:s6], $0x6400  }
0x435: {  	[sflag:s6] =	ssyncset.done $0x0  }
0x436: {  	s5 =	simm.s32 $0x0;
	s21 =	simm.s32 $0x200;
	[sflag:s6] =	ssyncadd.s32 $0xFFFF9C00  }
.LBB2_48:
0x437: {  	p0 =	sne.s32 s21, $0x18E00;
	v0 =	vld [tilespmem:s5+$0x70]  }
0x438: {  	v1 =	vld [tilespmem:s5+$0x0]  }
0x439: {  	v2 =	vld [tilespmem:s5+$0x10]  }
0x43a: {  	v3 =	vld [tilespmem:s5+$0x20]  }
0x43b: {  	v4 =	vld [tilespmem:s5+$0x30]  }
0x43c: {  	[tilespmem:s5+$0xCC70] =	vst.add.f32.msk $0xffff, v0  }
0x43d: {  	v0 =	vld [tilespmem:s5+$0x40]  }
0x43e: {  	v5 =	vld [tilespmem:s5+$0x50]  }
0x43f: {  	v6 =	vld [tilespmem:s5+$0x60]  }
0x440: {  	[tilespmem:s5+$0xCC00] =	vst.add.f32.msk $0xffff, v1  }
0x441: {  	[tilespmem:s5+$0xCC10] =	vst.add.f32.msk $0xffff, v2  }
.Ltmp23:
0x442: {  	[tilespmem:s5+$0xCC20] =	vst.add.f32.msk $0xffff, v3;
	(pc) =	sbr.rel @p0 .LBB2_48-.Ltmp23, $4  }
0x443: {  	[tilespmem:s5+$0xCC30] =	vst.add.f32.msk $0xffff, v4  }
0x444: {  	[tilespmem:s5+$0xCC40] =	vst.add.f32.msk $0xffff, v0  }
0x445: {  	[tilespmem:s5+$0xCC50] =	vst.add.f32.msk $0xffff, v5  }
0x446: {  	[tilespmem:s5+$0xCC60] =	vst.add.f32.msk $0xffff, v6;
	s5 =	sshra.s32 s21, $0x2;
	s21 =	sadd.s32 $0x200, s21  }
0x447: {  	v0 =	vld [tilespmem:s5+$0x70]  }
0x448: {  	v1 =	vld [tilespmem:s5+$0x0]  }
0x449: {  	v2 =	vld [tilespmem:s5+$0x10]  }
0x44a: {  	v3 =	vld [tilespmem:s5+$0x20]  }
0x44b: {  	v4 =	vld [tilespmem:s5+$0x30]  }
0x44c: {  	v63 =	vld [tilespmem:s5+$0x40]  }
0x44d: {  	v5 =	vld [tilespmem:s5+$0x50]  }
0x44e: {  	v6 =	vld [tilespmem:s5+$0x60]  }
0x44f: {  	[tilespmem:s5+$0xCC70] =	vst.add.f32.msk $0xffff, v0  }
0x450: {  	[tilespmem:s5+$0xCC00] =	vst.add.f32.msk $0xffff, v1  }
0x451: {  	[tilespmem:s5+$0xCC10] =	vst.add.f32.msk $0xffff, v2  }
0x452: {  	[tilespmem:s5+$0xCC20] =	vst.add.f32.msk $0xffff, v3  }
0x453: {  	[tilespmem:s5+$0xCC30] =	vst.add.f32.msk $0xffff, v4  }
0x454: {  	s21 =	sld [smem:$0x7F6];
	[tilespmem:s5+$0xCC40] =	vst.add.f32.msk $0xffff, v63  }
0x455: {  	[tilespmem:s5+$0xCC50] =	vst.add.f32.msk $0xffff, v5  }
0x456: {  	s31 =	simm.s32 $0x0;
	[tilespmem:s5+$0xCC60] =	vst.add.f32.msk $0xffff, v6  }
0x457: {  	[hbm4b:s21+s31] =	stream.linear.scatter [tilespmem:s12], [sflag:$0xB], $0x6400, $0x38;
	[tilespmem:$0x1F800] =	vst v63  }
0x458: {  	_ =	swait.ge [sflag:s13], $0x6400  }
0x459: {  	[sflag:s13] =	ssyncset.done $0x0  }
0x45a: {  	s5 =	simm.s32 $0x0;
	s21 =	simm.s32 $0x200;
	[sflag:s13] =	ssyncadd.s32 $0xFFFF9C00  }
.LBB2_50:
0x45b: {  	p0 =	sne.s32 s21, $0x18E00;
	v0 =	vld [tilespmem:s5+$0x70]  }
0x45c: {  	v1 =	vld [tilespmem:s5+$0x0]  }
0x45d: {  	v2 =	vld [tilespmem:s5+$0x10]  }
0x45e: {  	v3 =	vld [tilespmem:s5+$0x20]  }
0x45f: {  	v4 =	vld [tilespmem:s5+$0x30]  }
0x460: {  	[tilespmem:s5+$0x13070] =	vst.add.f32.msk $0xffff, v0  }
0x461: {  	v0 =	vld [tilespmem:s5+$0x40]  }
0x462: {  	v5 =	vld [tilespmem:s5+$0x50]  }
0x463: {  	v6 =	vld [tilespmem:s5+$0x60]  }
0x464: {  	[tilespmem:s5+$0x13000] =	vst.add.f32.msk $0xffff, v1  }
0x465: {  	[tilespmem:s5+$0x13010] =	vst.add.f32.msk $0xffff, v2  }
.Ltmp24:
0x466: {  	[tilespmem:s5+$0x13020] =	vst.add.f32.msk $0xffff, v3;
	(pc) =	sbr.rel @p0 .LBB2_50-.Ltmp24, $4  }
0x467: {  	[tilespmem:s5+$0x13030] =	vst.add.f32.msk $0xffff, v4  }
0x468: {  	[tilespmem:s5+$0x13040] =	vst.add.f32.msk $0xffff, v0  }
0x469: {  	[tilespmem:s5+$0x13050] =	vst.add.f32.msk $0xffff, v5  }
0x46a: {  	[tilespmem:s5+$0x13060] =	vst.add.f32.msk $0xffff, v6;
	s5 =	sshra.s32 s21, $0x2;
	s21 =	sadd.s32 $0x200, s21  }
0x46b: {  	v0 =	vld [tilespmem:s5+$0x70]  }
0x46c: {  	v1 =	vld [tilespmem:s5+$0x0]  }
0x46d: {  	v2 =	vld [tilespmem:s5+$0x10]  }
0x46e: {  	v3 =	vld [tilespmem:s5+$0x20]  }
0x46f: {  	v4 =	vld [tilespmem:s5+$0x30]  }
0x470: {  	v63 =	vld [tilespmem:s5+$0x40]  }
0x471: {  	v5 =	vld [tilespmem:s5+$0x50]  }
0x472: {  	v6 =	vld [tilespmem:s5+$0x60]  }
0x473: {  	[tilespmem:s5+$0x13070] =	vst.add.f32.msk $0xffff, v0  }
0x474: {  	[tilespmem:s5+$0x13000] =	vst.add.f32.msk $0xffff, v1  }
0x475: {  	[tilespmem:s5+$0x13010] =	vst.add.f32.msk $0xffff, v2  }
0x476: {  	[tilespmem:s5+$0x13020] =	vst.add.f32.msk $0xffff, v3  }
0x477: {  	[tilespmem:s5+$0x13030] =	vst.add.f32.msk $0xffff, v4  }
0x478: {  	s21 =	sld [smem:$0x7F8];
	[tilespmem:s5+$0x13040] =	vst.add.f32.msk $0xffff, v63  }
0x479: {  	[tilespmem:s5+$0x13050] =	vst.add.f32.msk $0xffff, v5  }
0x47a: {  	s31 =	simm.s32 $0x0;
	[tilespmem:s5+$0x13060] =	vst.add.f32.msk $0xffff, v6  }
0x47b: {  	[hbm4b:s21+s31] =	stream.linear.scatter [tilespmem:s16], [sflag:$0xC], $0x6400, $0x38;
	[tilespmem:$0x1F800] =	vst v63  }
0x47c: {  	_ =	swait.ge [sflag:s17], $0x6400  }
0x47d: {  	[sflag:s17] =	ssyncset.done $0x0  }
0x47e: {  	s5 =	simm.s32 $0x0;
	s21 =	simm.s32 $0x200;
	[sflag:s17] =	ssyncadd.s32 $0xFFFF9C00  }
.LBB2_52:
0x47f: {  	p0 =	sne.s32 s21, $0x18E00;
	v0 =	vld [tilespmem:s5+$0x70]  }
0x480: {  	v1 =	vld [tilespmem:s5+$0x0]  }
0x481: {  	v2 =	vld [tilespmem:s5+$0x10]  }
0x482: {  	v3 =	vld [tilespmem:s5+$0x20]  }
0x483: {  	v4 =	vld [tilespmem:s5+$0x30]  }
0x484: {  	[tilespmem:s5+$0x19470] =	vst.add.f32.msk $0xffff, v0  }
0x485: {  	v0 =	vld [tilespmem:s5+$0x40]  }
0x486: {  	v5 =	vld [tilespmem:s5+$0x50]  }
0x487: {  	v6 =	vld [tilespmem:s5+$0x60]  }
0x488: {  	[tilespmem:s5+$0x19400] =	vst.add.f32.msk $0xffff, v1  }
0x489: {  	[tilespmem:s5+$0x19410] =	vst.add.f32.msk $0xffff, v2  }
.Ltmp25:
0x48a: {  	[tilespmem:s5+$0x19420] =	vst.add.f32.msk $0xffff, v3;
	(pc) =	sbr.rel @p0 .LBB2_52-.Ltmp25, $4  }
0x48b: {  	[tilespmem:s5+$0x19430] =	vst.add.f32.msk $0xffff, v4  }
0x48c: {  	[tilespmem:s5+$0x19440] =	vst.add.f32.msk $0xffff, v0  }
0x48d: {  	[tilespmem:s5+$0x19450] =	vst.add.f32.msk $0xffff, v5  }
0x48e: {  	[tilespmem:s5+$0x19460] =	vst.add.f32.msk $0xffff, v6;
	s5 =	sshra.s32 s21, $0x2;
	s21 =	sadd.s32 $0x200, s21  }
0x48f: {  	v0 =	vld [tilespmem:s5+$0x70]  }
0x490: {  	v1 =	vld [tilespmem:s5+$0x0]  }
0x491: {  	v2 =	vld [tilespmem:s5+$0x10]  }
0x492: {  	v3 =	vld [tilespmem:s5+$0x20]  }
0x493: {  	v4 =	vld [tilespmem:s5+$0x30]  }
0x494: {  	v63 =	vld [tilespmem:s5+$0x40]  }
0x495: {  	v5 =	vld [tilespmem:s5+$0x50]  }
0x496: {  	v6 =	vld [tilespmem:s5+$0x60]  }
0x497: {  	[tilespmem:s5+$0x19470] =	vst.add.f32.msk $0xffff, v0  }
0x498: {  	[tilespmem:s5+$0x19400] =	vst.add.f32.msk $0xffff, v1  }
0x499: {  	[tilespmem:s5+$0x19410] =	vst.add.f32.msk $0xffff, v2  }
0x49a: {  	[tilespmem:s5+$0x19420] =	vst.add.f32.msk $0xffff, v3  }
0x49b: {  	[tilespmem:s5+$0x19430] =	vst.add.f32.msk $0xffff, v4  }
0x49c: {  	s29 =	sld [smem:$0x7FA];
	[tilespmem:s5+$0x19440] =	vst.add.f32.msk $0xffff, v63  }
0x49d: {  	[tilespmem:s5+$0x19450] =	vst.add.f32.msk $0xffff, v5  }
0x49e: {  	[tilespmem:s5+$0x19460] =	vst.add.f32.msk $0xffff, v6  }
0x49f: {  	[hbm4b:s29+s25] =	stream.linear.scatter [tilespmem:s3], [sflag:$0xD], $0x6400, $0x38;
	[tilespmem:$0x1F800] =	vst v63  }
0x4a0: {  	_ =	swait.ge [sflag:s9], $0x6400  }
0x4a1: {  	[sflag:s9] =	ssyncset.done $0x0  }
0x4a2: {  	[sflag:s9] =	ssyncadd.s32 $0xFFFF9C00  }
0x4a3: {  	_ =	swait.ge [sflag:s14], $0x6400  }
0x4a4: {  	[sflag:s14] =	ssyncset.done $0x0  }
0x4a5: {  	[sflag:s14] =	ssyncadd.s32 $0xFFFF9C00  }
0x4a6: {  	_ =	swait.ge [sflag:s18], $0x6400  }
0x4a7: {  	[sflag:s18] =	ssyncset.done $0x0  }
0x4a8: {  	[sflag:s18] =	ssyncadd.s32 $0xFFFF9C00  }
0x4a9: {  	_ =	swait.ge [sflag:s4], $0x6400  }
0x4aa: {  	s21 =	sld [smem:$0x7F3]  }
0x4ab: {  	s31 =	sld [smem:$0x7FB];
	_ =	sdelay $0x1  }
0x4ac: {  	s21 =	sadd.s32 $0x1, s21  }
0x4ad: {  	p0 =	sne.s32 s21, s31  }
.Ltmp26:
0x4ae: {  	_ = 	snop;
	(pc) =	sbr.rel @p0 .LBB2_1-.Ltmp26, $3  }
0x4af: {  	_ =	sdelay $0x1  }
0x4b0: {  	[sflag:s4] =	ssyncset.done $0x0  }
0x4b1: {  	[sflag:s4] =	ssyncadd.s32 $0xFFFF9C00  }
0x4b2: {  	_ =	sfence.sel $0x180000  }
0x4b3: {  	[bflag:$0x0] =	sbarrier.arrive $0xFFFF  }
0x4b4: {  	_ =	strace $0x90000047  }
0x4b5: {  	s0 =	stileid.u32;
	[bflag:$0x2] =	sbarrier.arrive $0xFFFF  }
0x4b6: {  	p0 =	sne.s32 s0, $0x0;
	s0 =	rddreg [dreg:$0x5]  }
0x4b7: {  	s0 =	sadd.s32 @!p0 $0x100000, s0  }
0x4b8: {  	[sflag:s0] =	ssyncadd.tile.s32 @!p0 $0x1;
	_ =	shalt  }
.Lfunc_end2:
_tile_overlayer_lowered:
.L_overlay_start_2:
0x4b9: {  	(tag) =	ssettag $0x2  }
0x4ba: {  	s0 =	rddreg [dreg:$0x0];
	s2 =	stileid.u32  }
0x4bb: {  	s1 =	rddreg [dreg:$0x1];
	p0 =	sne.s32 s2, $0x0  }
0x4bc: {  	s3 =	rddreg [dreg:$0x2];
	[bflag:$0x3] =	sbarrier.arrive $0xFFFF;
	s2 =	simm.s32 @!p0 $0x1C0E  }
0x4bd: {  	[timem:s3], [sflag:s2] =	dma.local @!p0 [hbm:s0], s1  }
0x4be: {  	s0 =	simm.s32 @!p0 $0xE  }
0x4bf: {  	_ =	swait.ge @!p0 [sflag:s0], s1  }
0x4c0: {  	s1 =	ssub.s32 @!p0 $0x0, s1;
	[sflag:s0] =	ssyncset.done @!p0 $0x0  }
0x4c1: {  	[sflag:s0] =	ssyncadd.s32 @!p0 s1  }
0x4c2: {  	[bflag:$0x3] =	sbarrier.arrive $0xFFFF  }
0x4c3: {  	_ =	shalt  }

</sc_bundles>
